<compile_context>
chip_gen: v7x
topology: tpu7x:2x2x1
jax: 0.10.2.dev20260603
libtpu: 0.0.44.dev20260713+nightly
codegen_flags: <defaults>
</compile_context>

<pallas_src>
import functools

import jax
import jax.numpy as jnp
from jax import lax
from jax.experimental import pallas as pl
from jax.experimental.pallas import tpu as pltpu
from jax.experimental.pallas import tpu_sc as plsc

N_NODES = 10000
D = 128
E = 320000
W_EDGES = 125
ROWS = E // W_EDGES
NC, NS = 2, 16
ROWS_PER_W = ROWS // (NC * NS)
NODE_BASE = 624
CH = 16
IB = 40


def _sc_mesh():
    return plsc.VectorSubcoreMesh(core_axis_name="c", subcore_axis_name="s",
                                  num_cores=NC, num_subcores=NS)


def _fill(ref, rows, value):
    @pl.loop(0, rows)
    def _(r):
        @pl.loop(0, D, step=16)
        def _(k):
            ref[r, pl.ds(k, 16)] = jnp.full((16,), value, jnp.float32)


def _own_range(s):
    base_n = s * NODE_BASE
    n_own = jnp.where(s == NS - 1, N_NODES - (NS - 1) * NODE_BASE, NODE_BASE)
    return base_n, n_own


CHZ = 104
CHO = 208


def _zero_acc(acc_sh, zsrc_big, zsrc_rem, base_n, s):
    @pl.loop(0, NODE_BASE, step=CHZ)
    def _(r):
        pltpu.sync_copy(zsrc_big, acc_sh.at[pl.ds(base_n + r, CHZ)])

    @pl.when(s == NS - 1)
    def _():
        pltpu.sync_copy(zsrc_rem, acc_sh.at[pl.ds(base_n + NODE_BASE, CH)])


def _copy_out(acc_sh, out_hbm, c, base_n, s):
    @pl.loop(0, NODE_BASE, step=CHO)
    def _(r):
        pltpu.sync_copy(acc_sh.at[pl.ds(base_n + r, CHO)],
                        out_hbm.at[c].at[pl.ds(base_n + r, CHO)])

    @pl.when(s == NS - 1)
    def _():
        pltpu.sync_copy(acc_sh.at[pl.ds(base_n + NODE_BASE, CH)],
                        out_hbm.at[c].at[pl.ds(base_n + NODE_BASE, CH)])


def _make_agg():
    def body(feat_hbm, src_hbm, dst_hbm, out_hbm, src_v, dst_v,
             rows_a, rows_b, acc_sh, sem_ga, sem_gb):
        c = lax.axis_index("c")
        s = lax.axis_index("s")
        base_n, _ = _own_range(s)

        _fill(rows_a, W_EDGES, 0.0)
        _zero_acc(acc_sh, rows_a.at[pl.ds(0, CHZ)], rows_a.at[pl.ds(0, CH)],
                  base_n, s)
        plsc.subcore_barrier()

        row_base = (c * NS + s) * ROWS_PER_W
        bufs = (rows_a, rows_b)
        gsems = (sem_ga, sem_gb)

        @pl.loop(0, ROWS_PER_W, step=IB)
        def _(b):
            pltpu.sync_copy(src_hbm.at[pl.ds(row_base + b, IB)], src_v)
            pltpu.sync_copy(dst_hbm.at[pl.ds(row_base + b, IB)], dst_v)

            gd = [None] * IB
            gd[0] = pltpu.async_copy(
                feat_hbm.at[src_v.at[0]], bufs[0], gsems[0])
            for j in range(IB):
                if j + 1 < IB:
                    gd[j + 1] = pltpu.async_copy(
                        feat_hbm.at[src_v.at[j + 1]],
                        bufs[(j + 1) % 2], gsems[(j + 1) % 2])
                gd[j].wait()
                pltpu.sync_copy(bufs[j % 2], acc_sh.at[dst_v.at[j]], add=True)

        plsc.subcore_barrier()
        _copy_out(acc_sh, out_hbm, c, base_n, s)

    return pl.kernel(
        body,
        out_type=jax.ShapeDtypeStruct((NC, N_NODES, D), jnp.float32),
        mesh=_sc_mesh(),
        scratch_types=[
            pltpu.VMEM((IB, W_EDGES), jnp.int32),
            pltpu.VMEM((IB, W_EDGES), jnp.int32),
            pltpu.VMEM((W_EDGES, D), jnp.float32),
            pltpu.VMEM((W_EDGES, D), jnp.float32),
            pltpu.VMEM_SHARED((N_NODES, D), jnp.float32),
            pltpu.SemaphoreType.DMA,
            pltpu.SemaphoreType.DMA,
        ])


def _make_deg():
    def body(dst_hbm, out_hbm, dst_v, ones_v, zbuf, acc_sh):
        c = lax.axis_index("c")
        s = lax.axis_index("s")
        base_n, _ = _own_range(s)

        _fill(zbuf, CHZ, 0.0)
        _fill(ones_v, W_EDGES, 1.0)
        _zero_acc(acc_sh, zbuf, zbuf.at[pl.ds(0, CH)], base_n, s)
        plsc.subcore_barrier()

        row_base = (c * NS + s) * ROWS_PER_W

        @pl.loop(0, ROWS_PER_W, step=IB)
        def _(b):
            pltpu.sync_copy(dst_hbm.at[pl.ds(row_base + b, IB)], dst_v)

            @pl.loop(0, IB)
            def _(j):
                pltpu.sync_copy(ones_v, acc_sh.at[dst_v.at[j]], add=True)

        plsc.subcore_barrier()
        _copy_out(acc_sh, out_hbm, c, base_n, s)

    return pl.kernel(
        body,
        out_type=jax.ShapeDtypeStruct((NC, N_NODES, D), jnp.float32),
        mesh=_sc_mesh(),
        scratch_types=[
            pltpu.VMEM((IB, W_EDGES), jnp.int32),
            pltpu.VMEM((W_EDGES, D), jnp.float32),
            pltpu.VMEM((CHZ, D), jnp.float32),
            pltpu.VMEM_SHARED((N_NODES, D), jnp.float32),
        ])


_agg = functools.cache(_make_agg)
_deg = functools.cache(_make_deg)

BLK = 2000


def _mlp_block(x_ref, p_ref, dg_ref, wa_ref, ba_ref, wb_ref, bb_ref, o_ref):
    deg = dg_ref[0, :, 0:1] + dg_ref[1, :, 0:1]
    inv = 1.0 / jnp.maximum(deg, 1.0)
    h = x_ref[...] + (p_ref[0] + p_ref[1]) * inv
    dn = (((1,), (1,)), ((), ()))
    t = lax.dot_general(h, wa_ref[...], dn,
                        preferred_element_type=jnp.float32) + ba_ref[...]
    t = lax.dot_general(t, wb_ref[...], dn,
                        preferred_element_type=jnp.float32) + bb_ref[...]
    o_ref[...] = jnp.maximum(t, 0.0)


def _mlp(x, p, degp, wa_t, ba, wb_t, bb):
    return pl.pallas_call(
        _mlp_block,
        grid=(N_NODES // BLK,),
        in_specs=[
            pl.BlockSpec((BLK, D), lambda i: (i, 0)),
            pl.BlockSpec((NC, BLK, D), lambda i: (0, i, 0)),
            pl.BlockSpec((NC, BLK, D), lambda i: (0, i, 0)),
            pl.BlockSpec((D, D), lambda i: (0, 0)),
            pl.BlockSpec((1, D), lambda i: (0, 0)),
            pl.BlockSpec((D, D), lambda i: (0, 0)),
            pl.BlockSpec((1, D), lambda i: (0, 0)),
        ],
        out_specs=pl.BlockSpec((BLK, D), lambda i: (i, 0)),
        out_shape=jax.ShapeDtypeStruct((N_NODES, D), jnp.float32),
    )(x, p, degp, wa_t, ba.reshape(1, D), wb_t, bb.reshape(1, D))


def kernel(features, edge_index, W1a, b1a, W1b, b1b, W2a, b2a, W2b, b2b):
    src = edge_index[0].astype(jnp.int32).reshape(ROWS, W_EDGES)
    dst = edge_index[1].astype(jnp.int32).reshape(ROWS, W_EDGES)
    degp = _deg()(dst)
    p1 = _agg()(features, src, dst)
    x1 = _mlp(features, p1, degp, W1a, b1a, W1b, b1b)
    p2 = _agg()(x1, src, dst)
    out = _mlp(x1, p2, degp, W2a, b2a, W2b, b2b)
    return out

# --- scband reference (transcript-rebuilt; emitter-appended) ---
"""Pipeline reference for scband-gin-16518444220924 (READ-ONLY COPY).

The authoritative reference and input builder live on the scoring server;
editing this copy changes nothing except your own understanding.
"""

import jax, jax.numpy as jnp
import numpy as np

N_NODES = 10000
N_EDGES = 320000
D = 128


def setup_inputs(seed: int = 0) -> dict:
    key = jax.random.key(seed)
    ks = jax.random.split(key, 12)
    features = jax.random.normal(ks[0], (N_NODES, D), dtype=jnp.float32)
    edge_index = jax.random.randint(ks[1], (2, N_EDGES), 0, N_NODES)
    s = 0.05
    params = {
        'W1a': jax.random.normal(ks[2], (D, D), dtype=jnp.float32) * s,
        'b1a': jnp.zeros((D,), dtype=jnp.float32),
        'W1b': jax.random.normal(ks[3], (D, D), dtype=jnp.float32) * s,
        'b1b': jnp.zeros((D,), dtype=jnp.float32),
        'W2a': jax.random.normal(ks[4], (D, D), dtype=jnp.float32) * s,
        'b2a': jnp.zeros((D,), dtype=jnp.float32),
        'W2b': jax.random.normal(ks[5], (D, D), dtype=jnp.float32) * s,
        'b2b': jnp.zeros((D,), dtype=jnp.float32),
    }
    out = {'features': features, 'edge_index': edge_index}
    out.update(params)
    return out


def _mean_agg(x, edge_index):
    # DGL GINConv aggregator_type='mean': mean over in-neighbor messages
    src = edge_index[0]
    dst = edge_index[1]
    msg = jnp.take(x, src, axis=0)
    n = x.shape[0]
    summed = jax.ops.segment_sum(msg, dst, num_segments=n)
    deg = jax.ops.segment_sum(jnp.ones((edge_index.shape[1],), x.dtype), dst, num_segments=n)
    return summed / jnp.maximum(deg, 1.0)[:, None]


def _gin_mlp(h, Wa, ba, Wb, bb):
    # GINLayer: linear[0] (no relu after i==0), then linear[1] followed by relu
    out = h @ Wa.T + ba
    out = out @ Wb.T + bb
    out = jax.nn.relu(out)
    return out


def reference(features, edge_index, W1a, b1a, W1b, b1b, W2a, b2a, W2b, b2b):
    # conv1: (1+eps)*x + mean_agg(x), eps=0 (DGL default, learn_eps=False)
    h = features + _mean_agg(features, edge_index)
    x1 = _gin_mlp(h, W1a, b1a, W1b, b1b)
    x1 = jax.nn.relu(x1)
    # conv2
    h2 = x1 + _mean_agg(x1, edge_index)
    out = _gin_mlp(h2, W2a, b2a, W2b, b2b)
    return out

if __name__ == "__main__":
    import jax
    _d = setup_inputs()
    print(jax.jit(kernel)(*tuple(_d.values())))

</pallas_src>

<mosaic_0001>
#map = affine_map<(d0, d1) -> (0, 0)>
#map1 = affine_map<(d0, d1) -> (0, 0, 0)>
module attributes {stable_mosaic.version = 14 : i64} {
  func.func @body(%arg0: i32, %arg1: i32, %arg2: memref<2560x125xi32, #tpu.memory_space<hbm>>, %arg3: memref<2x10000x128xf32, #tpu.memory_space<hbm>>, %arg4: memref<40x125xi32, #tpu.memory_space<vmem>>, %arg5: memref<125x128xf32, #tpu.memory_space<vmem>>, %arg6: memref<104x128xf32, #tpu.memory_space<vmem>>, %arg7: memref<10000x128xf32, #tpu.memory_space<vmem_shared>>) attributes {dimension_semantics = [#tpu.dimension_semantics<core_parallel>, #tpu.dimension_semantics<subcore_parallel>], iteration_bounds = array<i64: 2, 16>, scalar_prefetch = 0 : i64, scratch_operands = 4 : i64, tpu.core_type = #tpu.core_type<sc_vector_subcore>, window_params = [{transform_indices = #map}, {transform_indices = #map1}]} {
    %mul3A = arith.constant 624 : i32
    %mul3A_0 = arith.muli %arg1, %mul3A : i32
    %eq3A = arith.constant 15 : i32
    %eq3A_1 = arith.cmpi eq, %arg1, %eq3A : i32
    %jit3A = arith.constant 640 : i32
    %jit3A_2 = arith.constant 624 : i32
    %select_n3A = arith.select %eq3A_1, %jit3A, %jit3A_2 : i32
    %scan3A = arith.constant 0 : i32
    %scan3A_3 = arith.constant 104 : i32
    %scan3A_4 = arith.addi %scan3A, %scan3A_3 : i32
    %scan3A_5 = arith.constant 1 : i32
    scf.for %scan3A_40 = %scan3A to %scan3A_4 step %scan3A_5  : i32 {
      %mul3A_41 = arith.constant 1 : i32
      %mul3A_42 = arith.muli %scan3A_40, %mul3A_41 : i32
      %add3A_43 = arith.constant 0 : i32
      %add3A_44 = arith.addi %add3A_43, %mul3A_42 : i32
      %scan3A_45 = arith.constant 0 : i32
      %scan3A_46 = arith.constant 8 : i32
      %scan3A_47 = arith.addi %scan3A_45, %scan3A_46 : i32
      %scan3A_48 = arith.constant 1 : i32
      scf.for %scan3A_50 = %scan3A_45 to %scan3A_47 step %scan3A_48  : i32 {
        %mul3A_51 = arith.constant 16 : i32
        %mul3A_52 = arith.muli %scan3A_50, %mul3A_51 : i32
        %add3A_53 = arith.constant 0 : i32
        %add3A_54 = arith.addi %add3A_53, %mul3A_52 : i32
        %broadcast_in_dim3A = arith.constant 0.000000e+00 : f32
        %broadcast_in_dim3A_55 = vector.broadcast %broadcast_in_dim3A : f32 to vector<16xf32>
        %swap3A = arith.index_cast %add3A_44 : i32 to index
        %swap3A_56 = arith.index_cast %add3A_54 : i32 to index
        %swap3A_57 = tpu.vector_load %arg6[%swap3A, %swap3A_56] {strides = array<i32>} : memref<104x128xf32, #tpu.memory_space<vmem>>, vector<1x16xf32>,
        %swap3A_58 = vector.shape_cast %swap3A_57 : vector<1x16xf32> to vector<16xf32>
        %swap3A_59 = vector.shape_cast %broadcast_in_dim3A_55 : vector<16xf32> to vector<1x16xf32>
        tpu.vector_store %arg6[%swap3A, %swap3A_56], %swap3A_59 {strides = array<i32>} : memref<104x128xf32, #tpu.memory_space<vmem>>, vector<1x16xf32>,
      }
      %scan3A_49 = arith.constant 8 : i32
    }
    %scan3A_6 = arith.constant 104 : i32
    %scan3A_7 = arith.constant 0 : i32
    %scan3A_8 = arith.constant 125 : i32
    %scan3A_9 = arith.addi %scan3A_7, %scan3A_8 : i32
    %scan3A_10 = arith.constant 1 : i32
    scf.for %scan3A_40 = %scan3A_7 to %scan3A_9 step %scan3A_10  : i32 {
      %mul3A_41 = arith.constant 1 : i32
      %mul3A_42 = arith.muli %scan3A_40, %mul3A_41 : i32
      %add3A_43 = arith.constant 0 : i32
      %add3A_44 = arith.addi %add3A_43, %mul3A_42 : i32
      %scan3A_45 = arith.constant 0 : i32
      %scan3A_46 = arith.constant 8 : i32
      %scan3A_47 = arith.addi %scan3A_45, %scan3A_46 : i32
      %scan3A_48 = arith.constant 1 : i32
      scf.for %scan3A_50 = %scan3A_45 to %scan3A_47 step %scan3A_48  : i32 {
        %mul3A_51 = arith.constant 16 : i32
        %mul3A_52 = arith.muli %scan3A_50, %mul3A_51 : i32
        %add3A_53 = arith.constant 0 : i32
        %add3A_54 = arith.addi %add3A_53, %mul3A_52 : i32
        %broadcast_in_dim3A = arith.constant 1.000000e+00 : f32
        %broadcast_in_dim3A_55 = vector.broadcast %broadcast_in_dim3A : f32 to vector<16xf32>
        %swap3A = arith.index_cast %add3A_44 : i32 to index
        %swap3A_56 = arith.index_cast %add3A_54 : i32 to index
        %swap3A_57 = tpu.vector_load %arg5[%swap3A, %swap3A_56] {strides = array<i32>} : memref<125x128xf32, #tpu.memory_space<vmem>>, vector<1x16xf32>,
        %swap3A_58 = vector.shape_cast %swap3A_57 : vector<1x16xf32> to vector<16xf32>
        %swap3A_59 = vector.shape_cast %broadcast_in_dim3A_55 : vector<16xf32> to vector<1x16xf32>
        tpu.vector_store %arg5[%swap3A, %swap3A_56], %swap3A_59 {strides = array<i32>} : memref<125x128xf32, #tpu.memory_space<vmem>>, vector<1x16xf32>,
      }
      %scan3A_49 = arith.constant 8 : i32
    }
    %scan3A_11 = arith.constant 125 : i32
    %scan3A_12 = arith.constant 0 : i32
    %scan3A_13 = arith.constant 6 : i32
    %scan3A_14 = arith.addi %scan3A_12, %scan3A_13 : i32
    %scan3A_15 = arith.constant 1 : i32
    scf.for %scan3A_40 = %scan3A_12 to %scan3A_14 step %scan3A_15  : i32 {
      %mul3A_41 = arith.constant 104 : i32
      %mul3A_42 = arith.muli %scan3A_40, %mul3A_41 : i32
      %add3A_43 = arith.constant 0 : i32
      %add3A_44 = arith.addi %add3A_43, %mul3A_42 : i32
      %add3A_45 = arith.addi %mul3A_0, %add3A_44 : i32
      "tpu.region"() ({
        %run_scoped3A = tpu.sem_alloc : memref<!tpu.dma_semaphore, #tpu.memory_space<semaphore_mem>>
        %dma_start3A = arith.constant 0 : i32
        %dma_start3A_46 = tpu.memref_slice %arg7[%add3A_45, %dma_start3A] : memref<10000x128xf32, #tpu.memory_space<vmem_shared>> -> memref<104x128xf32, #tpu.memory_space<vmem_shared>>
        %dma_start3A_47 = arith.constant 0 : i32
        %dma_start3A_48 = tpu.memref_slice %arg7[%add3A_45, %dma_start3A_47] : memref<10000x128xf32, #tpu.memory_space<vmem_shared>> -> memref<104x128xf32, #tpu.memory_space<vmem_shared>>
        tpu.enqueue_dma source(%arg6 : memref<104x128xf32, #tpu.memory_space<vmem>>) target(%dma_start3A_48 : memref<104x128xf32, #tpu.memory_space<vmem_shared>>) target_semaphore(%run_scoped3A : memref<!tpu.dma_semaphore, #tpu.memory_space<semaphore_mem>>)
        %dma_wait3A = arith.constant 0 : i32
        %dma_wait3A_49 = tpu.memref_slice %arg7[%add3A_45, %dma_wait3A] : memref<10000x128xf32, #tpu.memory_space<vmem_shared>> -> memref<104x128xf32, #tpu.memory_space<vmem_shared>>
        %dma_wait3A_50 = arith.constant 0 : i32
        %dma_wait3A_51 = tpu.memref_slice %arg7[%add3A_45, %dma_wait3A_50] : memref<10000x128xf32, #tpu.memory_space<vmem_shared>> -> memref<104x128xf32, #tpu.memory_space<vmem_shared>>
        tpu.wait_dma2 semaphore(%run_scoped3A : memref<!tpu.dma_semaphore, #tpu.memory_space<semaphore_mem>>) src(%arg6 : memref<104x128xf32, #tpu.memory_space<vmem>>) dst(%dma_wait3A_51 : memref<104x128xf32, #tpu.memory_space<vmem_shared>>)
        tpu.yield
      }) : () -> ()
    }
    %scan3A_16 = arith.constant 6 : i32
    %eq3A_17 = arith.constant 15 : i32
    %eq3A_18 = arith.cmpi eq, %arg1, %eq3A_17 : i32
    %convert_element_type3A = arith.extui %eq3A_18 : i1 to i32
    %cond3A = arith.constant 0 : i32
    %cond3A_19 = arith.cmpi ne, %convert_element_type3A, %cond3A : i32
    scf.if %cond3A_19 {
      %add3A_40 = arith.constant 624 : i32
      %add3A_41 = arith.addi %mul3A_0, %add3A_40 : i32
      "tpu.region"() ({
        %run_scoped3A = tpu.sem_alloc : memref<!tpu.dma_semaphore, #tpu.memory_space<semaphore_mem>>
        %dma_start3A = arith.constant 0 : i32
        %dma_start3A_42 = arith.constant 0 : i32
        %dma_start3A_43 = tpu.memref_slice %arg6[%dma_start3A, %dma_start3A_42] : memref<104x128xf32, #tpu.memory_space<vmem>> -> memref<16x128xf32, #tpu.memory_space<vmem>>
        %dma_start3A_44 = arith.constant 0 : i32
        %dma_start3A_45 = tpu.memref_slice %arg7[%add3A_41, %dma_start3A_44] : memref<10000x128xf32, #tpu.memory_space<vmem_shared>> -> memref<16x128xf32, #tpu.memory_space<vmem_shared>>
        %dma_start3A_46 = arith.constant 0 : i32
        %dma_start3A_47 = tpu.memref_slice %arg7[%add3A_41, %dma_start3A_46] : memref<10000x128xf32, #tpu.memory_space<vmem_shared>> -> memref<16x128xf32, #tpu.memory_space<vmem_shared>>
        %dma_start3A_48 = arith.constant 0 : i32
        %dma_start3A_49 = arith.constant 0 : i32
        %dma_start3A_50 = tpu.memref_slice %arg6[%dma_start3A_48, %dma_start3A_49] : memref<104x128xf32, #tpu.memory_space<vmem>> -> memref<16x128xf32, #tpu.memory_space<vmem>>
        tpu.enqueue_dma source(%dma_start3A_50 : memref<16x128xf32, #tpu.memory_space<vmem>>) target(%dma_start3A_47 : memref<16x128xf32, #tpu.memory_space<vmem_shared>>) target_semaphore(%run_scoped3A : memref<!tpu.dma_semaphore, #tpu.memory_space<semaphore_mem>>)
        %dma_wait3A = arith.constant 0 : i32
        %dma_wait3A_51 = arith.constant 0 : i32
        %dma_wait3A_52 = tpu.memref_slice %arg6[%dma_wait3A, %dma_wait3A_51] : memref<104x128xf32, #tpu.memory_space<vmem>> -> memref<16x128xf32, #tpu.memory_space<vmem>>
        %dma_wait3A_53 = arith.constant 0 : i32
        %dma_wait3A_54 = tpu.memref_slice %arg7[%add3A_41, %dma_wait3A_53] : memref<10000x128xf32, #tpu.memory_space<vmem_shared>> -> memref<16x128xf32, #tpu.memory_space<vmem_shared>>
        %dma_wait3A_55 = arith.constant 0 : i32
        %dma_wait3A_56 = tpu.memref_slice %arg7[%add3A_41, %dma_wait3A_55] : memref<10000x128xf32, #tpu.memory_space<vmem_shared>> -> memref<16x128xf32, #tpu.memory_space<vmem_shared>>
        %dma_wait3A_57 = arith.constant 0 : i32
        %dma_wait3A_58 = arith.constant 0 : i32
        %dma_wait3A_59 = tpu.memref_slice %arg6[%dma_wait3A_57, %dma_wait3A_58] : memref<104x128xf32, #tpu.memory_space<vmem>> -> memref<16x128xf32, #tpu.memory_space<vmem>>
        tpu.wait_dma2 semaphore(%run_scoped3A : memref<!tpu.dma_semaphore, #tpu.memory_space<semaphore_mem>>) src(%dma_wait3A_59 : memref<16x128xf32, #tpu.memory_space<vmem>>) dst(%dma_wait3A_56 : memref<16x128xf32, #tpu.memory_space<vmem_shared>>)
        tpu.yield
      }) : () -> ()
    } else {
    }
    %barrier3A = arith.constant 0 : index
    tpu.barrier barrier_id(%barrier3A)
    %mul3A_20 = arith.constant 16 : i32
    %mul3A_21 = arith.muli %arg0, %mul3A_20 : i32
    %add3A = arith.addi %mul3A_21, %arg1 : i32
    %mul3A_22 = arith.constant 80 : i32
    %mul3A_23 = arith.muli %add3A, %mul3A_22 : i32
    %scan3A_24 = arith.constant 0 : i32
    %scan3A_25 = arith.constant 2 : i32
    %scan3A_26 = arith.addi %scan3A_24, %scan3A_25 : i32
    %scan3A_27 = arith.constant 1 : i32
    scf.for %scan3A_40 = %scan3A_24 to %scan3A_26 step %scan3A_27  : i32 {
      %mul3A_41 = arith.constant 40 : i32
      %mul3A_42 = arith.muli %scan3A_40, %mul3A_41 : i32
      %add3A_43 = arith.constant 0 : i32
      %add3A_44 = arith.addi %add3A_43, %mul3A_42 : i32
      %add3A_45 = arith.addi %mul3A_23, %add3A_44 : i32
      "tpu.region"() ({
        %run_scoped3A = tpu.sem_alloc : memref<!tpu.dma_semaphore, #tpu.memory_space<semaphore_mem>>
        %dma_start3A = arith.constant 0 : i32
        %dma_start3A_51 = tpu.memref_slice %arg2[%add3A_45, %dma_start3A] : memref<2560x125xi32, #tpu.memory_space<hbm>> -> memref<40x125xi32, #tpu.memory_space<hbm>>
        %dma_start3A_52 = arith.constant 0 : i32
        %dma_start3A_53 = tpu.memref_slice %arg2[%add3A_45, %dma_start3A_52] : memref<2560x125xi32, #tpu.memory_space<hbm>> -> memref<40x125xi32, #tpu.memory_space<hbm>>
        tpu.enqueue_dma source(%dma_start3A_53 : memref<40x125xi32, #tpu.memory_space<hbm>>) target(%arg4 : memref<40x125xi32, #tpu.memory_space<vmem>>) target_semaphore(%run_scoped3A : memref<!tpu.dma_semaphore, #tpu.memory_space<semaphore_mem>>)
        %dma_wait3A = arith.constant 0 : i32
        %dma_wait3A_54 = tpu.memref_slice %arg2[%add3A_45, %dma_wait3A] : memref<2560x125xi32, #tpu.memory_space<hbm>> -> memref<40x125xi32, #tpu.memory_space<hbm>>
        %dma_wait3A_55 = arith.constant 0 : i32
        %dma_wait3A_56 = tpu.memref_slice %arg2[%add3A_45, %dma_wait3A_55] : memref<2560x125xi32, #tpu.memory_space<hbm>> -> memref<40x125xi32, #tpu.memory_space<hbm>>
        tpu.wait_dma2 semaphore(%run_scoped3A : memref<!tpu.dma_semaphore, #tpu.memory_space<semaphore_mem>>) src(%dma_wait3A_56 : memref<40x125xi32, #tpu.memory_space<hbm>>) dst(%arg4 : memref<40x125xi32, #tpu.memory_space<vmem>>)
        tpu.yield
      }) : () -> ()
      %scan3A_46 = arith.constant 0 : i32
      %scan3A_47 = arith.constant 40 : i32
      %scan3A_48 = arith.addi %scan3A_46, %scan3A_47 : i32
      %scan3A_49 = arith.constant 1 : i32
      scf.for %scan3A_51 = %scan3A_46 to %scan3A_48 step %scan3A_49  : i32 {
        %mul3A_52 = arith.constant 1 : i32
        %mul3A_53 = arith.muli %scan3A_51, %mul3A_52 : i32
        %add3A_54 = arith.constant 0 : i32
        %add3A_55 = arith.addi %add3A_54, %mul3A_53 : i32
        "tpu.region"() ({
          %run_scoped3A = tpu.sem_alloc : memref<!tpu.dma_semaphore, #tpu.memory_space<semaphore_mem>>
          %dma_start3A = arith.constant 0 : i32
          %dma_start3A_56 = tpu.memref_slice %arg4[%add3A_55, %dma_start3A] : memref<40x125xi32, #tpu.memory_space<vmem>> -> memref<1x125xi32, #tpu.memory_space<vmem>>
          %dma_start3A_57 = tpu.memref_squeeze %dma_start3A_56 : memref<1x125xi32, #tpu.memory_space<vmem>> -> memref<125xi32, #tpu.memory_space<vmem>>
          %dma_start3A_58 = arith.constant 0 : i32
          %dma_start3A_59 = arith.constant 0 : i32
          %dma_start3A_60 = tpu.memref_slice %arg7[%dma_start3A_58, %dma_start3A_59] : memref<10000x128xf32, #tpu.memory_space<vmem_shared>> -> memref<10000x128xf32, #tpu.memory_space<vmem_shared>>
          tpu.enqueue_indirect_dma source(%arg5 : memref<125x128xf32, #tpu.memory_space<vmem>>) target(%dma_start3A_60 : memref<10000x128xf32, #tpu.memory_space<vmem_shared>>) offsets(%dma_start3A_57 : memref<125xi32, #tpu.memory_space<vmem>>) semaphore(%run_scoped3A : memref<!tpu.dma_semaphore, #tpu.memory_space<semaphore_mem>>) {add = true}
          %dma_wait3A = arith.constant 0 : i32
          %dma_wait3A_61 = tpu.memref_slice %arg4[%add3A_55, %dma_wait3A] : memref<40x125xi32, #tpu.memory_space<vmem>> -> memref<1x125xi32, #tpu.memory_space<vmem>>
          %dma_wait3A_62 = tpu.memref_squeeze %dma_wait3A_61 : memref<1x125xi32, #tpu.memory_space<vmem>> -> memref<125xi32, #tpu.memory_space<vmem>>
          %dma_wait3A_63 = arith.constant 0 : i32
          %dma_wait3A_64 = arith.constant 0 : i32
          %dma_wait3A_65 = tpu.memref_slice %arg7[%dma_wait3A_63, %dma_wait3A_64] : memref<10000x128xf32, #tpu.memory_space<vmem_shared>> -> memref<10000x128xf32, #tpu.memory_space<vmem_shared>>
          tpu.wait_indirect_dma semaphore(%run_scoped3A : memref<!tpu.dma_semaphore, #tpu.memory_space<semaphore_mem>>) src(%arg5 : memref<125x128xf32, #tpu.memory_space<vmem>>) dst(%dma_wait3A_65 : memref<10000x128xf32, #tpu.memory_space<vmem_shared>>)
          tpu.yield
        }) : () -> ()
      }
      %scan3A_50 = arith.constant 40 : i32
    }
    %scan3A_28 = arith.constant 2 : i32
    %barrier3A_29 = arith.constant 0 : index
    tpu.barrier barrier_id(%barrier3A_29)
    %scan3A_30 = arith.constant 0 : i32
    %scan3A_31 = arith.constant 3 : i32
    %scan3A_32 = arith.addi %scan3A_30, %scan3A_31 : i32
    %scan3A_33 = arith.constant 1 : i32
    scf.for %scan3A_40 = %scan3A_30 to %scan3A_32 step %scan3A_33  : i32 {
      %mul3A_41 = arith.constant 208 : i32
      %mul3A_42 = arith.muli %scan3A_40, %mul3A_41 : i32
      %add3A_43 = arith.constant 0 : i32
      %add3A_44 = arith.addi %add3A_43, %mul3A_42 : i32
      %add3A_45 = arith.addi %mul3A_0, %add3A_44 : i32
      %add3A_46 = arith.addi %mul3A_0, %add3A_44 : i32
      "tpu.region"() ({
        %run_scoped3A = tpu.sem_alloc : memref<!tpu.dma_semaphore, #tpu.memory_space<semaphore_mem>>
        %dma_start3A = arith.constant 0 : i32
        %dma_start3A_47 = arith.constant 0 : i32
        %dma_start3A_48 = tpu.memref_slice %arg3[%arg0, %dma_start3A, %dma_start3A_47] : memref<2x10000x128xf32, #tpu.memory_space<hbm>> -> memref<1x10000x128xf32, #tpu.memory_space<hbm>>
        %dma_start3A_49 = tpu.memref_squeeze %dma_start3A_48 : memref<1x10000x128xf32, #tpu.memory_space<hbm>> -> memref<10000x128xf32, #tpu.memory_space<hbm>>
        %dma_start3A_50 = arith.constant 0 : i32
        %dma_start3A_51 = tpu.memref_slice %dma_start3A_49[%add3A_46, %dma_start3A_50] : memref<10000x128xf32, #tpu.memory_space<hbm>> -> memref<208x128xf32, #tpu.memory_space<hbm>>
        %dma_start3A_52 = arith.constant 0 : i32
        %dma_start3A_53 = tpu.memref_slice %arg7[%add3A_45, %dma_start3A_52] : memref<10000x128xf32, #tpu.memory_space<vmem_shared>> -> memref<208x128xf32, #tpu.memory_space<vmem_shared>>
        tpu.enqueue_dma source(%dma_start3A_53 : memref<208x128xf32, #tpu.memory_space<vmem_shared>>) target(%dma_start3A_51 : memref<208x128xf32, #tpu.memory_space<hbm>>) target_semaphore(%run_scoped3A : memref<!tpu.dma_semaphore, #tpu.memory_space<semaphore_mem>>)
        %dma_wait3A = arith.constant 0 : i32
        %dma_wait3A_54 = arith.constant 0 : i32
        %dma_wait3A_55 = tpu.memref_slice %arg3[%arg0, %dma_wait3A, %dma_wait3A_54] : memref<2x10000x128xf32, #tpu.memory_space<hbm>> -> memref<1x10000x128xf32, #tpu.memory_space<hbm>>
        %dma_wait3A_56 = tpu.memref_squeeze %dma_wait3A_55 : memref<1x10000x128xf32, #tpu.memory_space<hbm>> -> memref<10000x128xf32, #tpu.memory_space<hbm>>
        %dma_wait3A_57 = arith.constant 0 : i32
        %dma_wait3A_58 = tpu.memref_slice %dma_wait3A_56[%add3A_46, %dma_wait3A_57] : memref<10000x128xf32, #tpu.memory_space<hbm>> -> memref<208x128xf32, #tpu.memory_space<hbm>>
        %dma_wait3A_59 = arith.constant 0 : i32
        %dma_wait3A_60 = tpu.memref_slice %arg7[%add3A_45, %dma_wait3A_59] : memref<10000x128xf32, #tpu.memory_space<vmem_shared>> -> memref<208x128xf32, #tpu.memory_space<vmem_shared>>
        tpu.wait_dma2 semaphore(%run_scoped3A : memref<!tpu.dma_semaphore, #tpu.memory_space<semaphore_mem>>) src(%dma_wait3A_60 : memref<208x128xf32, #tpu.memory_space<vmem_shared>>) dst(%dma_wait3A_58 : memref<208x128xf32, #tpu.memory_space<hbm>>)
        tpu.yield
      }) : () -> ()
    }
    %scan3A_34 = arith.constant 3 : i32
    %eq3A_35 = arith.constant 15 : i32
    %eq3A_36 = arith.cmpi eq, %arg1, %eq3A_35 : i32
    %convert_element_type3A_37 = arith.extui %eq3A_36 : i1 to i32
    %cond3A_38 = arith.constant 0 : i32
    %cond3A_39 = arith.cmpi ne, %convert_element_type3A_37, %cond3A_38 : i32
    scf.if %cond3A_39 {
      %add3A_40 = arith.constant 624 : i32
      %add3A_41 = arith.addi %mul3A_0, %add3A_40 : i32
      %add3A_42 = arith.constant 624 : i32
      %add3A_43 = arith.addi %mul3A_0, %add3A_42 : i32
      "tpu.region"() ({
        %run_scoped3A = tpu.sem_alloc : memref<!tpu.dma_semaphore, #tpu.memory_space<semaphore_mem>>
        %dma_start3A = arith.constant 0 : i32
        %dma_start3A_44 = arith.constant 0 : i32
        %dma_start3A_45 = tpu.memref_slice %arg3[%arg0, %dma_start3A, %dma_start3A_44] : memref<2x10000x128xf32, #tpu.memory_space<hbm>> -> memref<1x10000x128xf32, #tpu.memory_space<hbm>>
        %dma_start3A_46 = tpu.memref_squeeze %dma_start3A_45 : memref<1x10000x128xf32, #tpu.memory_space<hbm>> -> memref<10000x128xf32, #tpu.memory_space<hbm>>
        %dma_start3A_47 = arith.constant 0 : i32
        %dma_start3A_48 = tpu.memref_slice %dma_start3A_46[%add3A_43, %dma_start3A_47] : memref<10000x128xf32, #tpu.memory_space<hbm>> -> memref<16x128xf32, #tpu.memory_space<hbm>>
        %dma_start3A_49 = arith.constant 0 : i32
        %dma_start3A_50 = tpu.memref_slice %arg7[%add3A_41, %dma_start3A_49] : memref<10000x128xf32, #tpu.memory_space<vmem_shared>> -> memref<16x128xf32, #tpu.memory_space<vmem_shared>>
        tpu.enqueue_dma source(%dma_start3A_50 : memref<16x128xf32, #tpu.memory_space<vmem_shared>>) target(%dma_start3A_48 : memref<16x128xf32, #tpu.memory_space<hbm>>) target_semaphore(%run_scoped3A : memref<!tpu.dma_semaphore, #tpu.memory_space<semaphore_mem>>)
        %dma_wait3A = arith.constant 0 : i32
        %dma_wait3A_51 = arith.constant 0 : i32
        %dma_wait3A_52 = tpu.memref_slice %arg3[%arg0, %dma_wait3A, %dma_wait3A_51] : memref<2x10000x128xf32, #tpu.memory_space<hbm>> -> memref<1x10000x128xf32, #tpu.memory_space<hbm>>
        %dma_wait3A_53 = tpu.memref_squeeze %dma_wait3A_52 : memref<1x10000x128xf32, #tpu.memory_space<hbm>> -> memref<10000x128xf32, #tpu.memory_space<hbm>>
        %dma_wait3A_54 = arith.constant 0 : i32
        %dma_wait3A_55 = tpu.memref_slice %dma_wait3A_53[%add3A_43, %dma_wait3A_54] : memref<10000x128xf32, #tpu.memory_space<hbm>> -> memref<16x128xf32, #tpu.memory_space<hbm>>
        %dma_wait3A_56 = arith.constant 0 : i32
        %dma_wait3A_57 = tpu.memref_slice %arg7[%add3A_41, %dma_wait3A_56] : memref<10000x128xf32, #tpu.memory_space<vmem_shared>> -> memref<16x128xf32, #tpu.memory_space<vmem_shared>>
        tpu.wait_dma2 semaphore(%run_scoped3A : memref<!tpu.dma_semaphore, #tpu.memory_space<semaphore_mem>>) src(%dma_wait3A_57 : memref<16x128xf32, #tpu.memory_space<vmem_shared>>) dst(%dma_wait3A_55 : memref<16x128xf32, #tpu.memory_space<hbm>>)
        tpu.yield
      }) : () -> ()
    } else {
    }
    return
  }
}

#map = affine_map<(d0, d1) -> (0, 0)>
#map1 = affine_map<(d0, d1) -> (0, 0, 0)>
module attributes {stable_mosaic.version = 14 : i64} {
  func.func @body(%arg0: i32, %arg1: i32, %arg2: memref<10000x128xf32, #tpu.memory_space<hbm>>, %arg3: memref<2560x125xi32, #tpu.memory_space<hbm>>, %arg4: memref<2560x125xi32, #tpu.memory_space<hbm>>, %arg5: memref<2x10000x128xf32, #tpu.memory_space<hbm>>, %arg6: memref<40x125xi32, #tpu.memory_space<vmem>>, %arg7: memref<40x125xi32, #tpu.memory_space<vmem>>, %arg8: memref<125x128xf32, #tpu.memory_space<vmem>>, %arg9: memref<125x128xf32, #tpu.memory_space<vmem>>, %arg10: memref<10000x128xf32, #tpu.memory_space<vmem_shared>>, %arg11: memref<!tpu.dma_semaphore, #tpu.memory_space<semaphore_mem>>, %arg12: memref<!tpu.dma_semaphore, #tpu.memory_space<semaphore_mem>>) attributes {dimension_semantics = [#tpu.dimension_semantics<core_parallel>, #tpu.dimension_semantics<subcore_parallel>], iteration_bounds = array<i64: 2, 16>, scalar_prefetch = 0 : i64, scratch_operands = 7 : i64, tpu.core_type = #tpu.core_type<sc_vector_subcore>, window_params = [{transform_indices = #map}, {transform_indices = #map}, {transform_indices = #map}, {transform_indices = #map1}]} {
    %mul3A = arith.constant 624 : i32
    %mul3A_0 = arith.muli %arg1, %mul3A : i32
    %eq3A = arith.constant 15 : i32
    %eq3A_1 = arith.cmpi eq, %arg1, %eq3A : i32
    %jit3A = arith.constant 640 : i32
    %jit3A_2 = arith.constant 624 : i32
    %select_n3A = arith.select %eq3A_1, %jit3A, %jit3A_2 : i32
    %scan3A = arith.constant 0 : i32
    %scan3A_3 = arith.constant 125 : i32
    %scan3A_4 = arith.addi %scan3A, %scan3A_3 : i32
    %scan3A_5 = arith.constant 1 : i32
    scf.for %scan3A_35 = %scan3A to %scan3A_4 step %scan3A_5  : i32 {
      %mul3A_36 = arith.constant 1 : i32
      %mul3A_37 = arith.muli %scan3A_35, %mul3A_36 : i32
      %add3A_38 = arith.constant 0 : i32
      %add3A_39 = arith.addi %add3A_38, %mul3A_37 : i32
      %scan3A_40 = arith.constant 0 : i32
      %scan3A_41 = arith.constant 8 : i32
      %scan3A_42 = arith.addi %scan3A_40, %scan3A_41 : i32
      %scan3A_43 = arith.constant 1 : i32
      scf.for %scan3A_45 = %scan3A_40 to %scan3A_42 step %scan3A_43  : i32 {
        %mul3A_46 = arith.constant 16 : i32
        %mul3A_47 = arith.muli %scan3A_45, %mul3A_46 : i32
        %add3A_48 = arith.constant 0 : i32
        %add3A_49 = arith.addi %add3A_48, %mul3A_47 : i32
        %broadcast_in_dim3A = arith.constant 0.000000e+00 : f32
        %broadcast_in_dim3A_50 = vector.broadcast %broadcast_in_dim3A : f32 to vector<16xf32>
        %swap3A = arith.index_cast %add3A_39 : i32 to index
        %swap3A_51 = arith.index_cast %add3A_49 : i32 to index
        %swap3A_52 = tpu.vector_load %arg8[%swap3A, %swap3A_51] {strides = array<i32>} : memref<125x128xf32, #tpu.memory_space<vmem>>, vector<1x16xf32>,
        %swap3A_53 = vector.shape_cast %swap3A_52 : vector<1x16xf32> to vector<16xf32>
        %swap3A_54 = vector.shape_cast %broadcast_in_dim3A_50 : vector<16xf32> to vector<1x16xf32>
        tpu.vector_store %arg8[%swap3A, %swap3A_51], %swap3A_54 {strides = array<i32>} : memref<125x128xf32, #tpu.memory_space<vmem>>, vector<1x16xf32>,
      }
      %scan3A_44 = arith.constant 8 : i32
    }
    %scan3A_6 = arith.constant 125 : i32
    %scan3A_7 = arith.constant 0 : i32
    %scan3A_8 = arith.constant 6 : i32
    %scan3A_9 = arith.addi %scan3A_7, %scan3A_8 : i32
    %scan3A_10 = arith.constant 1 : i32
    scf.for %scan3A_35 = %scan3A_7 to %scan3A_9 step %scan3A_10  : i32 {
      %mul3A_36 = arith.constant 104 : i32
      %mul3A_37 = arith.muli %scan3A_35, %mul3A_36 : i32
      %add3A_38 = arith.constant 0 : i32
      %add3A_39 = arith.addi %add3A_38, %mul3A_37 : i32
      %add3A_40 = arith.addi %mul3A_0, %add3A_39 : i32
      "tpu.region"() ({
        %run_scoped3A = tpu.sem_alloc : memref<!tpu.dma_semaphore, #tpu.memory_space<semaphore_mem>>
        %dma_start3A = arith.constant 0 : i32
        %dma_start3A_41 = arith.constant 0 : i32
        %dma_start3A_42 = tpu.memref_slice %arg8[%dma_start3A, %dma_start3A_41] : memref<125x128xf32, #tpu.memory_space<vmem>> -> memref<104x128xf32, #tpu.memory_space<vmem>>
        %dma_start3A_43 = arith.constant 0 : i32
        %dma_start3A_44 = tpu.memref_slice %arg10[%add3A_40, %dma_start3A_43] : memref<10000x128xf32, #tpu.memory_space<vmem_shared>> -> memref<104x128xf32, #tpu.memory_space<vmem_shared>>
        %dma_start3A_45 = arith.constant 0 : i32
        %dma_start3A_46 = tpu.memref_slice %arg10[%add3A_40, %dma_start3A_45] : memref<10000x128xf32, #tpu.memory_space<vmem_shared>> -> memref<104x128xf32, #tpu.memory_space<vmem_shared>>
        %dma_start3A_47 = arith.constant 0 : i32
        %dma_start3A_48 = arith.constant 0 : i32
        %dma_start3A_49 = tpu.memref_slice %arg8[%dma_start3A_47, %dma_start3A_48] : memref<125x128xf32, #tpu.memory_space<vmem>> -> memref<104x128xf32, #tpu.memory_space<vmem>>
        tpu.enqueue_dma source(%dma_start3A_49 : memref<104x128xf32, #tpu.memory_space<vmem>>) target(%dma_start3A_46 : memref<104x128xf32, #tpu.memory_space<vmem_shared>>) target_semaphore(%run_scoped3A : memref<!tpu.dma_semaphore, #tpu.memory_space<semaphore_mem>>)
        %dma_wait3A = arith.constant 0 : i32
        %dma_wait3A_50 = arith.constant 0 : i32
        %dma_wait3A_51 = tpu.memref_slice %arg8[%dma_wait3A, %dma_wait3A_50] : memref<125x128xf32, #tpu.memory_space<vmem>> -> memref<104x128xf32, #tpu.memory_space<vmem>>
        %dma_wait3A_52 = arith.constant 0 : i32
        %dma_wait3A_53 = tpu.memref_slice %arg10[%add3A_40, %dma_wait3A_52] : memref<10000x128xf32, #tpu.memory_space<vmem_shared>> -> memref<104x128xf32, #tpu.memory_space<vmem_shared>>
        %dma_wait3A_54 = arith.constant 0 : i32
        %dma_wait3A_55 = tpu.memref_slice %arg10[%add3A_40, %dma_wait3A_54] : memref<10000x128xf32, #tpu.memory_space<vmem_shared>> -> memref<104x128xf32, #tpu.memory_space<vmem_shared>>
        %dma_wait3A_56 = arith.constant 0 : i32
        %dma_wait3A_57 = arith.constant 0 : i32
        %dma_wait3A_58 = tpu.memref_slice %arg8[%dma_wait3A_56, %dma_wait3A_57] : memref<125x128xf32, #tpu.memory_space<vmem>> -> memref<104x128xf32, #tpu.memory_space<vmem>>
        tpu.wait_dma2 semaphore(%run_scoped3A : memref<!tpu.dma_semaphore, #tpu.memory_space<semaphore_mem>>) src(%dma_wait3A_58 : memref<104x128xf32, #tpu.memory_space<vmem>>) dst(%dma_wait3A_55 : memref<104x128xf32, #tpu.memory_space<vmem_shared>>)
        tpu.yield
      }) : () -> ()
    }
    %scan3A_11 = arith.constant 6 : i32
    %eq3A_12 = arith.constant 15 : i32
    %eq3A_13 = arith.cmpi eq, %arg1, %eq3A_12 : i32
    %convert_element_type3A = arith.extui %eq3A_13 : i1 to i32
    %cond3A = arith.constant 0 : i32
    %cond3A_14 = arith.cmpi ne, %convert_element_type3A, %cond3A : i32
    scf.if %cond3A_14 {
      %add3A_35 = arith.constant 624 : i32
      %add3A_36 = arith.addi %mul3A_0, %add3A_35 : i32
      "tpu.region"() ({
        %run_scoped3A = tpu.sem_alloc : memref<!tpu.dma_semaphore, #tpu.memory_space<semaphore_mem>>
        %dma_start3A = arith.constant 0 : i32
        %dma_start3A_37 = arith.constant 0 : i32
        %dma_start3A_38 = tpu.memref_slice %arg8[%dma_start3A, %dma_start3A_37] : memref<125x128xf32, #tpu.memory_space<vmem>> -> memref<16x128xf32, #tpu.memory_space<vmem>>
        %dma_start3A_39 = arith.constant 0 : i32
        %dma_start3A_40 = tpu.memref_slice %arg10[%add3A_36, %dma_start3A_39] : memref<10000x128xf32, #tpu.memory_space<vmem_shared>> -> memref<16x128xf32, #tpu.memory_space<vmem_shared>>
        %dma_start3A_41 = arith.constant 0 : i32
        %dma_start3A_42 = tpu.memref_slice %arg10[%add3A_36, %dma_start3A_41] : memref<10000x128xf32, #tpu.memory_space<vmem_shared>> -> memref<16x128xf32, #tpu.memory_space<vmem_shared>>
        %dma_start3A_43 = arith.constant 0 : i32
        %dma_start3A_44 = arith.constant 0 : i32
        %dma_start3A_45 = tpu.memref_slice %arg8[%dma_start3A_43, %dma_start3A_44] : memref<125x128xf32, #tpu.memory_space<vmem>> -> memref<16x128xf32, #tpu.memory_space<vmem>>
        tpu.enqueue_dma source(%dma_start3A_45 : memref<16x128xf32, #tpu.memory_space<vmem>>) target(%dma_start3A_42 : memref<16x128xf32, #tpu.memory_space<vmem_shared>>) target_semaphore(%run_scoped3A : memref<!tpu.dma_semaphore, #tpu.memory_space<semaphore_mem>>)
        %dma_wait3A = arith.constant 0 : i32
        %dma_wait3A_46 = arith.constant 0 : i32
        %dma_wait3A_47 = tpu.memref_slice %arg8[%dma_wait3A, %dma_wait3A_46] : memref<125x128xf32, #tpu.memory_space<vmem>> -> memref<16x128xf32, #tpu.memory_space<vmem>>
        %dma_wait3A_48 = arith.constant 0 : i32
        %dma_wait3A_49 = tpu.memref_slice %arg10[%add3A_36, %dma_wait3A_48] : memref<10000x128xf32, #tpu.memory_space<vmem_shared>> -> memref<16x128xf32, #tpu.memory_space<vmem_shared>>
        %dma_wait3A_50 = arith.constant 0 : i32
        %dma_wait3A_51 = tpu.memref_slice %arg10[%add3A_36, %dma_wait3A_50] : memref<10000x128xf32, #tpu.memory_space<vmem_shared>> -> memref<16x128xf32, #tpu.memory_space<vmem_shared>>
        %dma_wait3A_52 = arith.constant 0 : i32
        %dma_wait3A_53 = arith.constant 0 : i32
        %dma_wait3A_54 = tpu.memref_slice %arg8[%dma_wait3A_52, %dma_wait3A_53] : memref<125x128xf32, #tpu.memory_space<vmem>> -> memref<16x128xf32, #tpu.memory_space<vmem>>
        tpu.wait_dma2 semaphore(%run_scoped3A : memref<!tpu.dma_semaphore, #tpu.memory_space<semaphore_mem>>) src(%dma_wait3A_54 : memref<16x128xf32, #tpu.memory_space<vmem>>) dst(%dma_wait3A_51 : memref<16x128xf32, #tpu.memory_space<vmem_shared>>)
        tpu.yield
      }) : () -> ()
    } else {
    }
    %barrier3A = arith.constant 0 : index
    tpu.barrier barrier_id(%barrier3A)
    %mul3A_15 = arith.constant 16 : i32
    %mul3A_16 = arith.muli %arg0, %mul3A_15 : i32
    %add3A = arith.addi %mul3A_16, %arg1 : i32
    %mul3A_17 = arith.constant 80 : i32
    %mul3A_18 = arith.muli %add3A, %mul3A_17 : i32
    %scan3A_19 = arith.constant 0 : i32
    %scan3A_20 = arith.constant 2 : i32
    %scan3A_21 = arith.addi %scan3A_19, %scan3A_20 : i32
    %scan3A_22 = arith.constant 1 : i32
    scf.for %scan3A_35 = %scan3A_19 to %scan3A_21 step %scan3A_22  : i32 {
      %mul3A_36 = arith.constant 40 : i32
      %mul3A_37 = arith.muli %scan3A_35, %mul3A_36 : i32
      %add3A_38 = arith.constant 0 : i32
      %add3A_39 = arith.addi %add3A_38, %mul3A_37 : i32
      %add3A_40 = arith.addi %mul3A_18, %add3A_39 : i32
      "tpu.region"() ({
        %run_scoped3A_639 = tpu.sem_alloc : memref<!tpu.dma_semaphore, #tpu.memory_space<semaphore_mem>>
        %dma_start3A_640 = arith.constant 0 : i32
        %dma_start3A_641 = tpu.memref_slice %arg3[%add3A_40, %dma_start3A_640] : memref<2560x125xi32, #tpu.memory_space<hbm>> -> memref<40x125xi32, #tpu.memory_space<hbm>>
        %dma_start3A_642 = arith.constant 0 : i32
        %dma_start3A_643 = tpu.memref_slice %arg3[%add3A_40, %dma_start3A_642] : memref<2560x125xi32, #tpu.memory_space<hbm>> -> memref<40x125xi32, #tpu.memory_space<hbm>>
        tpu.enqueue_dma source(%dma_start3A_643 : memref<40x125xi32, #tpu.memory_space<hbm>>) target(%arg6 : memref<40x125xi32, #tpu.memory_space<vmem>>) target_semaphore(%run_scoped3A_639 : memref<!tpu.dma_semaphore, #tpu.memory_space<semaphore_mem>>)
        %dma_wait3A_644 = arith.constant 0 : i32
        %dma_wait3A_645 = tpu.memref_slice %arg3[%add3A_40, %dma_wait3A_644] : memref<2560x125xi32, #tpu.memory_space<hbm>> -> memref<40x125xi32, #tpu.memory_space<hbm>>
        %dma_wait3A_646 = arith.constant 0 : i32
        %dma_wait3A_647 = tpu.memref_slice %arg3[%add3A_40, %dma_wait3A_646] : memref<2560x125xi32, #tpu.memory_space<hbm>> -> memref<40x125xi32, #tpu.memory_space<hbm>>
        tpu.wait_dma2 semaphore(%run_scoped3A_639 : memref<!tpu.dma_semaphore, #tpu.memory_space<semaphore_mem>>) src(%dma_wait3A_647 : memref<40x125xi32, #tpu.memory_space<hbm>>) dst(%arg6 : memref<40x125xi32, #tpu.memory_space<vmem>>)
        tpu.yield
      }) : () -> ()
      %add3A_41 = arith.addi %mul3A_18, %add3A_39 : i32
      "tpu.region"() ({
        %run_scoped3A_639 = tpu.sem_alloc : memref<!tpu.dma_semaphore, #tpu.memory_space<semaphore_mem>>
        %dma_start3A_640 = arith.constant 0 : i32
        %dma_start3A_641 = tpu.memref_slice %arg4[%add3A_41, %dma_start3A_640] : memref<2560x125xi32, #tpu.memory_space<hbm>> -> memref<40x125xi32, #tpu.memory_space<hbm>>
        %dma_start3A_642 = arith.constant 0 : i32
        %dma_start3A_643 = tpu.memref_slice %arg4[%add3A_41, %dma_start3A_642] : memref<2560x125xi32, #tpu.memory_space<hbm>> -> memref<40x125xi32, #tpu.memory_space<hbm>>
        tpu.enqueue_dma source(%dma_start3A_643 : memref<40x125xi32, #tpu.memory_space<hbm>>) target(%arg7 : memref<40x125xi32, #tpu.memory_space<vmem>>) target_semaphore(%run_scoped3A_639 : memref<!tpu.dma_semaphore, #tpu.memory_space<semaphore_mem>>)
        %dma_wait3A_644 = arith.constant 0 : i32
        %dma_wait3A_645 = tpu.memref_slice %arg4[%add3A_41, %dma_wait3A_644] : memref<2560x125xi32, #tpu.memory_space<hbm>> -> memref<40x125xi32, #tpu.memory_space<hbm>>
        %dma_wait3A_646 = arith.constant 0 : i32
        %dma_wait3A_647 = tpu.memref_slice %arg4[%add3A_41, %dma_wait3A_646] : memref<2560x125xi32, #tpu.memory_space<hbm>> -> memref<40x125xi32, #tpu.memory_space<hbm>>
        tpu.wait_dma2 semaphore(%run_scoped3A_639 : memref<!tpu.dma_semaphore, #tpu.memory_space<semaphore_mem>>) src(%dma_wait3A_647 : memref<40x125xi32, #tpu.memory_space<hbm>>) dst(%arg7 : memref<40x125xi32, #tpu.memory_space<vmem>>)
        tpu.yield
      }) : () -> ()
      %dma_start3A = arith.constant 0 : i32
      %dma_start3A_42 = arith.constant 0 : i32
      %dma_start3A_43 = tpu.memref_slice %arg6[%dma_start3A, %dma_start3A_42] : memref<40x125xi32, #tpu.memory_space<vmem>> -> memref<1x125xi32, #tpu.memory_space<vmem>>
      %dma_start3A_44 = tpu.memref_squeeze %dma_start3A_43 : memref<1x125xi32, #tpu.memory_space<vmem>> -> memref<125xi32, #tpu.memory_space<vmem>>
      %dma_start3A_45 = arith.constant 0 : i32
      %dma_start3A_46 = arith.constant 0 : i32
      %dma_start3A_47 = tpu.memref_slice %arg2[%dma_start3A_45, %dma_start3A_46] : memref<10000x128xf32, #tpu.memory_space<hbm>> -> memref<10000x128xf32, #tpu.memory_space<hbm>>
      tpu.enqueue_indirect_dma source(%dma_start3A_47 : memref<10000x128xf32, #tpu.memory_space<hbm>>) target(%arg8 : memref<125x128xf32, #tpu.memory_space<vmem>>) offsets(%dma_start3A_44 : memref<125xi32, #tpu.memory_space<vmem>>) semaphore(%arg11 : memref<!tpu.dma_semaphore, #tpu.memory_space<semaphore_mem>>)
      %dma_start3A_48 = arith.constant 1 : i32
      %dma_start3A_49 = arith.constant 0 : i32
      %dma_start3A_50 = tpu.memref_slice %arg6[%dma_start3A_48, %dma_start3A_49] : memref<40x125xi32, #tpu.memory_space<vmem>> -> memref<1x125xi32, #tpu.memory_space<vmem>>
      %dma_start3A_51 = tpu.memref_squeeze %dma_start3A_50 : memref<1x125xi32, #tpu.memory_space<vmem>> -> memref<125xi32, #tpu.memory_space<vmem>>
      %dma_start3A_52 = arith.constant 0 : i32
      %dma_start3A_53 = arith.constant 0 : i32
      %dma_start3A_54 = tpu.memref_slice %arg2[%dma_start3A_52, %dma_start3A_53] : memref<10000x128xf32, #tpu.memory_space<hbm>> -> memref<10000x128xf32, #tpu.memory_space<hbm>>
      tpu.enqueue_indirect_dma source(%dma_start3A_54 : memref<10000x128xf32, #tpu.memory_space<hbm>>) target(%arg9 : memref<125x128xf32, #tpu.memory_space<vmem>>) offsets(%dma_start3A_51 : memref<125xi32, #tpu.memory_space<vmem>>) semaphore(%arg12 : memref<!tpu.dma_semaphore, #tpu.memory_space<semaphore_mem>>)
      %dma_wait3A = arith.constant 0 : i32
      %dma_wait3A_55 = arith.constant 0 : i32
      %dma_wait3A_56 = tpu.memref_slice %arg6[%dma_wait3A, %dma_wait3A_55] : memref<40x125xi32, #tpu.memory_space<vmem>> -> memref<1x125xi32, #tpu.memory_space<vmem>>
      %dma_wait3A_57 = tpu.memref_squeeze %dma_wait3A_56 : memref<1x125xi32, #tpu.memory_space<vmem>> -> memref<125xi32, #tpu.memory_space<vmem>>
      %dma_wait3A_58 = arith.constant 0 : i32
      %dma_wait3A_59 = arith.constant 0 : i32
      %dma_wait3A_60 = tpu.memref_slice %arg2[%dma_wait3A_58, %dma_wait3A_59] : memref<10000x128xf32, #tpu.memory_space<hbm>> -> memref<10000x128xf32, #tpu.memory_space<hbm>>
      tpu.wait_indirect_dma semaphore(%arg11 : memref<!tpu.dma_semaphore, #tpu.memory_space<semaphore_mem>>) src(%dma_wait3A_60 : memref<10000x128xf32, #tpu.memory_space<hbm>>) dst(%arg8 : memref<125x128xf32, #tpu.memory_space<vmem>>)
      %run_scoped3A = arith.constant 0 : i32
      "tpu.region"() ({
        %run_scoped3A_639 = tpu.sem_alloc : memref<!tpu.dma_semaphore, #tpu.memory_space<semaphore_mem>>
        %dma_start3A_640 = arith.constant 0 : i32
        %dma_start3A_641 = tpu.memref_slice %arg7[%run_scoped3A, %dma_start3A_640] : memref<40x125xi32, #tpu.memory_space<vmem>> -> memref<1x125xi32, #tpu.memory_space<vmem>>
        %dma_start3A_642 = tpu.memref_squeeze %dma_start3A_641 : memref<1x125xi32, #tpu.memory_space<vmem>> -> memref<125xi32, #tpu.memory_space<vmem>>
        %dma_start3A_643 = arith.constant 0 : i32
        %dma_start3A_644 = arith.constant 0 : i32
        %dma_start3A_645 = tpu.memref_slice %arg10[%dma_start3A_643, %dma_start3A_644] : memref<10000x128xf32, #tpu.memory_space<vmem_shared>> -> memref<10000x128xf32, #tpu.memory_space<vmem_shared>>
        tpu.enqueue_indirect_dma source(%arg8 : memref<125x128xf32, #tpu.memory_space<vmem>>) target(%dma_start3A_645 : memref<10000x128xf32, #tpu.memory_space<vmem_shared>>) offsets(%dma_start3A_642 : memref<125xi32, #tpu.memory_space<vmem>>) semaphore(%run_scoped3A_639 : memref<!tpu.dma_semaphore, #tpu.memory_space<semaphore_mem>>) {add = true}
        %dma_wait3A_646 = arith.constant 0 : i32
        %dma_wait3A_647 = tpu.memref_slice %arg7[%run_scoped3A, %dma_wait3A_646] : memref<40x125xi32, #tpu.memory_space<vmem>> -> memref<1x125xi32, #tpu.memory_space<vmem>>
        %dma_wait3A_648 = tpu.memref_squeeze %dma_wait3A_647 : memref<1x125xi32, #tpu.memory_space<vmem>> -> memref<125xi32, #tpu.memory_space<vmem>>
        %dma_wait3A_649 = arith.constant 0 : i32
        %dma_wait3A_650 = arith.constant 0 : i32
        %dma_wait3A_651 = tpu.memref_slice %arg10[%dma_wait3A_649, %dma_wait3A_650] : memref<10000x128xf32, #tpu.memory_space<vmem_shared>> -> memref<10000x128xf32, #tpu.memory_space<vmem_shared>>
        tpu.wait_indirect_dma semaphore(%run_scoped3A_639 : memref<!tpu.dma_semaphore, #tpu.memory_space<semaphore_mem>>) src(%arg8 : memref<125x128xf32, #tpu.memory_space<vmem>>) dst(%dma_wait3A_651 : memref<10000x128xf32, #tpu.memory_space<vmem_shared>>)
        tpu.yield
      }) : () -> ()
      %dma_start3A_61 = arith.constant 2 : i32
      %dma_start3A_62 = arith.constant 0 : i32
      %dma_start3A_63 = tpu.memref_slice %arg6[%dma_start3A_61, %dma_start3A_62] : memref<40x125xi32, #tpu.memory_space<vmem>> -> memref<1x125xi32, #tpu.memory_space<vmem>>
      %dma_start3A_64 = tpu.memref_squeeze %dma_start3A_63 : memref<1x125xi32, #tpu.memory_space<vmem>> -> memref<125xi32, #tpu.memory_space<vmem>>
      %dma_start3A_65 = arith.constant 0 : i32
      %dma_start3A_66 = arith.constant 0 : i32
      %dma_start3A_67 = tpu.memref_slice %arg2[%dma_start3A_65, %dma_start3A_66] : memref<10000x128xf32, #tpu.memory_space<hbm>> -> memref<10000x128xf32, #tpu.memory_space<hbm>>
      tpu.enqueue_indirect_dma source(%dma_start3A_67 : memref<10000x128xf32, #tpu.memory_space<hbm>>) target(%arg8 : memref<125x128xf32, #tpu.memory_space<vmem>>) offsets(%dma_start3A_64 : memref<125xi32, #tpu.memory_space<vmem>>) semaphore(%arg11 : memref<!tpu.dma_semaphore, #tpu.memory_space<semaphore_mem>>)
      %dma_wait3A_68 = arith.constant 1 : i32
      %dma_wait3A_69 = arith.constant 0 : i32
      %dma_wait3A_70 = tpu.memref_slice %arg6[%dma_wait3A_68, %dma_wait3A_69] : memref<40x125xi32, #tpu.memory_space<vmem>> -> memref<1x125xi32, #tpu.memory_space<vmem>>
      %dma_wait3A_71 = tpu.memref_squeeze %dma_wait3A_70 : memref<1x125xi32, #tpu.memory_space<vmem>> -> memref<125xi32, #tpu.memory_space<vmem>>
      %dma_wait3A_72 = arith.constant 0 : i32
      %dma_wait3A_73 = arith.constant 0 : i32
      %dma_wait3A_74 = tpu.memref_slice %arg2[%dma_wait3A_72, %dma_wait3A_73] : memref<10000x128xf32, #tpu.memory_space<hbm>> -> memref<10000x128xf32, #tpu.memory_space<hbm>>
      tpu.wait_indirect_dma semaphore(%arg12 : memref<!tpu.dma_semaphore, #tpu.memory_space<semaphore_mem>>) src(%dma_wait3A_74 : memref<10000x128xf32, #tpu.memory_space<hbm>>) dst(%arg9 : memref<125x128xf32, #tpu.memory_space<vmem>>)
      %run_scoped3A_75 = arith.constant 1 : i32
      "tpu.region"() ({
        %run_scoped3A_639 = tpu.sem_alloc : memref<!tpu.dma_semaphore, #tpu.memory_space<semaphore_mem>>
        %dma_start3A_640 = arith.constant 0 : i32
        %dma_start3A_641 = tpu.memref_slice %arg7[%run_scoped3A_75, %dma_start3A_640] : memref<40x125xi32, #tpu.memory_space<vmem>> -> memref<1x125xi32, #tpu.memory_space<vmem>>
        %dma_start3A_642 = tpu.memref_squeeze %dma_start3A_641 : memref<1x125xi32, #tpu.memory_space<vmem>> -> memref<125xi32, #tpu.memory_space<vmem>>
        %dma_start3A_643 = arith.constant 0 : i32
        %dma_start3A_644 = arith.constant 0 : i32
        %dma_start3A_645 = tpu.memref_slice %arg10[%dma_start3A_643, %dma_start3A_644] : memref<10000x128xf32, #tpu.memory_space<vmem_shared>> -> memref<10000x128xf32, #tpu.memory_space<vmem_shared>>
        tpu.enqueue_indirect_dma source(%arg9 : memref<125x128xf32, #tpu.memory_space<vmem>>) target(%dma_start3A_645 : memref<10000x128xf32, #tpu.memory_space<vmem_shared>>) offsets(%dma_start3A_642 : memref<125xi32, #tpu.memory_space<vmem>>) semaphore(%run_scoped3A_639 : memref<!tpu.dma_semaphore, #tpu.memory_space<semaphore_mem>>) {add = true}
        %dma_wait3A_646 = arith.constant 0 : i32
        %dma_wait3A_647 = tpu.memref_slice %arg7[%run_scoped3A_75, %dma_wait3A_646] : memref<40x125xi32, #tpu.memory_space<vmem>> -> memref<1x125xi32, #tpu.memory_space<vmem>>
        %dma_wait3A_648 = tpu.memref_squeeze %dma_wait3A_647 : memref<1x125xi32, #tpu.memory_space<vmem>> -> memref<125xi32, #tpu.memory_space<vmem>>
        %dma_wait3A_649 = arith.constant 0 : i32
        %dma_wait3A_650 = arith.constant 0 : i32
        %dma_wait3A_651 = tpu.memref_slice %arg10[%dma_wait3A_649, %dma_wait3A_650] : memref<10000x128xf32, #tpu.memory_space<vmem_shared>> -> memref<10000x128xf32, #tpu.memory_space<vmem_shared>>
        tpu.wait_indirect_dma semaphore(%run_scoped3A_639 : memref<!tpu.dma_semaphore, #tpu.memory_space<semaphore_mem>>) src(%arg9 : memref<125x128xf32, #tpu.memory_space<vmem>>) dst(%dma_wait3A_651 : memref<10000x128xf32, #tpu.memory_space<vmem_shared>>)
        tpu.yield
      }) : () -> ()
      %dma_start3A_76 = arith.constant 3 : i32
      %dma_start3A_77 = arith.constant 0 : i32
      %dma_start3A_78 = tpu.memref_slice %arg6[%dma_start3A_76, %dma_start3A_77] : memref<40x125xi32, #tpu.memory_space<vmem>> -> memref<1x125xi32, #tpu.memory_space<vmem>>
      %dma_start3A_79 = tpu.memref_squeeze %dma_start3A_78 : memref<1x125xi32, #tpu.memory_space<vmem>> -> memref<125xi32, #tpu.memory_space<vmem>>
      %dma_start3A_80 = arith.constant 0 : i32
      %dma_start3A_81 = arith.constant 0 : i32
      %dma_start3A_82 = tpu.memref_slice %arg2[%dma_start3A_80, %dma_start3A_81] : memref<10000x128xf32, #tpu.memory_space<hbm>> -> memref<10000x128xf32, #tpu.memory_space<hbm>>
      tpu.enqueue_indirect_dma source(%dma_start3A_82 : memref<10000x128xf32, #tpu.memory_space<hbm>>) target(%arg9 : memref<125x128xf32, #tpu.memory_space<vmem>>) offsets(%dma_start3A_79 : memref<125xi32, #tpu.memory_space<vmem>>) semaphore(%arg12 : memref<!tpu.dma_semaphore, #tpu.memory_space<semaphore_mem>>)
      %dma_wait3A_83 = arith.constant 2 : i32
      %dma_wait3A_84 = arith.constant 0 : i32
      %dma_wait3A_85 = tpu.memref_slice %arg6[%dma_wait3A_83, %dma_wait3A_84] : memref<40x125xi32, #tpu.memory_space<vmem>> -> memref<1x125xi32, #tpu.memory_space<vmem>>
      %dma_wait3A_86 = tpu.memref_squeeze %dma_wait3A_85 : memref<1x125xi32, #tpu.memory_space<vmem>> -> memref<125xi32, #tpu.memory_space<vmem>>
      %dma_wait3A_87 = arith.constant 0 : i32
      %dma_wait3A_88 = arith.constant 0 : i32
      %dma_wait3A_89 = tpu.memref_slice %arg2[%dma_wait3A_87, %dma_wait3A_88] : memref<10000x128xf32, #tpu.memory_space<hbm>> -> memref<10000x128xf32, #tpu.memory_space<hbm>>
      tpu.wait_indirect_dma semaphore(%arg11 : memref<!tpu.dma_semaphore, #tpu.memory_space<semaphore_mem>>) src(%dma_wait3A_89 : memref<10000x128xf32, #tpu.memory_space<hbm>>) dst(%arg8 : memref<125x128xf32, #tpu.memory_space<vmem>>)
      %run_scoped3A_90 = arith.constant 2 : i32
      "tpu.region"() ({
        %run_scoped3A_639 = tpu.sem_alloc : memref<!tpu.dma_semaphore, #tpu.memory_space<semaphore_mem>>
        %dma_start3A_640 = arith.constant 0 : i32
        %dma_start3A_641 = tpu.memref_slice %arg7[%run_scoped3A_90, %dma_start3A_640] : memref<40x125xi32, #tpu.memory_space<vmem>> -> memref<1x125xi32, #tpu.memory_space<vmem>>
        %dma_start3A_642 = tpu.memref_squeeze %dma_start3A_641 : memref<1x125xi32, #tpu.memory_space<vmem>> -> memref<125xi32, #tpu.memory_space<vmem>>
        %dma_start3A_643 = arith.constant 0 : i32
        %dma_start3A_644 = arith.constant 0 : i32
        %dma_start3A_645 = tpu.memref_slice %arg10[%dma_start3A_643, %dma_start3A_644] : memref<10000x128xf32, #tpu.memory_space<vmem_shared>> -> memref<10000x128xf32, #tpu.memory_space<vmem_shared>>
        tpu.enqueue_indirect_dma source(%arg8 : memref<125x128xf32, #tpu.memory_space<vmem>>) target(%dma_start3A_645 : memref<10000x128xf32, #tpu.memory_space<vmem_shared>>) offsets(%dma_start3A_642 : memref<125xi32, #tpu.memory_space<vmem>>) semaphore(%run_scoped3A_639 : memref<!tpu.dma_semaphore, #tpu.memory_space<semaphore_mem>>) {add = true}
        %dma_wait3A_646 = arith.constant 0 : i32
        %dma_wait3A_647 = tpu.memref_slice %arg7[%run_scoped3A_90, %dma_wait3A_646] : memref<40x125xi32, #tpu.memory_space<vmem>> -> memref<1x125xi32, #tpu.memory_space<vmem>>
        %dma_wait3A_648 = tpu.memref_squeeze %dma_wait3A_647 : memref<1x125xi32, #tpu.memory_space<vmem>> -> memref<125xi32, #tpu.memory_space<vmem>>
        %dma_wait3A_649 = arith.constant 0 : i32
        %dma_wait3A_650 = arith.constant 0 : i32
        %dma_wait3A_651 = tpu.memref_slice %arg10[%dma_wait3A_649, %dma_wait3A_650] : memref<10000x128xf32, #tpu.memory_space<vmem_shared>> -> memref<10000x128xf32, #tpu.memory_space<vmem_shared>>
        tpu.wait_indirect_dma semaphore(%run_scoped3A_639 : memref<!tpu.dma_semaphore, #tpu.memory_space<semaphore_mem>>) src(%arg8 : memref<125x128xf32, #tpu.memory_space<vmem>>) dst(%dma_wait3A_651 : memref<10000x128xf32, #tpu.memory_space<vmem_shared>>)
        tpu.yield
      }) : () -> ()
      %dma_start3A_91 = arith.constant 4 : i32
      %dma_start3A_92 = arith.constant 0 : i32
      %dma_start3A_93 = tpu.memref_slice %arg6[%dma_start3A_91, %dma_start3A_92] : memref<40x125xi32, #tpu.memory_space<vmem>> -> memref<1x125xi32, #tpu.memory_space<vmem>>
      %dma_start3A_94 = tpu.memref_squeeze %dma_start3A_93 : memref<1x125xi32, #tpu.memory_space<vmem>> -> memref<125xi32, #tpu.memory_space<vmem>>
      %dma_start3A_95 = arith.constant 0 : i32
      %dma_start3A_96 = arith.constant 0 : i32
      %dma_start3A_97 = tpu.memref_slice %arg2[%dma_start3A_95, %dma_start3A_96] : memref<10000x128xf32, #tpu.memory_space<hbm>> -> memref<10000x128xf32, #tpu.memory_space<hbm>>
      tpu.enqueue_indirect_dma source(%dma_start3A_97 : memref<10000x128xf32, #tpu.memory_space<hbm>>) target(%arg8 : memref<125x128xf32, #tpu.memory_space<vmem>>) offsets(%dma_start3A_94 : memref<125xi32, #tpu.memory_space<vmem>>) semaphore(%arg11 : memref<!tpu.dma_semaphore, #tpu.memory_space<semaphore_mem>>)
      %dma_wait3A_98 = arith.constant 3 : i32
      %dma_wait3A_99 = arith.constant 0 : i32
      %dma_wait3A_100 = tpu.memref_slice %arg6[%dma_wait3A_98, %dma_wait3A_99] : memref<40x125xi32, #tpu.memory_space<vmem>> -> memref<1x125xi32, #tpu.memory_space<vmem>>
      %dma_wait3A_101 = tpu.memref_squeeze %dma_wait3A_100 : memref<1x125xi32, #tpu.memory_space<vmem>> -> memref<125xi32, #tpu.memory_space<vmem>>
      %dma_wait3A_102 = arith.constant 0 : i32
      %dma_wait3A_103 = arith.constant 0 : i32
      %dma_wait3A_104 = tpu.memref_slice %arg2[%dma_wait3A_102, %dma_wait3A_103] : memref<10000x128xf32, #tpu.memory_space<hbm>> -> memref<10000x128xf32, #tpu.memory_space<hbm>>
      tpu.wait_indirect_dma semaphore(%arg12 : memref<!tpu.dma_semaphore, #tpu.memory_space<semaphore_mem>>) src(%dma_wait3A_104 : memref<10000x128xf32, #tpu.memory_space<hbm>>) dst(%arg9 : memref<125x128xf32, #tpu.memory_space<vmem>>)
      %run_scoped3A_105 = arith.constant 3 : i32
      "tpu.region"() ({
        %run_scoped3A_639 = tpu.sem_alloc : memref<!tpu.dma_semaphore, #tpu.memory_space<semaphore_mem>>
        %dma_start3A_640 = arith.constant 0 : i32
        %dma_start3A_641 = tpu.memref_slice %arg7[%run_scoped3A_105, %dma_start3A_640] : memref<40x125xi32, #tpu.memory_space<vmem>> -> memref<1x125xi32, #tpu.memory_space<vmem>>
        %dma_start3A_642 = tpu.memref_squeeze %dma_start3A_641 : memref<1x125xi32, #tpu.memory_space<vmem>> -> memref<125xi32, #tpu.memory_space<vmem>>
        %dma_start3A_643 = arith.constant 0 : i32
        %dma_start3A_644 = arith.constant 0 : i32
        %dma_start3A_645 = tpu.memref_slice %arg10[%dma_start3A_643, %dma_start3A_644] : memref<10000x128xf32, #tpu.memory_space<vmem_shared>> -> memref<10000x128xf32, #tpu.memory_space<vmem_shared>>
        tpu.enqueue_indirect_dma source(%arg9 : memref<125x128xf32, #tpu.memory_space<vmem>>) target(%dma_start3A_645 : memref<10000x128xf32, #tpu.memory_space<vmem_shared>>) offsets(%dma_start3A_642 : memref<125xi32, #tpu.memory_space<vmem>>) semaphore(%run_scoped3A_639 : memref<!tpu.dma_semaphore, #tpu.memory_space<semaphore_mem>>) {add = true}
        %dma_wait3A_646 = arith.constant 0 : i32
        %dma_wait3A_647 = tpu.memref_slice %arg7[%run_scoped3A_105, %dma_wait3A_646] : memref<40x125xi32, #tpu.memory_space<vmem>> -> memref<1x125xi32, #tpu.memory_space<vmem>>
        %dma_wait3A_648 = tpu.memref_squeeze %dma_wait3A_647 : memref<1x125xi32, #tpu.memory_space<vmem>> -> memref<125xi32, #tpu.memory_space<vmem>>
        %dma_wait3A_649 = arith.constant 0 : i32
        %dma_wait3A_650 = arith.constant 0 : i32
        %dma_wait3A_651 = tpu.memref_slice %arg10[%dma_wait3A_649, %dma_wait3A_650] : memref<10000x128xf32, #tpu.memory_space<vmem_shared>> -> memref<10000x128xf32, #tpu.memory_space<vmem_shared>>
        tpu.wait_indirect_dma semaphore(%run_scoped3A_639 : memref<!tpu.dma_semaphore, #tpu.memory_space<semaphore_mem>>) src(%arg9 : memref<125x128xf32, #tpu.memory_space<vmem>>) dst(%dma_wait3A_651 : memref<10000x128xf32, #tpu.memory_space<vmem_shared>>)
        tpu.yield
      }) : () -> ()
      %dma_start3A_106 = arith.constant 5 : i32
      %dma_start3A_107 = arith.constant 0 : i32
      %dma_start3A_108 = tpu.memref_slice %arg6[%dma_start3A_106, %dma_start3A_107] : memref<40x125xi32, #tpu.memory_space<vmem>> -> memref<1x125xi32, #tpu.memory_space<vmem>>
      %dma_start3A_109 = tpu.memref_squeeze %dma_start3A_108 : memref<1x125xi32, #tpu.memory_space<vmem>> -> memref<125xi32, #tpu.memory_space<vmem>>
      %dma_start3A_110 = arith.constant 0 : i32
      %dma_start3A_111 = arith.constant 0 : i32
      %dma_start3A_112 = tpu.memref_slice %arg2[%dma_start3A_110, %dma_start3A_111] : memref<10000x128xf32, #tpu.memory_space<hbm>> -> memref<10000x128xf32, #tpu.memory_space<hbm>>
      tpu.enqueue_indirect_dma source(%dma_start3A_112 : memref<10000x128xf32, #tpu.memory_space<hbm>>) target(%arg9 : memref<125x128xf32, #tpu.memory_space<vmem>>) offsets(%dma_start3A_109 : memref<125xi32, #tpu.memory_space<vmem>>) semaphore(%arg12 : memref<!tpu.dma_semaphore, #tpu.memory_space<semaphore_mem>>)
      %dma_wait3A_113 = arith.constant 4 : i32
      %dma_wait3A_114 = arith.constant 0 : i32
      %dma_wait3A_115 = tpu.memref_slice %arg6[%dma_wait3A_113, %dma_wait3A_114] : memref<40x125xi32, #tpu.memory_space<vmem>> -> memref<1x125xi32, #tpu.memory_space<vmem>>
      %dma_wait3A_116 = tpu.memref_squeeze %dma_wait3A_115 : memref<1x125xi32, #tpu.memory_space<vmem>> -> memref<125xi32, #tpu.memory_space<vmem>>
      %dma_wait3A_117 = arith.constant 0 : i32
      %dma_wait3A_118 = arith.constant 0 : i32
      %dma_wait3A_119 = tpu.memref_slice %arg2[%dma_wait3A_117, %dma_wait3A_118] : memref<10000x128xf32, #tpu.memory_space<hbm>> -> memref<10000x128xf32, #tpu.memory_space<hbm>>
      tpu.wait_indirect_dma semaphore(%arg11 : memref<!tpu.dma_semaphore, #tpu.memory_space<semaphore_mem>>) src(%dma_wait3A_119 : memref<10000x128xf32, #tpu.memory_space<hbm>>) dst(%arg8 : memref<125x128xf32, #tpu.memory_space<vmem>>)
      %run_scoped3A_120 = arith.constant 4 : i32
      "tpu.region"() ({
        %run_scoped3A_639 = tpu.sem_alloc : memref<!tpu.dma_semaphore, #tpu.memory_space<semaphore_mem>>
        %dma_start3A_640 = arith.constant 0 : i32
        %dma_start3A_641 = tpu.memref_slice %arg7[%run_scoped3A_120, %dma_start3A_640] : memref<40x125xi32, #tpu.memory_space<vmem>> -> memref<1x125xi32, #tpu.memory_space<vmem>>
        %dma_start3A_642 = tpu.memref_squeeze %dma_start3A_641 : memref<1x125xi32, #tpu.memory_space<vmem>> -> memref<125xi32, #tpu.memory_space<vmem>>
        %dma_start3A_643 = arith.constant 0 : i32
        %dma_start3A_644 = arith.constant 0 : i32
        %dma_start3A_645 = tpu.memref_slice %arg10[%dma_start3A_643, %dma_start3A_644] : memref<10000x128xf32, #tpu.memory_space<vmem_shared>> -> memref<10000x128xf32, #tpu.memory_space<vmem_shared>>
        tpu.enqueue_indirect_dma source(%arg8 : memref<125x128xf32, #tpu.memory_space<vmem>>) target(%dma_start3A_645 : memref<10000x128xf32, #tpu.memory_space<vmem_shared>>) offsets(%dma_start3A_642 : memref<125xi32, #tpu.memory_space<vmem>>) semaphore(%run_scoped3A_639 : memref<!tpu.dma_semaphore, #tpu.memory_space<semaphore_mem>>) {add = true}
        %dma_wait3A_646 = arith.constant 0 : i32
        %dma_wait3A_647 = tpu.memref_slice %arg7[%run_scoped3A_120, %dma_wait3A_646] : memref<40x125xi32, #tpu.memory_space<vmem>> -> memref<1x125xi32, #tpu.memory_space<vmem>>
        %dma_wait3A_648 = tpu.memref_squeeze %dma_wait3A_647 : memref<1x125xi32, #tpu.memory_space<vmem>> -> memref<125xi32, #tpu.memory_space<vmem>>
        %dma_wait3A_649 = arith.constant 0 : i32
        %dma_wait3A_650 = arith.constant 0 : i32
        %dma_wait3A_651 = tpu.memref_slice %arg10[%dma_wait3A_649, %dma_wait3A_650] : memref<10000x128xf32, #tpu.memory_space<vmem_shared>> -> memref<10000x128xf32, #tpu.memory_space<vmem_shared>>
        tpu.wait_indirect_dma semaphore(%run_scoped3A_639 : memref<!tpu.dma_semaphore, #tpu.memory_space<semaphore_mem>>) src(%arg8 : memref<125x128xf32, #tpu.memory_space<vmem>>) dst(%dma_wait3A_651 : memref<10000x128xf32, #tpu.memory_space<vmem_shared>>)
        tpu.yield
      }) : () -> ()
      %dma_start3A_121 = arith.constant 6 : i32
      %dma_start3A_122 = arith.constant 0 : i32
      %dma_start3A_123 = tpu.memref_slice %arg6[%dma_start3A_121, %dma_start3A_122] : memref<40x125xi32, #tpu.memory_space<vmem>> -> memref<1x125xi32, #tpu.memory_space<vmem>>
      %dma_start3A_124 = tpu.memref_squeeze %dma_start3A_123 : memref<1x125xi32, #tpu.memory_space<vmem>> -> memref<125xi32, #tpu.memory_space<vmem>>
      %dma_start3A_125 = arith.constant 0 : i32
      %dma_start3A_126 = arith.constant 0 : i32
      %dma_start3A_127 = tpu.memref_slice %arg2[%dma_start3A_125, %dma_start3A_126] : memref<10000x128xf32, #tpu.memory_space<hbm>> -> memref<10000x128xf32, #tpu.memory_space<hbm>>
      tpu.enqueue_indirect_dma source(%dma_start3A_127 : memref<10000x128xf32, #tpu.memory_space<hbm>>) target(%arg8 : memref<125x128xf32, #tpu.memory_space<vmem>>) offsets(%dma_start3A_124 : memref<125xi32, #tpu.memory_space<vmem>>) semaphore(%arg11 : memref<!tpu.dma_semaphore, #tpu.memory_space<semaphore_mem>>)
      %dma_wait3A_128 = arith.constant 5 : i32
      %dma_wait3A_129 = arith.constant 0 : i32
      %dma_wait3A_130 = tpu.memref_slice %arg6[%dma_wait3A_128, %dma_wait3A_129] : memref<40x125xi32, #tpu.memory_space<vmem>> -> memref<1x125xi32, #tpu.memory_space<vmem>>
      %dma_wait3A_131 = tpu.memref_squeeze %dma_wait3A_130 : memref<1x125xi32, #tpu.memory_space<vmem>> -> memref<125xi32, #tpu.memory_space<vmem>>
      %dma_wait3A_132 = arith.constant 0 : i32
      %dma_wait3A_133 = arith.constant 0 : i32
      %dma_wait3A_134 = tpu.memref_slice %arg2[%dma_wait3A_132, %dma_wait3A_133] : memref<10000x128xf32, #tpu.memory_space<hbm>> -> memref<10000x128xf32, #tpu.memory_space<hbm>>
      tpu.wait_indirect_dma semaphore(%arg12 : memref<!tpu.dma_semaphore, #tpu.memory_space<semaphore_mem>>) src(%dma_wait3A_134 : memref<10000x128xf32, #tpu.memory_space<hbm>>) dst(%arg9 : memref<125x128xf32, #tpu.memory_space<vmem>>)
      %run_scoped3A_135 = arith.constant 5 : i32
      "tpu.region"() ({
        %run_scoped3A_639 = tpu.sem_alloc : memref<!tpu.dma_semaphore, #tpu.memory_space<semaphore_mem>>
        %dma_start3A_640 = arith.constant 0 : i32
        %dma_start3A_641 = tpu.memref_slice %arg7[%run_scoped3A_135, %dma_start3A_640] : memref<40x125xi32, #tpu.memory_space<vmem>> -> memref<1x125xi32, #tpu.memory_space<vmem>>
        %dma_start3A_642 = tpu.memref_squeeze %dma_start3A_641 : memref<1x125xi32, #tpu.memory_space<vmem>> -> memref<125xi32, #tpu.memory_space<vmem>>
        %dma_start3A_643 = arith.constant 0 : i32
        %dma_start3A_644 = arith.constant 0 : i32
        %dma_start3A_645 = tpu.memref_slice %arg10[%dma_start3A_643, %dma_start3A_644] : memref<10000x128xf32, #tpu.memory_space<vmem_shared>> -> memref<10000x128xf32, #tpu.memory_space<vmem_shared>>
        tpu.enqueue_indirect_dma source(%arg9 : memref<125x128xf32, #tpu.memory_space<vmem>>) target(%dma_start3A_645 : memref<10000x128xf32, #tpu.memory_space<vmem_shared>>) offsets(%dma_start3A_642 : memref<125xi32, #tpu.memory_space<vmem>>) semaphore(%run_scoped3A_639 : memref<!tpu.dma_semaphore, #tpu.memory_space<semaphore_mem>>) {add = true}
        %dma_wait3A_646 = arith.constant 0 : i32
        %dma_wait3A_647 = tpu.memref_slice %arg7[%run_scoped3A_135, %dma_wait3A_646] : memref<40x125xi32, #tpu.memory_space<vmem>> -> memref<1x125xi32, #tpu.memory_space<vmem>>
        %dma_wait3A_648 = tpu.memref_squeeze %dma_wait3A_647 : memref<1x125xi32, #tpu.memory_space<vmem>> -> memref<125xi32, #tpu.memory_space<vmem>>
        %dma_wait3A_649 = arith.constant 0 : i32
        %dma_wait3A_650 = arith.constant 0 : i32
        %dma_wait3A_651 = tpu.memref_slice %arg10[%dma_wait3A_649, %dma_wait3A_650] : memref<10000x128xf32, #tpu.memory_space<vmem_shared>> -> memref<10000x128xf32, #tpu.memory_space<vmem_shared>>
        tpu.wait_indirect_dma semaphore(%run_scoped3A_639 : memref<!tpu.dma_semaphore, #tpu.memory_space<semaphore_mem>>) src(%arg9 : memref<125x128xf32, #tpu.memory_space<vmem>>) dst(%dma_wait3A_651 : memref<10000x128xf32, #tpu.memory_space<vmem_shared>>)
        tpu.yield
      }) : () -> ()
      %dma_start3A_136 = arith.constant 7 : i32
      %dma_start3A_137 = arith.constant 0 : i32
      %dma_start3A_138 = tpu.memref_slice %arg6[%dma_start3A_136, %dma_start3A_137] : memref<40x125xi32, #tpu.memory_space<vmem>> -> memref<1x125xi32, #tpu.memory_space<vmem>>
      %dma_start3A_139 = tpu.memref_squeeze %dma_start3A_138 : memref<1x125xi32, #tpu.memory_space<vmem>> -> memref<125xi32, #tpu.memory_space<vmem>>
      %dma_start3A_140 = arith.constant 0 : i32
      %dma_start3A_141 = arith.constant 0 : i32
      %dma_start3A_142 = tpu.memref_slice %arg2[%dma_start3A_140, %dma_start3A_141] : memref<10000x128xf32, #tpu.memory_space<hbm>> -> memref<10000x128xf32, #tpu.memory_space<hbm>>
      tpu.enqueue_indirect_dma source(%dma_start3A_142 : memref<10000x128xf32, #tpu.memory_space<hbm>>) target(%arg9 : memref<125x128xf32, #tpu.memory_space<vmem>>) offsets(%dma_start3A_139 : memref<125xi32, #tpu.memory_space<vmem>>) semaphore(%arg12 : memref<!tpu.dma_semaphore, #tpu.memory_space<semaphore_mem>>)
      %dma_wait3A_143 = arith.constant 6 : i32
      %dma_wait3A_144 = arith.constant 0 : i32
      %dma_wait3A_145 = tpu.memref_slice %arg6[%dma_wait3A_143, %dma_wait3A_144] : memref<40x125xi32, #tpu.memory_space<vmem>> -> memref<1x125xi32, #tpu.memory_space<vmem>>
      %dma_wait3A_146 = tpu.memref_squeeze %dma_wait3A_145 : memref<1x125xi32, #tpu.memory_space<vmem>> -> memref<125xi32, #tpu.memory_space<vmem>>
      %dma_wait3A_147 = arith.constant 0 : i32
      %dma_wait3A_148 = arith.constant 0 : i32
      %dma_wait3A_149 = tpu.memref_slice %arg2[%dma_wait3A_147, %dma_wait3A_148] : memref<10000x128xf32, #tpu.memory_space<hbm>> -> memref<10000x128xf32, #tpu.memory_space<hbm>>
      tpu.wait_indirect_dma semaphore(%arg11 : memref<!tpu.dma_semaphore, #tpu.memory_space<semaphore_mem>>) src(%dma_wait3A_149 : memref<10000x128xf32, #tpu.memory_space<hbm>>) dst(%arg8 : memref<125x128xf32, #tpu.memory_space<vmem>>)
      %run_scoped3A_150 = arith.constant 6 : i32
      "tpu.region"() ({
        %run_scoped3A_639 = tpu.sem_alloc : memref<!tpu.dma_semaphore, #tpu.memory_space<semaphore_mem>>
        %dma_start3A_640 = arith.constant 0 : i32
        %dma_start3A_641 = tpu.memref_slice %arg7[%run_scoped3A_150, %dma_start3A_640] : memref<40x125xi32, #tpu.memory_space<vmem>> -> memref<1x125xi32, #tpu.memory_space<vmem>>
        %dma_start3A_642 = tpu.memref_squeeze %dma_start3A_641 : memref<1x125xi32, #tpu.memory_space<vmem>> -> memref<125xi32, #tpu.memory_space<vmem>>
        %dma_start3A_643 = arith.constant 0 : i32
        %dma_start3A_644 = arith.constant 0 : i32
        %dma_start3A_645 = tpu.memref_slice %arg10[%dma_start3A_643, %dma_start3A_644] : memref<10000x128xf32, #tpu.memory_space<vmem_shared>> -> memref<10000x128xf32, #tpu.memory_space<vmem_shared>>
        tpu.enqueue_indirect_dma source(%arg8 : memref<125x128xf32, #tpu.memory_space<vmem>>) target(%dma_start3A_645 : memref<10000x128xf32, #tpu.memory_space<vmem_shared>>) offsets(%dma_start3A_642 : memref<125xi32, #tpu.memory_space<vmem>>) semaphore(%run_scoped3A_639 : memref<!tpu.dma_semaphore, #tpu.memory_space<semaphore_mem>>) {add = true}
        %dma_wait3A_646 = arith.constant 0 : i32
        %dma_wait3A_647 = tpu.memref_slice %arg7[%run_scoped3A_150, %dma_wait3A_646] : memref<40x125xi32, #tpu.memory_space<vmem>> -> memref<1x125xi32, #tpu.memory_space<vmem>>
        %dma_wait3A_648 = tpu.memref_squeeze %dma_wait3A_647 : memref<1x125xi32, #tpu.memory_space<vmem>> -> memref<125xi32, #tpu.memory_space<vmem>>
        %dma_wait3A_649 = arith.constant 0 : i32
        %dma_wait3A_650 = arith.constant 0 : i32
        %dma_wait3A_651 = tpu.memref_slice %arg10[%dma_wait3A_649, %dma_wait3A_650] : memref<10000x128xf32, #tpu.memory_space<vmem_shared>> -> memref<10000x128xf32, #tpu.memory_space<vmem_shared>>
        tpu.wait_indirect_dma semaphore(%run_scoped3A_639 : memref<!tpu.dma_semaphore, #tpu.memory_space<semaphore_mem>>) src(%arg8 : memref<125x128xf32, #tpu.memory_space<vmem>>) dst(%dma_wait3A_651 : memref<10000x128xf32, #tpu.memory_space<vmem_shared>>)
        tpu.yield
      }) : () -> ()
      %dma_start3A_151 = arith.constant 8 : i32
      %dma_start3A_152 = arith.constant 0 : i32
      %dma_start3A_153 = tpu.memref_slice %arg6[%dma_start3A_151, %dma_start3A_152] : memref<40x125xi32, #tpu.memory_space<vmem>> -> memref<1x125xi32, #tpu.memory_space<vmem>>
      %dma_start3A_154 = tpu.memref_squeeze %dma_start3A_153 : memref<1x125xi32, #tpu.memory_space<vmem>> -> memref<125xi32, #tpu.memory_space<vmem>>
      %dma_start3A_155 = arith.constant 0 : i32
      %dma_start3A_156 = arith.constant 0 : i32
      %dma_start3A_157 = tpu.memref_slice %arg2[%dma_start3A_155, %dma_start3A_156] : memref<10000x128xf32, #tpu.memory_space<hbm>> -> memref<10000x128xf32, #tpu.memory_space<hbm>>
      tpu.enqueue_indirect_dma source(%dma_start3A_157 : memref<10000x128xf32, #tpu.memory_space<hbm>>) target(%arg8 : memref<125x128xf32, #tpu.memory_space<vmem>>) offsets(%dma_start3A_154 : memref<125xi32, #tpu.memory_space<vmem>>) semaphore(%arg11 : memref<!tpu.dma_semaphore, #tpu.memory_space<semaphore_mem>>)
      %dma_wait3A_158 = arith.constant 7 : i32
      %dma_wait3A_159 = arith.constant 0 : i32
      %dma_wait3A_160 = tpu.memref_slice %arg6[%dma_wait3A_158, %dma_wait3A_159] : memref<40x125xi32, #tpu.memory_space<vmem>> -> memref<1x125xi32, #tpu.memory_space<vmem>>
      %dma_wait3A_161 = tpu.memref_squeeze %dma_wait3A_160 : memref<1x125xi32, #tpu.memory_space<vmem>> -> memref<125xi32, #tpu.memory_space<vmem>>
      %dma_wait3A_162 = arith.constant 0 : i32
      %dma_wait3A_163 = arith.constant 0 : i32
      %dma_wait3A_164 = tpu.memref_slice %arg2[%dma_wait3A_162, %dma_wait3A_163] : memref<10000x128xf32, #tpu.memory_space<hbm>> -> memref<10000x128xf32, #tpu.memory_space<hbm>>
      tpu.wait_indirect_dma semaphore(%arg12 : memref<!tpu.dma_semaphore, #tpu.memory_space<semaphore_mem>>) src(%dma_wait3A_164 : memref<10000x128xf32, #tpu.memory_space<hbm>>) dst(%arg9 : memref<125x128xf32, #tpu.memory_space<vmem>>)
      %run_scoped3A_165 = arith.constant 7 : i32
      "tpu.region"() ({
        %run_scoped3A_639 = tpu.sem_alloc : memref<!tpu.dma_semaphore, #tpu.memory_space<semaphore_mem>>
        %dma_start3A_640 = arith.constant 0 : i32
        %dma_start3A_641 = tpu.memref_slice %arg7[%run_scoped3A_165, %dma_start3A_640] : memref<40x125xi32, #tpu.memory_space<vmem>> -> memref<1x125xi32, #tpu.memory_space<vmem>>
        %dma_start3A_642 = tpu.memref_squeeze %dma_start3A_641 : memref<1x125xi32, #tpu.memory_space<vmem>> -> memref<125xi32, #tpu.memory_space<vmem>>
        %dma_start3A_643 = arith.constant 0 : i32
        %dma_start3A_644 = arith.constant 0 : i32
        %dma_start3A_645 = tpu.memref_slice %arg10[%dma_start3A_643, %dma_start3A_644] : memref<10000x128xf32, #tpu.memory_space<vmem_shared>> -> memref<10000x128xf32, #tpu.memory_space<vmem_shared>>
        tpu.enqueue_indirect_dma source(%arg9 : memref<125x128xf32, #tpu.memory_space<vmem>>) target(%dma_start3A_645 : memref<10000x128xf32, #tpu.memory_space<vmem_shared>>) offsets(%dma_start3A_642 : memref<125xi32, #tpu.memory_space<vmem>>) semaphore(%run_scoped3A_639 : memref<!tpu.dma_semaphore, #tpu.memory_space<semaphore_mem>>) {add = true}
        %dma_wait3A_646 = arith.constant 0 : i32
        %dma_wait3A_647 = tpu.memref_slice %arg7[%run_scoped3A_165, %dma_wait3A_646] : memref<40x125xi32, #tpu.memory_space<vmem>> -> memref<1x125xi32, #tpu.memory_space<vmem>>
        %dma_wait3A_648 = tpu.memref_squeeze %dma_wait3A_647 : memref<1x125xi32, #tpu.memory_space<vmem>> -> memref<125xi32, #tpu.memory_space<vmem>>
        %dma_wait3A_649 = arith.constant 0 : i32
        %dma_wait3A_650 = arith.constant 0 : i32
        %dma_wait3A_651 = tpu.memref_slice %arg10[%dma_wait3A_649, %dma_wait3A_650] : memref<10000x128xf32, #tpu.memory_space<vmem_shared>> -> memref<10000x128xf32, #tpu.memory_space<vmem_shared>>
        tpu.wait_indirect_dma semaphore(%run_scoped3A_639 : memref<!tpu.dma_semaphore, #tpu.memory_space<semaphore_mem>>) src(%arg9 : memref<125x128xf32, #tpu.memory_space<vmem>>) dst(%dma_wait3A_651 : memref<10000x128xf32, #tpu.memory_space<vmem_shared>>)
        tpu.yield
      }) : () -> ()
      %dma_start3A_166 = arith.constant 9 : i32
      %dma_start3A_167 = arith.constant 0 : i32
      %dma_start3A_168 = tpu.memref_slice %arg6[%dma_start3A_166, %dma_start3A_167] : memref<40x125xi32, #tpu.memory_space<vmem>> -> memref<1x125xi32, #tpu.memory_space<vmem>>
      %dma_start3A_169 = tpu.memref_squeeze %dma_start3A_168 : memref<1x125xi32, #tpu.memory_space<vmem>> -> memref<125xi32, #tpu.memory_space<vmem>>
      %dma_start3A_170 = arith.constant 0 : i32
      %dma_start3A_171 = arith.constant 0 : i32
      %dma_start3A_172 = tpu.memref_slice %arg2[%dma_start3A_170, %dma_start3A_171] : memref<10000x128xf32, #tpu.memory_space<hbm>> -> memref<10000x128xf32, #tpu.memory_space<hbm>>
      tpu.enqueue_indirect_dma source(%dma_start3A_172 : memref<10000x128xf32, #tpu.memory_space<hbm>>) target(%arg9 : memref<125x128xf32, #tpu.memory_space<vmem>>) offsets(%dma_start3A_169 : memref<125xi32, #tpu.memory_space<vmem>>) semaphore(%arg12 : memref<!tpu.dma_semaphore, #tpu.memory_space<semaphore_mem>>)
      %dma_wait3A_173 = arith.constant 8 : i32
      %dma_wait3A_174 = arith.constant 0 : i32
      %dma_wait3A_175 = tpu.memref_slice %arg6[%dma_wait3A_173, %dma_wait3A_174] : memref<40x125xi32, #tpu.memory_space<vmem>> -> memref<1x125xi32, #tpu.memory_space<vmem>>
      %dma_wait3A_176 = tpu.memref_squeeze %dma_wait3A_175 : memref<1x125xi32, #tpu.memory_space<vmem>> -> memref<125xi32, #tpu.memory_space<vmem>>
      %dma_wait3A_177 = arith.constant 0 : i32
      %dma_wait3A_178 = arith.constant 0 : i32
      %dma_wait3A_179 = tpu.memref_slice %arg2[%dma_wait3A_177, %dma_wait3A_178] : memref<10000x128xf32, #tpu.memory_space<hbm>> -> memref<10000x128xf32, #tpu.memory_space<hbm>>
      tpu.wait_indirect_dma semaphore(%arg11 : memref<!tpu.dma_semaphore, #tpu.memory_space<semaphore_mem>>) src(%dma_wait3A_179 : memref<10000x128xf32, #tpu.memory_space<hbm>>) dst(%arg8 : memref<125x128xf32, #tpu.memory_space<vmem>>)
      %run_scoped3A_180 = arith.constant 8 : i32
      "tpu.region"() ({
        %run_scoped3A_639 = tpu.sem_alloc : memref<!tpu.dma_semaphore, #tpu.memory_space<semaphore_mem>>
        %dma_start3A_640 = arith.constant 0 : i32
        %dma_start3A_641 = tpu.memref_slice %arg7[%run_scoped3A_180, %dma_start3A_640] : memref<40x125xi32, #tpu.memory_space<vmem>> -> memref<1x125xi32, #tpu.memory_space<vmem>>
        %dma_start3A_642 = tpu.memref_squeeze %dma_start3A_641 : memref<1x125xi32, #tpu.memory_space<vmem>> -> memref<125xi32, #tpu.memory_space<vmem>>
        %dma_start3A_643 = arith.constant 0 : i32
        %dma_start3A_644 = arith.constant 0 : i32
        %dma_start3A_645 = tpu.memref_slice %arg10[%dma_start3A_643, %dma_start3A_644] : memref<10000x128xf32, #tpu.memory_space<vmem_shared>> -> memref<10000x128xf32, #tpu.memory_space<vmem_shared>>
        tpu.enqueue_indirect_dma source(%arg8 : memref<125x128xf32, #tpu.memory_space<vmem>>) target(%dma_start3A_645 : memref<10000x128xf32, #tpu.memory_space<vmem_shared>>) offsets(%dma_start3A_642 : memref<125xi32, #tpu.memory_space<vmem>>) semaphore(%run_scoped3A_639 : memref<!tpu.dma_semaphore, #tpu.memory_space<semaphore_mem>>) {add = true}
        %dma_wait3A_646 = arith.constant 0 : i32
        %dma_wait3A_647 = tpu.memref_slice %arg7[%run_scoped3A_180, %dma_wait3A_646] : memref<40x125xi32, #tpu.memory_space<vmem>> -> memref<1x125xi32, #tpu.memory_space<vmem>>
        %dma_wait3A_648 = tpu.memref_squeeze %dma_wait3A_647 : memref<1x125xi32, #tpu.memory_space<vmem>> -> memref<125xi32, #tpu.memory_space<vmem>>
        %dma_wait3A_649 = arith.constant 0 : i32
        %dma_wait3A_650 = arith.constant 0 : i32
        %dma_wait3A_651 = tpu.memref_slice %arg10[%dma_wait3A_649, %dma_wait3A_650] : memref<10000x128xf32, #tpu.memory_space<vmem_shared>> -> memref<10000x128xf32, #tpu.memory_space<vmem_shared>>
        tpu.wait_indirect_dma semaphore(%run_scoped3A_639 : memref<!tpu.dma_semaphore, #tpu.memory_space<semaphore_mem>>) src(%arg8 : memref<125x128xf32, #tpu.memory_space<vmem>>) dst(%dma_wait3A_651 : memref<10000x128xf32, #tpu.memory_space<vmem_shared>>)
        tpu.yield
      }) : () -> ()
      %dma_start3A_181 = arith.constant 10 : i32
      %dma_start3A_182 = arith.constant 0 : i32
      %dma_start3A_183 = tpu.memref_slice %arg6[%dma_start3A_181, %dma_start3A_182] : memref<40x125xi32, #tpu.memory_space<vmem>> -> memref<1x125xi32, #tpu.memory_space<vmem>>
      %dma_start3A_184 = tpu.memref_squeeze %dma_start3A_183 : memref<1x125xi32, #tpu.memory_space<vmem>> -> memref<125xi32, #tpu.memory_space<vmem>>
      %dma_start3A_185 = arith.constant 0 : i32
      %dma_start3A_186 = arith.constant 0 : i32
      %dma_start3A_187 = tpu.memref_slice %arg2[%dma_start3A_185, %dma_start3A_186] : memref<10000x128xf32, #tpu.memory_space<hbm>> -> memref<10000x128xf32, #tpu.memory_space<hbm>>
      tpu.enqueue_indirect_dma source(%dma_start3A_187 : memref<10000x128xf32, #tpu.memory_space<hbm>>) target(%arg8 : memref<125x128xf32, #tpu.memory_space<vmem>>) offsets(%dma_start3A_184 : memref<125xi32, #tpu.memory_space<vmem>>) semaphore(%arg11 : memref<!tpu.dma_semaphore, #tpu.memory_space<semaphore_mem>>)
      %dma_wait3A_188 = arith.constant 9 : i32
      %dma_wait3A_189 = arith.constant 0 : i32
      %dma_wait3A_190 = tpu.memref_slice %arg6[%dma_wait3A_188, %dma_wait3A_189] : memref<40x125xi32, #tpu.memory_space<vmem>> -> memref<1x125xi32, #tpu.memory_space<vmem>>
      %dma_wait3A_191 = tpu.memref_squeeze %dma_wait3A_190 : memref<1x125xi32, #tpu.memory_space<vmem>> -> memref<125xi32, #tpu.memory_space<vmem>>
      %dma_wait3A_192 = arith.constant 0 : i32
      %dma_wait3A_193 = arith.constant 0 : i32
      %dma_wait3A_194 = tpu.memref_slice %arg2[%dma_wait3A_192, %dma_wait3A_193] : memref<10000x128xf32, #tpu.memory_space<hbm>> -> memref<10000x128xf32, #tpu.memory_space<hbm>>
      tpu.wait_indirect_dma semaphore(%arg12 : memref<!tpu.dma_semaphore, #tpu.memory_space<semaphore_mem>>) src(%dma_wait3A_194 : memref<10000x128xf32, #tpu.memory_space<hbm>>) dst(%arg9 : memref<125x128xf32, #tpu.memory_space<vmem>>)
      %run_scoped3A_195 = arith.constant 9 : i32
      "tpu.region"() ({
        %run_scoped3A_639 = tpu.sem_alloc : memref<!tpu.dma_semaphore, #tpu.memory_space<semaphore_mem>>
        %dma_start3A_640 = arith.constant 0 : i32
        %dma_start3A_641 = tpu.memref_slice %arg7[%run_scoped3A_195, %dma_start3A_640] : memref<40x125xi32, #tpu.memory_space<vmem>> -> memref<1x125xi32, #tpu.memory_space<vmem>>
        %dma_start3A_642 = tpu.memref_squeeze %dma_start3A_641 : memref<1x125xi32, #tpu.memory_space<vmem>> -> memref<125xi32, #tpu.memory_space<vmem>>
        %dma_start3A_643 = arith.constant 0 : i32
        %dma_start3A_644 = arith.constant 0 : i32
        %dma_start3A_645 = tpu.memref_slice %arg10[%dma_start3A_643, %dma_start3A_644] : memref<10000x128xf32, #tpu.memory_space<vmem_shared>> -> memref<10000x128xf32, #tpu.memory_space<vmem_shared>>
        tpu.enqueue_indirect_dma source(%arg9 : memref<125x128xf32, #tpu.memory_space<vmem>>) target(%dma_start3A_645 : memref<10000x128xf32, #tpu.memory_space<vmem_shared>>) offsets(%dma_start3A_642 : memref<125xi32, #tpu.memory_space<vmem>>) semaphore(%run_scoped3A_639 : memref<!tpu.dma_semaphore, #tpu.memory_space<semaphore_mem>>) {add = true}
        %dma_wait3A_646 = arith.constant 0 : i32
        %dma_wait3A_647 = tpu.memref_slice %arg7[%run_scoped3A_195, %dma_wait3A_646] : memref<40x125xi32, #tpu.memory_space<vmem>> -> memref<1x125xi32, #tpu.memory_space<vmem>>
        %dma_wait3A_648 = tpu.memref_squeeze %dma_wait3A_647 : memref<1x125xi32, #tpu.memory_space<vmem>> -> memref<125xi32, #tpu.memory_space<vmem>>
        %dma_wait3A_649 = arith.constant 0 : i32
        %dma_wait3A_650 = arith.constant 0 : i32
        %dma_wait3A_651 = tpu.memref_slice %arg10[%dma_wait3A_649, %dma_wait3A_650] : memref<10000x128xf32, #tpu.memory_space<vmem_shared>> -> memref<10000x128xf32, #tpu.memory_space<vmem_shared>>
        tpu.wait_indirect_dma semaphore(%run_scoped3A_639 : memref<!tpu.dma_semaphore, #tpu.memory_space<semaphore_mem>>) src(%arg9 : memref<125x128xf32, #tpu.memory_space<vmem>>) dst(%dma_wait3A_651 : memref<10000x128xf32, #tpu.memory_space<vmem_shared>>)
        tpu.yield
      }) : () -> ()
      %dma_start3A_196 = arith.constant 11 : i32
      %dma_start3A_197 = arith.constant 0 : i32
      %dma_start3A_198 = tpu.memref_slice %arg6[%dma_start3A_196, %dma_start3A_197] : memref<40x125xi32, #tpu.memory_space<vmem>> -> memref<1x125xi32, #tpu.memory_space<vmem>>
      %dma_start3A_199 = tpu.memref_squeeze %dma_start3A_198 : memref<1x125xi32, #tpu.memory_space<vmem>> -> memref<125xi32, #tpu.memory_space<vmem>>
      %dma_start3A_200 = arith.constant 0 : i32
      %dma_start3A_201 = arith.constant 0 : i32
      %dma_start3A_202 = tpu.memref_slice %arg2[%dma_start3A_200, %dma_start3A_201] : memref<10000x128xf32, #tpu.memory_space<hbm>> -> memref<10000x128xf32, #tpu.memory_space<hbm>>
      tpu.enqueue_indirect_dma source(%dma_start3A_202 : memref<10000x128xf32, #tpu.memory_space<hbm>>) target(%arg9 : memref<125x128xf32, #tpu.memory_space<vmem>>) offsets(%dma_start3A_199 : memref<125xi32, #tpu.memory_space<vmem>>) semaphore(%arg12 : memref<!tpu.dma_semaphore, #tpu.memory_space<semaphore_mem>>)
      %dma_wait3A_203 = arith.constant 10 : i32
      %dma_wait3A_204 = arith.constant 0 : i32
      %dma_wait3A_205 = tpu.memref_slice %arg6[%dma_wait3A_203, %dma_wait3A_204] : memref<40x125xi32, #tpu.memory_space<vmem>> -> memref<1x125xi32, #tpu.memory_space<vmem>>
      %dma_wait3A_206 = tpu.memref_squeeze %dma_wait3A_205 : memref<1x125xi32, #tpu.memory_space<vmem>> -> memref<125xi32, #tpu.memory_space<vmem>>
      %dma_wait3A_207 = arith.constant 0 : i32
      %dma_wait3A_208 = arith.constant 0 : i32
      %dma_wait3A_209 = tpu.memref_slice %arg2[%dma_wait3A_207, %dma_wait3A_208] : memref<10000x128xf32, #tpu.memory_space<hbm>> -> memref<10000x128xf32, #tpu.memory_space<hbm>>
      tpu.wait_indirect_dma semaphore(%arg11 : memref<!tpu.dma_semaphore, #tpu.memory_space<semaphore_mem>>) src(%dma_wait3A_209 : memref<10000x128xf32, #tpu.memory_space<hbm>>) dst(%arg8 : memref<125x128xf32, #tpu.memory_space<vmem>>)
      %run_scoped3A_210 = arith.constant 10 : i32
      "tpu.region"() ({
        %run_scoped3A_639 = tpu.sem_alloc : memref<!tpu.dma_semaphore, #tpu.memory_space<semaphore_mem>>
        %dma_start3A_640 = arith.constant 0 : i32
        %dma_start3A_641 = tpu.memref_slice %arg7[%run_scoped3A_210, %dma_start3A_640] : memref<40x125xi32, #tpu.memory_space<vmem>> -> memref<1x125xi32, #tpu.memory_space<vmem>>
        %dma_start3A_642 = tpu.memref_squeeze %dma_start3A_641 : memref<1x125xi32, #tpu.memory_space<vmem>> -> memref<125xi32, #tpu.memory_space<vmem>>
        %dma_start3A_643 = arith.constant 0 : i32
        %dma_start3A_644 = arith.constant 0 : i32
        %dma_start3A_645 = tpu.memref_slice %arg10[%dma_start3A_643, %dma_start3A_644] : memref<10000x128xf32, #tpu.memory_space<vmem_shared>> -> memref<10000x128xf32, #tpu.memory_space<vmem_shared>>
        tpu.enqueue_indirect_dma source(%arg8 : memref<125x128xf32, #tpu.memory_space<vmem>>) target(%dma_start3A_645 : memref<10000x128xf32, #tpu.memory_space<vmem_shared>>) offsets(%dma_start3A_642 : memref<125xi32, #tpu.memory_space<vmem>>) semaphore(%run_scoped3A_639 : memref<!tpu.dma_semaphore, #tpu.memory_space<semaphore_mem>>) {add = true}
        %dma_wait3A_646 = arith.constant 0 : i32
        %dma_wait3A_647 = tpu.memref_slice %arg7[%run_scoped3A_210, %dma_wait3A_646] : memref<40x125xi32, #tpu.memory_space<vmem>> -> memref<1x125xi32, #tpu.memory_space<vmem>>
        %dma_wait3A_648 = tpu.memref_squeeze %dma_wait3A_647 : memref<1x125xi32, #tpu.memory_space<vmem>> -> memref<125xi32, #tpu.memory_space<vmem>>
        %dma_wait3A_649 = arith.constant 0 : i32
        %dma_wait3A_650 = arith.constant 0 : i32
        %dma_wait3A_651 = tpu.memref_slice %arg10[%dma_wait3A_649, %dma_wait3A_650] : memref<10000x128xf32, #tpu.memory_space<vmem_shared>> -> memref<10000x128xf32, #tpu.memory_space<vmem_shared>>
        tpu.wait_indirect_dma semaphore(%run_scoped3A_639 : memref<!tpu.dma_semaphore, #tpu.memory_space<semaphore_mem>>) src(%arg8 : memref<125x128xf32, #tpu.memory_space<vmem>>) dst(%dma_wait3A_651 : memref<10000x128xf32, #tpu.memory_space<vmem_shared>>)
        tpu.yield
      }) : () -> ()
      %dma_start3A_211 = arith.constant 12 : i32
      %dma_start3A_212 = arith.constant 0 : i32
      %dma_start3A_213 = tpu.memref_slice %arg6[%dma_start3A_211, %dma_start3A_212] : memref<40x125xi32, #tpu.memory_space<vmem>> -> memref<1x125xi32, #tpu.memory_space<vmem>>
      %dma_start3A_214 = tpu.memref_squeeze %dma_start3A_213 : memref<1x125xi32, #tpu.memory_space<vmem>> -> memref<125xi32, #tpu.memory_space<vmem>>
      %dma_start3A_215 = arith.constant 0 : i32
      %dma_start3A_216 = arith.constant 0 : i32
      %dma_start3A_217 = tpu.memref_slice %arg2[%dma_start3A_215, %dma_start3A_216] : memref<10000x128xf32, #tpu.memory_space<hbm>> -> memref<10000x128xf32, #tpu.memory_space<hbm>>
      tpu.enqueue_indirect_dma source(%dma_start3A_217 : memref<10000x128xf32, #tpu.memory_space<hbm>>) target(%arg8 : memref<125x128xf32, #tpu.memory_space<vmem>>) offsets(%dma_start3A_214 : memref<125xi32, #tpu.memory_space<vmem>>) semaphore(%arg11 : memref<!tpu.dma_semaphore, #tpu.memory_space<semaphore_mem>>)
      %dma_wait3A_218 = arith.constant 11 : i32
      %dma_wait3A_219 = arith.constant 0 : i32
      %dma_wait3A_220 = tpu.memref_slice %arg6[%dma_wait3A_218, %dma_wait3A_219] : memref<40x125xi32, #tpu.memory_space<vmem>> -> memref<1x125xi32, #tpu.memory_space<vmem>>
      %dma_wait3A_221 = tpu.memref_squeeze %dma_wait3A_220 : memref<1x125xi32, #tpu.memory_space<vmem>> -> memref<125xi32, #tpu.memory_space<vmem>>
      %dma_wait3A_222 = arith.constant 0 : i32
      %dma_wait3A_223 = arith.constant 0 : i32
      %dma_wait3A_224 = tpu.memref_slice %arg2[%dma_wait3A_222, %dma_wait3A_223] : memref<10000x128xf32, #tpu.memory_space<hbm>> -> memref<10000x128xf32, #tpu.memory_space<hbm>>
      tpu.wait_indirect_dma semaphore(%arg12 : memref<!tpu.dma_semaphore, #tpu.memory_space<semaphore_mem>>) src(%dma_wait3A_224 : memref<10000x128xf32, #tpu.memory_space<hbm>>) dst(%arg9 : memref<125x128xf32, #tpu.memory_space<vmem>>)
      %run_scoped3A_225 = arith.constant 11 : i32
      "tpu.region"() ({
        %run_scoped3A_639 = tpu.sem_alloc : memref<!tpu.dma_semaphore, #tpu.memory_space<semaphore_mem>>
        %dma_start3A_640 = arith.constant 0 : i32
        %dma_start3A_641 = tpu.memref_slice %arg7[%run_scoped3A_225, %dma_start3A_640] : memref<40x125xi32, #tpu.memory_space<vmem>> -> memref<1x125xi32, #tpu.memory_space<vmem>>
        %dma_start3A_642 = tpu.memref_squeeze %dma_start3A_641 : memref<1x125xi32, #tpu.memory_space<vmem>> -> memref<125xi32, #tpu.memory_space<vmem>>
        %dma_start3A_643 = arith.constant 0 : i32
        %dma_start3A_644 = arith.constant 0 : i32
        %dma_start3A_645 = tpu.memref_slice %arg10[%dma_start3A_643, %dma_start3A_644] : memref<10000x128xf32, #tpu.memory_space<vmem_shared>> -> memref<10000x128xf32, #tpu.memory_space<vmem_shared>>
        tpu.enqueue_indirect_dma source(%arg9 : memref<125x128xf32, #tpu.memory_space<vmem>>) target(%dma_start3A_645 : memref<10000x128xf32, #tpu.memory_space<vmem_shared>>) offsets(%dma_start3A_642 : memref<125xi32, #tpu.memory_space<vmem>>) semaphore(%run_scoped3A_639 : memref<!tpu.dma_semaphore, #tpu.memory_space<semaphore_mem>>) {add = true}
        %dma_wait3A_646 = arith.constant 0 : i32
        %dma_wait3A_647 = tpu.memref_slice %arg7[%run_scoped3A_225, %dma_wait3A_646] : memref<40x125xi32, #tpu.memory_space<vmem>> -> memref<1x125xi32, #tpu.memory_space<vmem>>
        %dma_wait3A_648 = tpu.memref_squeeze %dma_wait3A_647 : memref<1x125xi32, #tpu.memory_space<vmem>> -> memref<125xi32, #tpu.memory_space<vmem>>
        %dma_wait3A_649 = arith.constant 0 : i32
        %dma_wait3A_650 = arith.constant 0 : i32
        %dma_wait3A_651 = tpu.memref_slice %arg10[%dma_wait3A_649, %dma_wait3A_650] : memref<10000x128xf32, #tpu.memory_space<vmem_shared>> -> memref<10000x128xf32, #tpu.memory_space<vmem_shared>>
        tpu.wait_indirect_dma semaphore(%run_scoped3A_639 : memref<!tpu.dma_semaphore, #tpu.memory_space<semaphore_mem>>) src(%arg9 : memref<125x128xf32, #tpu.memory_space<vmem>>) dst(%dma_wait3A_651 : memref<10000x128xf32, #tpu.memory_space<vmem_shared>>)
        tpu.yield
      }) : () -> ()
      %dma_start3A_226 = arith.constant 13 : i32
      %dma_start3A_227 = arith.constant 0 : i32
      %dma_start3A_228 = tpu.memref_slice %arg6[%dma_start3A_226, %dma_start3A_227] : memref<40x125xi32, #tpu.memory_space<vmem>> -> memref<1x125xi32, #tpu.memory_space<vmem>>
      %dma_start3A_229 = tpu.memref_squeeze %dma_start3A_228 : memref<1x125xi32, #tpu.memory_space<vmem>> -> memref<125xi32, #tpu.memory_space<vmem>>
      %dma_start3A_230 = arith.constant 0 : i32
      %dma_start3A_231 = arith.constant 0 : i32
      %dma_start3A_232 = tpu.memref_slice %arg2[%dma_start3A_230, %dma_start3A_231] : memref<10000x128xf32, #tpu.memory_space<hbm>> -> memref<10000x128xf32, #tpu.memory_space<hbm>>
      tpu.enqueue_indirect_dma source(%dma_start3A_232 : memref<10000x128xf32, #tpu.memory_space<hbm>>) target(%arg9 : memref<125x128xf32, #tpu.memory_space<vmem>>) offsets(%dma_start3A_229 : memref<125xi32, #tpu.memory_space<vmem>>) semaphore(%arg12 : memref<!tpu.dma_semaphore, #tpu.memory_space<semaphore_mem>>)
      %dma_wait3A_233 = arith.constant 12 : i32
      %dma_wait3A_234 = arith.constant 0 : i32
      %dma_wait3A_235 = tpu.memref_slice %arg6[%dma_wait3A_233, %dma_wait3A_234] : memref<40x125xi32, #tpu.memory_space<vmem>> -> memref<1x125xi32, #tpu.memory_space<vmem>>
      %dma_wait3A_236 = tpu.memref_squeeze %dma_wait3A_235 : memref<1x125xi32, #tpu.memory_space<vmem>> -> memref<125xi32, #tpu.memory_space<vmem>>
      %dma_wait3A_237 = arith.constant 0 : i32
      %dma_wait3A_238 = arith.constant 0 : i32
      %dma_wait3A_239 = tpu.memref_slice %arg2[%dma_wait3A_237, %dma_wait3A_238] : memref<10000x128xf32, #tpu.memory_space<hbm>> -> memref<10000x128xf32, #tpu.memory_space<hbm>>
      tpu.wait_indirect_dma semaphore(%arg11 : memref<!tpu.dma_semaphore, #tpu.memory_space<semaphore_mem>>) src(%dma_wait3A_239 : memref<10000x128xf32, #tpu.memory_space<hbm>>) dst(%arg8 : memref<125x128xf32, #tpu.memory_space<vmem>>)
      %run_scoped3A_240 = arith.constant 12 : i32
      "tpu.region"() ({
        %run_scoped3A_639 = tpu.sem_alloc : memref<!tpu.dma_semaphore, #tpu.memory_space<semaphore_mem>>
        %dma_start3A_640 = arith.constant 0 : i32
        %dma_start3A_641 = tpu.memref_slice %arg7[%run_scoped3A_240, %dma_start3A_640] : memref<40x125xi32, #tpu.memory_space<vmem>> -> memref<1x125xi32, #tpu.memory_space<vmem>>
        %dma_start3A_642 = tpu.memref_squeeze %dma_start3A_641 : memref<1x125xi32, #tpu.memory_space<vmem>> -> memref<125xi32, #tpu.memory_space<vmem>>
        %dma_start3A_643 = arith.constant 0 : i32
        %dma_start3A_644 = arith.constant 0 : i32
        %dma_start3A_645 = tpu.memref_slice %arg10[%dma_start3A_643, %dma_start3A_644] : memref<10000x128xf32, #tpu.memory_space<vmem_shared>> -> memref<10000x128xf32, #tpu.memory_space<vmem_shared>>
        tpu.enqueue_indirect_dma source(%arg8 : memref<125x128xf32, #tpu.memory_space<vmem>>) target(%dma_start3A_645 : memref<10000x128xf32, #tpu.memory_space<vmem_shared>>) offsets(%dma_start3A_642 : memref<125xi32, #tpu.memory_space<vmem>>) semaphore(%run_scoped3A_639 : memref<!tpu.dma_semaphore, #tpu.memory_space<semaphore_mem>>) {add = true}
        %dma_wait3A_646 = arith.constant 0 : i32
        %dma_wait3A_647 = tpu.memref_slice %arg7[%run_scoped3A_240, %dma_wait3A_646] : memref<40x125xi32, #tpu.memory_space<vmem>> -> memref<1x125xi32, #tpu.memory_space<vmem>>
        %dma_wait3A_648 = tpu.memref_squeeze %dma_wait3A_647 : memref<1x125xi32, #tpu.memory_space<vmem>> -> memref<125xi32, #tpu.memory_space<vmem>>
        %dma_wait3A_649 = arith.constant 0 : i32
        %dma_wait3A_650 = arith.constant 0 : i32
        %dma_wait3A_651 = tpu.memref_slice %arg10[%dma_wait3A_649, %dma_wait3A_650] : memref<10000x128xf32, #tpu.memory_space<vmem_shared>> -> memref<10000x128xf32, #tpu.memory_space<vmem_shared>>
        tpu.wait_indirect_dma semaphore(%run_scoped3A_639 : memref<!tpu.dma_semaphore, #tpu.memory_space<semaphore_mem>>) src(%arg8 : memref<125x128xf32, #tpu.memory_space<vmem>>) dst(%dma_wait3A_651 : memref<10000x128xf32, #tpu.memory_space<vmem_shared>>)
        tpu.yield
      }) : () -> ()
      %dma_start3A_241 = arith.constant 14 : i32
      %dma_start3A_242 = arith.constant 0 : i32
      %dma_start3A_243 = tpu.memref_slice %arg6[%dma_start3A_241, %dma_start3A_242] : memref<40x125xi32, #tpu.memory_space<vmem>> -> memref<1x125xi32, #tpu.memory_space<vmem>>
      %dma_start3A_244 = tpu.memref_squeeze %dma_start3A_243 : memref<1x125xi32, #tpu.memory_space<vmem>> -> memref<125xi32, #tpu.memory_space<vmem>>
      %dma_start3A_245 = arith.constant 0 : i32
      %dma_start3A_246 = arith.constant 0 : i32
      %dma_start3A_247 = tpu.memref_slice %arg2[%dma_start3A_245, %dma_start3A_246] : memref<10000x128xf32, #tpu.memory_space<hbm>> -> memref<10000x128xf32, #tpu.memory_space<hbm>>
      tpu.enqueue_indirect_dma source(%dma_start3A_247 : memref<10000x128xf32, #tpu.memory_space<hbm>>) target(%arg8 : memref<125x128xf32, #tpu.memory_space<vmem>>) offsets(%dma_start3A_244 : memref<125xi32, #tpu.memory_space<vmem>>) semaphore(%arg11 : memref<!tpu.dma_semaphore, #tpu.memory_space<semaphore_mem>>)
      %dma_wait3A_248 = arith.constant 13 : i32
      %dma_wait3A_249 = arith.constant 0 : i32
      %dma_wait3A_250 = tpu.memref_slice %arg6[%dma_wait3A_248, %dma_wait3A_249] : memref<40x125xi32, #tpu.memory_space<vmem>> -> memref<1x125xi32, #tpu.memory_space<vmem>>
      %dma_wait3A_251 = tpu.memref_squeeze %dma_wait3A_250 : memref<1x125xi32, #tpu.memory_space<vmem>> -> memref<125xi32, #tpu.memory_space<vmem>>
      %dma_wait3A_252 = arith.constant 0 : i32
      %dma_wait3A_253 = arith.constant 0 : i32
      %dma_wait3A_254 = tpu.memref_slice %arg2[%dma_wait3A_252, %dma_wait3A_253] : memref<10000x128xf32, #tpu.memory_space<hbm>> -> memref<10000x128xf32, #tpu.memory_space<hbm>>
      tpu.wait_indirect_dma semaphore(%arg12 : memref<!tpu.dma_semaphore, #tpu.memory_space<semaphore_mem>>) src(%dma_wait3A_254 : memref<10000x128xf32, #tpu.memory_space<hbm>>) dst(%arg9 : memref<125x128xf32, #tpu.memory_space<vmem>>)
      %run_scoped3A_255 = arith.constant 13 : i32
      "tpu.region"() ({
        %run_scoped3A_639 = tpu.sem_alloc : memref<!tpu.dma_semaphore, #tpu.memory_space<semaphore_mem>>
        %dma_start3A_640 = arith.constant 0 : i32
        %dma_start3A_641 = tpu.memref_slice %arg7[%run_scoped3A_255, %dma_start3A_640] : memref<40x125xi32, #tpu.memory_space<vmem>> -> memref<1x125xi32, #tpu.memory_space<vmem>>
        %dma_start3A_642 = tpu.memref_squeeze %dma_start3A_641 : memref<1x125xi32, #tpu.memory_space<vmem>> -> memref<125xi32, #tpu.memory_space<vmem>>
        %dma_start3A_643 = arith.constant 0 : i32
        %dma_start3A_644 = arith.constant 0 : i32
        %dma_start3A_645 = tpu.memref_slice %arg10[%dma_start3A_643, %dma_start3A_644] : memref<10000x128xf32, #tpu.memory_space<vmem_shared>> -> memref<10000x128xf32, #tpu.memory_space<vmem_shared>>
        tpu.enqueue_indirect_dma source(%arg9 : memref<125x128xf32, #tpu.memory_space<vmem>>) target(%dma_start3A_645 : memref<10000x128xf32, #tpu.memory_space<vmem_shared>>) offsets(%dma_start3A_642 : memref<125xi32, #tpu.memory_space<vmem>>) semaphore(%run_scoped3A_639 : memref<!tpu.dma_semaphore, #tpu.memory_space<semaphore_mem>>) {add = true}
        %dma_wait3A_646 = arith.constant 0 : i32
        %dma_wait3A_647 = tpu.memref_slice %arg7[%run_scoped3A_255, %dma_wait3A_646] : memref<40x125xi32, #tpu.memory_space<vmem>> -> memref<1x125xi32, #tpu.memory_space<vmem>>
        %dma_wait3A_648 = tpu.memref_squeeze %dma_wait3A_647 : memref<1x125xi32, #tpu.memory_space<vmem>> -> memref<125xi32, #tpu.memory_space<vmem>>
        %dma_wait3A_649 = arith.constant 0 : i32
        %dma_wait3A_650 = arith.constant 0 : i32
        %dma_wait3A_651 = tpu.memref_slice %arg10[%dma_wait3A_649, %dma_wait3A_650] : memref<10000x128xf32, #tpu.memory_space<vmem_shared>> -> memref<10000x128xf32, #tpu.memory_space<vmem_shared>>
        tpu.wait_indirect_dma semaphore(%run_scoped3A_639 : memref<!tpu.dma_semaphore, #tpu.memory_space<semaphore_mem>>) src(%arg9 : memref<125x128xf32, #tpu.memory_space<vmem>>) dst(%dma_wait3A_651 : memref<10000x128xf32, #tpu.memory_space<vmem_shared>>)
        tpu.yield
      }) : () -> ()
      %dma_start3A_256 = arith.constant 15 : i32
      %dma_start3A_257 = arith.constant 0 : i32
      %dma_start3A_258 = tpu.memref_slice %arg6[%dma_start3A_256, %dma_start3A_257] : memref<40x125xi32, #tpu.memory_space<vmem>> -> memref<1x125xi32, #tpu.memory_space<vmem>>
      %dma_start3A_259 = tpu.memref_squeeze %dma_start3A_258 : memref<1x125xi32, #tpu.memory_space<vmem>> -> memref<125xi32, #tpu.memory_space<vmem>>
      %dma_start3A_260 = arith.constant 0 : i32
      %dma_start3A_261 = arith.constant 0 : i32
      %dma_start3A_262 = tpu.memref_slice %arg2[%dma_start3A_260, %dma_start3A_261] : memref<10000x128xf32, #tpu.memory_space<hbm>> -> memref<10000x128xf32, #tpu.memory_space<hbm>>
      tpu.enqueue_indirect_dma source(%dma_start3A_262 : memref<10000x128xf32, #tpu.memory_space<hbm>>) target(%arg9 : memref<125x128xf32, #tpu.memory_space<vmem>>) offsets(%dma_start3A_259 : memref<125xi32, #tpu.memory_space<vmem>>) semaphore(%arg12 : memref<!tpu.dma_semaphore, #tpu.memory_space<semaphore_mem>>)
      %dma_wait3A_263 = arith.constant 14 : i32
      %dma_wait3A_264 = arith.constant 0 : i32
      %dma_wait3A_265 = tpu.memref_slice %arg6[%dma_wait3A_263, %dma_wait3A_264] : memref<40x125xi32, #tpu.memory_space<vmem>> -> memref<1x125xi32, #tpu.memory_space<vmem>>
      %dma_wait3A_266 = tpu.memref_squeeze %dma_wait3A_265 : memref<1x125xi32, #tpu.memory_space<vmem>> -> memref<125xi32, #tpu.memory_space<vmem>>
      %dma_wait3A_267 = arith.constant 0 : i32
      %dma_wait3A_268 = arith.constant 0 : i32
      %dma_wait3A_269 = tpu.memref_slice %arg2[%dma_wait3A_267, %dma_wait3A_268] : memref<10000x128xf32, #tpu.memory_space<hbm>> -> memref<10000x128xf32, #tpu.memory_space<hbm>>
      tpu.wait_indirect_dma semaphore(%arg11 : memref<!tpu.dma_semaphore, #tpu.memory_space<semaphore_mem>>) src(%dma_wait3A_269 : memref<10000x128xf32, #tpu.memory_space<hbm>>) dst(%arg8 : memref<125x128xf32, #tpu.memory_space<vmem>>)
      %run_scoped3A_270 = arith.constant 14 : i32
      "tpu.region"() ({
        %run_scoped3A_639 = tpu.sem_alloc : memref<!tpu.dma_semaphore, #tpu.memory_space<semaphore_mem>>
        %dma_start3A_640 = arith.constant 0 : i32
        %dma_start3A_641 = tpu.memref_slice %arg7[%run_scoped3A_270, %dma_start3A_640] : memref<40x125xi32, #tpu.memory_space<vmem>> -> memref<1x125xi32, #tpu.memory_space<vmem>>
        %dma_start3A_642 = tpu.memref_squeeze %dma_start3A_641 : memref<1x125xi32, #tpu.memory_space<vmem>> -> memref<125xi32, #tpu.memory_space<vmem>>
        %dma_start3A_643 = arith.constant 0 : i32
        %dma_start3A_644 = arith.constant 0 : i32
        %dma_start3A_645 = tpu.memref_slice %arg10[%dma_start3A_643, %dma_start3A_644] : memref<10000x128xf32, #tpu.memory_space<vmem_shared>> -> memref<10000x128xf32, #tpu.memory_space<vmem_shared>>
        tpu.enqueue_indirect_dma source(%arg8 : memref<125x128xf32, #tpu.memory_space<vmem>>) target(%dma_start3A_645 : memref<10000x128xf32, #tpu.memory_space<vmem_shared>>) offsets(%dma_start3A_642 : memref<125xi32, #tpu.memory_space<vmem>>) semaphore(%run_scoped3A_639 : memref<!tpu.dma_semaphore, #tpu.memory_space<semaphore_mem>>) {add = true}
        %dma_wait3A_646 = arith.constant 0 : i32
        %dma_wait3A_647 = tpu.memref_slice %arg7[%run_scoped3A_270, %dma_wait3A_646] : memref<40x125xi32, #tpu.memory_space<vmem>> -> memref<1x125xi32, #tpu.memory_space<vmem>>
        %dma_wait3A_648 = tpu.memref_squeeze %dma_wait3A_647 : memref<1x125xi32, #tpu.memory_space<vmem>> -> memref<125xi32, #tpu.memory_space<vmem>>
        %dma_wait3A_649 = arith.constant 0 : i32
        %dma_wait3A_650 = arith.constant 0 : i32
        %dma_wait3A_651 = tpu.memref_slice %arg10[%dma_wait3A_649, %dma_wait3A_650] : memref<10000x128xf32, #tpu.memory_space<vmem_shared>> -> memref<10000x128xf32, #tpu.memory_space<vmem_shared>>
        tpu.wait_indirect_dma semaphore(%run_scoped3A_639 : memref<!tpu.dma_semaphore, #tpu.memory_space<semaphore_mem>>) src(%arg8 : memref<125x128xf32, #tpu.memory_space<vmem>>) dst(%dma_wait3A_651 : memref<10000x128xf32, #tpu.memory_space<vmem_shared>>)
        tpu.yield
      }) : () -> ()
      %dma_start3A_271 = arith.constant 16 : i32
      %dma_start3A_272 = arith.constant 0 : i32
      %dma_start3A_273 = tpu.memref_slice %arg6[%dma_start3A_271, %dma_start3A_272] : memref<40x125xi32, #tpu.memory_space<vmem>> -> memref<1x125xi32, #tpu.memory_space<vmem>>
      %dma_start3A_274 = tpu.memref_squeeze %dma_start3A_273 : memref<1x125xi32, #tpu.memory_space<vmem>> -> memref<125xi32, #tpu.memory_space<vmem>>
      %dma_start3A_275 = arith.constant 0 : i32
      %dma_start3A_276 = arith.constant 0 : i32
      %dma_start3A_277 = tpu.memref_slice %arg2[%dma_start3A_275, %dma_start3A_276] : memref<10000x128xf32, #tpu.memory_space<hbm>> -> memref<10000x128xf32, #tpu.memory_space<hbm>>
      tpu.enqueue_indirect_dma source(%dma_start3A_277 : memref<10000x128xf32, #tpu.memory_space<hbm>>) target(%arg8 : memref<125x128xf32, #tpu.memory_space<vmem>>) offsets(%dma_start3A_274 : memref<125xi32, #tpu.memory_space<vmem>>) semaphore(%arg11 : memref<!tpu.dma_semaphore, #tpu.memory_space<semaphore_mem>>)
      %dma_wait3A_278 = arith.constant 15 : i32
      %dma_wait3A_279 = arith.constant 0 : i32
      %dma_wait3A_280 = tpu.memref_slice %arg6[%dma_wait3A_278, %dma_wait3A_279] : memref<40x125xi32, #tpu.memory_space<vmem>> -> memref<1x125xi32, #tpu.memory_space<vmem>>
      %dma_wait3A_281 = tpu.memref_squeeze %dma_wait3A_280 : memref<1x125xi32, #tpu.memory_space<vmem>> -> memref<125xi32, #tpu.memory_space<vmem>>
      %dma_wait3A_282 = arith.constant 0 : i32
      %dma_wait3A_283 = arith.constant 0 : i32
      %dma_wait3A_284 = tpu.memref_slice %arg2[%dma_wait3A_282, %dma_wait3A_283] : memref<10000x128xf32, #tpu.memory_space<hbm>> -> memref<10000x128xf32, #tpu.memory_space<hbm>>
      tpu.wait_indirect_dma semaphore(%arg12 : memref<!tpu.dma_semaphore, #tpu.memory_space<semaphore_mem>>) src(%dma_wait3A_284 : memref<10000x128xf32, #tpu.memory_space<hbm>>) dst(%arg9 : memref<125x128xf32, #tpu.memory_space<vmem>>)
      %run_scoped3A_285 = arith.constant 15 : i32
      "tpu.region"() ({
        %run_scoped3A_639 = tpu.sem_alloc : memref<!tpu.dma_semaphore, #tpu.memory_space<semaphore_mem>>
        %dma_start3A_640 = arith.constant 0 : i32
        %dma_start3A_641 = tpu.memref_slice %arg7[%run_scoped3A_285, %dma_start3A_640] : memref<40x125xi32, #tpu.memory_space<vmem>> -> memref<1x125xi32, #tpu.memory_space<vmem>>
        %dma_start3A_642 = tpu.memref_squeeze %dma_start3A_641 : memref<1x125xi32, #tpu.memory_space<vmem>> -> memref<125xi32, #tpu.memory_space<vmem>>
        %dma_start3A_643 = arith.constant 0 : i32
        %dma_start3A_644 = arith.constant 0 : i32
        %dma_start3A_645 = tpu.memref_slice %arg10[%dma_start3A_643, %dma_start3A_644] : memref<10000x128xf32, #tpu.memory_space<vmem_shared>> -> memref<10000x128xf32, #tpu.memory_space<vmem_shared>>
        tpu.enqueue_indirect_dma source(%arg9 : memref<125x128xf32, #tpu.memory_space<vmem>>) target(%dma_start3A_645 : memref<10000x128xf32, #tpu.memory_space<vmem_shared>>) offsets(%dma_start3A_642 : memref<125xi32, #tpu.memory_space<vmem>>) semaphore(%run_scoped3A_639 : memref<!tpu.dma_semaphore, #tpu.memory_space<semaphore_mem>>) {add = true}
        %dma_wait3A_646 = arith.constant 0 : i32
        %dma_wait3A_647 = tpu.memref_slice %arg7[%run_scoped3A_285, %dma_wait3A_646] : memref<40x125xi32, #tpu.memory_space<vmem>> -> memref<1x125xi32, #tpu.memory_space<vmem>>
        %dma_wait3A_648 = tpu.memref_squeeze %dma_wait3A_647 : memref<1x125xi32, #tpu.memory_space<vmem>> -> memref<125xi32, #tpu.memory_space<vmem>>
        %dma_wait3A_649 = arith.constant 0 : i32
        %dma_wait3A_650 = arith.constant 0 : i32
        %dma_wait3A_651 = tpu.memref_slice %arg10[%dma_wait3A_649, %dma_wait3A_650] : memref<10000x128xf32, #tpu.memory_space<vmem_shared>> -> memref<10000x128xf32, #tpu.memory_space<vmem_shared>>
        tpu.wait_indirect_dma semaphore(%run_scoped3A_639 : memref<!tpu.dma_semaphore, #tpu.memory_space<semaphore_mem>>) src(%arg9 : memref<125x128xf32, #tpu.memory_space<vmem>>) dst(%dma_wait3A_651 : memref<10000x128xf32, #tpu.memory_space<vmem_shared>>)
        tpu.yield
      }) : () -> ()
      %dma_start3A_286 = arith.constant 17 : i32
      %dma_start3A_287 = arith.constant 0 : i32
      %dma_start3A_288 = tpu.memref_slice %arg6[%dma_start3A_286, %dma_start3A_287] : memref<40x125xi32, #tpu.memory_space<vmem>> -> memref<1x125xi32, #tpu.memory_space<vmem>>
      %dma_start3A_289 = tpu.memref_squeeze %dma_start3A_288 : memref<1x125xi32, #tpu.memory_space<vmem>> -> memref<125xi32, #tpu.memory_space<vmem>>
      %dma_start3A_290 = arith.constant 0 : i32
      %dma_start3A_291 = arith.constant 0 : i32
      %dma_start3A_292 = tpu.memref_slice %arg2[%dma_start3A_290, %dma_start3A_291] : memref<10000x128xf32, #tpu.memory_space<hbm>> -> memref<10000x128xf32, #tpu.memory_space<hbm>>
      tpu.enqueue_indirect_dma source(%dma_start3A_292 : memref<10000x128xf32, #tpu.memory_space<hbm>>) target(%arg9 : memref<125x128xf32, #tpu.memory_space<vmem>>) offsets(%dma_start3A_289 : memref<125xi32, #tpu.memory_space<vmem>>) semaphore(%arg12 : memref<!tpu.dma_semaphore, #tpu.memory_space<semaphore_mem>>)
      %dma_wait3A_293 = arith.constant 16 : i32
      %dma_wait3A_294 = arith.constant 0 : i32
      %dma_wait3A_295 = tpu.memref_slice %arg6[%dma_wait3A_293, %dma_wait3A_294] : memref<40x125xi32, #tpu.memory_space<vmem>> -> memref<1x125xi32, #tpu.memory_space<vmem>>
      %dma_wait3A_296 = tpu.memref_squeeze %dma_wait3A_295 : memref<1x125xi32, #tpu.memory_space<vmem>> -> memref<125xi32, #tpu.memory_space<vmem>>
      %dma_wait3A_297 = arith.constant 0 : i32
      %dma_wait3A_298 = arith.constant 0 : i32
      %dma_wait3A_299 = tpu.memref_slice %arg2[%dma_wait3A_297, %dma_wait3A_298] : memref<10000x128xf32, #tpu.memory_space<hbm>> -> memref<10000x128xf32, #tpu.memory_space<hbm>>
      tpu.wait_indirect_dma semaphore(%arg11 : memref<!tpu.dma_semaphore, #tpu.memory_space<semaphore_mem>>) src(%dma_wait3A_299 : memref<10000x128xf32, #tpu.memory_space<hbm>>) dst(%arg8 : memref<125x128xf32, #tpu.memory_space<vmem>>)
      %run_scoped3A_300 = arith.constant 16 : i32
      "tpu.region"() ({
        %run_scoped3A_639 = tpu.sem_alloc : memref<!tpu.dma_semaphore, #tpu.memory_space<semaphore_mem>>
        %dma_start3A_640 = arith.constant 0 : i32
        %dma_start3A_641 = tpu.memref_slice %arg7[%run_scoped3A_300, %dma_start3A_640] : memref<40x125xi32, #tpu.memory_space<vmem>> -> memref<1x125xi32, #tpu.memory_space<vmem>>
        %dma_start3A_642 = tpu.memref_squeeze %dma_start3A_641 : memref<1x125xi32, #tpu.memory_space<vmem>> -> memref<125xi32, #tpu.memory_space<vmem>>
        %dma_start3A_643 = arith.constant 0 : i32
        %dma_start3A_644 = arith.constant 0 : i32
        %dma_start3A_645 = tpu.memref_slice %arg10[%dma_start3A_643, %dma_start3A_644] : memref<10000x128xf32, #tpu.memory_space<vmem_shared>> -> memref<10000x128xf32, #tpu.memory_space<vmem_shared>>
        tpu.enqueue_indirect_dma source(%arg8 : memref<125x128xf32, #tpu.memory_space<vmem>>) target(%dma_start3A_645 : memref<10000x128xf32, #tpu.memory_space<vmem_shared>>) offsets(%dma_start3A_642 : memref<125xi32, #tpu.memory_space<vmem>>) semaphore(%run_scoped3A_639 : memref<!tpu.dma_semaphore, #tpu.memory_space<semaphore_mem>>) {add = true}
        %dma_wait3A_646 = arith.constant 0 : i32
        %dma_wait3A_647 = tpu.memref_slice %arg7[%run_scoped3A_300, %dma_wait3A_646] : memref<40x125xi32, #tpu.memory_space<vmem>> -> memref<1x125xi32, #tpu.memory_space<vmem>>
        %dma_wait3A_648 = tpu.memref_squeeze %dma_wait3A_647 : memref<1x125xi32, #tpu.memory_space<vmem>> -> memref<125xi32, #tpu.memory_space<vmem>>
        %dma_wait3A_649 = arith.constant 0 : i32
        %dma_wait3A_650 = arith.constant 0 : i32
        %dma_wait3A_651 = tpu.memref_slice %arg10[%dma_wait3A_649, %dma_wait3A_650] : memref<10000x128xf32, #tpu.memory_space<vmem_shared>> -> memref<10000x128xf32, #tpu.memory_space<vmem_shared>>
        tpu.wait_indirect_dma semaphore(%run_scoped3A_639 : memref<!tpu.dma_semaphore, #tpu.memory_space<semaphore_mem>>) src(%arg8 : memref<125x128xf32, #tpu.memory_space<vmem>>) dst(%dma_wait3A_651 : memref<10000x128xf32, #tpu.memory_space<vmem_shared>>)
        tpu.yield
      }) : () -> ()
      %dma_start3A_301 = arith.constant 18 : i32
      %dma_start3A_302 = arith.constant 0 : i32
      %dma_start3A_303 = tpu.memref_slice %arg6[%dma_start3A_301, %dma_start3A_302] : memref<40x125xi32, #tpu.memory_space<vmem>> -> memref<1x125xi32, #tpu.memory_space<vmem>>
      %dma_start3A_304 = tpu.memref_squeeze %dma_start3A_303 : memref<1x125xi32, #tpu.memory_space<vmem>> -> memref<125xi32, #tpu.memory_space<vmem>>
      %dma_start3A_305 = arith.constant 0 : i32
      %dma_start3A_306 = arith.constant 0 : i32
      %dma_start3A_307 = tpu.memref_slice %arg2[%dma_start3A_305, %dma_start3A_306] : memref<10000x128xf32, #tpu.memory_space<hbm>> -> memref<10000x128xf32, #tpu.memory_space<hbm>>
      tpu.enqueue_indirect_dma source(%dma_start3A_307 : memref<10000x128xf32, #tpu.memory_space<hbm>>) target(%arg8 : memref<125x128xf32, #tpu.memory_space<vmem>>) offsets(%dma_start3A_304 : memref<125xi32, #tpu.memory_space<vmem>>) semaphore(%arg11 : memref<!tpu.dma_semaphore, #tpu.memory_space<semaphore_mem>>)
      %dma_wait3A_308 = arith.constant 17 : i32
      %dma_wait3A_309 = arith.constant 0 : i32
      %dma_wait3A_310 = tpu.memref_slice %arg6[%dma_wait3A_308, %dma_wait3A_309] : memref<40x125xi32, #tpu.memory_space<vmem>> -> memref<1x125xi32, #tpu.memory_space<vmem>>
      %dma_wait3A_311 = tpu.memref_squeeze %dma_wait3A_310 : memref<1x125xi32, #tpu.memory_space<vmem>> -> memref<125xi32, #tpu.memory_space<vmem>>
      %dma_wait3A_312 = arith.constant 0 : i32
      %dma_wait3A_313 = arith.constant 0 : i32
      %dma_wait3A_314 = tpu.memref_slice %arg2[%dma_wait3A_312, %dma_wait3A_313] : memref<10000x128xf32, #tpu.memory_space<hbm>> -> memref<10000x128xf32, #tpu.memory_space<hbm>>
      tpu.wait_indirect_dma semaphore(%arg12 : memref<!tpu.dma_semaphore, #tpu.memory_space<semaphore_mem>>) src(%dma_wait3A_314 : memref<10000x128xf32, #tpu.memory_space<hbm>>) dst(%arg9 : memref<125x128xf32, #tpu.memory_space<vmem>>)
      %run_scoped3A_315 = arith.constant 17 : i32
      "tpu.region"() ({
        %run_scoped3A_639 = tpu.sem_alloc : memref<!tpu.dma_semaphore, #tpu.memory_space<semaphore_mem>>
        %dma_start3A_640 = arith.constant 0 : i32
        %dma_start3A_641 = tpu.memref_slice %arg7[%run_scoped3A_315, %dma_start3A_640] : memref<40x125xi32, #tpu.memory_space<vmem>> -> memref<1x125xi32, #tpu.memory_space<vmem>>
        %dma_start3A_642 = tpu.memref_squeeze %dma_start3A_641 : memref<1x125xi32, #tpu.memory_space<vmem>> -> memref<125xi32, #tpu.memory_space<vmem>>
        %dma_start3A_643 = arith.constant 0 : i32
        %dma_start3A_644 = arith.constant 0 : i32
        %dma_start3A_645 = tpu.memref_slice %arg10[%dma_start3A_643, %dma_start3A_644] : memref<10000x128xf32, #tpu.memory_space<vmem_shared>> -> memref<10000x128xf32, #tpu.memory_space<vmem_shared>>
        tpu.enqueue_indirect_dma source(%arg9 : memref<125x128xf32, #tpu.memory_space<vmem>>) target(%dma_start3A_645 : memref<10000x128xf32, #tpu.memory_space<vmem_shared>>) offsets(%dma_start3A_642 : memref<125xi32, #tpu.memory_space<vmem>>) semaphore(%run_scoped3A_639 : memref<!tpu.dma_semaphore, #tpu.memory_space<semaphore_mem>>) {add = true}
        %dma_wait3A_646 = arith.constant 0 : i32
        %dma_wait3A_647 = tpu.memref_slice %arg7[%run_scoped3A_315, %dma_wait3A_646] : memref<40x125xi32, #tpu.memory_space<vmem>> -> memref<1x125xi32, #tpu.memory_space<vmem>>
        %dma_wait3A_648 = tpu.memref_squeeze %dma_wait3A_647 : memref<1x125xi32, #tpu.memory_space<vmem>> -> memref<125xi32, #tpu.memory_space<vmem>>
        %dma_wait3A_649 = arith.constant 0 : i32
        %dma_wait3A_650 = arith.constant 0 : i32
        %dma_wait3A_651 = tpu.memref_slice %arg10[%dma_wait3A_649, %dma_wait3A_650] : memref<10000x128xf32, #tpu.memory_space<vmem_shared>> -> memref<10000x128xf32, #tpu.memory_space<vmem_shared>>
        tpu.wait_indirect_dma semaphore(%run_scoped3A_639 : memref<!tpu.dma_semaphore, #tpu.memory_space<semaphore_mem>>) src(%arg9 : memref<125x128xf32, #tpu.memory_space<vmem>>) dst(%dma_wait3A_651 : memref<10000x128xf32, #tpu.memory_space<vmem_shared>>)
        tpu.yield
      }) : () -> ()
      %dma_start3A_316 = arith.constant 19 : i32
      %dma_start3A_317 = arith.constant 0 : i32
      %dma_start3A_318 = tpu.memref_slice %arg6[%dma_start3A_316, %dma_start3A_317] : memref<40x125xi32, #tpu.memory_space<vmem>> -> memref<1x125xi32, #tpu.memory_space<vmem>>
      %dma_start3A_319 = tpu.memref_squeeze %dma_start3A_318 : memref<1x125xi32, #tpu.memory_space<vmem>> -> memref<125xi32, #tpu.memory_space<vmem>>
      %dma_start3A_320 = arith.constant 0 : i32
      %dma_start3A_321 = arith.constant 0 : i32
      %dma_start3A_322 = tpu.memref_slice %arg2[%dma_start3A_320, %dma_start3A_321] : memref<10000x128xf32, #tpu.memory_space<hbm>> -> memref<10000x128xf32, #tpu.memory_space<hbm>>
      tpu.enqueue_indirect_dma source(%dma_start3A_322 : memref<10000x128xf32, #tpu.memory_space<hbm>>) target(%arg9 : memref<125x128xf32, #tpu.memory_space<vmem>>) offsets(%dma_start3A_319 : memref<125xi32, #tpu.memory_space<vmem>>) semaphore(%arg12 : memref<!tpu.dma_semaphore, #tpu.memory_space<semaphore_mem>>)
      %dma_wait3A_323 = arith.constant 18 : i32
      %dma_wait3A_324 = arith.constant 0 : i32
      %dma_wait3A_325 = tpu.memref_slice %arg6[%dma_wait3A_323, %dma_wait3A_324] : memref<40x125xi32, #tpu.memory_space<vmem>> -> memref<1x125xi32, #tpu.memory_space<vmem>>
      %dma_wait3A_326 = tpu.memref_squeeze %dma_wait3A_325 : memref<1x125xi32, #tpu.memory_space<vmem>> -> memref<125xi32, #tpu.memory_space<vmem>>
      %dma_wait3A_327 = arith.constant 0 : i32
      %dma_wait3A_328 = arith.constant 0 : i32
      %dma_wait3A_329 = tpu.memref_slice %arg2[%dma_wait3A_327, %dma_wait3A_328] : memref<10000x128xf32, #tpu.memory_space<hbm>> -> memref<10000x128xf32, #tpu.memory_space<hbm>>
      tpu.wait_indirect_dma semaphore(%arg11 : memref<!tpu.dma_semaphore, #tpu.memory_space<semaphore_mem>>) src(%dma_wait3A_329 : memref<10000x128xf32, #tpu.memory_space<hbm>>) dst(%arg8 : memref<125x128xf32, #tpu.memory_space<vmem>>)
      %run_scoped3A_330 = arith.constant 18 : i32
      "tpu.region"() ({
        %run_scoped3A_639 = tpu.sem_alloc : memref<!tpu.dma_semaphore, #tpu.memory_space<semaphore_mem>>
        %dma_start3A_640 = arith.constant 0 : i32
        %dma_start3A_641 = tpu.memref_slice %arg7[%run_scoped3A_330, %dma_start3A_640] : memref<40x125xi32, #tpu.memory_space<vmem>> -> memref<1x125xi32, #tpu.memory_space<vmem>>
        %dma_start3A_642 = tpu.memref_squeeze %dma_start3A_641 : memref<1x125xi32, #tpu.memory_space<vmem>> -> memref<125xi32, #tpu.memory_space<vmem>>
        %dma_start3A_643 = arith.constant 0 : i32
        %dma_start3A_644 = arith.constant 0 : i32
        %dma_start3A_645 = tpu.memref_slice %arg10[%dma_start3A_643, %dma_start3A_644] : memref<10000x128xf32, #tpu.memory_space<vmem_shared>> -> memref<10000x128xf32, #tpu.memory_space<vmem_shared>>
        tpu.enqueue_indirect_dma source(%arg8 : memref<125x128xf32, #tpu.memory_space<vmem>>) target(%dma_start3A_645 : memref<10000x128xf32, #tpu.memory_space<vmem_shared>>) offsets(%dma_start3A_642 : memref<125xi32, #tpu.memory_space<vmem>>) semaphore(%run_scoped3A_639 : memref<!tpu.dma_semaphore, #tpu.memory_space<semaphore_mem>>) {add = true}
        %dma_wait3A_646 = arith.constant 0 : i32
        %dma_wait3A_647 = tpu.memref_slice %arg7[%run_scoped3A_330, %dma_wait3A_646] : memref<40x125xi32, #tpu.memory_space<vmem>> -> memref<1x125xi32, #tpu.memory_space<vmem>>
        %dma_wait3A_648 = tpu.memref_squeeze %dma_wait3A_647 : memref<1x125xi32, #tpu.memory_space<vmem>> -> memref<125xi32, #tpu.memory_space<vmem>>
        %dma_wait3A_649 = arith.constant 0 : i32
        %dma_wait3A_650 = arith.constant 0 : i32
        %dma_wait3A_651 = tpu.memref_slice %arg10[%dma_wait3A_649, %dma_wait3A_650] : memref<10000x128xf32, #tpu.memory_space<vmem_shared>> -> memref<10000x128xf32, #tpu.memory_space<vmem_shared>>
        tpu.wait_indirect_dma semaphore(%run_scoped3A_639 : memref<!tpu.dma_semaphore, #tpu.memory_space<semaphore_mem>>) src(%arg8 : memref<125x128xf32, #tpu.memory_space<vmem>>) dst(%dma_wait3A_651 : memref<10000x128xf32, #tpu.memory_space<vmem_shared>>)
        tpu.yield
      }) : () -> ()
      %dma_start3A_331 = arith.constant 20 : i32
      %dma_start3A_332 = arith.constant 0 : i32
      %dma_start3A_333 = tpu.memref_slice %arg6[%dma_start3A_331, %dma_start3A_332] : memref<40x125xi32, #tpu.memory_space<vmem>> -> memref<1x125xi32, #tpu.memory_space<vmem>>
      %dma_start3A_334 = tpu.memref_squeeze %dma_start3A_333 : memref<1x125xi32, #tpu.memory_space<vmem>> -> memref<125xi32, #tpu.memory_space<vmem>>
      %dma_start3A_335 = arith.constant 0 : i32
      %dma_start3A_336 = arith.constant 0 : i32
      %dma_start3A_337 = tpu.memref_slice %arg2[%dma_start3A_335, %dma_start3A_336] : memref<10000x128xf32, #tpu.memory_space<hbm>> -> memref<10000x128xf32, #tpu.memory_space<hbm>>
      tpu.enqueue_indirect_dma source(%dma_start3A_337 : memref<10000x128xf32, #tpu.memory_space<hbm>>) target(%arg8 : memref<125x128xf32, #tpu.memory_space<vmem>>) offsets(%dma_start3A_334 : memref<125xi32, #tpu.memory_space<vmem>>) semaphore(%arg11 : memref<!tpu.dma_semaphore, #tpu.memory_space<semaphore_mem>>)
      %dma_wait3A_338 = arith.constant 19 : i32
      %dma_wait3A_339 = arith.constant 0 : i32
      %dma_wait3A_340 = tpu.memref_slice %arg6[%dma_wait3A_338, %dma_wait3A_339] : memref<40x125xi32, #tpu.memory_space<vmem>> -> memref<1x125xi32, #tpu.memory_space<vmem>>
      %dma_wait3A_341 = tpu.memref_squeeze %dma_wait3A_340 : memref<1x125xi32, #tpu.memory_space<vmem>> -> memref<125xi32, #tpu.memory_space<vmem>>
      %dma_wait3A_342 = arith.constant 0 : i32
      %dma_wait3A_343 = arith.constant 0 : i32
      %dma_wait3A_344 = tpu.memref_slice %arg2[%dma_wait3A_342, %dma_wait3A_343] : memref<10000x128xf32, #tpu.memory_space<hbm>> -> memref<10000x128xf32, #tpu.memory_space<hbm>>
      tpu.wait_indirect_dma semaphore(%arg12 : memref<!tpu.dma_semaphore, #tpu.memory_space<semaphore_mem>>) src(%dma_wait3A_344 : memref<10000x128xf32, #tpu.memory_space<hbm>>) dst(%arg9 : memref<125x128xf32, #tpu.memory_space<vmem>>)
      %run_scoped3A_345 = arith.constant 19 : i32
      "tpu.region"() ({
        %run_scoped3A_639 = tpu.sem_alloc : memref<!tpu.dma_semaphore, #tpu.memory_space<semaphore_mem>>
        %dma_start3A_640 = arith.constant 0 : i32
        %dma_start3A_641 = tpu.memref_slice %arg7[%run_scoped3A_345, %dma_start3A_640] : memref<40x125xi32, #tpu.memory_space<vmem>> -> memref<1x125xi32, #tpu.memory_space<vmem>>
        %dma_start3A_642 = tpu.memref_squeeze %dma_start3A_641 : memref<1x125xi32, #tpu.memory_space<vmem>> -> memref<125xi32, #tpu.memory_space<vmem>>
        %dma_start3A_643 = arith.constant 0 : i32
        %dma_start3A_644 = arith.constant 0 : i32
        %dma_start3A_645 = tpu.memref_slice %arg10[%dma_start3A_643, %dma_start3A_644] : memref<10000x128xf32, #tpu.memory_space<vmem_shared>> -> memref<10000x128xf32, #tpu.memory_space<vmem_shared>>
        tpu.enqueue_indirect_dma source(%arg9 : memref<125x128xf32, #tpu.memory_space<vmem>>) target(%dma_start3A_645 : memref<10000x128xf32, #tpu.memory_space<vmem_shared>>) offsets(%dma_start3A_642 : memref<125xi32, #tpu.memory_space<vmem>>) semaphore(%run_scoped3A_639 : memref<!tpu.dma_semaphore, #tpu.memory_space<semaphore_mem>>) {add = true}
        %dma_wait3A_646 = arith.constant 0 : i32
        %dma_wait3A_647 = tpu.memref_slice %arg7[%run_scoped3A_345, %dma_wait3A_646] : memref<40x125xi32, #tpu.memory_space<vmem>> -> memref<1x125xi32, #tpu.memory_space<vmem>>
        %dma_wait3A_648 = tpu.memref_squeeze %dma_wait3A_647 : memref<1x125xi32, #tpu.memory_space<vmem>> -> memref<125xi32, #tpu.memory_space<vmem>>
        %dma_wait3A_649 = arith.constant 0 : i32
        %dma_wait3A_650 = arith.constant 0 : i32
        %dma_wait3A_651 = tpu.memref_slice %arg10[%dma_wait3A_649, %dma_wait3A_650] : memref<10000x128xf32, #tpu.memory_space<vmem_shared>> -> memref<10000x128xf32, #tpu.memory_space<vmem_shared>>
        tpu.wait_indirect_dma semaphore(%run_scoped3A_639 : memref<!tpu.dma_semaphore, #tpu.memory_space<semaphore_mem>>) src(%arg9 : memref<125x128xf32, #tpu.memory_space<vmem>>) dst(%dma_wait3A_651 : memref<10000x128xf32, #tpu.memory_space<vmem_shared>>)
        tpu.yield
      }) : () -> ()
      %dma_start3A_346 = arith.constant 21 : i32
      %dma_start3A_347 = arith.constant 0 : i32
      %dma_start3A_348 = tpu.memref_slice %arg6[%dma_start3A_346, %dma_start3A_347] : memref<40x125xi32, #tpu.memory_space<vmem>> -> memref<1x125xi32, #tpu.memory_space<vmem>>
      %dma_start3A_349 = tpu.memref_squeeze %dma_start3A_348 : memref<1x125xi32, #tpu.memory_space<vmem>> -> memref<125xi32, #tpu.memory_space<vmem>>
      %dma_start3A_350 = arith.constant 0 : i32
      %dma_start3A_351 = arith.constant 0 : i32
      %dma_start3A_352 = tpu.memref_slice %arg2[%dma_start3A_350, %dma_start3A_351] : memref<10000x128xf32, #tpu.memory_space<hbm>> -> memref<10000x128xf32, #tpu.memory_space<hbm>>
      tpu.enqueue_indirect_dma source(%dma_start3A_352 : memref<10000x128xf32, #tpu.memory_space<hbm>>) target(%arg9 : memref<125x128xf32, #tpu.memory_space<vmem>>) offsets(%dma_start3A_349 : memref<125xi32, #tpu.memory_space<vmem>>) semaphore(%arg12 : memref<!tpu.dma_semaphore, #tpu.memory_space<semaphore_mem>>)
      %dma_wait3A_353 = arith.constant 20 : i32
      %dma_wait3A_354 = arith.constant 0 : i32
      %dma_wait3A_355 = tpu.memref_slice %arg6[%dma_wait3A_353, %dma_wait3A_354] : memref<40x125xi32, #tpu.memory_space<vmem>> -> memref<1x125xi32, #tpu.memory_space<vmem>>
      %dma_wait3A_356 = tpu.memref_squeeze %dma_wait3A_355 : memref<1x125xi32, #tpu.memory_space<vmem>> -> memref<125xi32, #tpu.memory_space<vmem>>
      %dma_wait3A_357 = arith.constant 0 : i32
      %dma_wait3A_358 = arith.constant 0 : i32
      %dma_wait3A_359 = tpu.memref_slice %arg2[%dma_wait3A_357, %dma_wait3A_358] : memref<10000x128xf32, #tpu.memory_space<hbm>> -> memref<10000x128xf32, #tpu.memory_space<hbm>>
      tpu.wait_indirect_dma semaphore(%arg11 : memref<!tpu.dma_semaphore, #tpu.memory_space<semaphore_mem>>) src(%dma_wait3A_359 : memref<10000x128xf32, #tpu.memory_space<hbm>>) dst(%arg8 : memref<125x128xf32, #tpu.memory_space<vmem>>)
      %run_scoped3A_360 = arith.constant 20 : i32
      "tpu.region"() ({
        %run_scoped3A_639 = tpu.sem_alloc : memref<!tpu.dma_semaphore, #tpu.memory_space<semaphore_mem>>
        %dma_start3A_640 = arith.constant 0 : i32
        %dma_start3A_641 = tpu.memref_slice %arg7[%run_scoped3A_360, %dma_start3A_640] : memref<40x125xi32, #tpu.memory_space<vmem>> -> memref<1x125xi32, #tpu.memory_space<vmem>>
        %dma_start3A_642 = tpu.memref_squeeze %dma_start3A_641 : memref<1x125xi32, #tpu.memory_space<vmem>> -> memref<125xi32, #tpu.memory_space<vmem>>
        %dma_start3A_643 = arith.constant 0 : i32
        %dma_start3A_644 = arith.constant 0 : i32
        %dma_start3A_645 = tpu.memref_slice %arg10[%dma_start3A_643, %dma_start3A_644] : memref<10000x128xf32, #tpu.memory_space<vmem_shared>> -> memref<10000x128xf32, #tpu.memory_space<vmem_shared>>
        tpu.enqueue_indirect_dma source(%arg8 : memref<125x128xf32, #tpu.memory_space<vmem>>) target(%dma_start3A_645 : memref<10000x128xf32, #tpu.memory_space<vmem_shared>>) offsets(%dma_start3A_642 : memref<125xi32, #tpu.memory_space<vmem>>) semaphore(%run_scoped3A_639 : memref<!tpu.dma_semaphore, #tpu.memory_space<semaphore_mem>>) {add = true}
        %dma_wait3A_646 = arith.constant 0 : i32
        %dma_wait3A_647 = tpu.memref_slice %arg7[%run_scoped3A_360, %dma_wait3A_646] : memref<40x125xi32, #tpu.memory_space<vmem>> -> memref<1x125xi32, #tpu.memory_space<vmem>>
        %dma_wait3A_648 = tpu.memref_squeeze %dma_wait3A_647 : memref<1x125xi32, #tpu.memory_space<vmem>> -> memref<125xi32, #tpu.memory_space<vmem>>
        %dma_wait3A_649 = arith.constant 0 : i32
        %dma_wait3A_650 = arith.constant 0 : i32
        %dma_wait3A_651 = tpu.memref_slice %arg10[%dma_wait3A_649, %dma_wait3A_650] : memref<10000x128xf32, #tpu.memory_space<vmem_shared>> -> memref<10000x128xf32, #tpu.memory_space<vmem_shared>>
        tpu.wait_indirect_dma semaphore(%run_scoped3A_639 : memref<!tpu.dma_semaphore, #tpu.memory_space<semaphore_mem>>) src(%arg8 : memref<125x128xf32, #tpu.memory_space<vmem>>) dst(%dma_wait3A_651 : memref<10000x128xf32, #tpu.memory_space<vmem_shared>>)
        tpu.yield
      }) : () -> ()
      %dma_start3A_361 = arith.constant 22 : i32
      %dma_start3A_362 = arith.constant 0 : i32
      %dma_start3A_363 = tpu.memref_slice %arg6[%dma_start3A_361, %dma_start3A_362] : memref<40x125xi32, #tpu.memory_space<vmem>> -> memref<1x125xi32, #tpu.memory_space<vmem>>
      %dma_start3A_364 = tpu.memref_squeeze %dma_start3A_363 : memref<1x125xi32, #tpu.memory_space<vmem>> -> memref<125xi32, #tpu.memory_space<vmem>>
      %dma_start3A_365 = arith.constant 0 : i32
      %dma_start3A_366 = arith.constant 0 : i32
      %dma_start3A_367 = tpu.memref_slice %arg2[%dma_start3A_365, %dma_start3A_366] : memref<10000x128xf32, #tpu.memory_space<hbm>> -> memref<10000x128xf32, #tpu.memory_space<hbm>>
      tpu.enqueue_indirect_dma source(%dma_start3A_367 : memref<10000x128xf32, #tpu.memory_space<hbm>>) target(%arg8 : memref<125x128xf32, #tpu.memory_space<vmem>>) offsets(%dma_start3A_364 : memref<125xi32, #tpu.memory_space<vmem>>) semaphore(%arg11 : memref<!tpu.dma_semaphore, #tpu.memory_space<semaphore_mem>>)
      %dma_wait3A_368 = arith.constant 21 : i32
      %dma_wait3A_369 = arith.constant 0 : i32
      %dma_wait3A_370 = tpu.memref_slice %arg6[%dma_wait3A_368, %dma_wait3A_369] : memref<40x125xi32, #tpu.memory_space<vmem>> -> memref<1x125xi32, #tpu.memory_space<vmem>>
      %dma_wait3A_371 = tpu.memref_squeeze %dma_wait3A_370 : memref<1x125xi32, #tpu.memory_space<vmem>> -> memref<125xi32, #tpu.memory_space<vmem>>
      %dma_wait3A_372 = arith.constant 0 : i32
      %dma_wait3A_373 = arith.constant 0 : i32
      %dma_wait3A_374 = tpu.memref_slice %arg2[%dma_wait3A_372, %dma_wait3A_373] : memref<10000x128xf32, #tpu.memory_space<hbm>> -> memref<10000x128xf32, #tpu.memory_space<hbm>>
      tpu.wait_indirect_dma semaphore(%arg12 : memref<!tpu.dma_semaphore, #tpu.memory_space<semaphore_mem>>) src(%dma_wait3A_374 : memref<10000x128xf32, #tpu.memory_space<hbm>>) dst(%arg9 : memref<125x128xf32, #tpu.memory_space<vmem>>)
      %run_scoped3A_375 = arith.constant 21 : i32
      "tpu.region"() ({
        %run_scoped3A_639 = tpu.sem_alloc : memref<!tpu.dma_semaphore, #tpu.memory_space<semaphore_mem>>
        %dma_start3A_640 = arith.constant 0 : i32
        %dma_start3A_641 = tpu.memref_slice %arg7[%run_scoped3A_375, %dma_start3A_640] : memref<40x125xi32, #tpu.memory_space<vmem>> -> memref<1x125xi32, #tpu.memory_space<vmem>>
        %dma_start3A_642 = tpu.memref_squeeze %dma_start3A_641 : memref<1x125xi32, #tpu.memory_space<vmem>> -> memref<125xi32, #tpu.memory_space<vmem>>
        %dma_start3A_643 = arith.constant 0 : i32
        %dma_start3A_644 = arith.constant 0 : i32
        %dma_start3A_645 = tpu.memref_slice %arg10[%dma_start3A_643, %dma_start3A_644] : memref<10000x128xf32, #tpu.memory_space<vmem_shared>> -> memref<10000x128xf32, #tpu.memory_space<vmem_shared>>
        tpu.enqueue_indirect_dma source(%arg9 : memref<125x128xf32, #tpu.memory_space<vmem>>) target(%dma_start3A_645 : memref<10000x128xf32, #tpu.memory_space<vmem_shared>>) offsets(%dma_start3A_642 : memref<125xi32, #tpu.memory_space<vmem>>) semaphore(%run_scoped3A_639 : memref<!tpu.dma_semaphore, #tpu.memory_space<semaphore_mem>>) {add = true}
        %dma_wait3A_646 = arith.constant 0 : i32
        %dma_wait3A_647 = tpu.memref_slice %arg7[%run_scoped3A_375, %dma_wait3A_646] : memref<40x125xi32, #tpu.memory_space<vmem>> -> memref<1x125xi32, #tpu.memory_space<vmem>>
        %dma_wait3A_648 = tpu.memref_squeeze %dma_wait3A_647 : memref<1x125xi32, #tpu.memory_space<vmem>> -> memref<125xi32, #tpu.memory_space<vmem>>
        %dma_wait3A_649 = arith.constant 0 : i32
        %dma_wait3A_650 = arith.constant 0 : i32
        %dma_wait3A_651 = tpu.memref_slice %arg10[%dma_wait3A_649, %dma_wait3A_650] : memref<10000x128xf32, #tpu.memory_space<vmem_shared>> -> memref<10000x128xf32, #tpu.memory_space<vmem_shared>>
        tpu.wait_indirect_dma semaphore(%run_scoped3A_639 : memref<!tpu.dma_semaphore, #tpu.memory_space<semaphore_mem>>) src(%arg9 : memref<125x128xf32, #tpu.memory_space<vmem>>) dst(%dma_wait3A_651 : memref<10000x128xf32, #tpu.memory_space<vmem_shared>>)
        tpu.yield
      }) : () -> ()
      %dma_start3A_376 = arith.constant 23 : i32
      %dma_start3A_377 = arith.constant 0 : i32
      %dma_start3A_378 = tpu.memref_slice %arg6[%dma_start3A_376, %dma_start3A_377] : memref<40x125xi32, #tpu.memory_space<vmem>> -> memref<1x125xi32, #tpu.memory_space<vmem>>
      %dma_start3A_379 = tpu.memref_squeeze %dma_start3A_378 : memref<1x125xi32, #tpu.memory_space<vmem>> -> memref<125xi32, #tpu.memory_space<vmem>>
      %dma_start3A_380 = arith.constant 0 : i32
      %dma_start3A_381 = arith.constant 0 : i32
      %dma_start3A_382 = tpu.memref_slice %arg2[%dma_start3A_380, %dma_start3A_381] : memref<10000x128xf32, #tpu.memory_space<hbm>> -> memref<10000x128xf32, #tpu.memory_space<hbm>>
      tpu.enqueue_indirect_dma source(%dma_start3A_382 : memref<10000x128xf32, #tpu.memory_space<hbm>>) target(%arg9 : memref<125x128xf32, #tpu.memory_space<vmem>>) offsets(%dma_start3A_379 : memref<125xi32, #tpu.memory_space<vmem>>) semaphore(%arg12 : memref<!tpu.dma_semaphore, #tpu.memory_space<semaphore_mem>>)
      %dma_wait3A_383 = arith.constant 22 : i32
      %dma_wait3A_384 = arith.constant 0 : i32
      %dma_wait3A_385 = tpu.memref_slice %arg6[%dma_wait3A_383, %dma_wait3A_384] : memref<40x125xi32, #tpu.memory_space<vmem>> -> memref<1x125xi32, #tpu.memory_space<vmem>>
      %dma_wait3A_386 = tpu.memref_squeeze %dma_wait3A_385 : memref<1x125xi32, #tpu.memory_space<vmem>> -> memref<125xi32, #tpu.memory_space<vmem>>
      %dma_wait3A_387 = arith.constant 0 : i32
      %dma_wait3A_388 = arith.constant 0 : i32
      %dma_wait3A_389 = tpu.memref_slice %arg2[%dma_wait3A_387, %dma_wait3A_388] : memref<10000x128xf32, #tpu.memory_space<hbm>> -> memref<10000x128xf32, #tpu.memory_space<hbm>>
      tpu.wait_indirect_dma semaphore(%arg11 : memref<!tpu.dma_semaphore, #tpu.memory_space<semaphore_mem>>) src(%dma_wait3A_389 : memref<10000x128xf32, #tpu.memory_space<hbm>>) dst(%arg8 : memref<125x128xf32, #tpu.memory_space<vmem>>)
      %run_scoped3A_390 = arith.constant 22 : i32
      "tpu.region"() ({
        %run_scoped3A_639 = tpu.sem_alloc : memref<!tpu.dma_semaphore, #tpu.memory_space<semaphore_mem>>
        %dma_start3A_640 = arith.constant 0 : i32
        %dma_start3A_641 = tpu.memref_slice %arg7[%run_scoped3A_390, %dma_start3A_640] : memref<40x125xi32, #tpu.memory_space<vmem>> -> memref<1x125xi32, #tpu.memory_space<vmem>>
        %dma_start3A_642 = tpu.memref_squeeze %dma_start3A_641 : memref<1x125xi32, #tpu.memory_space<vmem>> -> memref<125xi32, #tpu.memory_space<vmem>>
        %dma_start3A_643 = arith.constant 0 : i32
        %dma_start3A_644 = arith.constant 0 : i32
        %dma_start3A_645 = tpu.memref_slice %arg10[%dma_start3A_643, %dma_start3A_644] : memref<10000x128xf32, #tpu.memory_space<vmem_shared>> -> memref<10000x128xf32, #tpu.memory_space<vmem_shared>>
        tpu.enqueue_indirect_dma source(%arg8 : memref<125x128xf32, #tpu.memory_space<vmem>>) target(%dma_start3A_645 : memref<10000x128xf32, #tpu.memory_space<vmem_shared>>) offsets(%dma_start3A_642 : memref<125xi32, #tpu.memory_space<vmem>>) semaphore(%run_scoped3A_639 : memref<!tpu.dma_semaphore, #tpu.memory_space<semaphore_mem>>) {add = true}
        %dma_wait3A_646 = arith.constant 0 : i32
        %dma_wait3A_647 = tpu.memref_slice %arg7[%run_scoped3A_390, %dma_wait3A_646] : memref<40x125xi32, #tpu.memory_space<vmem>> -> memref<1x125xi32, #tpu.memory_space<vmem>>
        %dma_wait3A_648 = tpu.memref_squeeze %dma_wait3A_647 : memref<1x125xi32, #tpu.memory_space<vmem>> -> memref<125xi32, #tpu.memory_space<vmem>>
        %dma_wait3A_649 = arith.constant 0 : i32
        %dma_wait3A_650 = arith.constant 0 : i32
        %dma_wait3A_651 = tpu.memref_slice %arg10[%dma_wait3A_649, %dma_wait3A_650] : memref<10000x128xf32, #tpu.memory_space<vmem_shared>> -> memref<10000x128xf32, #tpu.memory_space<vmem_shared>>
        tpu.wait_indirect_dma semaphore(%run_scoped3A_639 : memref<!tpu.dma_semaphore, #tpu.memory_space<semaphore_mem>>) src(%arg8 : memref<125x128xf32, #tpu.memory_space<vmem>>) dst(%dma_wait3A_651 : memref<10000x128xf32, #tpu.memory_space<vmem_shared>>)
        tpu.yield
      }) : () -> ()
      %dma_start3A_391 = arith.constant 24 : i32
      %dma_start3A_392 = arith.constant 0 : i32
      %dma_start3A_393 = tpu.memref_slice %arg6[%dma_start3A_391, %dma_start3A_392] : memref<40x125xi32, #tpu.memory_space<vmem>> -> memref<1x125xi32, #tpu.memory_space<vmem>>
      %dma_start3A_394 = tpu.memref_squeeze %dma_start3A_393 : memref<1x125xi32, #tpu.memory_space<vmem>> -> memref<125xi32, #tpu.memory_space<vmem>>
      %dma_start3A_395 = arith.constant 0 : i32
      %dma_start3A_396 = arith.constant 0 : i32
      %dma_start3A_397 = tpu.memref_slice %arg2[%dma_start3A_395, %dma_start3A_396] : memref<10000x128xf32, #tpu.memory_space<hbm>> -> memref<10000x128xf32, #tpu.memory_space<hbm>>
      tpu.enqueue_indirect_dma source(%dma_start3A_397 : memref<10000x128xf32, #tpu.memory_space<hbm>>) target(%arg8 : memref<125x128xf32, #tpu.memory_space<vmem>>) offsets(%dma_start3A_394 : memref<125xi32, #tpu.memory_space<vmem>>) semaphore(%arg11 : memref<!tpu.dma_semaphore, #tpu.memory_space<semaphore_mem>>)
      %dma_wait3A_398 = arith.constant 23 : i32
      %dma_wait3A_399 = arith.constant 0 : i32
      %dma_wait3A_400 = tpu.memref_slice %arg6[%dma_wait3A_398, %dma_wait3A_399] : memref<40x125xi32, #tpu.memory_space<vmem>> -> memref<1x125xi32, #tpu.memory_space<vmem>>
      %dma_wait3A_401 = tpu.memref_squeeze %dma_wait3A_400 : memref<1x125xi32, #tpu.memory_space<vmem>> -> memref<125xi32, #tpu.memory_space<vmem>>
      %dma_wait3A_402 = arith.constant 0 : i32
      %dma_wait3A_403 = arith.constant 0 : i32
      %dma_wait3A_404 = tpu.memref_slice %arg2[%dma_wait3A_402, %dma_wait3A_403] : memref<10000x128xf32, #tpu.memory_space<hbm>> -> memref<10000x128xf32, #tpu.memory_space<hbm>>
      tpu.wait_indirect_dma semaphore(%arg12 : memref<!tpu.dma_semaphore, #tpu.memory_space<semaphore_mem>>) src(%dma_wait3A_404 : memref<10000x128xf32, #tpu.memory_space<hbm>>) dst(%arg9 : memref<125x128xf32, #tpu.memory_space<vmem>>)
      %run_scoped3A_405 = arith.constant 23 : i32
      "tpu.region"() ({
        %run_scoped3A_639 = tpu.sem_alloc : memref<!tpu.dma_semaphore, #tpu.memory_space<semaphore_mem>>
        %dma_start3A_640 = arith.constant 0 : i32
        %dma_start3A_641 = tpu.memref_slice %arg7[%run_scoped3A_405, %dma_start3A_640] : memref<40x125xi32, #tpu.memory_space<vmem>> -> memref<1x125xi32, #tpu.memory_space<vmem>>
        %dma_start3A_642 = tpu.memref_squeeze %dma_start3A_641 : memref<1x125xi32, #tpu.memory_space<vmem>> -> memref<125xi32, #tpu.memory_space<vmem>>
        %dma_start3A_643 = arith.constant 0 : i32
        %dma_start3A_644 = arith.constant 0 : i32
        %dma_start3A_645 = tpu.memref_slice %arg10[%dma_start3A_643, %dma_start3A_644] : memref<10000x128xf32, #tpu.memory_space<vmem_shared>> -> memref<10000x128xf32, #tpu.memory_space<vmem_shared>>
        tpu.enqueue_indirect_dma source(%arg9 : memref<125x128xf32, #tpu.memory_space<vmem>>) target(%dma_start3A_645 : memref<10000x128xf32, #tpu.memory_space<vmem_shared>>) offsets(%dma_start3A_642 : memref<125xi32, #tpu.memory_space<vmem>>) semaphore(%run_scoped3A_639 : memref<!tpu.dma_semaphore, #tpu.memory_space<semaphore_mem>>) {add = true}
        %dma_wait3A_646 = arith.constant 0 : i32
        %dma_wait3A_647 = tpu.memref_slice %arg7[%run_scoped3A_405, %dma_wait3A_646] : memref<40x125xi32, #tpu.memory_space<vmem>> -> memref<1x125xi32, #tpu.memory_space<vmem>>
        %dma_wait3A_648 = tpu.memref_squeeze %dma_wait3A_647 : memref<1x125xi32, #tpu.memory_space<vmem>> -> memref<125xi32, #tpu.memory_space<vmem>>
        %dma_wait3A_649 = arith.constant 0 : i32
        %dma_wait3A_650 = arith.constant 0 : i32
        %dma_wait3A_651 = tpu.memref_slice %arg10[%dma_wait3A_649, %dma_wait3A_650] : memref<10000x128xf32, #tpu.memory_space<vmem_shared>> -> memref<10000x128xf32, #tpu.memory_space<vmem_shared>>
        tpu.wait_indirect_dma semaphore(%run_scoped3A_639 : memref<!tpu.dma_semaphore, #tpu.memory_space<semaphore_mem>>) src(%arg9 : memref<125x128xf32, #tpu.memory_space<vmem>>) dst(%dma_wait3A_651 : memref<10000x128xf32, #tpu.memory_space<vmem_shared>>)
        tpu.yield
      }) : () -> ()
      %dma_start3A_406 = arith.constant 25 : i32
      %dma_start3A_407 = arith.constant 0 : i32
      %dma_start3A_408 = tpu.memref_slice %arg6[%dma_start3A_406, %dma_start3A_407] : memref<40x125xi32, #tpu.memory_space<vmem>> -> memref<1x125xi32, #tpu.memory_space<vmem>>
      %dma_start3A_409 = tpu.memref_squeeze %dma_start3A_408 : memref<1x125xi32, #tpu.memory_space<vmem>> -> memref<125xi32, #tpu.memory_space<vmem>>
      %dma_start3A_410 = arith.constant 0 : i32
      %dma_start3A_411 = arith.constant 0 : i32
      %dma_start3A_412 = tpu.memref_slice %arg2[%dma_start3A_410, %dma_start3A_411] : memref<10000x128xf32, #tpu.memory_space<hbm>> -> memref<10000x128xf32, #tpu.memory_space<hbm>>
      tpu.enqueue_indirect_dma source(%dma_start3A_412 : memref<10000x128xf32, #tpu.memory_space<hbm>>) target(%arg9 : memref<125x128xf32, #tpu.memory_space<vmem>>) offsets(%dma_start3A_409 : memref<125xi32, #tpu.memory_space<vmem>>) semaphore(%arg12 : memref<!tpu.dma_semaphore, #tpu.memory_space<semaphore_mem>>)
      %dma_wait3A_413 = arith.constant 24 : i32
      %dma_wait3A_414 = arith.constant 0 : i32
      %dma_wait3A_415 = tpu.memref_slice %arg6[%dma_wait3A_413, %dma_wait3A_414] : memref<40x125xi32, #tpu.memory_space<vmem>> -> memref<1x125xi32, #tpu.memory_space<vmem>>
      %dma_wait3A_416 = tpu.memref_squeeze %dma_wait3A_415 : memref<1x125xi32, #tpu.memory_space<vmem>> -> memref<125xi32, #tpu.memory_space<vmem>>
      %dma_wait3A_417 = arith.constant 0 : i32
      %dma_wait3A_418 = arith.constant 0 : i32
      %dma_wait3A_419 = tpu.memref_slice %arg2[%dma_wait3A_417, %dma_wait3A_418] : memref<10000x128xf32, #tpu.memory_space<hbm>> -> memref<10000x128xf32, #tpu.memory_space<hbm>>
      tpu.wait_indirect_dma semaphore(%arg11 : memref<!tpu.dma_semaphore, #tpu.memory_space<semaphore_mem>>) src(%dma_wait3A_419 : memref<10000x128xf32, #tpu.memory_space<hbm>>) dst(%arg8 : memref<125x128xf32, #tpu.memory_space<vmem>>)
      %run_scoped3A_420 = arith.constant 24 : i32
      "tpu.region"() ({
        %run_scoped3A_639 = tpu.sem_alloc : memref<!tpu.dma_semaphore, #tpu.memory_space<semaphore_mem>>
        %dma_start3A_640 = arith.constant 0 : i32
        %dma_start3A_641 = tpu.memref_slice %arg7[%run_scoped3A_420, %dma_start3A_640] : memref<40x125xi32, #tpu.memory_space<vmem>> -> memref<1x125xi32, #tpu.memory_space<vmem>>
        %dma_start3A_642 = tpu.memref_squeeze %dma_start3A_641 : memref<1x125xi32, #tpu.memory_space<vmem>> -> memref<125xi32, #tpu.memory_space<vmem>>
        %dma_start3A_643 = arith.constant 0 : i32
        %dma_start3A_644 = arith.constant 0 : i32
        %dma_start3A_645 = tpu.memref_slice %arg10[%dma_start3A_643, %dma_start3A_644] : memref<10000x128xf32, #tpu.memory_space<vmem_shared>> -> memref<10000x128xf32, #tpu.memory_space<vmem_shared>>
        tpu.enqueue_indirect_dma source(%arg8 : memref<125x128xf32, #tpu.memory_space<vmem>>) target(%dma_start3A_645 : memref<10000x128xf32, #tpu.memory_space<vmem_shared>>) offsets(%dma_start3A_642 : memref<125xi32, #tpu.memory_space<vmem>>) semaphore(%run_scoped3A_639 : memref<!tpu.dma_semaphore, #tpu.memory_space<semaphore_mem>>) {add = true}
        %dma_wait3A_646 = arith.constant 0 : i32
        %dma_wait3A_647 = tpu.memref_slice %arg7[%run_scoped3A_420, %dma_wait3A_646] : memref<40x125xi32, #tpu.memory_space<vmem>> -> memref<1x125xi32, #tpu.memory_space<vmem>>
        %dma_wait3A_648 = tpu.memref_squeeze %dma_wait3A_647 : memref<1x125xi32, #tpu.memory_space<vmem>> -> memref<125xi32, #tpu.memory_space<vmem>>
        %dma_wait3A_649 = arith.constant 0 : i32
        %dma_wait3A_650 = arith.constant 0 : i32
        %dma_wait3A_651 = tpu.memref_slice %arg10[%dma_wait3A_649, %dma_wait3A_650] : memref<10000x128xf32, #tpu.memory_space<vmem_shared>> -> memref<10000x128xf32, #tpu.memory_space<vmem_shared>>
        tpu.wait_indirect_dma semaphore(%run_scoped3A_639 : memref<!tpu.dma_semaphore, #tpu.memory_space<semaphore_mem>>) src(%arg8 : memref<125x128xf32, #tpu.memory_space<vmem>>) dst(%dma_wait3A_651 : memref<10000x128xf32, #tpu.memory_space<vmem_shared>>)
        tpu.yield
      }) : () -> ()
      %dma_start3A_421 = arith.constant 26 : i32
      %dma_start3A_422 = arith.constant 0 : i32
      %dma_start3A_423 = tpu.memref_slice %arg6[%dma_start3A_421, %dma_start3A_422] : memref<40x125xi32, #tpu.memory_space<vmem>> -> memref<1x125xi32, #tpu.memory_space<vmem>>
      %dma_start3A_424 = tpu.memref_squeeze %dma_start3A_423 : memref<1x125xi32, #tpu.memory_space<vmem>> -> memref<125xi32, #tpu.memory_space<vmem>>
      %dma_start3A_425 = arith.constant 0 : i32
      %dma_start3A_426 = arith.constant 0 : i32
      %dma_start3A_427 = tpu.memref_slice %arg2[%dma_start3A_425, %dma_start3A_426] : memref<10000x128xf32, #tpu.memory_space<hbm>> -> memref<10000x128xf32, #tpu.memory_space<hbm>>
      tpu.enqueue_indirect_dma source(%dma_start3A_427 : memref<10000x128xf32, #tpu.memory_space<hbm>>) target(%arg8 : memref<125x128xf32, #tpu.memory_space<vmem>>) offsets(%dma_start3A_424 : memref<125xi32, #tpu.memory_space<vmem>>) semaphore(%arg11 : memref<!tpu.dma_semaphore, #tpu.memory_space<semaphore_mem>>)
      %dma_wait3A_428 = arith.constant 25 : i32
      %dma_wait3A_429 = arith.constant 0 : i32
      %dma_wait3A_430 = tpu.memref_slice %arg6[%dma_wait3A_428, %dma_wait3A_429] : memref<40x125xi32, #tpu.memory_space<vmem>> -> memref<1x125xi32, #tpu.memory_space<vmem>>
      %dma_wait3A_431 = tpu.memref_squeeze %dma_wait3A_430 : memref<1x125xi32, #tpu.memory_space<vmem>> -> memref<125xi32, #tpu.memory_space<vmem>>
      %dma_wait3A_432 = arith.constant 0 : i32
      %dma_wait3A_433 = arith.constant 0 : i32
      %dma_wait3A_434 = tpu.memref_slice %arg2[%dma_wait3A_432, %dma_wait3A_433] : memref<10000x128xf32, #tpu.memory_space<hbm>> -> memref<10000x128xf32, #tpu.memory_space<hbm>>
      tpu.wait_indirect_dma semaphore(%arg12 : memref<!tpu.dma_semaphore, #tpu.memory_space<semaphore_mem>>) src(%dma_wait3A_434 : memref<10000x128xf32, #tpu.memory_space<hbm>>) dst(%arg9 : memref<125x128xf32, #tpu.memory_space<vmem>>)
      %run_scoped3A_435 = arith.constant 25 : i32
      "tpu.region"() ({
        %run_scoped3A_639 = tpu.sem_alloc : memref<!tpu.dma_semaphore, #tpu.memory_space<semaphore_mem>>
        %dma_start3A_640 = arith.constant 0 : i32
        %dma_start3A_641 = tpu.memref_slice %arg7[%run_scoped3A_435, %dma_start3A_640] : memref<40x125xi32, #tpu.memory_space<vmem>> -> memref<1x125xi32, #tpu.memory_space<vmem>>
        %dma_start3A_642 = tpu.memref_squeeze %dma_start3A_641 : memref<1x125xi32, #tpu.memory_space<vmem>> -> memref<125xi32, #tpu.memory_space<vmem>>
        %dma_start3A_643 = arith.constant 0 : i32
        %dma_start3A_644 = arith.constant 0 : i32
        %dma_start3A_645 = tpu.memref_slice %arg10[%dma_start3A_643, %dma_start3A_644] : memref<10000x128xf32, #tpu.memory_space<vmem_shared>> -> memref<10000x128xf32, #tpu.memory_space<vmem_shared>>
        tpu.enqueue_indirect_dma source(%arg9 : memref<125x128xf32, #tpu.memory_space<vmem>>) target(%dma_start3A_645 : memref<10000x128xf32, #tpu.memory_space<vmem_shared>>) offsets(%dma_start3A_642 : memref<125xi32, #tpu.memory_space<vmem>>) semaphore(%run_scoped3A_639 : memref<!tpu.dma_semaphore, #tpu.memory_space<semaphore_mem>>) {add = true}
        %dma_wait3A_646 = arith.constant 0 : i32
        %dma_wait3A_647 = tpu.memref_slice %arg7[%run_scoped3A_435, %dma_wait3A_646] : memref<40x125xi32, #tpu.memory_space<vmem>> -> memref<1x125xi32, #tpu.memory_space<vmem>>
        %dma_wait3A_648 = tpu.memref_squeeze %dma_wait3A_647 : memref<1x125xi32, #tpu.memory_space<vmem>> -> memref<125xi32, #tpu.memory_space<vmem>>
        %dma_wait3A_649 = arith.constant 0 : i32
        %dma_wait3A_650 = arith.constant 0 : i32
        %dma_wait3A_651 = tpu.memref_slice %arg10[%dma_wait3A_649, %dma_wait3A_650] : memref<10000x128xf32, #tpu.memory_space<vmem_shared>> -> memref<10000x128xf32, #tpu.memory_space<vmem_shared>>
        tpu.wait_indirect_dma semaphore(%run_scoped3A_639 : memref<!tpu.dma_semaphore, #tpu.memory_space<semaphore_mem>>) src(%arg9 : memref<125x128xf32, #tpu.memory_space<vmem>>) dst(%dma_wait3A_651 : memref<10000x128xf32, #tpu.memory_space<vmem_shared>>)
        tpu.yield
      }) : () -> ()
      %dma_start3A_436 = arith.constant 27 : i32
      %dma_start3A_437 = arith.constant 0 : i32
      %dma_start3A_438 = tpu.memref_slice %arg6[%dma_start3A_436, %dma_start3A_437] : memref<40x125xi32, #tpu.memory_space<vmem>> -> memref<1x125xi32, #tpu.memory_space<vmem>>
      %dma_start3A_439 = tpu.memref_squeeze %dma_start3A_438 : memref<1x125xi32, #tpu.memory_space<vmem>> -> memref<125xi32, #tpu.memory_space<vmem>>
      %dma_start3A_440 = arith.constant 0 : i32
      %dma_start3A_441 = arith.constant 0 : i32
      %dma_start3A_442 = tpu.memref_slice %arg2[%dma_start3A_440, %dma_start3A_441] : memref<10000x128xf32, #tpu.memory_space<hbm>> -> memref<10000x128xf32, #tpu.memory_space<hbm>>
      tpu.enqueue_indirect_dma source(%dma_start3A_442 : memref<10000x128xf32, #tpu.memory_space<hbm>>) target(%arg9 : memref<125x128xf32, #tpu.memory_space<vmem>>) offsets(%dma_start3A_439 : memref<125xi32, #tpu.memory_space<vmem>>) semaphore(%arg12 : memref<!tpu.dma_semaphore, #tpu.memory_space<semaphore_mem>>)
      %dma_wait3A_443 = arith.constant 26 : i32
      %dma_wait3A_444 = arith.constant 0 : i32
      %dma_wait3A_445 = tpu.memref_slice %arg6[%dma_wait3A_443, %dma_wait3A_444] : memref<40x125xi32, #tpu.memory_space<vmem>> -> memref<1x125xi32, #tpu.memory_space<vmem>>
      %dma_wait3A_446 = tpu.memref_squeeze %dma_wait3A_445 : memref<1x125xi32, #tpu.memory_space<vmem>> -> memref<125xi32, #tpu.memory_space<vmem>>
      %dma_wait3A_447 = arith.constant 0 : i32
      %dma_wait3A_448 = arith.constant 0 : i32
      %dma_wait3A_449 = tpu.memref_slice %arg2[%dma_wait3A_447, %dma_wait3A_448] : memref<10000x128xf32, #tpu.memory_space<hbm>> -> memref<10000x128xf32, #tpu.memory_space<hbm>>
      tpu.wait_indirect_dma semaphore(%arg11 : memref<!tpu.dma_semaphore, #tpu.memory_space<semaphore_mem>>) src(%dma_wait3A_449 : memref<10000x128xf32, #tpu.memory_space<hbm>>) dst(%arg8 : memref<125x128xf32, #tpu.memory_space<vmem>>)
      %run_scoped3A_450 = arith.constant 26 : i32
      "tpu.region"() ({
        %run_scoped3A_639 = tpu.sem_alloc : memref<!tpu.dma_semaphore, #tpu.memory_space<semaphore_mem>>
        %dma_start3A_640 = arith.constant 0 : i32
        %dma_start3A_641 = tpu.memref_slice %arg7[%run_scoped3A_450, %dma_start3A_640] : memref<40x125xi32, #tpu.memory_space<vmem>> -> memref<1x125xi32, #tpu.memory_space<vmem>>
        %dma_start3A_642 = tpu.memref_squeeze %dma_start3A_641 : memref<1x125xi32, #tpu.memory_space<vmem>> -> memref<125xi32, #tpu.memory_space<vmem>>
        %dma_start3A_643 = arith.constant 0 : i32
        %dma_start3A_644 = arith.constant 0 : i32
        %dma_start3A_645 = tpu.memref_slice %arg10[%dma_start3A_643, %dma_start3A_644] : memref<10000x128xf32, #tpu.memory_space<vmem_shared>> -> memref<10000x128xf32, #tpu.memory_space<vmem_shared>>
        tpu.enqueue_indirect_dma source(%arg8 : memref<125x128xf32, #tpu.memory_space<vmem>>) target(%dma_start3A_645 : memref<10000x128xf32, #tpu.memory_space<vmem_shared>>) offsets(%dma_start3A_642 : memref<125xi32, #tpu.memory_space<vmem>>) semaphore(%run_scoped3A_639 : memref<!tpu.dma_semaphore, #tpu.memory_space<semaphore_mem>>) {add = true}
        %dma_wait3A_646 = arith.constant 0 : i32
        %dma_wait3A_647 = tpu.memref_slice %arg7[%run_scoped3A_450, %dma_wait3A_646] : memref<40x125xi32, #tpu.memory_space<vmem>> -> memref<1x125xi32, #tpu.memory_space<vmem>>
        %dma_wait3A_648 = tpu.memref_squeeze %dma_wait3A_647 : memref<1x125xi32, #tpu.memory_space<vmem>> -> memref<125xi32, #tpu.memory_space<vmem>>
        %dma_wait3A_649 = arith.constant 0 : i32
        %dma_wait3A_650 = arith.constant 0 : i32
        %dma_wait3A_651 = tpu.memref_slice %arg10[%dma_wait3A_649, %dma_wait3A_650] : memref<10000x128xf32, #tpu.memory_space<vmem_shared>> -> memref<10000x128xf32, #tpu.memory_space<vmem_shared>>
        tpu.wait_indirect_dma semaphore(%run_scoped3A_639 : memref<!tpu.dma_semaphore, #tpu.memory_space<semaphore_mem>>) src(%arg8 : memref<125x128xf32, #tpu.memory_space<vmem>>) dst(%dma_wait3A_651 : memref<10000x128xf32, #tpu.memory_space<vmem_shared>>)
        tpu.yield
      }) : () -> ()
      %dma_start3A_451 = arith.constant 28 : i32
      %dma_start3A_452 = arith.constant 0 : i32
      %dma_start3A_453 = tpu.memref_slice %arg6[%dma_start3A_451, %dma_start3A_452] : memref<40x125xi32, #tpu.memory_space<vmem>> -> memref<1x125xi32, #tpu.memory_space<vmem>>
      %dma_start3A_454 = tpu.memref_squeeze %dma_start3A_453 : memref<1x125xi32, #tpu.memory_space<vmem>> -> memref<125xi32, #tpu.memory_space<vmem>>
      %dma_start3A_455 = arith.constant 0 : i32
      %dma_start3A_456 = arith.constant 0 : i32
      %dma_start3A_457 = tpu.memref_slice %arg2[%dma_start3A_455, %dma_start3A_456] : memref<10000x128xf32, #tpu.memory_space<hbm>> -> memref<10000x128xf32, #tpu.memory_space<hbm>>
      tpu.enqueue_indirect_dma source(%dma_start3A_457 : memref<10000x128xf32, #tpu.memory_space<hbm>>) target(%arg8 : memref<125x128xf32, #tpu.memory_space<vmem>>) offsets(%dma_start3A_454 : memref<125xi32, #tpu.memory_space<vmem>>) semaphore(%arg11 : memref<!tpu.dma_semaphore, #tpu.memory_space<semaphore_mem>>)
      %dma_wait3A_458 = arith.constant 27 : i32
      %dma_wait3A_459 = arith.constant 0 : i32
      %dma_wait3A_460 = tpu.memref_slice %arg6[%dma_wait3A_458, %dma_wait3A_459] : memref<40x125xi32, #tpu.memory_space<vmem>> -> memref<1x125xi32, #tpu.memory_space<vmem>>
      %dma_wait3A_461 = tpu.memref_squeeze %dma_wait3A_460 : memref<1x125xi32, #tpu.memory_space<vmem>> -> memref<125xi32, #tpu.memory_space<vmem>>
      %dma_wait3A_462 = arith.constant 0 : i32
      %dma_wait3A_463 = arith.constant 0 : i32
      %dma_wait3A_464 = tpu.memref_slice %arg2[%dma_wait3A_462, %dma_wait3A_463] : memref<10000x128xf32, #tpu.memory_space<hbm>> -> memref<10000x128xf32, #tpu.memory_space<hbm>>
      tpu.wait_indirect_dma semaphore(%arg12 : memref<!tpu.dma_semaphore, #tpu.memory_space<semaphore_mem>>) src(%dma_wait3A_464 : memref<10000x128xf32, #tpu.memory_space<hbm>>) dst(%arg9 : memref<125x128xf32, #tpu.memory_space<vmem>>)
      %run_scoped3A_465 = arith.constant 27 : i32
      "tpu.region"() ({
        %run_scoped3A_639 = tpu.sem_alloc : memref<!tpu.dma_semaphore, #tpu.memory_space<semaphore_mem>>
        %dma_start3A_640 = arith.constant 0 : i32
        %dma_start3A_641 = tpu.memref_slice %arg7[%run_scoped3A_465, %dma_start3A_640] : memref<40x125xi32, #tpu.memory_space<vmem>> -> memref<1x125xi32, #tpu.memory_space<vmem>>
        %dma_start3A_642 = tpu.memref_squeeze %dma_start3A_641 : memref<1x125xi32, #tpu.memory_space<vmem>> -> memref<125xi32, #tpu.memory_space<vmem>>
        %dma_start3A_643 = arith.constant 0 : i32
        %dma_start3A_644 = arith.constant 0 : i32
        %dma_start3A_645 = tpu.memref_slice %arg10[%dma_start3A_643, %dma_start3A_644] : memref<10000x128xf32, #tpu.memory_space<vmem_shared>> -> memref<10000x128xf32, #tpu.memory_space<vmem_shared>>
        tpu.enqueue_indirect_dma source(%arg9 : memref<125x128xf32, #tpu.memory_space<vmem>>) target(%dma_start3A_645 : memref<10000x128xf32, #tpu.memory_space<vmem_shared>>) offsets(%dma_start3A_642 : memref<125xi32, #tpu.memory_space<vmem>>) semaphore(%run_scoped3A_639 : memref<!tpu.dma_semaphore, #tpu.memory_space<semaphore_mem>>) {add = true}
        %dma_wait3A_646 = arith.constant 0 : i32
        %dma_wait3A_647 = tpu.memref_slice %arg7[%run_scoped3A_465, %dma_wait3A_646] : memref<40x125xi32, #tpu.memory_space<vmem>> -> memref<1x125xi32, #tpu.memory_space<vmem>>
        %dma_wait3A_648 = tpu.memref_squeeze %dma_wait3A_647 : memref<1x125xi32, #tpu.memory_space<vmem>> -> memref<125xi32, #tpu.memory_space<vmem>>
        %dma_wait3A_649 = arith.constant 0 : i32
        %dma_wait3A_650 = arith.constant 0 : i32
        %dma_wait3A_651 = tpu.memref_slice %arg10[%dma_wait3A_649, %dma_wait3A_650] : memref<10000x128xf32, #tpu.memory_space<vmem_shared>> -> memref<10000x128xf32, #tpu.memory_space<vmem_shared>>
        tpu.wait_indirect_dma semaphore(%run_scoped3A_639 : memref<!tpu.dma_semaphore, #tpu.memory_space<semaphore_mem>>) src(%arg9 : memref<125x128xf32, #tpu.memory_space<vmem>>) dst(%dma_wait3A_651 : memref<10000x128xf32, #tpu.memory_space<vmem_shared>>)
        tpu.yield
      }) : () -> ()
      %dma_start3A_466 = arith.constant 29 : i32
      %dma_start3A_467 = arith.constant 0 : i32
      %dma_start3A_468 = tpu.memref_slice %arg6[%dma_start3A_466, %dma_start3A_467] : memref<40x125xi32, #tpu.memory_space<vmem>> -> memref<1x125xi32, #tpu.memory_space<vmem>>
      %dma_start3A_469 = tpu.memref_squeeze %dma_start3A_468 : memref<1x125xi32, #tpu.memory_space<vmem>> -> memref<125xi32, #tpu.memory_space<vmem>>
      %dma_start3A_470 = arith.constant 0 : i32
      %dma_start3A_471 = arith.constant 0 : i32
      %dma_start3A_472 = tpu.memref_slice %arg2[%dma_start3A_470, %dma_start3A_471] : memref<10000x128xf32, #tpu.memory_space<hbm>> -> memref<10000x128xf32, #tpu.memory_space<hbm>>
      tpu.enqueue_indirect_dma source(%dma_start3A_472 : memref<10000x128xf32, #tpu.memory_space<hbm>>) target(%arg9 : memref<125x128xf32, #tpu.memory_space<vmem>>) offsets(%dma_start3A_469 : memref<125xi32, #tpu.memory_space<vmem>>) semaphore(%arg12 : memref<!tpu.dma_semaphore, #tpu.memory_space<semaphore_mem>>)
      %dma_wait3A_473 = arith.constant 28 : i32
      %dma_wait3A_474 = arith.constant 0 : i32
      %dma_wait3A_475 = tpu.memref_slice %arg6[%dma_wait3A_473, %dma_wait3A_474] : memref<40x125xi32, #tpu.memory_space<vmem>> -> memref<1x125xi32, #tpu.memory_space<vmem>>
      %dma_wait3A_476 = tpu.memref_squeeze %dma_wait3A_475 : memref<1x125xi32, #tpu.memory_space<vmem>> -> memref<125xi32, #tpu.memory_space<vmem>>
      %dma_wait3A_477 = arith.constant 0 : i32
      %dma_wait3A_478 = arith.constant 0 : i32
      %dma_wait3A_479 = tpu.memref_slice %arg2[%dma_wait3A_477, %dma_wait3A_478] : memref<10000x128xf32, #tpu.memory_space<hbm>> -> memref<10000x128xf32, #tpu.memory_space<hbm>>
      tpu.wait_indirect_dma semaphore(%arg11 : memref<!tpu.dma_semaphore, #tpu.memory_space<semaphore_mem>>) src(%dma_wait3A_479 : memref<10000x128xf32, #tpu.memory_space<hbm>>) dst(%arg8 : memref<125x128xf32, #tpu.memory_space<vmem>>)
      %run_scoped3A_480 = arith.constant 28 : i32
      "tpu.region"() ({
        %run_scoped3A_639 = tpu.sem_alloc : memref<!tpu.dma_semaphore, #tpu.memory_space<semaphore_mem>>
        %dma_start3A_640 = arith.constant 0 : i32
        %dma_start3A_641 = tpu.memref_slice %arg7[%run_scoped3A_480, %dma_start3A_640] : memref<40x125xi32, #tpu.memory_space<vmem>> -> memref<1x125xi32, #tpu.memory_space<vmem>>
        %dma_start3A_642 = tpu.memref_squeeze %dma_start3A_641 : memref<1x125xi32, #tpu.memory_space<vmem>> -> memref<125xi32, #tpu.memory_space<vmem>>
        %dma_start3A_643 = arith.constant 0 : i32
        %dma_start3A_644 = arith.constant 0 : i32
        %dma_start3A_645 = tpu.memref_slice %arg10[%dma_start3A_643, %dma_start3A_644] : memref<10000x128xf32, #tpu.memory_space<vmem_shared>> -> memref<10000x128xf32, #tpu.memory_space<vmem_shared>>
        tpu.enqueue_indirect_dma source(%arg8 : memref<125x128xf32, #tpu.memory_space<vmem>>) target(%dma_start3A_645 : memref<10000x128xf32, #tpu.memory_space<vmem_shared>>) offsets(%dma_start3A_642 : memref<125xi32, #tpu.memory_space<vmem>>) semaphore(%run_scoped3A_639 : memref<!tpu.dma_semaphore, #tpu.memory_space<semaphore_mem>>) {add = true}
        %dma_wait3A_646 = arith.constant 0 : i32
        %dma_wait3A_647 = tpu.memref_slice %arg7[%run_scoped3A_480, %dma_wait3A_646] : memref<40x125xi32, #tpu.memory_space<vmem>> -> memref<1x125xi32, #tpu.memory_space<vmem>>
        %dma_wait3A_648 = tpu.memref_squeeze %dma_wait3A_647 : memref<1x125xi32, #tpu.memory_space<vmem>> -> memref<125xi32, #tpu.memory_space<vmem>>
        %dma_wait3A_649 = arith.constant 0 : i32
        %dma_wait3A_650 = arith.constant 0 : i32
        %dma_wait3A_651 = tpu.memref_slice %arg10[%dma_wait3A_649, %dma_wait3A_650] : memref<10000x128xf32, #tpu.memory_space<vmem_shared>> -> memref<10000x128xf32, #tpu.memory_space<vmem_shared>>
        tpu.wait_indirect_dma semaphore(%run_scoped3A_639 : memref<!tpu.dma_semaphore, #tpu.memory_space<semaphore_mem>>) src(%arg8 : memref<125x128xf32, #tpu.memory_space<vmem>>) dst(%dma_wait3A_651 : memref<10000x128xf32, #tpu.memory_space<vmem_shared>>)
        tpu.yield
      }) : () -> ()
      %dma_start3A_481 = arith.constant 30 : i32
      %dma_start3A_482 = arith.constant 0 : i32
      %dma_start3A_483 = tpu.memref_slice %arg6[%dma_start3A_481, %dma_start3A_482] : memref<40x125xi32, #tpu.memory_space<vmem>> -> memref<1x125xi32, #tpu.memory_space<vmem>>
      %dma_start3A_484 = tpu.memref_squeeze %dma_start3A_483 : memref<1x125xi32, #tpu.memory_space<vmem>> -> memref<125xi32, #tpu.memory_space<vmem>>
      %dma_start3A_485 = arith.constant 0 : i32
      %dma_start3A_486 = arith.constant 0 : i32
      %dma_start3A_487 = tpu.memref_slice %arg2[%dma_start3A_485, %dma_start3A_486] : memref<10000x128xf32, #tpu.memory_space<hbm>> -> memref<10000x128xf32, #tpu.memory_space<hbm>>
      tpu.enqueue_indirect_dma source(%dma_start3A_487 : memref<10000x128xf32, #tpu.memory_space<hbm>>) target(%arg8 : memref<125x128xf32, #tpu.memory_space<vmem>>) offsets(%dma_start3A_484 : memref<125xi32, #tpu.memory_space<vmem>>) semaphore(%arg11 : memref<!tpu.dma_semaphore, #tpu.memory_space<semaphore_mem>>)
      %dma_wait3A_488 = arith.constant 29 : i32
      %dma_wait3A_489 = arith.constant 0 : i32
      %dma_wait3A_490 = tpu.memref_slice %arg6[%dma_wait3A_488, %dma_wait3A_489] : memref<40x125xi32, #tpu.memory_space<vmem>> -> memref<1x125xi32, #tpu.memory_space<vmem>>
      %dma_wait3A_491 = tpu.memref_squeeze %dma_wait3A_490 : memref<1x125xi32, #tpu.memory_space<vmem>> -> memref<125xi32, #tpu.memory_space<vmem>>
      %dma_wait3A_492 = arith.constant 0 : i32
      %dma_wait3A_493 = arith.constant 0 : i32
      %dma_wait3A_494 = tpu.memref_slice %arg2[%dma_wait3A_492, %dma_wait3A_493] : memref<10000x128xf32, #tpu.memory_space<hbm>> -> memref<10000x128xf32, #tpu.memory_space<hbm>>
      tpu.wait_indirect_dma semaphore(%arg12 : memref<!tpu.dma_semaphore, #tpu.memory_space<semaphore_mem>>) src(%dma_wait3A_494 : memref<10000x128xf32, #tpu.memory_space<hbm>>) dst(%arg9 : memref<125x128xf32, #tpu.memory_space<vmem>>)
      %run_scoped3A_495 = arith.constant 29 : i32
      "tpu.region"() ({
        %run_scoped3A_639 = tpu.sem_alloc : memref<!tpu.dma_semaphore, #tpu.memory_space<semaphore_mem>>
        %dma_start3A_640 = arith.constant 0 : i32
        %dma_start3A_641 = tpu.memref_slice %arg7[%run_scoped3A_495, %dma_start3A_640] : memref<40x125xi32, #tpu.memory_space<vmem>> -> memref<1x125xi32, #tpu.memory_space<vmem>>
        %dma_start3A_642 = tpu.memref_squeeze %dma_start3A_641 : memref<1x125xi32, #tpu.memory_space<vmem>> -> memref<125xi32, #tpu.memory_space<vmem>>
        %dma_start3A_643 = arith.constant 0 : i32
        %dma_start3A_644 = arith.constant 0 : i32
        %dma_start3A_645 = tpu.memref_slice %arg10[%dma_start3A_643, %dma_start3A_644] : memref<10000x128xf32, #tpu.memory_space<vmem_shared>> -> memref<10000x128xf32, #tpu.memory_space<vmem_shared>>
        tpu.enqueue_indirect_dma source(%arg9 : memref<125x128xf32, #tpu.memory_space<vmem>>) target(%dma_start3A_645 : memref<10000x128xf32, #tpu.memory_space<vmem_shared>>) offsets(%dma_start3A_642 : memref<125xi32, #tpu.memory_space<vmem>>) semaphore(%run_scoped3A_639 : memref<!tpu.dma_semaphore, #tpu.memory_space<semaphore_mem>>) {add = true}
        %dma_wait3A_646 = arith.constant 0 : i32
        %dma_wait3A_647 = tpu.memref_slice %arg7[%run_scoped3A_495, %dma_wait3A_646] : memref<40x125xi32, #tpu.memory_space<vmem>> -> memref<1x125xi32, #tpu.memory_space<vmem>>
        %dma_wait3A_648 = tpu.memref_squeeze %dma_wait3A_647 : memref<1x125xi32, #tpu.memory_space<vmem>> -> memref<125xi32, #tpu.memory_space<vmem>>
        %dma_wait3A_649 = arith.constant 0 : i32
        %dma_wait3A_650 = arith.constant 0 : i32
        %dma_wait3A_651 = tpu.memref_slice %arg10[%dma_wait3A_649, %dma_wait3A_650] : memref<10000x128xf32, #tpu.memory_space<vmem_shared>> -> memref<10000x128xf32, #tpu.memory_space<vmem_shared>>
        tpu.wait_indirect_dma semaphore(%run_scoped3A_639 : memref<!tpu.dma_semaphore, #tpu.memory_space<semaphore_mem>>) src(%arg9 : memref<125x128xf32, #tpu.memory_space<vmem>>) dst(%dma_wait3A_651 : memref<10000x128xf32, #tpu.memory_space<vmem_shared>>)
        tpu.yield
      }) : () -> ()
      %dma_start3A_496 = arith.constant 31 : i32
      %dma_start3A_497 = arith.constant 0 : i32
      %dma_start3A_498 = tpu.memref_slice %arg6[%dma_start3A_496, %dma_start3A_497] : memref<40x125xi32, #tpu.memory_space<vmem>> -> memref<1x125xi32, #tpu.memory_space<vmem>>
      %dma_start3A_499 = tpu.memref_squeeze %dma_start3A_498 : memref<1x125xi32, #tpu.memory_space<vmem>> -> memref<125xi32, #tpu.memory_space<vmem>>
      %dma_start3A_500 = arith.constant 0 : i32
      %dma_start3A_501 = arith.constant 0 : i32
      %dma_start3A_502 = tpu.memref_slice %arg2[%dma_start3A_500, %dma_start3A_501] : memref<10000x128xf32, #tpu.memory_space<hbm>> -> memref<10000x128xf32, #tpu.memory_space<hbm>>
      tpu.enqueue_indirect_dma source(%dma_start3A_502 : memref<10000x128xf32, #tpu.memory_space<hbm>>) target(%arg9 : memref<125x128xf32, #tpu.memory_space<vmem>>) offsets(%dma_start3A_499 : memref<125xi32, #tpu.memory_space<vmem>>) semaphore(%arg12 : memref<!tpu.dma_semaphore, #tpu.memory_space<semaphore_mem>>)
      %dma_wait3A_503 = arith.constant 30 : i32
      %dma_wait3A_504 = arith.constant 0 : i32
      %dma_wait3A_505 = tpu.memref_slice %arg6[%dma_wait3A_503, %dma_wait3A_504] : memref<40x125xi32, #tpu.memory_space<vmem>> -> memref<1x125xi32, #tpu.memory_space<vmem>>
      %dma_wait3A_506 = tpu.memref_squeeze %dma_wait3A_505 : memref<1x125xi32, #tpu.memory_space<vmem>> -> memref<125xi32, #tpu.memory_space<vmem>>
      %dma_wait3A_507 = arith.constant 0 : i32
      %dma_wait3A_508 = arith.constant 0 : i32
      %dma_wait3A_509 = tpu.memref_slice %arg2[%dma_wait3A_507, %dma_wait3A_508] : memref<10000x128xf32, #tpu.memory_space<hbm>> -> memref<10000x128xf32, #tpu.memory_space<hbm>>
      tpu.wait_indirect_dma semaphore(%arg11 : memref<!tpu.dma_semaphore, #tpu.memory_space<semaphore_mem>>) src(%dma_wait3A_509 : memref<10000x128xf32, #tpu.memory_space<hbm>>) dst(%arg8 : memref<125x128xf32, #tpu.memory_space<vmem>>)
      %run_scoped3A_510 = arith.constant 30 : i32
      "tpu.region"() ({
        %run_scoped3A_639 = tpu.sem_alloc : memref<!tpu.dma_semaphore, #tpu.memory_space<semaphore_mem>>
        %dma_start3A_640 = arith.constant 0 : i32
        %dma_start3A_641 = tpu.memref_slice %arg7[%run_scoped3A_510, %dma_start3A_640] : memref<40x125xi32, #tpu.memory_space<vmem>> -> memref<1x125xi32, #tpu.memory_space<vmem>>
        %dma_start3A_642 = tpu.memref_squeeze %dma_start3A_641 : memref<1x125xi32, #tpu.memory_space<vmem>> -> memref<125xi32, #tpu.memory_space<vmem>>
        %dma_start3A_643 = arith.constant 0 : i32
        %dma_start3A_644 = arith.constant 0 : i32
        %dma_start3A_645 = tpu.memref_slice %arg10[%dma_start3A_643, %dma_start3A_644] : memref<10000x128xf32, #tpu.memory_space<vmem_shared>> -> memref<10000x128xf32, #tpu.memory_space<vmem_shared>>
        tpu.enqueue_indirect_dma source(%arg8 : memref<125x128xf32, #tpu.memory_space<vmem>>) target(%dma_start3A_645 : memref<10000x128xf32, #tpu.memory_space<vmem_shared>>) offsets(%dma_start3A_642 : memref<125xi32, #tpu.memory_space<vmem>>) semaphore(%run_scoped3A_639 : memref<!tpu.dma_semaphore, #tpu.memory_space<semaphore_mem>>) {add = true}
        %dma_wait3A_646 = arith.constant 0 : i32
        %dma_wait3A_647 = tpu.memref_slice %arg7[%run_scoped3A_510, %dma_wait3A_646] : memref<40x125xi32, #tpu.memory_space<vmem>> -> memref<1x125xi32, #tpu.memory_space<vmem>>
        %dma_wait3A_648 = tpu.memref_squeeze %dma_wait3A_647 : memref<1x125xi32, #tpu.memory_space<vmem>> -> memref<125xi32, #tpu.memory_space<vmem>>
        %dma_wait3A_649 = arith.constant 0 : i32
        %dma_wait3A_650 = arith.constant 0 : i32
        %dma_wait3A_651 = tpu.memref_slice %arg10[%dma_wait3A_649, %dma_wait3A_650] : memref<10000x128xf32, #tpu.memory_space<vmem_shared>> -> memref<10000x128xf32, #tpu.memory_space<vmem_shared>>
        tpu.wait_indirect_dma semaphore(%run_scoped3A_639 : memref<!tpu.dma_semaphore, #tpu.memory_space<semaphore_mem>>) src(%arg8 : memref<125x128xf32, #tpu.memory_space<vmem>>) dst(%dma_wait3A_651 : memref<10000x128xf32, #tpu.memory_space<vmem_shared>>)
        tpu.yield
      }) : () -> ()
      %dma_start3A_511 = arith.constant 32 : i32
      %dma_start3A_512 = arith.constant 0 : i32
      %dma_start3A_513 = tpu.memref_slice %arg6[%dma_start3A_511, %dma_start3A_512] : memref<40x125xi32, #tpu.memory_space<vmem>> -> memref<1x125xi32, #tpu.memory_space<vmem>>
      %dma_start3A_514 = tpu.memref_squeeze %dma_start3A_513 : memref<1x125xi32, #tpu.memory_space<vmem>> -> memref<125xi32, #tpu.memory_space<vmem>>
      %dma_start3A_515 = arith.constant 0 : i32
      %dma_start3A_516 = arith.constant 0 : i32
      %dma_start3A_517 = tpu.memref_slice %arg2[%dma_start3A_515, %dma_start3A_516] : memref<10000x128xf32, #tpu.memory_space<hbm>> -> memref<10000x128xf32, #tpu.memory_space<hbm>>
      tpu.enqueue_indirect_dma source(%dma_start3A_517 : memref<10000x128xf32, #tpu.memory_space<hbm>>) target(%arg8 : memref<125x128xf32, #tpu.memory_space<vmem>>) offsets(%dma_start3A_514 : memref<125xi32, #tpu.memory_space<vmem>>) semaphore(%arg11 : memref<!tpu.dma_semaphore, #tpu.memory_space<semaphore_mem>>)
      %dma_wait3A_518 = arith.constant 31 : i32
      %dma_wait3A_519 = arith.constant 0 : i32
      %dma_wait3A_520 = tpu.memref_slice %arg6[%dma_wait3A_518, %dma_wait3A_519] : memref<40x125xi32, #tpu.memory_space<vmem>> -> memref<1x125xi32, #tpu.memory_space<vmem>>
      %dma_wait3A_521 = tpu.memref_squeeze %dma_wait3A_520 : memref<1x125xi32, #tpu.memory_space<vmem>> -> memref<125xi32, #tpu.memory_space<vmem>>
      %dma_wait3A_522 = arith.constant 0 : i32
      %dma_wait3A_523 = arith.constant 0 : i32
      %dma_wait3A_524 = tpu.memref_slice %arg2[%dma_wait3A_522, %dma_wait3A_523] : memref<10000x128xf32, #tpu.memory_space<hbm>> -> memref<10000x128xf32, #tpu.memory_space<hbm>>
      tpu.wait_indirect_dma semaphore(%arg12 : memref<!tpu.dma_semaphore, #tpu.memory_space<semaphore_mem>>) src(%dma_wait3A_524 : memref<10000x128xf32, #tpu.memory_space<hbm>>) dst(%arg9 : memref<125x128xf32, #tpu.memory_space<vmem>>)
      %run_scoped3A_525 = arith.constant 31 : i32
      "tpu.region"() ({
        %run_scoped3A_639 = tpu.sem_alloc : memref<!tpu.dma_semaphore, #tpu.memory_space<semaphore_mem>>
        %dma_start3A_640 = arith.constant 0 : i32
        %dma_start3A_641 = tpu.memref_slice %arg7[%run_scoped3A_525, %dma_start3A_640] : memref<40x125xi32, #tpu.memory_space<vmem>> -> memref<1x125xi32, #tpu.memory_space<vmem>>
        %dma_start3A_642 = tpu.memref_squeeze %dma_start3A_641 : memref<1x125xi32, #tpu.memory_space<vmem>> -> memref<125xi32, #tpu.memory_space<vmem>>
        %dma_start3A_643 = arith.constant 0 : i32
        %dma_start3A_644 = arith.constant 0 : i32
        %dma_start3A_645 = tpu.memref_slice %arg10[%dma_start3A_643, %dma_start3A_644] : memref<10000x128xf32, #tpu.memory_space<vmem_shared>> -> memref<10000x128xf32, #tpu.memory_space<vmem_shared>>
        tpu.enqueue_indirect_dma source(%arg9 : memref<125x128xf32, #tpu.memory_space<vmem>>) target(%dma_start3A_645 : memref<10000x128xf32, #tpu.memory_space<vmem_shared>>) offsets(%dma_start3A_642 : memref<125xi32, #tpu.memory_space<vmem>>) semaphore(%run_scoped3A_639 : memref<!tpu.dma_semaphore, #tpu.memory_space<semaphore_mem>>) {add = true}
        %dma_wait3A_646 = arith.constant 0 : i32
        %dma_wait3A_647 = tpu.memref_slice %arg7[%run_scoped3A_525, %dma_wait3A_646] : memref<40x125xi32, #tpu.memory_space<vmem>> -> memref<1x125xi32, #tpu.memory_space<vmem>>
        %dma_wait3A_648 = tpu.memref_squeeze %dma_wait3A_647 : memref<1x125xi32, #tpu.memory_space<vmem>> -> memref<125xi32, #tpu.memory_space<vmem>>
        %dma_wait3A_649 = arith.constant 0 : i32
        %dma_wait3A_650 = arith.constant 0 : i32
        %dma_wait3A_651 = tpu.memref_slice %arg10[%dma_wait3A_649, %dma_wait3A_650] : memref<10000x128xf32, #tpu.memory_space<vmem_shared>> -> memref<10000x128xf32, #tpu.memory_space<vmem_shared>>
        tpu.wait_indirect_dma semaphore(%run_scoped3A_639 : memref<!tpu.dma_semaphore, #tpu.memory_space<semaphore_mem>>) src(%arg9 : memref<125x128xf32, #tpu.memory_space<vmem>>) dst(%dma_wait3A_651 : memref<10000x128xf32, #tpu.memory_space<vmem_shared>>)
        tpu.yield
      }) : () -> ()
      %dma_start3A_526 = arith.constant 33 : i32
      %dma_start3A_527 = arith.constant 0 : i32
      %dma_start3A_528 = tpu.memref_slice %arg6[%dma_start3A_526, %dma_start3A_527] : memref<40x125xi32, #tpu.memory_space<vmem>> -> memref<1x125xi32, #tpu.memory_space<vmem>>
      %dma_start3A_529 = tpu.memref_squeeze %dma_start3A_528 : memref<1x125xi32, #tpu.memory_space<vmem>> -> memref<125xi32, #tpu.memory_space<vmem>>
      %dma_start3A_530 = arith.constant 0 : i32
      %dma_start3A_531 = arith.constant 0 : i32
      %dma_start3A_532 = tpu.memref_slice %arg2[%dma_start3A_530, %dma_start3A_531] : memref<10000x128xf32, #tpu.memory_space<hbm>> -> memref<10000x128xf32, #tpu.memory_space<hbm>>
      tpu.enqueue_indirect_dma source(%dma_start3A_532 : memref<10000x128xf32, #tpu.memory_space<hbm>>) target(%arg9 : memref<125x128xf32, #tpu.memory_space<vmem>>) offsets(%dma_start3A_529 : memref<125xi32, #tpu.memory_space<vmem>>) semaphore(%arg12 : memref<!tpu.dma_semaphore, #tpu.memory_space<semaphore_mem>>)
      %dma_wait3A_533 = arith.constant 32 : i32
      %dma_wait3A_534 = arith.constant 0 : i32
      %dma_wait3A_535 = tpu.memref_slice %arg6[%dma_wait3A_533, %dma_wait3A_534] : memref<40x125xi32, #tpu.memory_space<vmem>> -> memref<1x125xi32, #tpu.memory_space<vmem>>
      %dma_wait3A_536 = tpu.memref_squeeze %dma_wait3A_535 : memref<1x125xi32, #tpu.memory_space<vmem>> -> memref<125xi32, #tpu.memory_space<vmem>>
      %dma_wait3A_537 = arith.constant 0 : i32
      %dma_wait3A_538 = arith.constant 0 : i32
      %dma_wait3A_539 = tpu.memref_slice %arg2[%dma_wait3A_537, %dma_wait3A_538] : memref<10000x128xf32, #tpu.memory_space<hbm>> -> memref<10000x128xf32, #tpu.memory_space<hbm>>
      tpu.wait_indirect_dma semaphore(%arg11 : memref<!tpu.dma_semaphore, #tpu.memory_space<semaphore_mem>>) src(%dma_wait3A_539 : memref<10000x128xf32, #tpu.memory_space<hbm>>) dst(%arg8 : memref<125x128xf32, #tpu.memory_space<vmem>>)
      %run_scoped3A_540 = arith.constant 32 : i32
      "tpu.region"() ({
        %run_scoped3A_639 = tpu.sem_alloc : memref<!tpu.dma_semaphore, #tpu.memory_space<semaphore_mem>>
        %dma_start3A_640 = arith.constant 0 : i32
        %dma_start3A_641 = tpu.memref_slice %arg7[%run_scoped3A_540, %dma_start3A_640] : memref<40x125xi32, #tpu.memory_space<vmem>> -> memref<1x125xi32, #tpu.memory_space<vmem>>
        %dma_start3A_642 = tpu.memref_squeeze %dma_start3A_641 : memref<1x125xi32, #tpu.memory_space<vmem>> -> memref<125xi32, #tpu.memory_space<vmem>>
        %dma_start3A_643 = arith.constant 0 : i32
        %dma_start3A_644 = arith.constant 0 : i32
        %dma_start3A_645 = tpu.memref_slice %arg10[%dma_start3A_643, %dma_start3A_644] : memref<10000x128xf32, #tpu.memory_space<vmem_shared>> -> memref<10000x128xf32, #tpu.memory_space<vmem_shared>>
        tpu.enqueue_indirect_dma source(%arg8 : memref<125x128xf32, #tpu.memory_space<vmem>>) target(%dma_start3A_645 : memref<10000x128xf32, #tpu.memory_space<vmem_shared>>) offsets(%dma_start3A_642 : memref<125xi32, #tpu.memory_space<vmem>>) semaphore(%run_scoped3A_639 : memref<!tpu.dma_semaphore, #tpu.memory_space<semaphore_mem>>) {add = true}
        %dma_wait3A_646 = arith.constant 0 : i32
        %dma_wait3A_647 = tpu.memref_slice %arg7[%run_scoped3A_540, %dma_wait3A_646] : memref<40x125xi32, #tpu.memory_space<vmem>> -> memref<1x125xi32, #tpu.memory_space<vmem>>
        %dma_wait3A_648 = tpu.memref_squeeze %dma_wait3A_647 : memref<1x125xi32, #tpu.memory_space<vmem>> -> memref<125xi32, #tpu.memory_space<vmem>>
        %dma_wait3A_649 = arith.constant 0 : i32
        %dma_wait3A_650 = arith.constant 0 : i32
        %dma_wait3A_651 = tpu.memref_slice %arg10[%dma_wait3A_649, %dma_wait3A_650] : memref<10000x128xf32, #tpu.memory_space<vmem_shared>> -> memref<10000x128xf32, #tpu.memory_space<vmem_shared>>
        tpu.wait_indirect_dma semaphore(%run_scoped3A_639 : memref<!tpu.dma_semaphore, #tpu.memory_space<semaphore_mem>>) src(%arg8 : memref<125x128xf32, #tpu.memory_space<vmem>>) dst(%dma_wait3A_651 : memref<10000x128xf32, #tpu.memory_space<vmem_shared>>)
        tpu.yield
      }) : () -> ()
      %dma_start3A_541 = arith.constant 34 : i32
      %dma_start3A_542 = arith.constant 0 : i32
      %dma_start3A_543 = tpu.memref_slice %arg6[%dma_start3A_541, %dma_start3A_542] : memref<40x125xi32, #tpu.memory_space<vmem>> -> memref<1x125xi32, #tpu.memory_space<vmem>>
      %dma_start3A_544 = tpu.memref_squeeze %dma_start3A_543 : memref<1x125xi32, #tpu.memory_space<vmem>> -> memref<125xi32, #tpu.memory_space<vmem>>
      %dma_start3A_545 = arith.constant 0 : i32
      %dma_start3A_546 = arith.constant 0 : i32
      %dma_start3A_547 = tpu.memref_slice %arg2[%dma_start3A_545, %dma_start3A_546] : memref<10000x128xf32, #tpu.memory_space<hbm>> -> memref<10000x128xf32, #tpu.memory_space<hbm>>
      tpu.enqueue_indirect_dma source(%dma_start3A_547 : memref<10000x128xf32, #tpu.memory_space<hbm>>) target(%arg8 : memref<125x128xf32, #tpu.memory_space<vmem>>) offsets(%dma_start3A_544 : memref<125xi32, #tpu.memory_space<vmem>>) semaphore(%arg11 : memref<!tpu.dma_semaphore, #tpu.memory_space<semaphore_mem>>)
      %dma_wait3A_548 = arith.constant 33 : i32
      %dma_wait3A_549 = arith.constant 0 : i32
      %dma_wait3A_550 = tpu.memref_slice %arg6[%dma_wait3A_548, %dma_wait3A_549] : memref<40x125xi32, #tpu.memory_space<vmem>> -> memref<1x125xi32, #tpu.memory_space<vmem>>
      %dma_wait3A_551 = tpu.memref_squeeze %dma_wait3A_550 : memref<1x125xi32, #tpu.memory_space<vmem>> -> memref<125xi32, #tpu.memory_space<vmem>>
      %dma_wait3A_552 = arith.constant 0 : i32
      %dma_wait3A_553 = arith.constant 0 : i32
      %dma_wait3A_554 = tpu.memref_slice %arg2[%dma_wait3A_552, %dma_wait3A_553] : memref<10000x128xf32, #tpu.memory_space<hbm>> -> memref<10000x128xf32, #tpu.memory_space<hbm>>
      tpu.wait_indirect_dma semaphore(%arg12 : memref<!tpu.dma_semaphore, #tpu.memory_space<semaphore_mem>>) src(%dma_wait3A_554 : memref<10000x128xf32, #tpu.memory_space<hbm>>) dst(%arg9 : memref<125x128xf32, #tpu.memory_space<vmem>>)
      %run_scoped3A_555 = arith.constant 33 : i32
      "tpu.region"() ({
        %run_scoped3A_639 = tpu.sem_alloc : memref<!tpu.dma_semaphore, #tpu.memory_space<semaphore_mem>>
        %dma_start3A_640 = arith.constant 0 : i32
        %dma_start3A_641 = tpu.memref_slice %arg7[%run_scoped3A_555, %dma_start3A_640] : memref<40x125xi32, #tpu.memory_space<vmem>> -> memref<1x125xi32, #tpu.memory_space<vmem>>
        %dma_start3A_642 = tpu.memref_squeeze %dma_start3A_641 : memref<1x125xi32, #tpu.memory_space<vmem>> -> memref<125xi32, #tpu.memory_space<vmem>>
        %dma_start3A_643 = arith.constant 0 : i32
        %dma_start3A_644 = arith.constant 0 : i32
        %dma_start3A_645 = tpu.memref_slice %arg10[%dma_start3A_643, %dma_start3A_644] : memref<10000x128xf32, #tpu.memory_space<vmem_shared>> -> memref<10000x128xf32, #tpu.memory_space<vmem_shared>>
        tpu.enqueue_indirect_dma source(%arg9 : memref<125x128xf32, #tpu.memory_space<vmem>>) target(%dma_start3A_645 : memref<10000x128xf32, #tpu.memory_space<vmem_shared>>) offsets(%dma_start3A_642 : memref<125xi32, #tpu.memory_space<vmem>>) semaphore(%run_scoped3A_639 : memref<!tpu.dma_semaphore, #tpu.memory_space<semaphore_mem>>) {add = true}
        %dma_wait3A_646 = arith.constant 0 : i32
        %dma_wait3A_647 = tpu.memref_slice %arg7[%run_scoped3A_555, %dma_wait3A_646] : memref<40x125xi32, #tpu.memory_space<vmem>> -> memref<1x125xi32, #tpu.memory_space<vmem>>
        %dma_wait3A_648 = tpu.memref_squeeze %dma_wait3A_647 : memref<1x125xi32, #tpu.memory_space<vmem>> -> memref<125xi32, #tpu.memory_space<vmem>>
        %dma_wait3A_649 = arith.constant 0 : i32
        %dma_wait3A_650 = arith.constant 0 : i32
        %dma_wait3A_651 = tpu.memref_slice %arg10[%dma_wait3A_649, %dma_wait3A_650] : memref<10000x128xf32, #tpu.memory_space<vmem_shared>> -> memref<10000x128xf32, #tpu.memory_space<vmem_shared>>
        tpu.wait_indirect_dma semaphore(%run_scoped3A_639 : memref<!tpu.dma_semaphore, #tpu.memory_space<semaphore_mem>>) src(%arg9 : memref<125x128xf32, #tpu.memory_space<vmem>>) dst(%dma_wait3A_651 : memref<10000x128xf32, #tpu.memory_space<vmem_shared>>)
        tpu.yield
      }) : () -> ()
      %dma_start3A_556 = arith.constant 35 : i32
      %dma_start3A_557 = arith.constant 0 : i32
      %dma_start3A_558 = tpu.memref_slice %arg6[%dma_start3A_556, %dma_start3A_557] : memref<40x125xi32, #tpu.memory_space<vmem>> -> memref<1x125xi32, #tpu.memory_space<vmem>>
      %dma_start3A_559 = tpu.memref_squeeze %dma_start3A_558 : memref<1x125xi32, #tpu.memory_space<vmem>> -> memref<125xi32, #tpu.memory_space<vmem>>
      %dma_start3A_560 = arith.constant 0 : i32
      %dma_start3A_561 = arith.constant 0 : i32
      %dma_start3A_562 = tpu.memref_slice %arg2[%dma_start3A_560, %dma_start3A_561] : memref<10000x128xf32, #tpu.memory_space<hbm>> -> memref<10000x128xf32, #tpu.memory_space<hbm>>
      tpu.enqueue_indirect_dma source(%dma_start3A_562 : memref<10000x128xf32, #tpu.memory_space<hbm>>) target(%arg9 : memref<125x128xf32, #tpu.memory_space<vmem>>) offsets(%dma_start3A_559 : memref<125xi32, #tpu.memory_space<vmem>>) semaphore(%arg12 : memref<!tpu.dma_semaphore, #tpu.memory_space<semaphore_mem>>)
      %dma_wait3A_563 = arith.constant 34 : i32
      %dma_wait3A_564 = arith.constant 0 : i32
      %dma_wait3A_565 = tpu.memref_slice %arg6[%dma_wait3A_563, %dma_wait3A_564] : memref<40x125xi32, #tpu.memory_space<vmem>> -> memref<1x125xi32, #tpu.memory_space<vmem>>
      %dma_wait3A_566 = tpu.memref_squeeze %dma_wait3A_565 : memref<1x125xi32, #tpu.memory_space<vmem>> -> memref<125xi32, #tpu.memory_space<vmem>>
      %dma_wait3A_567 = arith.constant 0 : i32
      %dma_wait3A_568 = arith.constant 0 : i32
      %dma_wait3A_569 = tpu.memref_slice %arg2[%dma_wait3A_567, %dma_wait3A_568] : memref<10000x128xf32, #tpu.memory_space<hbm>> -> memref<10000x128xf32, #tpu.memory_space<hbm>>
      tpu.wait_indirect_dma semaphore(%arg11 : memref<!tpu.dma_semaphore, #tpu.memory_space<semaphore_mem>>) src(%dma_wait3A_569 : memref<10000x128xf32, #tpu.memory_space<hbm>>) dst(%arg8 : memref<125x128xf32, #tpu.memory_space<vmem>>)
      %run_scoped3A_570 = arith.constant 34 : i32
      "tpu.region"() ({
        %run_scoped3A_639 = tpu.sem_alloc : memref<!tpu.dma_semaphore, #tpu.memory_space<semaphore_mem>>
        %dma_start3A_640 = arith.constant 0 : i32
        %dma_start3A_641 = tpu.memref_slice %arg7[%run_scoped3A_570, %dma_start3A_640] : memref<40x125xi32, #tpu.memory_space<vmem>> -> memref<1x125xi32, #tpu.memory_space<vmem>>
        %dma_start3A_642 = tpu.memref_squeeze %dma_start3A_641 : memref<1x125xi32, #tpu.memory_space<vmem>> -> memref<125xi32, #tpu.memory_space<vmem>>
        %dma_start3A_643 = arith.constant 0 : i32
        %dma_start3A_644 = arith.constant 0 : i32
        %dma_start3A_645 = tpu.memref_slice %arg10[%dma_start3A_643, %dma_start3A_644] : memref<10000x128xf32, #tpu.memory_space<vmem_shared>> -> memref<10000x128xf32, #tpu.memory_space<vmem_shared>>
        tpu.enqueue_indirect_dma source(%arg8 : memref<125x128xf32, #tpu.memory_space<vmem>>) target(%dma_start3A_645 : memref<10000x128xf32, #tpu.memory_space<vmem_shared>>) offsets(%dma_start3A_642 : memref<125xi32, #tpu.memory_space<vmem>>) semaphore(%run_scoped3A_639 : memref<!tpu.dma_semaphore, #tpu.memory_space<semaphore_mem>>) {add = true}
        %dma_wait3A_646 = arith.constant 0 : i32
        %dma_wait3A_647 = tpu.memref_slice %arg7[%run_scoped3A_570, %dma_wait3A_646] : memref<40x125xi32, #tpu.memory_space<vmem>> -> memref<1x125xi32, #tpu.memory_space<vmem>>
        %dma_wait3A_648 = tpu.memref_squeeze %dma_wait3A_647 : memref<1x125xi32, #tpu.memory_space<vmem>> -> memref<125xi32, #tpu.memory_space<vmem>>
        %dma_wait3A_649 = arith.constant 0 : i32
        %dma_wait3A_650 = arith.constant 0 : i32
        %dma_wait3A_651 = tpu.memref_slice %arg10[%dma_wait3A_649, %dma_wait3A_650] : memref<10000x128xf32, #tpu.memory_space<vmem_shared>> -> memref<10000x128xf32, #tpu.memory_space<vmem_shared>>
        tpu.wait_indirect_dma semaphore(%run_scoped3A_639 : memref<!tpu.dma_semaphore, #tpu.memory_space<semaphore_mem>>) src(%arg8 : memref<125x128xf32, #tpu.memory_space<vmem>>) dst(%dma_wait3A_651 : memref<10000x128xf32, #tpu.memory_space<vmem_shared>>)
        tpu.yield
      }) : () -> ()
      %dma_start3A_571 = arith.constant 36 : i32
      %dma_start3A_572 = arith.constant 0 : i32
      %dma_start3A_573 = tpu.memref_slice %arg6[%dma_start3A_571, %dma_start3A_572] : memref<40x125xi32, #tpu.memory_space<vmem>> -> memref<1x125xi32, #tpu.memory_space<vmem>>
      %dma_start3A_574 = tpu.memref_squeeze %dma_start3A_573 : memref<1x125xi32, #tpu.memory_space<vmem>> -> memref<125xi32, #tpu.memory_space<vmem>>
      %dma_start3A_575 = arith.constant 0 : i32
      %dma_start3A_576 = arith.constant 0 : i32
      %dma_start3A_577 = tpu.memref_slice %arg2[%dma_start3A_575, %dma_start3A_576] : memref<10000x128xf32, #tpu.memory_space<hbm>> -> memref<10000x128xf32, #tpu.memory_space<hbm>>
      tpu.enqueue_indirect_dma source(%dma_start3A_577 : memref<10000x128xf32, #tpu.memory_space<hbm>>) target(%arg8 : memref<125x128xf32, #tpu.memory_space<vmem>>) offsets(%dma_start3A_574 : memref<125xi32, #tpu.memory_space<vmem>>) semaphore(%arg11 : memref<!tpu.dma_semaphore, #tpu.memory_space<semaphore_mem>>)
      %dma_wait3A_578 = arith.constant 35 : i32
      %dma_wait3A_579 = arith.constant 0 : i32
      %dma_wait3A_580 = tpu.memref_slice %arg6[%dma_wait3A_578, %dma_wait3A_579] : memref<40x125xi32, #tpu.memory_space<vmem>> -> memref<1x125xi32, #tpu.memory_space<vmem>>
      %dma_wait3A_581 = tpu.memref_squeeze %dma_wait3A_580 : memref<1x125xi32, #tpu.memory_space<vmem>> -> memref<125xi32, #tpu.memory_space<vmem>>
      %dma_wait3A_582 = arith.constant 0 : i32
      %dma_wait3A_583 = arith.constant 0 : i32
      %dma_wait3A_584 = tpu.memref_slice %arg2[%dma_wait3A_582, %dma_wait3A_583] : memref<10000x128xf32, #tpu.memory_space<hbm>> -> memref<10000x128xf32, #tpu.memory_space<hbm>>
      tpu.wait_indirect_dma semaphore(%arg12 : memref<!tpu.dma_semaphore, #tpu.memory_space<semaphore_mem>>) src(%dma_wait3A_584 : memref<10000x128xf32, #tpu.memory_space<hbm>>) dst(%arg9 : memref<125x128xf32, #tpu.memory_space<vmem>>)
      %run_scoped3A_585 = arith.constant 35 : i32
      "tpu.region"() ({
        %run_scoped3A_639 = tpu.sem_alloc : memref<!tpu.dma_semaphore, #tpu.memory_space<semaphore_mem>>
        %dma_start3A_640 = arith.constant 0 : i32
        %dma_start3A_641 = tpu.memref_slice %arg7[%run_scoped3A_585, %dma_start3A_640] : memref<40x125xi32, #tpu.memory_space<vmem>> -> memref<1x125xi32, #tpu.memory_space<vmem>>
        %dma_start3A_642 = tpu.memref_squeeze %dma_start3A_641 : memref<1x125xi32, #tpu.memory_space<vmem>> -> memref<125xi32, #tpu.memory_space<vmem>>
        %dma_start3A_643 = arith.constant 0 : i32
        %dma_start3A_644 = arith.constant 0 : i32
        %dma_start3A_645 = tpu.memref_slice %arg10[%dma_start3A_643, %dma_start3A_644] : memref<10000x128xf32, #tpu.memory_space<vmem_shared>> -> memref<10000x128xf32, #tpu.memory_space<vmem_shared>>
        tpu.enqueue_indirect_dma source(%arg9 : memref<125x128xf32, #tpu.memory_space<vmem>>) target(%dma_start3A_645 : memref<10000x128xf32, #tpu.memory_space<vmem_shared>>) offsets(%dma_start3A_642 : memref<125xi32, #tpu.memory_space<vmem>>) semaphore(%run_scoped3A_639 : memref<!tpu.dma_semaphore, #tpu.memory_space<semaphore_mem>>) {add = true}
        %dma_wait3A_646 = arith.constant 0 : i32
        %dma_wait3A_647 = tpu.memref_slice %arg7[%run_scoped3A_585, %dma_wait3A_646] : memref<40x125xi32, #tpu.memory_space<vmem>> -> memref<1x125xi32, #tpu.memory_space<vmem>>
        %dma_wait3A_648 = tpu.memref_squeeze %dma_wait3A_647 : memref<1x125xi32, #tpu.memory_space<vmem>> -> memref<125xi32, #tpu.memory_space<vmem>>
        %dma_wait3A_649 = arith.constant 0 : i32
        %dma_wait3A_650 = arith.constant 0 : i32
        %dma_wait3A_651 = tpu.memref_slice %arg10[%dma_wait3A_649, %dma_wait3A_650] : memref<10000x128xf32, #tpu.memory_space<vmem_shared>> -> memref<10000x128xf32, #tpu.memory_space<vmem_shared>>
        tpu.wait_indirect_dma semaphore(%run_scoped3A_639 : memref<!tpu.dma_semaphore, #tpu.memory_space<semaphore_mem>>) src(%arg9 : memref<125x128xf32, #tpu.memory_space<vmem>>) dst(%dma_wait3A_651 : memref<10000x128xf32, #tpu.memory_space<vmem_shared>>)
        tpu.yield
      }) : () -> ()
      %dma_start3A_586 = arith.constant 37 : i32
      %dma_start3A_587 = arith.constant 0 : i32
      %dma_start3A_588 = tpu.memref_slice %arg6[%dma_start3A_586, %dma_start3A_587] : memref<40x125xi32, #tpu.memory_space<vmem>> -> memref<1x125xi32, #tpu.memory_space<vmem>>
      %dma_start3A_589 = tpu.memref_squeeze %dma_start3A_588 : memref<1x125xi32, #tpu.memory_space<vmem>> -> memref<125xi32, #tpu.memory_space<vmem>>
      %dma_start3A_590 = arith.constant 0 : i32
      %dma_start3A_591 = arith.constant 0 : i32
      %dma_start3A_592 = tpu.memref_slice %arg2[%dma_start3A_590, %dma_start3A_591] : memref<10000x128xf32, #tpu.memory_space<hbm>> -> memref<10000x128xf32, #tpu.memory_space<hbm>>
      tpu.enqueue_indirect_dma source(%dma_start3A_592 : memref<10000x128xf32, #tpu.memory_space<hbm>>) target(%arg9 : memref<125x128xf32, #tpu.memory_space<vmem>>) offsets(%dma_start3A_589 : memref<125xi32, #tpu.memory_space<vmem>>) semaphore(%arg12 : memref<!tpu.dma_semaphore, #tpu.memory_space<semaphore_mem>>)
      %dma_wait3A_593 = arith.constant 36 : i32
      %dma_wait3A_594 = arith.constant 0 : i32
      %dma_wait3A_595 = tpu.memref_slice %arg6[%dma_wait3A_593, %dma_wait3A_594] : memref<40x125xi32, #tpu.memory_space<vmem>> -> memref<1x125xi32, #tpu.memory_space<vmem>>
      %dma_wait3A_596 = tpu.memref_squeeze %dma_wait3A_595 : memref<1x125xi32, #tpu.memory_space<vmem>> -> memref<125xi32, #tpu.memory_space<vmem>>
      %dma_wait3A_597 = arith.constant 0 : i32
      %dma_wait3A_598 = arith.constant 0 : i32
      %dma_wait3A_599 = tpu.memref_slice %arg2[%dma_wait3A_597, %dma_wait3A_598] : memref<10000x128xf32, #tpu.memory_space<hbm>> -> memref<10000x128xf32, #tpu.memory_space<hbm>>
      tpu.wait_indirect_dma semaphore(%arg11 : memref<!tpu.dma_semaphore, #tpu.memory_space<semaphore_mem>>) src(%dma_wait3A_599 : memref<10000x128xf32, #tpu.memory_space<hbm>>) dst(%arg8 : memref<125x128xf32, #tpu.memory_space<vmem>>)
      %run_scoped3A_600 = arith.constant 36 : i32
      "tpu.region"() ({
        %run_scoped3A_639 = tpu.sem_alloc : memref<!tpu.dma_semaphore, #tpu.memory_space<semaphore_mem>>
        %dma_start3A_640 = arith.constant 0 : i32
        %dma_start3A_641 = tpu.memref_slice %arg7[%run_scoped3A_600, %dma_start3A_640] : memref<40x125xi32, #tpu.memory_space<vmem>> -> memref<1x125xi32, #tpu.memory_space<vmem>>
        %dma_start3A_642 = tpu.memref_squeeze %dma_start3A_641 : memref<1x125xi32, #tpu.memory_space<vmem>> -> memref<125xi32, #tpu.memory_space<vmem>>
        %dma_start3A_643 = arith.constant 0 : i32
        %dma_start3A_644 = arith.constant 0 : i32
        %dma_start3A_645 = tpu.memref_slice %arg10[%dma_start3A_643, %dma_start3A_644] : memref<10000x128xf32, #tpu.memory_space<vmem_shared>> -> memref<10000x128xf32, #tpu.memory_space<vmem_shared>>
        tpu.enqueue_indirect_dma source(%arg8 : memref<125x128xf32, #tpu.memory_space<vmem>>) target(%dma_start3A_645 : memref<10000x128xf32, #tpu.memory_space<vmem_shared>>) offsets(%dma_start3A_642 : memref<125xi32, #tpu.memory_space<vmem>>) semaphore(%run_scoped3A_639 : memref<!tpu.dma_semaphore, #tpu.memory_space<semaphore_mem>>) {add = true}
        %dma_wait3A_646 = arith.constant 0 : i32
        %dma_wait3A_647 = tpu.memref_slice %arg7[%run_scoped3A_600, %dma_wait3A_646] : memref<40x125xi32, #tpu.memory_space<vmem>> -> memref<1x125xi32, #tpu.memory_space<vmem>>
        %dma_wait3A_648 = tpu.memref_squeeze %dma_wait3A_647 : memref<1x125xi32, #tpu.memory_space<vmem>> -> memref<125xi32, #tpu.memory_space<vmem>>
        %dma_wait3A_649 = arith.constant 0 : i32
        %dma_wait3A_650 = arith.constant 0 : i32
        %dma_wait3A_651 = tpu.memref_slice %arg10[%dma_wait3A_649, %dma_wait3A_650] : memref<10000x128xf32, #tpu.memory_space<vmem_shared>> -> memref<10000x128xf32, #tpu.memory_space<vmem_shared>>
        tpu.wait_indirect_dma semaphore(%run_scoped3A_639 : memref<!tpu.dma_semaphore, #tpu.memory_space<semaphore_mem>>) src(%arg8 : memref<125x128xf32, #tpu.memory_space<vmem>>) dst(%dma_wait3A_651 : memref<10000x128xf32, #tpu.memory_space<vmem_shared>>)
        tpu.yield
      }) : () -> ()
      %dma_start3A_601 = arith.constant 38 : i32
      %dma_start3A_602 = arith.constant 0 : i32
      %dma_start3A_603 = tpu.memref_slice %arg6[%dma_start3A_601, %dma_start3A_602] : memref<40x125xi32, #tpu.memory_space<vmem>> -> memref<1x125xi32, #tpu.memory_space<vmem>>
      %dma_start3A_604 = tpu.memref_squeeze %dma_start3A_603 : memref<1x125xi32, #tpu.memory_space<vmem>> -> memref<125xi32, #tpu.memory_space<vmem>>
      %dma_start3A_605 = arith.constant 0 : i32
      %dma_start3A_606 = arith.constant 0 : i32
      %dma_start3A_607 = tpu.memref_slice %arg2[%dma_start3A_605, %dma_start3A_606] : memref<10000x128xf32, #tpu.memory_space<hbm>> -> memref<10000x128xf32, #tpu.memory_space<hbm>>
      tpu.enqueue_indirect_dma source(%dma_start3A_607 : memref<10000x128xf32, #tpu.memory_space<hbm>>) target(%arg8 : memref<125x128xf32, #tpu.memory_space<vmem>>) offsets(%dma_start3A_604 : memref<125xi32, #tpu.memory_space<vmem>>) semaphore(%arg11 : memref<!tpu.dma_semaphore, #tpu.memory_space<semaphore_mem>>)
      %dma_wait3A_608 = arith.constant 37 : i32
      %dma_wait3A_609 = arith.constant 0 : i32
      %dma_wait3A_610 = tpu.memref_slice %arg6[%dma_wait3A_608, %dma_wait3A_609] : memref<40x125xi32, #tpu.memory_space<vmem>> -> memref<1x125xi32, #tpu.memory_space<vmem>>
      %dma_wait3A_611 = tpu.memref_squeeze %dma_wait3A_610 : memref<1x125xi32, #tpu.memory_space<vmem>> -> memref<125xi32, #tpu.memory_space<vmem>>
      %dma_wait3A_612 = arith.constant 0 : i32
      %dma_wait3A_613 = arith.constant 0 : i32
      %dma_wait3A_614 = tpu.memref_slice %arg2[%dma_wait3A_612, %dma_wait3A_613] : memref<10000x128xf32, #tpu.memory_space<hbm>> -> memref<10000x128xf32, #tpu.memory_space<hbm>>
      tpu.wait_indirect_dma semaphore(%arg12 : memref<!tpu.dma_semaphore, #tpu.memory_space<semaphore_mem>>) src(%dma_wait3A_614 : memref<10000x128xf32, #tpu.memory_space<hbm>>) dst(%arg9 : memref<125x128xf32, #tpu.memory_space<vmem>>)
      %run_scoped3A_615 = arith.constant 37 : i32
      "tpu.region"() ({
        %run_scoped3A_639 = tpu.sem_alloc : memref<!tpu.dma_semaphore, #tpu.memory_space<semaphore_mem>>
        %dma_start3A_640 = arith.constant 0 : i32
        %dma_start3A_641 = tpu.memref_slice %arg7[%run_scoped3A_615, %dma_start3A_640] : memref<40x125xi32, #tpu.memory_space<vmem>> -> memref<1x125xi32, #tpu.memory_space<vmem>>
        %dma_start3A_642 = tpu.memref_squeeze %dma_start3A_641 : memref<1x125xi32, #tpu.memory_space<vmem>> -> memref<125xi32, #tpu.memory_space<vmem>>
        %dma_start3A_643 = arith.constant 0 : i32
        %dma_start3A_644 = arith.constant 0 : i32
        %dma_start3A_645 = tpu.memref_slice %arg10[%dma_start3A_643, %dma_start3A_644] : memref<10000x128xf32, #tpu.memory_space<vmem_shared>> -> memref<10000x128xf32, #tpu.memory_space<vmem_shared>>
        tpu.enqueue_indirect_dma source(%arg9 : memref<125x128xf32, #tpu.memory_space<vmem>>) target(%dma_start3A_645 : memref<10000x128xf32, #tpu.memory_space<vmem_shared>>) offsets(%dma_start3A_642 : memref<125xi32, #tpu.memory_space<vmem>>) semaphore(%run_scoped3A_639 : memref<!tpu.dma_semaphore, #tpu.memory_space<semaphore_mem>>) {add = true}
        %dma_wait3A_646 = arith.constant 0 : i32
        %dma_wait3A_647 = tpu.memref_slice %arg7[%run_scoped3A_615, %dma_wait3A_646] : memref<40x125xi32, #tpu.memory_space<vmem>> -> memref<1x125xi32, #tpu.memory_space<vmem>>
        %dma_wait3A_648 = tpu.memref_squeeze %dma_wait3A_647 : memref<1x125xi32, #tpu.memory_space<vmem>> -> memref<125xi32, #tpu.memory_space<vmem>>
        %dma_wait3A_649 = arith.constant 0 : i32
        %dma_wait3A_650 = arith.constant 0 : i32
        %dma_wait3A_651 = tpu.memref_slice %arg10[%dma_wait3A_649, %dma_wait3A_650] : memref<10000x128xf32, #tpu.memory_space<vmem_shared>> -> memref<10000x128xf32, #tpu.memory_space<vmem_shared>>
        tpu.wait_indirect_dma semaphore(%run_scoped3A_639 : memref<!tpu.dma_semaphore, #tpu.memory_space<semaphore_mem>>) src(%arg9 : memref<125x128xf32, #tpu.memory_space<vmem>>) dst(%dma_wait3A_651 : memref<10000x128xf32, #tpu.memory_space<vmem_shared>>)
        tpu.yield
      }) : () -> ()
      %dma_start3A_616 = arith.constant 39 : i32
      %dma_start3A_617 = arith.constant 0 : i32
      %dma_start3A_618 = tpu.memref_slice %arg6[%dma_start3A_616, %dma_start3A_617] : memref<40x125xi32, #tpu.memory_space<vmem>> -> memref<1x125xi32, #tpu.memory_space<vmem>>
      %dma_start3A_619 = tpu.memref_squeeze %dma_start3A_618 : memref<1x125xi32, #tpu.memory_space<vmem>> -> memref<125xi32, #tpu.memory_space<vmem>>
      %dma_start3A_620 = arith.constant 0 : i32
      %dma_start3A_621 = arith.constant 0 : i32
      %dma_start3A_622 = tpu.memref_slice %arg2[%dma_start3A_620, %dma_start3A_621] : memref<10000x128xf32, #tpu.memory_space<hbm>> -> memref<10000x128xf32, #tpu.memory_space<hbm>>
      tpu.enqueue_indirect_dma source(%dma_start3A_622 : memref<10000x128xf32, #tpu.memory_space<hbm>>) target(%arg9 : memref<125x128xf32, #tpu.memory_space<vmem>>) offsets(%dma_start3A_619 : memref<125xi32, #tpu.memory_space<vmem>>) semaphore(%arg12 : memref<!tpu.dma_semaphore, #tpu.memory_space<semaphore_mem>>)
      %dma_wait3A_623 = arith.constant 38 : i32
      %dma_wait3A_624 = arith.constant 0 : i32
      %dma_wait3A_625 = tpu.memref_slice %arg6[%dma_wait3A_623, %dma_wait3A_624] : memref<40x125xi32, #tpu.memory_space<vmem>> -> memref<1x125xi32, #tpu.memory_space<vmem>>
      %dma_wait3A_626 = tpu.memref_squeeze %dma_wait3A_625 : memref<1x125xi32, #tpu.memory_space<vmem>> -> memref<125xi32, #tpu.memory_space<vmem>>
      %dma_wait3A_627 = arith.constant 0 : i32
      %dma_wait3A_628 = arith.constant 0 : i32
      %dma_wait3A_629 = tpu.memref_slice %arg2[%dma_wait3A_627, %dma_wait3A_628] : memref<10000x128xf32, #tpu.memory_space<hbm>> -> memref<10000x128xf32, #tpu.memory_space<hbm>>
      tpu.wait_indirect_dma semaphore(%arg11 : memref<!tpu.dma_semaphore, #tpu.memory_space<semaphore_mem>>) src(%dma_wait3A_629 : memref<10000x128xf32, #tpu.memory_space<hbm>>) dst(%arg8 : memref<125x128xf32, #tpu.memory_space<vmem>>)
      %run_scoped3A_630 = arith.constant 38 : i32
      "tpu.region"() ({
        %run_scoped3A_639 = tpu.sem_alloc : memref<!tpu.dma_semaphore, #tpu.memory_space<semaphore_mem>>
        %dma_start3A_640 = arith.constant 0 : i32
        %dma_start3A_641 = tpu.memref_slice %arg7[%run_scoped3A_630, %dma_start3A_640] : memref<40x125xi32, #tpu.memory_space<vmem>> -> memref<1x125xi32, #tpu.memory_space<vmem>>
        %dma_start3A_642 = tpu.memref_squeeze %dma_start3A_641 : memref<1x125xi32, #tpu.memory_space<vmem>> -> memref<125xi32, #tpu.memory_space<vmem>>
        %dma_start3A_643 = arith.constant 0 : i32
        %dma_start3A_644 = arith.constant 0 : i32
        %dma_start3A_645 = tpu.memref_slice %arg10[%dma_start3A_643, %dma_start3A_644] : memref<10000x128xf32, #tpu.memory_space<vmem_shared>> -> memref<10000x128xf32, #tpu.memory_space<vmem_shared>>
        tpu.enqueue_indirect_dma source(%arg8 : memref<125x128xf32, #tpu.memory_space<vmem>>) target(%dma_start3A_645 : memref<10000x128xf32, #tpu.memory_space<vmem_shared>>) offsets(%dma_start3A_642 : memref<125xi32, #tpu.memory_space<vmem>>) semaphore(%run_scoped3A_639 : memref<!tpu.dma_semaphore, #tpu.memory_space<semaphore_mem>>) {add = true}
        %dma_wait3A_646 = arith.constant 0 : i32
        %dma_wait3A_647 = tpu.memref_slice %arg7[%run_scoped3A_630, %dma_wait3A_646] : memref<40x125xi32, #tpu.memory_space<vmem>> -> memref<1x125xi32, #tpu.memory_space<vmem>>
        %dma_wait3A_648 = tpu.memref_squeeze %dma_wait3A_647 : memref<1x125xi32, #tpu.memory_space<vmem>> -> memref<125xi32, #tpu.memory_space<vmem>>
        %dma_wait3A_649 = arith.constant 0 : i32
        %dma_wait3A_650 = arith.constant 0 : i32
        %dma_wait3A_651 = tpu.memref_slice %arg10[%dma_wait3A_649, %dma_wait3A_650] : memref<10000x128xf32, #tpu.memory_space<vmem_shared>> -> memref<10000x128xf32, #tpu.memory_space<vmem_shared>>
        tpu.wait_indirect_dma semaphore(%run_scoped3A_639 : memref<!tpu.dma_semaphore, #tpu.memory_space<semaphore_mem>>) src(%arg8 : memref<125x128xf32, #tpu.memory_space<vmem>>) dst(%dma_wait3A_651 : memref<10000x128xf32, #tpu.memory_space<vmem_shared>>)
        tpu.yield
      }) : () -> ()
      %dma_wait3A_631 = arith.constant 39 : i32
      %dma_wait3A_632 = arith.constant 0 : i32
      %dma_wait3A_633 = tpu.memref_slice %arg6[%dma_wait3A_631, %dma_wait3A_632] : memref<40x125xi32, #tpu.memory_space<vmem>> -> memref<1x125xi32, #tpu.memory_space<vmem>>
      %dma_wait3A_634 = tpu.memref_squeeze %dma_wait3A_633 : memref<1x125xi32, #tpu.memory_space<vmem>> -> memref<125xi32, #tpu.memory_space<vmem>>
      %dma_wait3A_635 = arith.constant 0 : i32
      %dma_wait3A_636 = arith.constant 0 : i32
      %dma_wait3A_637 = tpu.memref_slice %arg2[%dma_wait3A_635, %dma_wait3A_636] : memref<10000x128xf32, #tpu.memory_space<hbm>> -> memref<10000x128xf32, #tpu.memory_space<hbm>>
      tpu.wait_indirect_dma semaphore(%arg12 : memref<!tpu.dma_semaphore, #tpu.memory_space<semaphore_mem>>) src(%dma_wait3A_637 : memref<10000x128xf32, #tpu.memory_space<hbm>>) dst(%arg9 : memref<125x128xf32, #tpu.memory_space<vmem>>)
      %run_scoped3A_638 = arith.constant 39 : i32
      "tpu.region"() ({
        %run_scoped3A_639 = tpu.sem_alloc : memref<!tpu.dma_semaphore, #tpu.memory_space<semaphore_mem>>
        %dma_start3A_640 = arith.constant 0 : i32
        %dma_start3A_641 = tpu.memref_slice %arg7[%run_scoped3A_638, %dma_start3A_640] : memref<40x125xi32, #tpu.memory_space<vmem>> -> memref<1x125xi32, #tpu.memory_space<vmem>>
        %dma_start3A_642 = tpu.memref_squeeze %dma_start3A_641 : memref<1x125xi32, #tpu.memory_space<vmem>> -> memref<125xi32, #tpu.memory_space<vmem>>
        %dma_start3A_643 = arith.constant 0 : i32
        %dma_start3A_644 = arith.constant 0 : i32
        %dma_start3A_645 = tpu.memref_slice %arg10[%dma_start3A_643, %dma_start3A_644] : memref<10000x128xf32, #tpu.memory_space<vmem_shared>> -> memref<10000x128xf32, #tpu.memory_space<vmem_shared>>
        tpu.enqueue_indirect_dma source(%arg9 : memref<125x128xf32, #tpu.memory_space<vmem>>) target(%dma_start3A_645 : memref<10000x128xf32, #tpu.memory_space<vmem_shared>>) offsets(%dma_start3A_642 : memref<125xi32, #tpu.memory_space<vmem>>) semaphore(%run_scoped3A_639 : memref<!tpu.dma_semaphore, #tpu.memory_space<semaphore_mem>>) {add = true}
        %dma_wait3A_646 = arith.constant 0 : i32
        %dma_wait3A_647 = tpu.memref_slice %arg7[%run_scoped3A_638, %dma_wait3A_646] : memref<40x125xi32, #tpu.memory_space<vmem>> -> memref<1x125xi32, #tpu.memory_space<vmem>>
        %dma_wait3A_648 = tpu.memref_squeeze %dma_wait3A_647 : memref<1x125xi32, #tpu.memory_space<vmem>> -> memref<125xi32, #tpu.memory_space<vmem>>
        %dma_wait3A_649 = arith.constant 0 : i32
        %dma_wait3A_650 = arith.constant 0 : i32
        %dma_wait3A_651 = tpu.memref_slice %arg10[%dma_wait3A_649, %dma_wait3A_650] : memref<10000x128xf32, #tpu.memory_space<vmem_shared>> -> memref<10000x128xf32, #tpu.memory_space<vmem_shared>>
        tpu.wait_indirect_dma semaphore(%run_scoped3A_639 : memref<!tpu.dma_semaphore, #tpu.memory_space<semaphore_mem>>) src(%arg9 : memref<125x128xf32, #tpu.memory_space<vmem>>) dst(%dma_wait3A_651 : memref<10000x128xf32, #tpu.memory_space<vmem_shared>>)
        tpu.yield
      }) : () -> ()
    }
    %scan3A_23 = arith.constant 2 : i32
    %barrier3A_24 = arith.constant 0 : index
    tpu.barrier barrier_id(%barrier3A_24)
    %scan3A_25 = arith.constant 0 : i32
    %scan3A_26 = arith.constant 3 : i32
    %scan3A_27 = arith.addi %scan3A_25, %scan3A_26 : i32
    %scan3A_28 = arith.constant 1 : i32
    scf.for %scan3A_35 = %scan3A_25 to %scan3A_27 step %scan3A_28  : i32 {
      %mul3A_36 = arith.constant 208 : i32
      %mul3A_37 = arith.muli %scan3A_35, %mul3A_36 : i32
      %add3A_38 = arith.constant 0 : i32
      %add3A_39 = arith.addi %add3A_38, %mul3A_37 : i32
      %add3A_40 = arith.addi %mul3A_0, %add3A_39 : i32
      %add3A_41 = arith.addi %mul3A_0, %add3A_39 : i32
      "tpu.region"() ({
        %run_scoped3A = tpu.sem_alloc : memref<!tpu.dma_semaphore, #tpu.memory_space<semaphore_mem>>
        %dma_start3A = arith.constant 0 : i32
        %dma_start3A_42 = arith.constant 0 : i32
        %dma_start3A_43 = tpu.memref_slice %arg5[%arg0, %dma_start3A, %dma_start3A_42] : memref<2x10000x128xf32, #tpu.memory_space<hbm>> -> memref<1x10000x128xf32, #tpu.memory_space<hbm>>
        %dma_start3A_44 = tpu.memref_squeeze %dma_start3A_43 : memref<1x10000x128xf32, #tpu.memory_space<hbm>> -> memref<10000x128xf32, #tpu.memory_space<hbm>>
        %dma_start3A_45 = arith.constant 0 : i32
        %dma_start3A_46 = tpu.memref_slice %dma_start3A_44[%add3A_41, %dma_start3A_45] : memref<10000x128xf32, #tpu.memory_space<hbm>> -> memref<208x128xf32, #tpu.memory_space<hbm>>
        %dma_start3A_47 = arith.constant 0 : i32
        %dma_start3A_48 = tpu.memref_slice %arg10[%add3A_40, %dma_start3A_47] : memref<10000x128xf32, #tpu.memory_space<vmem_shared>> -> memref<208x128xf32, #tpu.memory_space<vmem_shared>>
        tpu.enqueue_dma source(%dma_start3A_48 : memref<208x128xf32, #tpu.memory_space<vmem_shared>>) target(%dma_start3A_46 : memref<208x128xf32, #tpu.memory_space<hbm>>) target_semaphore(%run_scoped3A : memref<!tpu.dma_semaphore, #tpu.memory_space<semaphore_mem>>)
        %dma_wait3A = arith.constant 0 : i32
        %dma_wait3A_49 = arith.constant 0 : i32
        %dma_wait3A_50 = tpu.memref_slice %arg5[%arg0, %dma_wait3A, %dma_wait3A_49] : memref<2x10000x128xf32, #tpu.memory_space<hbm>> -> memref<1x10000x128xf32, #tpu.memory_space<hbm>>
        %dma_wait3A_51 = tpu.memref_squeeze %dma_wait3A_50 : memref<1x10000x128xf32, #tpu.memory_space<hbm>> -> memref<10000x128xf32, #tpu.memory_space<hbm>>
        %dma_wait3A_52 = arith.constant 0 : i32
        %dma_wait3A_53 = tpu.memref_slice %dma_wait3A_51[%add3A_41, %dma_wait3A_52] : memref<10000x128xf32, #tpu.memory_space<hbm>> -> memref<208x128xf32, #tpu.memory_space<hbm>>
        %dma_wait3A_54 = arith.constant 0 : i32
        %dma_wait3A_55 = tpu.memref_slice %arg10[%add3A_40, %dma_wait3A_54] : memref<10000x128xf32, #tpu.memory_space<vmem_shared>> -> memref<208x128xf32, #tpu.memory_space<vmem_shared>>
        tpu.wait_dma2 semaphore(%run_scoped3A : memref<!tpu.dma_semaphore, #tpu.memory_space<semaphore_mem>>) src(%dma_wait3A_55 : memref<208x128xf32, #tpu.memory_space<vmem_shared>>) dst(%dma_wait3A_53 : memref<208x128xf32, #tpu.memory_space<hbm>>)
        tpu.yield
      }) : () -> ()
    }
    %scan3A_29 = arith.constant 3 : i32
    %eq3A_30 = arith.constant 15 : i32
    %eq3A_31 = arith.cmpi eq, %arg1, %eq3A_30 : i32
    %convert_element_type3A_32 = arith.extui %eq3A_31 : i1 to i32
    %cond3A_33 = arith.constant 0 : i32
    %cond3A_34 = arith.cmpi ne, %convert_element_type3A_32, %cond3A_33 : i32
    scf.if %cond3A_34 {
      %add3A_35 = arith.constant 624 : i32
      %add3A_36 = arith.addi %mul3A_0, %add3A_35 : i32
      %add3A_37 = arith.constant 624 : i32
      %add3A_38 = arith.addi %mul3A_0, %add3A_37 : i32
      "tpu.region"() ({
        %run_scoped3A = tpu.sem_alloc : memref<!tpu.dma_semaphore, #tpu.memory_space<semaphore_mem>>
        %dma_start3A = arith.constant 0 : i32
        %dma_start3A_39 = arith.constant 0 : i32
        %dma_start3A_40 = tpu.memref_slice %arg5[%arg0, %dma_start3A, %dma_start3A_39] : memref<2x10000x128xf32, #tpu.memory_space<hbm>> -> memref<1x10000x128xf32, #tpu.memory_space<hbm>>
        %dma_start3A_41 = tpu.memref_squeeze %dma_start3A_40 : memref<1x10000x128xf32, #tpu.memory_space<hbm>> -> memref<10000x128xf32, #tpu.memory_space<hbm>>
        %dma_start3A_42 = arith.constant 0 : i32
        %dma_start3A_43 = tpu.memref_slice %dma_start3A_41[%add3A_38, %dma_start3A_42] : memref<10000x128xf32, #tpu.memory_space<hbm>> -> memref<16x128xf32, #tpu.memory_space<hbm>>
        %dma_start3A_44 = arith.constant 0 : i32
        %dma_start3A_45 = tpu.memref_slice %arg10[%add3A_36, %dma_start3A_44] : memref<10000x128xf32, #tpu.memory_space<vmem_shared>> -> memref<16x128xf32, #tpu.memory_space<vmem_shared>>
        tpu.enqueue_dma source(%dma_start3A_45 : memref<16x128xf32, #tpu.memory_space<vmem_shared>>) target(%dma_start3A_43 : memref<16x128xf32, #tpu.memory_space<hbm>>) target_semaphore(%run_scoped3A : memref<!tpu.dma_semaphore, #tpu.memory_space<semaphore_mem>>)
        %dma_wait3A = arith.constant 0 : i32
        %dma_wait3A_46 = arith.constant 0 : i32
        %dma_wait3A_47 = tpu.memref_slice %arg5[%arg0, %dma_wait3A, %dma_wait3A_46] : memref<2x10000x128xf32, #tpu.memory_space<hbm>> -> memref<1x10000x128xf32, #tpu.memory_space<hbm>>
        %dma_wait3A_48 = tpu.memref_squeeze %dma_wait3A_47 : memref<1x10000x128xf32, #tpu.memory_space<hbm>> -> memref<10000x128xf32, #tpu.memory_space<hbm>>
        %dma_wait3A_49 = arith.constant 0 : i32
        %dma_wait3A_50 = tpu.memref_slice %dma_wait3A_48[%add3A_38, %dma_wait3A_49] : memref<10000x128xf32, #tpu.memory_space<hbm>> -> memref<16x128xf32, #tpu.memory_space<hbm>>
        %dma_wait3A_51 = arith.constant 0 : i32
        %dma_wait3A_52 = tpu.memref_slice %arg10[%add3A_36, %dma_wait3A_51] : memref<10000x128xf32, #tpu.memory_space<vmem_shared>> -> memref<16x128xf32, #tpu.memory_space<vmem_shared>>
        tpu.wait_dma2 semaphore(%run_scoped3A : memref<!tpu.dma_semaphore, #tpu.memory_space<semaphore_mem>>) src(%dma_wait3A_52 : memref<16x128xf32, #tpu.memory_space<vmem_shared>>) dst(%dma_wait3A_50 : memref<16x128xf32, #tpu.memory_space<hbm>>)
        tpu.yield
      }) : () -> ()
    } else {
    }
    return
  }
}

#map = affine_map<(d0, d1) -> (0, 0)>
#map1 = affine_map<(d0, d1) -> (0, 0, 0)>
module attributes {stable_mosaic.version = 14 : i64} {
  func.func @body(%arg0: i32, %arg1: i32, %arg2: memref<10000x128xf32, #tpu.memory_space<hbm>>, %arg3: memref<2560x125xi32, #tpu.memory_space<hbm>>, %arg4: memref<2560x125xi32, #tpu.memory_space<hbm>>, %arg5: memref<2x10000x128xf32, #tpu.memory_space<hbm>>, %arg6: memref<40x125xi32, #tpu.memory_space<vmem>>, %arg7: memref<40x125xi32, #tpu.memory_space<vmem>>, %arg8: memref<125x128xf32, #tpu.memory_space<vmem>>, %arg9: memref<125x128xf32, #tpu.memory_space<vmem>>, %arg10: memref<10000x128xf32, #tpu.memory_space<vmem_shared>>, %arg11: memref<!tpu.dma_semaphore, #tpu.memory_space<semaphore_mem>>, %arg12: memref<!tpu.dma_semaphore, #tpu.memory_space<semaphore_mem>>) attributes {dimension_semantics = [#tpu.dimension_semantics<core_parallel>, #tpu.dimension_semantics<subcore_parallel>], iteration_bounds = array<i64: 2, 16>, scalar_prefetch = 0 : i64, scratch_operands = 7 : i64, tpu.core_type = #tpu.core_type<sc_vector_subcore>, window_params = [{transform_indices = #map}, {transform_indices = #map}, {transform_indices = #map}, {transform_indices = #map1}]} {
    %mul3A = arith.constant 624 : i32
    %mul3A_0 = arith.muli %arg1, %mul3A : i32
    %eq3A = arith.constant 15 : i32
    %eq3A_1 = arith.cmpi eq, %arg1, %eq3A : i32
    %jit3A = arith.constant 640 : i32
    %jit3A_2 = arith.constant 624 : i32
    %select_n3A = arith.select %eq3A_1, %jit3A, %jit3A_2 : i32
    %scan3A = arith.constant 0 : i32
    %scan3A_3 = arith.constant 125 : i32
    %scan3A_4 = arith.addi %scan3A, %scan3A_3 : i32
    %scan3A_5 = arith.constant 1 : i32
    scf.for %scan3A_35 = %scan3A to %scan3A_4 step %scan3A_5  : i32 {
      %mul3A_36 = arith.constant 1 : i32
      %mul3A_37 = arith.muli %scan3A_35, %mul3A_36 : i32
      %add3A_38 = arith.constant 0 : i32
      %add3A_39 = arith.addi %add3A_38, %mul3A_37 : i32
      %scan3A_40 = arith.constant 0 : i32
      %scan3A_41 = arith.constant 8 : i32
      %scan3A_42 = arith.addi %scan3A_40, %scan3A_41 : i32
      %scan3A_43 = arith.constant 1 : i32
      scf.for %scan3A_45 = %scan3A_40 to %scan3A_42 step %scan3A_43  : i32 {
        %mul3A_46 = arith.constant 16 : i32
        %mul3A_47 = arith.muli %scan3A_45, %mul3A_46 : i32
        %add3A_48 = arith.constant 0 : i32
        %add3A_49 = arith.addi %add3A_48, %mul3A_47 : i32
        %broadcast_in_dim3A = arith.constant 0.000000e+00 : f32
        %broadcast_in_dim3A_50 = vector.broadcast %broadcast_in_dim3A : f32 to vector<16xf32>
        %swap3A = arith.index_cast %add3A_39 : i32 to index
        %swap3A_51 = arith.index_cast %add3A_49 : i32 to index
        %swap3A_52 = tpu.vector_load %arg8[%swap3A, %swap3A_51] {strides = array<i32>} : memref<125x128xf32, #tpu.memory_space<vmem>>, vector<1x16xf32>,
        %swap3A_53 = vector.shape_cast %swap3A_52 : vector<1x16xf32> to vector<16xf32>
        %swap3A_54 = vector.shape_cast %broadcast_in_dim3A_50 : vector<16xf32> to vector<1x16xf32>
        tpu.vector_store %arg8[%swap3A, %swap3A_51], %swap3A_54 {strides = array<i32>} : memref<125x128xf32, #tpu.memory_space<vmem>>, vector<1x16xf32>,
      }
      %scan3A_44 = arith.constant 8 : i32
    }
    %scan3A_6 = arith.constant 125 : i32
    %scan3A_7 = arith.constant 0 : i32
    %scan3A_8 = arith.constant 6 : i32
    %scan3A_9 = arith.addi %scan3A_7, %scan3A_8 : i32
    %scan3A_10 = arith.constant 1 : i32
    scf.for %scan3A_35 = %scan3A_7 to %scan3A_9 step %scan3A_10  : i32 {
      %mul3A_36 = arith.constant 104 : i32
      %mul3A_37 = arith.muli %scan3A_35, %mul3A_36 : i32
      %add3A_38 = arith.constant 0 : i32
      %add3A_39 = arith.addi %add3A_38, %mul3A_37 : i32
      %add3A_40 = arith.addi %mul3A_0, %add3A_39 : i32
      "tpu.region"() ({
        %run_scoped3A = tpu.sem_alloc : memref<!tpu.dma_semaphore, #tpu.memory_space<semaphore_mem>>
        %dma_start3A = arith.constant 0 : i32
        %dma_start3A_41 = arith.constant 0 : i32
        %dma_start3A_42 = tpu.memref_slice %arg8[%dma_start3A, %dma_start3A_41] : memref<125x128xf32, #tpu.memory_space<vmem>> -> memref<104x128xf32, #tpu.memory_space<vmem>>
        %dma_start3A_43 = arith.constant 0 : i32
        %dma_start3A_44 = tpu.memref_slice %arg10[%add3A_40, %dma_start3A_43] : memref<10000x128xf32, #tpu.memory_space<vmem_shared>> -> memref<104x128xf32, #tpu.memory_space<vmem_shared>>
        %dma_start3A_45 = arith.constant 0 : i32
        %dma_start3A_46 = tpu.memref_slice %arg10[%add3A_40, %dma_start3A_45] : memref<10000x128xf32, #tpu.memory_space<vmem_shared>> -> memref<104x128xf32, #tpu.memory_space<vmem_shared>>
        %dma_start3A_47 = arith.constant 0 : i32
        %dma_start3A_48 = arith.constant 0 : i32
        %dma_start3A_49 = tpu.memref_slice %arg8[%dma_start3A_47, %dma_start3A_48] : memref<125x128xf32, #tpu.memory_space<vmem>> -> memref<104x128xf32, #tpu.memory_space<vmem>>
        tpu.enqueue_dma source(%dma_start3A_49 : memref<104x128xf32, #tpu.memory_space<vmem>>) target(%dma_start3A_46 : memref<104x128xf32, #tpu.memory_space<vmem_shared>>) target_semaphore(%run_scoped3A : memref<!tpu.dma_semaphore, #tpu.memory_space<semaphore_mem>>)
        %dma_wait3A = arith.constant 0 : i32
        %dma_wait3A_50 = arith.constant 0 : i32
        %dma_wait3A_51 = tpu.memref_slice %arg8[%dma_wait3A, %dma_wait3A_50] : memref<125x128xf32, #tpu.memory_space<vmem>> -> memref<104x128xf32, #tpu.memory_space<vmem>>
        %dma_wait3A_52 = arith.constant 0 : i32
        %dma_wait3A_53 = tpu.memref_slice %arg10[%add3A_40, %dma_wait3A_52] : memref<10000x128xf32, #tpu.memory_space<vmem_shared>> -> memref<104x128xf32, #tpu.memory_space<vmem_shared>>
        %dma_wait3A_54 = arith.constant 0 : i32
        %dma_wait3A_55 = tpu.memref_slice %arg10[%add3A_40, %dma_wait3A_54] : memref<10000x128xf32, #tpu.memory_space<vmem_shared>> -> memref<104x128xf32, #tpu.memory_space<vmem_shared>>
        %dma_wait3A_56 = arith.constant 0 : i32
        %dma_wait3A_57 = arith.constant 0 : i32
        %dma_wait3A_58 = tpu.memref_slice %arg8[%dma_wait3A_56, %dma_wait3A_57] : memref<125x128xf32, #tpu.memory_space<vmem>> -> memref<104x128xf32, #tpu.memory_space<vmem>>
        tpu.wait_dma2 semaphore(%run_scoped3A : memref<!tpu.dma_semaphore, #tpu.memory_space<semaphore_mem>>) src(%dma_wait3A_58 : memref<104x128xf32, #tpu.memory_space<vmem>>) dst(%dma_wait3A_55 : memref<104x128xf32, #tpu.memory_space<vmem_shared>>)
        tpu.yield
      }) : () -> ()
    }
    %scan3A_11 = arith.constant 6 : i32
    %eq3A_12 = arith.constant 15 : i32
    %eq3A_13 = arith.cmpi eq, %arg1, %eq3A_12 : i32
    %convert_element_type3A = arith.extui %eq3A_13 : i1 to i32
    %cond3A = arith.constant 0 : i32
    %cond3A_14 = arith.cmpi ne, %convert_element_type3A, %cond3A : i32
    scf.if %cond3A_14 {
      %add3A_35 = arith.constant 624 : i32
      %add3A_36 = arith.addi %mul3A_0, %add3A_35 : i32
      "tpu.region"() ({
        %run_scoped3A = tpu.sem_alloc : memref<!tpu.dma_semaphore, #tpu.memory_space<semaphore_mem>>
        %dma_start3A = arith.constant 0 : i32
        %dma_start3A_37 = arith.constant 0 : i32
        %dma_start3A_38 = tpu.memref_slice %arg8[%dma_start3A, %dma_start3A_37] : memref<125x128xf32, #tpu.memory_space<vmem>> -> memref<16x128xf32, #tpu.memory_space<vmem>>
        %dma_start3A_39 = arith.constant 0 : i32
        %dma_start3A_40 = tpu.memref_slice %arg10[%add3A_36, %dma_start3A_39] : memref<10000x128xf32, #tpu.memory_space<vmem_shared>> -> memref<16x128xf32, #tpu.memory_space<vmem_shared>>
        %dma_start3A_41 = arith.constant 0 : i32
        %dma_start3A_42 = tpu.memref_slice %arg10[%add3A_36, %dma_start3A_41] : memref<10000x128xf32, #tpu.memory_space<vmem_shared>> -> memref<16x128xf32, #tpu.memory_space<vmem_shared>>
        %dma_start3A_43 = arith.constant 0 : i32
        %dma_start3A_44 = arith.constant 0 : i32
        %dma_start3A_45 = tpu.memref_slice %arg8[%dma_start3A_43, %dma_start3A_44] : memref<125x128xf32, #tpu.memory_space<vmem>> -> memref<16x128xf32, #tpu.memory_space<vmem>>
        tpu.enqueue_dma source(%dma_start3A_45 : memref<16x128xf32, #tpu.memory_space<vmem>>) target(%dma_start3A_42 : memref<16x128xf32, #tpu.memory_space<vmem_shared>>) target_semaphore(%run_scoped3A : memref<!tpu.dma_semaphore, #tpu.memory_space<semaphore_mem>>)
        %dma_wait3A = arith.constant 0 : i32
        %dma_wait3A_46 = arith.constant 0 : i32
        %dma_wait3A_47 = tpu.memref_slice %arg8[%dma_wait3A, %dma_wait3A_46] : memref<125x128xf32, #tpu.memory_space<vmem>> -> memref<16x128xf32, #tpu.memory_space<vmem>>
        %dma_wait3A_48 = arith.constant 0 : i32
        %dma_wait3A_49 = tpu.memref_slice %arg10[%add3A_36, %dma_wait3A_48] : memref<10000x128xf32, #tpu.memory_space<vmem_shared>> -> memref<16x128xf32, #tpu.memory_space<vmem_shared>>
        %dma_wait3A_50 = arith.constant 0 : i32
        %dma_wait3A_51 = tpu.memref_slice %arg10[%add3A_36, %dma_wait3A_50] : memref<10000x128xf32, #tpu.memory_space<vmem_shared>> -> memref<16x128xf32, #tpu.memory_space<vmem_shared>>
        %dma_wait3A_52 = arith.constant 0 : i32
        %dma_wait3A_53 = arith.constant 0 : i32
        %dma_wait3A_54 = tpu.memref_slice %arg8[%dma_wait3A_52, %dma_wait3A_53] : memref<125x128xf32, #tpu.memory_space<vmem>> -> memref<16x128xf32, #tpu.memory_space<vmem>>
        tpu.wait_dma2 semaphore(%run_scoped3A : memref<!tpu.dma_semaphore, #tpu.memory_space<semaphore_mem>>) src(%dma_wait3A_54 : memref<16x128xf32, #tpu.memory_space<vmem>>) dst(%dma_wait3A_51 : memref<16x128xf32, #tpu.memory_space<vmem_shared>>)
        tpu.yield
      }) : () -> ()
    } else {
    }
    %barrier3A = arith.constant 0 : index
    tpu.barrier barrier_id(%barrier3A)
    %mul3A_15 = arith.constant 16 : i32
    %mul3A_16 = arith.muli %arg0, %mul3A_15 : i32
    %add3A = arith.addi %mul3A_16, %arg1 : i32
    %mul3A_17 = arith.constant 80 : i32
    %mul3A_18 = arith.muli %add3A, %mul3A_17 : i32
    %scan3A_19 = arith.constant 0 : i32
    %scan3A_20 = arith.constant 2 : i32
    %scan3A_21 = arith.addi %scan3A_19, %scan3A_20 : i32
    %scan3A_22 = arith.constant 1 : i32
    scf.for %scan3A_35 = %scan3A_19 to %scan3A_21 step %scan3A_22  : i32 {
      %mul3A_36 = arith.constant 40 : i32
      %mul3A_37 = arith.muli %scan3A_35, %mul3A_36 : i32
      %add3A_38 = arith.constant 0 : i32
      %add3A_39 = arith.addi %add3A_38, %mul3A_37 : i32
      %add3A_40 = arith.addi %mul3A_18, %add3A_39 : i32
      "tpu.region"() ({
        %run_scoped3A_639 = tpu.sem_alloc : memref<!tpu.dma_semaphore, #tpu.memory_space<semaphore_mem>>
        %dma_start3A_640 = arith.constant 0 : i32
        %dma_start3A_641 = tpu.memref_slice %arg3[%add3A_40, %dma_start3A_640] : memref<2560x125xi32, #tpu.memory_space<hbm>> -> memref<40x125xi32, #tpu.memory_space<hbm>>
        %dma_start3A_642 = arith.constant 0 : i32
        %dma_start3A_643 = tpu.memref_slice %arg3[%add3A_40, %dma_start3A_642] : memref<2560x125xi32, #tpu.memory_space<hbm>> -> memref<40x125xi32, #tpu.memory_space<hbm>>
        tpu.enqueue_dma source(%dma_start3A_643 : memref<40x125xi32, #tpu.memory_space<hbm>>) target(%arg6 : memref<40x125xi32, #tpu.memory_space<vmem>>) target_semaphore(%run_scoped3A_639 : memref<!tpu.dma_semaphore, #tpu.memory_space<semaphore_mem>>)
        %dma_wait3A_644 = arith.constant 0 : i32
        %dma_wait3A_645 = tpu.memref_slice %arg3[%add3A_40, %dma_wait3A_644] : memref<2560x125xi32, #tpu.memory_space<hbm>> -> memref<40x125xi32, #tpu.memory_space<hbm>>
        %dma_wait3A_646 = arith.constant 0 : i32
        %dma_wait3A_647 = tpu.memref_slice %arg3[%add3A_40, %dma_wait3A_646] : memref<2560x125xi32, #tpu.memory_space<hbm>> -> memref<40x125xi32, #tpu.memory_space<hbm>>
        tpu.wait_dma2 semaphore(%run_scoped3A_639 : memref<!tpu.dma_semaphore, #tpu.memory_space<semaphore_mem>>) src(%dma_wait3A_647 : memref<40x125xi32, #tpu.memory_space<hbm>>) dst(%arg6 : memref<40x125xi32, #tpu.memory_space<vmem>>)
        tpu.yield
      }) : () -> ()
      %add3A_41 = arith.addi %mul3A_18, %add3A_39 : i32
      "tpu.region"() ({
        %run_scoped3A_639 = tpu.sem_alloc : memref<!tpu.dma_semaphore, #tpu.memory_space<semaphore_mem>>
        %dma_start3A_640 = arith.constant 0 : i32
        %dma_start3A_641 = tpu.memref_slice %arg4[%add3A_41, %dma_start3A_640] : memref<2560x125xi32, #tpu.memory_space<hbm>> -> memref<40x125xi32, #tpu.memory_space<hbm>>
        %dma_start3A_642 = arith.constant 0 : i32
        %dma_start3A_643 = tpu.memref_slice %arg4[%add3A_41, %dma_start3A_642] : memref<2560x125xi32, #tpu.memory_space<hbm>> -> memref<40x125xi32, #tpu.memory_space<hbm>>
        tpu.enqueue_dma source(%dma_start3A_643 : memref<40x125xi32, #tpu.memory_space<hbm>>) target(%arg7 : memref<40x125xi32, #tpu.memory_space<vmem>>) target_semaphore(%run_scoped3A_639 : memref<!tpu.dma_semaphore, #tpu.memory_space<semaphore_mem>>)
        %dma_wait3A_644 = arith.constant 0 : i32
        %dma_wait3A_645 = tpu.memref_slice %arg4[%add3A_41, %dma_wait3A_644] : memref<2560x125xi32, #tpu.memory_space<hbm>> -> memref<40x125xi32, #tpu.memory_space<hbm>>
        %dma_wait3A_646 = arith.constant 0 : i32
        %dma_wait3A_647 = tpu.memref_slice %arg4[%add3A_41, %dma_wait3A_646] : memref<2560x125xi32, #tpu.memory_space<hbm>> -> memref<40x125xi32, #tpu.memory_space<hbm>>
        tpu.wait_dma2 semaphore(%run_scoped3A_639 : memref<!tpu.dma_semaphore, #tpu.memory_space<semaphore_mem>>) src(%dma_wait3A_647 : memref<40x125xi32, #tpu.memory_space<hbm>>) dst(%arg7 : memref<40x125xi32, #tpu.memory_space<vmem>>)
        tpu.yield
      }) : () -> ()
      %dma_start3A = arith.constant 0 : i32
      %dma_start3A_42 = arith.constant 0 : i32
      %dma_start3A_43 = tpu.memref_slice %arg6[%dma_start3A, %dma_start3A_42] : memref<40x125xi32, #tpu.memory_space<vmem>> -> memref<1x125xi32, #tpu.memory_space<vmem>>
      %dma_start3A_44 = tpu.memref_squeeze %dma_start3A_43 : memref<1x125xi32, #tpu.memory_space<vmem>> -> memref<125xi32, #tpu.memory_space<vmem>>
      %dma_start3A_45 = arith.constant 0 : i32
      %dma_start3A_46 = arith.constant 0 : i32
      %dma_start3A_47 = tpu.memref_slice %arg2[%dma_start3A_45, %dma_start3A_46] : memref<10000x128xf32, #tpu.memory_space<hbm>> -> memref<10000x128xf32, #tpu.memory_space<hbm>>
      tpu.enqueue_indirect_dma source(%dma_start3A_47 : memref<10000x128xf32, #tpu.memory_space<hbm>>) target(%arg8 : memref<125x128xf32, #tpu.memory_space<vmem>>) offsets(%dma_start3A_44 : memref<125xi32, #tpu.memory_space<vmem>>) semaphore(%arg11 : memref<!tpu.dma_semaphore, #tpu.memory_space<semaphore_mem>>)
      %dma_start3A_48 = arith.constant 1 : i32
      %dma_start3A_49 = arith.constant 0 : i32
      %dma_start3A_50 = tpu.memref_slice %arg6[%dma_start3A_48, %dma_start3A_49] : memref<40x125xi32, #tpu.memory_space<vmem>> -> memref<1x125xi32, #tpu.memory_space<vmem>>
      %dma_start3A_51 = tpu.memref_squeeze %dma_start3A_50 : memref<1x125xi32, #tpu.memory_space<vmem>> -> memref<125xi32, #tpu.memory_space<vmem>>
      %dma_start3A_52 = arith.constant 0 : i32
      %dma_start3A_53 = arith.constant 0 : i32
      %dma_start3A_54 = tpu.memref_slice %arg2[%dma_start3A_52, %dma_start3A_53] : memref<10000x128xf32, #tpu.memory_space<hbm>> -> memref<10000x128xf32, #tpu.memory_space<hbm>>
      tpu.enqueue_indirect_dma source(%dma_start3A_54 : memref<10000x128xf32, #tpu.memory_space<hbm>>) target(%arg9 : memref<125x128xf32, #tpu.memory_space<vmem>>) offsets(%dma_start3A_51 : memref<125xi32, #tpu.memory_space<vmem>>) semaphore(%arg12 : memref<!tpu.dma_semaphore, #tpu.memory_space<semaphore_mem>>)
      %dma_wait3A = arith.constant 0 : i32
      %dma_wait3A_55 = arith.constant 0 : i32
      %dma_wait3A_56 = tpu.memref_slice %arg6[%dma_wait3A, %dma_wait3A_55] : memref<40x125xi32, #tpu.memory_space<vmem>> -> memref<1x125xi32, #tpu.memory_space<vmem>>
      %dma_wait3A_57 = tpu.memref_squeeze %dma_wait3A_56 : memref<1x125xi32, #tpu.memory_space<vmem>> -> memref<125xi32, #tpu.memory_space<vmem>>
      %dma_wait3A_58 = arith.constant 0 : i32
      %dma_wait3A_59 = arith.constant 0 : i32
      %dma_wait3A_60 = tpu.memref_slice %arg2[%dma_wait3A_58, %dma_wait3A_59] : memref<10000x128xf32, #tpu.memory_space<hbm>> -> memref<10000x128xf32, #tpu.memory_space<hbm>>
      tpu.wait_indirect_dma semaphore(%arg11 : memref<!tpu.dma_semaphore, #tpu.memory_space<semaphore_mem>>) src(%dma_wait3A_60 : memref<10000x128xf32, #tpu.memory_space<hbm>>) dst(%arg8 : memref<125x128xf32, #tpu.memory_space<vmem>>)
      %run_scoped3A = arith.constant 0 : i32
      "tpu.region"() ({
        %run_scoped3A_639 = tpu.sem_alloc : memref<!tpu.dma_semaphore, #tpu.memory_space<semaphore_mem>>
        %dma_start3A_640 = arith.constant 0 : i32
        %dma_start3A_641 = tpu.memref_slice %arg7[%run_scoped3A, %dma_start3A_640] : memref<40x125xi32, #tpu.memory_space<vmem>> -> memref<1x125xi32, #tpu.memory_space<vmem>>
        %dma_start3A_642 = tpu.memref_squeeze %dma_start3A_641 : memref<1x125xi32, #tpu.memory_space<vmem>> -> memref<125xi32, #tpu.memory_space<vmem>>
        %dma_start3A_643 = arith.constant 0 : i32
        %dma_start3A_644 = arith.constant 0 : i32
        %dma_start3A_645 = tpu.memref_slice %arg10[%dma_start3A_643, %dma_start3A_644] : memref<10000x128xf32, #tpu.memory_space<vmem_shared>> -> memref<10000x128xf32, #tpu.memory_space<vmem_shared>>
        tpu.enqueue_indirect_dma source(%arg8 : memref<125x128xf32, #tpu.memory_space<vmem>>) target(%dma_start3A_645 : memref<10000x128xf32, #tpu.memory_space<vmem_shared>>) offsets(%dma_start3A_642 : memref<125xi32, #tpu.memory_space<vmem>>) semaphore(%run_scoped3A_639 : memref<!tpu.dma_semaphore, #tpu.memory_space<semaphore_mem>>) {add = true}
        %dma_wait3A_646 = arith.constant 0 : i32
        %dma_wait3A_647 = tpu.memref_slice %arg7[%run_scoped3A, %dma_wait3A_646] : memref<40x125xi32, #tpu.memory_space<vmem>> -> memref<1x125xi32, #tpu.memory_space<vmem>>
        %dma_wait3A_648 = tpu.memref_squeeze %dma_wait3A_647 : memref<1x125xi32, #tpu.memory_space<vmem>> -> memref<125xi32, #tpu.memory_space<vmem>>
        %dma_wait3A_649 = arith.constant 0 : i32
        %dma_wait3A_650 = arith.constant 0 : i32
        %dma_wait3A_651 = tpu.memref_slice %arg10[%dma_wait3A_649, %dma_wait3A_650] : memref<10000x128xf32, #tpu.memory_space<vmem_shared>> -> memref<10000x128xf32, #tpu.memory_space<vmem_shared>>
        tpu.wait_indirect_dma semaphore(%run_scoped3A_639 : memref<!tpu.dma_semaphore, #tpu.memory_space<semaphore_mem>>) src(%arg8 : memref<125x128xf32, #tpu.memory_space<vmem>>) dst(%dma_wait3A_651 : memref<10000x128xf32, #tpu.memory_space<vmem_shared>>)
        tpu.yield
      }) : () -> ()
      %dma_start3A_61 = arith.constant 2 : i32
      %dma_start3A_62 = arith.constant 0 : i32
      %dma_start3A_63 = tpu.memref_slice %arg6[%dma_start3A_61, %dma_start3A_62] : memref<40x125xi32, #tpu.memory_space<vmem>> -> memref<1x125xi32, #tpu.memory_space<vmem>>
      %dma_start3A_64 = tpu.memref_squeeze %dma_start3A_63 : memref<1x125xi32, #tpu.memory_space<vmem>> -> memref<125xi32, #tpu.memory_space<vmem>>
      %dma_start3A_65 = arith.constant 0 : i32
      %dma_start3A_66 = arith.constant 0 : i32
      %dma_start3A_67 = tpu.memref_slice %arg2[%dma_start3A_65, %dma_start3A_66] : memref<10000x128xf32, #tpu.memory_space<hbm>> -> memref<10000x128xf32, #tpu.memory_space<hbm>>
      tpu.enqueue_indirect_dma source(%dma_start3A_67 : memref<10000x128xf32, #tpu.memory_space<hbm>>) target(%arg8 : memref<125x128xf32, #tpu.memory_space<vmem>>) offsets(%dma_start3A_64 : memref<125xi32, #tpu.memory_space<vmem>>) semaphore(%arg11 : memref<!tpu.dma_semaphore, #tpu.memory_space<semaphore_mem>>)
      %dma_wait3A_68 = arith.constant 1 : i32
      %dma_wait3A_69 = arith.constant 0 : i32
      %dma_wait3A_70 = tpu.memref_slice %arg6[%dma_wait3A_68, %dma_wait3A_69] : memref<40x125xi32, #tpu.memory_space<vmem>> -> memref<1x125xi32, #tpu.memory_space<vmem>>
      %dma_wait3A_71 = tpu.memref_squeeze %dma_wait3A_70 : memref<1x125xi32, #tpu.memory_space<vmem>> -> memref<125xi32, #tpu.memory_space<vmem>>
      %dma_wait3A_72 = arith.constant 0 : i32
      %dma_wait3A_73 = arith.constant 0 : i32
      %dma_wait3A_74 = tpu.memref_slice %arg2[%dma_wait3A_72, %dma_wait3A_73] : memref<10000x128xf32, #tpu.memory_space<hbm>> -> memref<10000x128xf32, #tpu.memory_space<hbm>>
      tpu.wait_indirect_dma semaphore(%arg12 : memref<!tpu.dma_semaphore, #tpu.memory_space<semaphore_mem>>) src(%dma_wait3A_74 : memref<10000x128xf32, #tpu.memory_space<hbm>>) dst(%arg9 : memref<125x128xf32, #tpu.memory_space<vmem>>)
      %run_scoped3A_75 = arith.constant 1 : i32
      "tpu.region"() ({
        %run_scoped3A_639 = tpu.sem_alloc : memref<!tpu.dma_semaphore, #tpu.memory_space<semaphore_mem>>
        %dma_start3A_640 = arith.constant 0 : i32
        %dma_start3A_641 = tpu.memref_slice %arg7[%run_scoped3A_75, %dma_start3A_640] : memref<40x125xi32, #tpu.memory_space<vmem>> -> memref<1x125xi32, #tpu.memory_space<vmem>>
        %dma_start3A_642 = tpu.memref_squeeze %dma_start3A_641 : memref<1x125xi32, #tpu.memory_space<vmem>> -> memref<125xi32, #tpu.memory_space<vmem>>
        %dma_start3A_643 = arith.constant 0 : i32
        %dma_start3A_644 = arith.constant 0 : i32
        %dma_start3A_645 = tpu.memref_slice %arg10[%dma_start3A_643, %dma_start3A_644] : memref<10000x128xf32, #tpu.memory_space<vmem_shared>> -> memref<10000x128xf32, #tpu.memory_space<vmem_shared>>
        tpu.enqueue_indirect_dma source(%arg9 : memref<125x128xf32, #tpu.memory_space<vmem>>) target(%dma_start3A_645 : memref<10000x128xf32, #tpu.memory_space<vmem_shared>>) offsets(%dma_start3A_642 : memref<125xi32, #tpu.memory_space<vmem>>) semaphore(%run_scoped3A_639 : memref<!tpu.dma_semaphore, #tpu.memory_space<semaphore_mem>>) {add = true}
        %dma_wait3A_646 = arith.constant 0 : i32
        %dma_wait3A_647 = tpu.memref_slice %arg7[%run_scoped3A_75, %dma_wait3A_646] : memref<40x125xi32, #tpu.memory_space<vmem>> -> memref<1x125xi32, #tpu.memory_space<vmem>>
        %dma_wait3A_648 = tpu.memref_squeeze %dma_wait3A_647 : memref<1x125xi32, #tpu.memory_space<vmem>> -> memref<125xi32, #tpu.memory_space<vmem>>
        %dma_wait3A_649 = arith.constant 0 : i32
        %dma_wait3A_650 = arith.constant 0 : i32
        %dma_wait3A_651 = tpu.memref_slice %arg10[%dma_wait3A_649, %dma_wait3A_650] : memref<10000x128xf32, #tpu.memory_space<vmem_shared>> -> memref<10000x128xf32, #tpu.memory_space<vmem_shared>>
        tpu.wait_indirect_dma semaphore(%run_scoped3A_639 : memref<!tpu.dma_semaphore, #tpu.memory_space<semaphore_mem>>) src(%arg9 : memref<125x128xf32, #tpu.memory_space<vmem>>) dst(%dma_wait3A_651 : memref<10000x128xf32, #tpu.memory_space<vmem_shared>>)
        tpu.yield
      }) : () -> ()
      %dma_start3A_76 = arith.constant 3 : i32
      %dma_start3A_77 = arith.constant 0 : i32
      %dma_start3A_78 = tpu.memref_slice %arg6[%dma_start3A_76, %dma_start3A_77] : memref<40x125xi32, #tpu.memory_space<vmem>> -> memref<1x125xi32, #tpu.memory_space<vmem>>
      %dma_start3A_79 = tpu.memref_squeeze %dma_start3A_78 : memref<1x125xi32, #tpu.memory_space<vmem>> -> memref<125xi32, #tpu.memory_space<vmem>>
      %dma_start3A_80 = arith.constant 0 : i32
      %dma_start3A_81 = arith.constant 0 : i32
      %dma_start3A_82 = tpu.memref_slice %arg2[%dma_start3A_80, %dma_start3A_81] : memref<10000x128xf32, #tpu.memory_space<hbm>> -> memref<10000x128xf32, #tpu.memory_space<hbm>>
      tpu.enqueue_indirect_dma source(%dma_start3A_82 : memref<10000x128xf32, #tpu.memory_space<hbm>>) target(%arg9 : memref<125x128xf32, #tpu.memory_space<vmem>>) offsets(%dma_start3A_79 : memref<125xi32, #tpu.memory_space<vmem>>) semaphore(%arg12 : memref<!tpu.dma_semaphore, #tpu.memory_space<semaphore_mem>>)
      %dma_wait3A_83 = arith.constant 2 : i32
      %dma_wait3A_84 = arith.constant 0 : i32
      %dma_wait3A_85 = tpu.memref_slice %arg6[%dma_wait3A_83, %dma_wait3A_84] : memref<40x125xi32, #tpu.memory_space<vmem>> -> memref<1x125xi32, #tpu.memory_space<vmem>>
      %dma_wait3A_86 = tpu.memref_squeeze %dma_wait3A_85 : memref<1x125xi32, #tpu.memory_space<vmem>> -> memref<125xi32, #tpu.memory_space<vmem>>
      %dma_wait3A_87 = arith.constant 0 : i32
      %dma_wait3A_88 = arith.constant 0 : i32
      %dma_wait3A_89 = tpu.memref_slice %arg2[%dma_wait3A_87, %dma_wait3A_88] : memref<10000x128xf32, #tpu.memory_space<hbm>> -> memref<10000x128xf32, #tpu.memory_space<hbm>>
      tpu.wait_indirect_dma semaphore(%arg11 : memref<!tpu.dma_semaphore, #tpu.memory_space<semaphore_mem>>) src(%dma_wait3A_89 : memref<10000x128xf32, #tpu.memory_space<hbm>>) dst(%arg8 : memref<125x128xf32, #tpu.memory_space<vmem>>)
      %run_scoped3A_90 = arith.constant 2 : i32
      "tpu.region"() ({
        %run_scoped3A_639 = tpu.sem_alloc : memref<!tpu.dma_semaphore, #tpu.memory_space<semaphore_mem>>
        %dma_start3A_640 = arith.constant 0 : i32
        %dma_start3A_641 = tpu.memref_slice %arg7[%run_scoped3A_90, %dma_start3A_640] : memref<40x125xi32, #tpu.memory_space<vmem>> -> memref<1x125xi32, #tpu.memory_space<vmem>>
        %dma_start3A_642 = tpu.memref_squeeze %dma_start3A_641 : memref<1x125xi32, #tpu.memory_space<vmem>> -> memref<125xi32, #tpu.memory_space<vmem>>
        %dma_start3A_643 = arith.constant 0 : i32
        %dma_start3A_644 = arith.constant 0 : i32
        %dma_start3A_645 = tpu.memref_slice %arg10[%dma_start3A_643, %dma_start3A_644] : memref<10000x128xf32, #tpu.memory_space<vmem_shared>> -> memref<10000x128xf32, #tpu.memory_space<vmem_shared>>
        tpu.enqueue_indirect_dma source(%arg8 : memref<125x128xf32, #tpu.memory_space<vmem>>) target(%dma_start3A_645 : memref<10000x128xf32, #tpu.memory_space<vmem_shared>>) offsets(%dma_start3A_642 : memref<125xi32, #tpu.memory_space<vmem>>) semaphore(%run_scoped3A_639 : memref<!tpu.dma_semaphore, #tpu.memory_space<semaphore_mem>>) {add = true}
        %dma_wait3A_646 = arith.constant 0 : i32
        %dma_wait3A_647 = tpu.memref_slice %arg7[%run_scoped3A_90, %dma_wait3A_646] : memref<40x125xi32, #tpu.memory_space<vmem>> -> memref<1x125xi32, #tpu.memory_space<vmem>>
        %dma_wait3A_648 = tpu.memref_squeeze %dma_wait3A_647 : memref<1x125xi32, #tpu.memory_space<vmem>> -> memref<125xi32, #tpu.memory_space<vmem>>
        %dma_wait3A_649 = arith.constant 0 : i32
        %dma_wait3A_650 = arith.constant 0 : i32
        %dma_wait3A_651 = tpu.memref_slice %arg10[%dma_wait3A_649, %dma_wait3A_650] : memref<10000x128xf32, #tpu.memory_space<vmem_shared>> -> memref<10000x128xf32, #tpu.memory_space<vmem_shared>>
        tpu.wait_indirect_dma semaphore(%run_scoped3A_639 : memref<!tpu.dma_semaphore, #tpu.memory_space<semaphore_mem>>) src(%arg8 : memref<125x128xf32, #tpu.memory_space<vmem>>) dst(%dma_wait3A_651 : memref<10000x128xf32, #tpu.memory_space<vmem_shared>>)
        tpu.yield
      }) : () -> ()
      %dma_start3A_91 = arith.constant 4 : i32
      %dma_start3A_92 = arith.constant 0 : i32
      %dma_start3A_93 = tpu.memref_slice %arg6[%dma_start3A_91, %dma_start3A_92] : memref<40x125xi32, #tpu.memory_space<vmem>> -> memref<1x125xi32, #tpu.memory_space<vmem>>
      %dma_start3A_94 = tpu.memref_squeeze %dma_start3A_93 : memref<1x125xi32, #tpu.memory_space<vmem>> -> memref<125xi32, #tpu.memory_space<vmem>>
      %dma_start3A_95 = arith.constant 0 : i32
      %dma_start3A_96 = arith.constant 0 : i32
      %dma_start3A_97 = tpu.memref_slice %arg2[%dma_start3A_95, %dma_start3A_96] : memref<10000x128xf32, #tpu.memory_space<hbm>> -> memref<10000x128xf32, #tpu.memory_space<hbm>>
      tpu.enqueue_indirect_dma source(%dma_start3A_97 : memref<10000x128xf32, #tpu.memory_space<hbm>>) target(%arg8 : memref<125x128xf32, #tpu.memory_space<vmem>>) offsets(%dma_start3A_94 : memref<125xi32, #tpu.memory_space<vmem>>) semaphore(%arg11 : memref<!tpu.dma_semaphore, #tpu.memory_space<semaphore_mem>>)
      %dma_wait3A_98 = arith.constant 3 : i32
      %dma_wait3A_99 = arith.constant 0 : i32
      %dma_wait3A_100 = tpu.memref_slice %arg6[%dma_wait3A_98, %dma_wait3A_99] : memref<40x125xi32, #tpu.memory_space<vmem>> -> memref<1x125xi32, #tpu.memory_space<vmem>>
      %dma_wait3A_101 = tpu.memref_squeeze %dma_wait3A_100 : memref<1x125xi32, #tpu.memory_space<vmem>> -> memref<125xi32, #tpu.memory_space<vmem>>
      %dma_wait3A_102 = arith.constant 0 : i32
      %dma_wait3A_103 = arith.constant 0 : i32
      %dma_wait3A_104 = tpu.memref_slice %arg2[%dma_wait3A_102, %dma_wait3A_103] : memref<10000x128xf32, #tpu.memory_space<hbm>> -> memref<10000x128xf32, #tpu.memory_space<hbm>>
      tpu.wait_indirect_dma semaphore(%arg12 : memref<!tpu.dma_semaphore, #tpu.memory_space<semaphore_mem>>) src(%dma_wait3A_104 : memref<10000x128xf32, #tpu.memory_space<hbm>>) dst(%arg9 : memref<125x128xf32, #tpu.memory_space<vmem>>)
      %run_scoped3A_105 = arith.constant 3 : i32
      "tpu.region"() ({
        %run_scoped3A_639 = tpu.sem_alloc : memref<!tpu.dma_semaphore, #tpu.memory_space<semaphore_mem>>
        %dma_start3A_640 = arith.constant 0 : i32
        %dma_start3A_641 = tpu.memref_slice %arg7[%run_scoped3A_105, %dma_start3A_640] : memref<40x125xi32, #tpu.memory_space<vmem>> -> memref<1x125xi32, #tpu.memory_space<vmem>>
        %dma_start3A_642 = tpu.memref_squeeze %dma_start3A_641 : memref<1x125xi32, #tpu.memory_space<vmem>> -> memref<125xi32, #tpu.memory_space<vmem>>
        %dma_start3A_643 = arith.constant 0 : i32
        %dma_start3A_644 = arith.constant 0 : i32
        %dma_start3A_645 = tpu.memref_slice %arg10[%dma_start3A_643, %dma_start3A_644] : memref<10000x128xf32, #tpu.memory_space<vmem_shared>> -> memref<10000x128xf32, #tpu.memory_space<vmem_shared>>
        tpu.enqueue_indirect_dma source(%arg9 : memref<125x128xf32, #tpu.memory_space<vmem>>) target(%dma_start3A_645 : memref<10000x128xf32, #tpu.memory_space<vmem_shared>>) offsets(%dma_start3A_642 : memref<125xi32, #tpu.memory_space<vmem>>) semaphore(%run_scoped3A_639 : memref<!tpu.dma_semaphore, #tpu.memory_space<semaphore_mem>>) {add = true}
        %dma_wait3A_646 = arith.constant 0 : i32
        %dma_wait3A_647 = tpu.memref_slice %arg7[%run_scoped3A_105, %dma_wait3A_646] : memref<40x125xi32, #tpu.memory_space<vmem>> -> memref<1x125xi32, #tpu.memory_space<vmem>>
        %dma_wait3A_648 = tpu.memref_squeeze %dma_wait3A_647 : memref<1x125xi32, #tpu.memory_space<vmem>> -> memref<125xi32, #tpu.memory_space<vmem>>
        %dma_wait3A_649 = arith.constant 0 : i32
        %dma_wait3A_650 = arith.constant 0 : i32
        %dma_wait3A_651 = tpu.memref_slice %arg10[%dma_wait3A_649, %dma_wait3A_650] : memref<10000x128xf32, #tpu.memory_space<vmem_shared>> -> memref<10000x128xf32, #tpu.memory_space<vmem_shared>>
        tpu.wait_indirect_dma semaphore(%run_scoped3A_639 : memref<!tpu.dma_semaphore, #tpu.memory_space<semaphore_mem>>) src(%arg9 : memref<125x128xf32, #tpu.memory_space<vmem>>) dst(%dma_wait3A_651 : memref<10000x128xf32, #tpu.memory_space<vmem_shared>>)
        tpu.yield
      }) : () -> ()
      %dma_start3A_106 = arith.constant 5 : i32
      %dma_start3A_107 = arith.constant 0 : i32
      %dma_start3A_108 = tpu.memref_slice %arg6[%dma_start3A_106, %dma_start3A_107] : memref<40x125xi32, #tpu.memory_space<vmem>> -> memref<1x125xi32, #tpu.memory_space<vmem>>
      %dma_start3A_109 = tpu.memref_squeeze %dma_start3A_108 : memref<1x125xi32, #tpu.memory_space<vmem>> -> memref<125xi32, #tpu.memory_space<vmem>>
      %dma_start3A_110 = arith.constant 0 : i32
      %dma_start3A_111 = arith.constant 0 : i32
      %dma_start3A_112 = tpu.memref_slice %arg2[%dma_start3A_110, %dma_start3A_111] : memref<10000x128xf32, #tpu.memory_space<hbm>> -> memref<10000x128xf32, #tpu.memory_space<hbm>>
      tpu.enqueue_indirect_dma source(%dma_start3A_112 : memref<10000x128xf32, #tpu.memory_space<hbm>>) target(%arg9 : memref<125x128xf32, #tpu.memory_space<vmem>>) offsets(%dma_start3A_109 : memref<125xi32, #tpu.memory_space<vmem>>) semaphore(%arg12 : memref<!tpu.dma_semaphore, #tpu.memory_space<semaphore_mem>>)
      %dma_wait3A_113 = arith.constant 4 : i32
      %dma_wait3A_114 = arith.constant 0 : i32
      %dma_wait3A_115 = tpu.memref_slice %arg6[%dma_wait3A_113, %dma_wait3A_114] : memref<40x125xi32, #tpu.memory_space<vmem>> -> memref<1x125xi32, #tpu.memory_space<vmem>>
      %dma_wait3A_116 = tpu.memref_squeeze %dma_wait3A_115 : memref<1x125xi32, #tpu.memory_space<vmem>> -> memref<125xi32, #tpu.memory_space<vmem>>
      %dma_wait3A_117 = arith.constant 0 : i32
      %dma_wait3A_118 = arith.constant 0 : i32
      %dma_wait3A_119 = tpu.memref_slice %arg2[%dma_wait3A_117, %dma_wait3A_118] : memref<10000x128xf32, #tpu.memory_space<hbm>> -> memref<10000x128xf32, #tpu.memory_space<hbm>>
      tpu.wait_indirect_dma semaphore(%arg11 : memref<!tpu.dma_semaphore, #tpu.memory_space<semaphore_mem>>) src(%dma_wait3A_119 : memref<10000x128xf32, #tpu.memory_space<hbm>>) dst(%arg8 : memref<125x128xf32, #tpu.memory_space<vmem>>)
      %run_scoped3A_120 = arith.constant 4 : i32
      "tpu.region"() ({
        %run_scoped3A_639 = tpu.sem_alloc : memref<!tpu.dma_semaphore, #tpu.memory_space<semaphore_mem>>
        %dma_start3A_640 = arith.constant 0 : i32
        %dma_start3A_641 = tpu.memref_slice %arg7[%run_scoped3A_120, %dma_start3A_640] : memref<40x125xi32, #tpu.memory_space<vmem>> -> memref<1x125xi32, #tpu.memory_space<vmem>>
        %dma_start3A_642 = tpu.memref_squeeze %dma_start3A_641 : memref<1x125xi32, #tpu.memory_space<vmem>> -> memref<125xi32, #tpu.memory_space<vmem>>
        %dma_start3A_643 = arith.constant 0 : i32
        %dma_start3A_644 = arith.constant 0 : i32
        %dma_start3A_645 = tpu.memref_slice %arg10[%dma_start3A_643, %dma_start3A_644] : memref<10000x128xf32, #tpu.memory_space<vmem_shared>> -> memref<10000x128xf32, #tpu.memory_space<vmem_shared>>
        tpu.enqueue_indirect_dma source(%arg8 : memref<125x128xf32, #tpu.memory_space<vmem>>) target(%dma_start3A_645 : memref<10000x128xf32, #tpu.memory_space<vmem_shared>>) offsets(%dma_start3A_642 : memref<125xi32, #tpu.memory_space<vmem>>) semaphore(%run_scoped3A_639 : memref<!tpu.dma_semaphore, #tpu.memory_space<semaphore_mem>>) {add = true}
        %dma_wait3A_646 = arith.constant 0 : i32
        %dma_wait3A_647 = tpu.memref_slice %arg7[%run_scoped3A_120, %dma_wait3A_646] : memref<40x125xi32, #tpu.memory_space<vmem>> -> memref<1x125xi32, #tpu.memory_space<vmem>>
        %dma_wait3A_648 = tpu.memref_squeeze %dma_wait3A_647 : memref<1x125xi32, #tpu.memory_space<vmem>> -> memref<125xi32, #tpu.memory_space<vmem>>
        %dma_wait3A_649 = arith.constant 0 : i32
        %dma_wait3A_650 = arith.constant 0 : i32
        %dma_wait3A_651 = tpu.memref_slice %arg10[%dma_wait3A_649, %dma_wait3A_650] : memref<10000x128xf32, #tpu.memory_space<vmem_shared>> -> memref<10000x128xf32, #tpu.memory_space<vmem_shared>>
        tpu.wait_indirect_dma semaphore(%run_scoped3A_639 : memref<!tpu.dma_semaphore, #tpu.memory_space<semaphore_mem>>) src(%arg8 : memref<125x128xf32, #tpu.memory_space<vmem>>) dst(%dma_wait3A_651 : memref<10000x128xf32, #tpu.memory_space<vmem_shared>>)
        tpu.yield
      }) : () -> ()
      %dma_start3A_121 = arith.constant 6 : i32
      %dma_start3A_122 = arith.constant 0 : i32
      %dma_start3A_123 = tpu.memref_slice %arg6[%dma_start3A_121, %dma_start3A_122] : memref<40x125xi32, #tpu.memory_space<vmem>> -> memref<1x125xi32, #tpu.memory_space<vmem>>
      %dma_start3A_124 = tpu.memref_squeeze %dma_start3A_123 : memref<1x125xi32, #tpu.memory_space<vmem>> -> memref<125xi32, #tpu.memory_space<vmem>>
      %dma_start3A_125 = arith.constant 0 : i32
      %dma_start3A_126 = arith.constant 0 : i32
      %dma_start3A_127 = tpu.memref_slice %arg2[%dma_start3A_125, %dma_start3A_126] : memref<10000x128xf32, #tpu.memory_space<hbm>> -> memref<10000x128xf32, #tpu.memory_space<hbm>>
      tpu.enqueue_indirect_dma source(%dma_start3A_127 : memref<10000x128xf32, #tpu.memory_space<hbm>>) target(%arg8 : memref<125x128xf32, #tpu.memory_space<vmem>>) offsets(%dma_start3A_124 : memref<125xi32, #tpu.memory_space<vmem>>) semaphore(%arg11 : memref<!tpu.dma_semaphore, #tpu.memory_space<semaphore_mem>>)
      %dma_wait3A_128 = arith.constant 5 : i32
      %dma_wait3A_129 = arith.constant 0 : i32
      %dma_wait3A_130 = tpu.memref_slice %arg6[%dma_wait3A_128, %dma_wait3A_129] : memref<40x125xi32, #tpu.memory_space<vmem>> -> memref<1x125xi32, #tpu.memory_space<vmem>>
      %dma_wait3A_131 = tpu.memref_squeeze %dma_wait3A_130 : memref<1x125xi32, #tpu.memory_space<vmem>> -> memref<125xi32, #tpu.memory_space<vmem>>
      %dma_wait3A_132 = arith.constant 0 : i32
      %dma_wait3A_133 = arith.constant 0 : i32
      %dma_wait3A_134 = tpu.memref_slice %arg2[%dma_wait3A_132, %dma_wait3A_133] : memref<10000x128xf32, #tpu.memory_space<hbm>> -> memref<10000x128xf32, #tpu.memory_space<hbm>>
      tpu.wait_indirect_dma semaphore(%arg12 : memref<!tpu.dma_semaphore, #tpu.memory_space<semaphore_mem>>) src(%dma_wait3A_134 : memref<10000x128xf32, #tpu.memory_space<hbm>>) dst(%arg9 : memref<125x128xf32, #tpu.memory_space<vmem>>)
      %run_scoped3A_135 = arith.constant 5 : i32
      "tpu.region"() ({
        %run_scoped3A_639 = tpu.sem_alloc : memref<!tpu.dma_semaphore, #tpu.memory_space<semaphore_mem>>
        %dma_start3A_640 = arith.constant 0 : i32
        %dma_start3A_641 = tpu.memref_slice %arg7[%run_scoped3A_135, %dma_start3A_640] : memref<40x125xi32, #tpu.memory_space<vmem>> -> memref<1x125xi32, #tpu.memory_space<vmem>>
        %dma_start3A_642 = tpu.memref_squeeze %dma_start3A_641 : memref<1x125xi32, #tpu.memory_space<vmem>> -> memref<125xi32, #tpu.memory_space<vmem>>
        %dma_start3A_643 = arith.constant 0 : i32
        %dma_start3A_644 = arith.constant 0 : i32
        %dma_start3A_645 = tpu.memref_slice %arg10[%dma_start3A_643, %dma_start3A_644] : memref<10000x128xf32, #tpu.memory_space<vmem_shared>> -> memref<10000x128xf32, #tpu.memory_space<vmem_shared>>
        tpu.enqueue_indirect_dma source(%arg9 : memref<125x128xf32, #tpu.memory_space<vmem>>) target(%dma_start3A_645 : memref<10000x128xf32, #tpu.memory_space<vmem_shared>>) offsets(%dma_start3A_642 : memref<125xi32, #tpu.memory_space<vmem>>) semaphore(%run_scoped3A_639 : memref<!tpu.dma_semaphore, #tpu.memory_space<semaphore_mem>>) {add = true}
        %dma_wait3A_646 = arith.constant 0 : i32
        %dma_wait3A_647 = tpu.memref_slice %arg7[%run_scoped3A_135, %dma_wait3A_646] : memref<40x125xi32, #tpu.memory_space<vmem>> -> memref<1x125xi32, #tpu.memory_space<vmem>>
        %dma_wait3A_648 = tpu.memref_squeeze %dma_wait3A_647 : memref<1x125xi32, #tpu.memory_space<vmem>> -> memref<125xi32, #tpu.memory_space<vmem>>
        %dma_wait3A_649 = arith.constant 0 : i32
        %dma_wait3A_650 = arith.constant 0 : i32
        %dma_wait3A_651 = tpu.memref_slice %arg10[%dma_wait3A_649, %dma_wait3A_650] : memref<10000x128xf32, #tpu.memory_space<vmem_shared>> -> memref<10000x128xf32, #tpu.memory_space<vmem_shared>>
        tpu.wait_indirect_dma semaphore(%run_scoped3A_639 : memref<!tpu.dma_semaphore, #tpu.memory_space<semaphore_mem>>) src(%arg9 : memref<125x128xf32, #tpu.memory_space<vmem>>) dst(%dma_wait3A_651 : memref<10000x128xf32, #tpu.memory_space<vmem_shared>>)
        tpu.yield
      }) : () -> ()
      %dma_start3A_136 = arith.constant 7 : i32
      %dma_start3A_137 = arith.constant 0 : i32
      %dma_start3A_138 = tpu.memref_slice %arg6[%dma_start3A_136, %dma_start3A_137] : memref<40x125xi32, #tpu.memory_space<vmem>> -> memref<1x125xi32, #tpu.memory_space<vmem>>
      %dma_start3A_139 = tpu.memref_squeeze %dma_start3A_138 : memref<1x125xi32, #tpu.memory_space<vmem>> -> memref<125xi32, #tpu.memory_space<vmem>>
      %dma_start3A_140 = arith.constant 0 : i32
      %dma_start3A_141 = arith.constant 0 : i32
      %dma_start3A_142 = tpu.memref_slice %arg2[%dma_start3A_140, %dma_start3A_141] : memref<10000x128xf32, #tpu.memory_space<hbm>> -> memref<10000x128xf32, #tpu.memory_space<hbm>>
      tpu.enqueue_indirect_dma source(%dma_start3A_142 : memref<10000x128xf32, #tpu.memory_space<hbm>>) target(%arg9 : memref<125x128xf32, #tpu.memory_space<vmem>>) offsets(%dma_start3A_139 : memref<125xi32, #tpu.memory_space<vmem>>) semaphore(%arg12 : memref<!tpu.dma_semaphore, #tpu.memory_space<semaphore_mem>>)
      %dma_wait3A_143 = arith.constant 6 : i32
      %dma_wait3A_144 = arith.constant 0 : i32
      %dma_wait3A_145 = tpu.memref_slice %arg6[%dma_wait3A_143, %dma_wait3A_144] : memref<40x125xi32, #tpu.memory_space<vmem>> -> memref<1x125xi32, #tpu.memory_space<vmem>>
      %dma_wait3A_146 = tpu.memref_squeeze %dma_wait3A_145 : memref<1x125xi32, #tpu.memory_space<vmem>> -> memref<125xi32, #tpu.memory_space<vmem>>
      %dma_wait3A_147 = arith.constant 0 : i32
      %dma_wait3A_148 = arith.constant 0 : i32
      %dma_wait3A_149 = tpu.memref_slice %arg2[%dma_wait3A_147, %dma_wait3A_148] : memref<10000x128xf32, #tpu.memory_space<hbm>> -> memref<10000x128xf32, #tpu.memory_space<hbm>>
      tpu.wait_indirect_dma semaphore(%arg11 : memref<!tpu.dma_semaphore, #tpu.memory_space<semaphore_mem>>) src(%dma_wait3A_149 : memref<10000x128xf32, #tpu.memory_space<hbm>>) dst(%arg8 : memref<125x128xf32, #tpu.memory_space<vmem>>)
      %run_scoped3A_150 = arith.constant 6 : i32
      "tpu.region"() ({
        %run_scoped3A_639 = tpu.sem_alloc : memref<!tpu.dma_semaphore, #tpu.memory_space<semaphore_mem>>
        %dma_start3A_640 = arith.constant 0 : i32
        %dma_start3A_641 = tpu.memref_slice %arg7[%run_scoped3A_150, %dma_start3A_640] : memref<40x125xi32, #tpu.memory_space<vmem>> -> memref<1x125xi32, #tpu.memory_space<vmem>>
        %dma_start3A_642 = tpu.memref_squeeze %dma_start3A_641 : memref<1x125xi32, #tpu.memory_space<vmem>> -> memref<125xi32, #tpu.memory_space<vmem>>
        %dma_start3A_643 = arith.constant 0 : i32
        %dma_start3A_644 = arith.constant 0 : i32
        %dma_start3A_645 = tpu.memref_slice %arg10[%dma_start3A_643, %dma_start3A_644] : memref<10000x128xf32, #tpu.memory_space<vmem_shared>> -> memref<10000x128xf32, #tpu.memory_space<vmem_shared>>
        tpu.enqueue_indirect_dma source(%arg8 : memref<125x128xf32, #tpu.memory_space<vmem>>) target(%dma_start3A_645 : memref<10000x128xf32, #tpu.memory_space<vmem_shared>>) offsets(%dma_start3A_642 : memref<125xi32, #tpu.memory_space<vmem>>) semaphore(%run_scoped3A_639 : memref<!tpu.dma_semaphore, #tpu.memory_space<semaphore_mem>>) {add = true}
        %dma_wait3A_646 = arith.constant 0 : i32
        %dma_wait3A_647 = tpu.memref_slice %arg7[%run_scoped3A_150, %dma_wait3A_646] : memref<40x125xi32, #tpu.memory_space<vmem>> -> memref<1x125xi32, #tpu.memory_space<vmem>>
        %dma_wait3A_648 = tpu.memref_squeeze %dma_wait3A_647 : memref<1x125xi32, #tpu.memory_space<vmem>> -> memref<125xi32, #tpu.memory_space<vmem>>
        %dma_wait3A_649 = arith.constant 0 : i32
        %dma_wait3A_650 = arith.constant 0 : i32
        %dma_wait3A_651 = tpu.memref_slice %arg10[%dma_wait3A_649, %dma_wait3A_650] : memref<10000x128xf32, #tpu.memory_space<vmem_shared>> -> memref<10000x128xf32, #tpu.memory_space<vmem_shared>>
        tpu.wait_indirect_dma semaphore(%run_scoped3A_639 : memref<!tpu.dma_semaphore, #tpu.memory_space<semaphore_mem>>) src(%arg8 : memref<125x128xf32, #tpu.memory_space<vmem>>) dst(%dma_wait3A_651 : memref<10000x128xf32, #tpu.memory_space<vmem_shared>>)
        tpu.yield
      }) : () -> ()
      %dma_start3A_151 = arith.constant 8 : i32
      %dma_start3A_152 = arith.constant 0 : i32
      %dma_start3A_153 = tpu.memref_slice %arg6[%dma_start3A_151, %dma_start3A_152] : memref<40x125xi32, #tpu.memory_space<vmem>> -> memref<1x125xi32, #tpu.memory_space<vmem>>
      %dma_start3A_154 = tpu.memref_squeeze %dma_start3A_153 : memref<1x125xi32, #tpu.memory_space<vmem>> -> memref<125xi32, #tpu.memory_space<vmem>>
      %dma_start3A_155 = arith.constant 0 : i32
      %dma_start3A_156 = arith.constant 0 : i32
      %dma_start3A_157 = tpu.memref_slice %arg2[%dma_start3A_155, %dma_start3A_156] : memref<10000x128xf32, #tpu.memory_space<hbm>> -> memref<10000x128xf32, #tpu.memory_space<hbm>>
      tpu.enqueue_indirect_dma source(%dma_start3A_157 : memref<10000x128xf32, #tpu.memory_space<hbm>>) target(%arg8 : memref<125x128xf32, #tpu.memory_space<vmem>>) offsets(%dma_start3A_154 : memref<125xi32, #tpu.memory_space<vmem>>) semaphore(%arg11 : memref<!tpu.dma_semaphore, #tpu.memory_space<semaphore_mem>>)
      %dma_wait3A_158 = arith.constant 7 : i32
      %dma_wait3A_159 = arith.constant 0 : i32
      %dma_wait3A_160 = tpu.memref_slice %arg6[%dma_wait3A_158, %dma_wait3A_159] : memref<40x125xi32, #tpu.memory_space<vmem>> -> memref<1x125xi32, #tpu.memory_space<vmem>>
      %dma_wait3A_161 = tpu.memref_squeeze %dma_wait3A_160 : memref<1x125xi32, #tpu.memory_space<vmem>> -> memref<125xi32, #tpu.memory_space<vmem>>
      %dma_wait3A_162 = arith.constant 0 : i32
      %dma_wait3A_163 = arith.constant 0 : i32
      %dma_wait3A_164 = tpu.memref_slice %arg2[%dma_wait3A_162, %dma_wait3A_163] : memref<10000x128xf32, #tpu.memory_space<hbm>> -> memref<10000x128xf32, #tpu.memory_space<hbm>>
      tpu.wait_indirect_dma semaphore(%arg12 : memref<!tpu.dma_semaphore, #tpu.memory_space<semaphore_mem>>) src(%dma_wait3A_164 : memref<10000x128xf32, #tpu.memory_space<hbm>>) dst(%arg9 : memref<125x128xf32, #tpu.memory_space<vmem>>)
      %run_scoped3A_165 = arith.constant 7 : i32
      "tpu.region"() ({
        %run_scoped3A_639 = tpu.sem_alloc : memref<!tpu.dma_semaphore, #tpu.memory_space<semaphore_mem>>
        %dma_start3A_640 = arith.constant 0 : i32
        %dma_start3A_641 = tpu.memref_slice %arg7[%run_scoped3A_165, %dma_start3A_640] : memref<40x125xi32, #tpu.memory_space<vmem>> -> memref<1x125xi32, #tpu.memory_space<vmem>>
        %dma_start3A_642 = tpu.memref_squeeze %dma_start3A_641 : memref<1x125xi32, #tpu.memory_space<vmem>> -> memref<125xi32, #tpu.memory_space<vmem>>
        %dma_start3A_643 = arith.constant 0 : i32
        %dma_start3A_644 = arith.constant 0 : i32
        %dma_start3A_645 = tpu.memref_slice %arg10[%dma_start3A_643, %dma_start3A_644] : memref<10000x128xf32, #tpu.memory_space<vmem_shared>> -> memref<10000x128xf32, #tpu.memory_space<vmem_shared>>
        tpu.enqueue_indirect_dma source(%arg9 : memref<125x128xf32, #tpu.memory_space<vmem>>) target(%dma_start3A_645 : memref<10000x128xf32, #tpu.memory_space<vmem_shared>>) offsets(%dma_start3A_642 : memref<125xi32, #tpu.memory_space<vmem>>) semaphore(%run_scoped3A_639 : memref<!tpu.dma_semaphore, #tpu.memory_space<semaphore_mem>>) {add = true}
        %dma_wait3A_646 = arith.constant 0 : i32
        %dma_wait3A_647 = tpu.memref_slice %arg7[%run_scoped3A_165, %dma_wait3A_646] : memref<40x125xi32, #tpu.memory_space<vmem>> -> memref<1x125xi32, #tpu.memory_space<vmem>>
        %dma_wait3A_648 = tpu.memref_squeeze %dma_wait3A_647 : memref<1x125xi32, #tpu.memory_space<vmem>> -> memref<125xi32, #tpu.memory_space<vmem>>
        %dma_wait3A_649 = arith.constant 0 : i32
        %dma_wait3A_650 = arith.constant 0 : i32
        %dma_wait3A_651 = tpu.memref_slice %arg10[%dma_wait3A_649, %dma_wait3A_650] : memref<10000x128xf32, #tpu.memory_space<vmem_shared>> -> memref<10000x128xf32, #tpu.memory_space<vmem_shared>>
        tpu.wait_indirect_dma semaphore(%run_scoped3A_639 : memref<!tpu.dma_semaphore, #tpu.memory_space<semaphore_mem>>) src(%arg9 : memref<125x128xf32, #tpu.memory_space<vmem>>) dst(%dma_wait3A_651 : memref<10000x128xf32, #tpu.memory_space<vmem_shared>>)
        tpu.yield
      }) : () -> ()
      %dma_start3A_166 = arith.constant 9 : i32
      %dma_start3A_167 = arith.constant 0 : i32
      %dma_start3A_168 = tpu.memref_slice %arg6[%dma_start3A_166, %dma_start3A_167] : memref<40x125xi32, #tpu.memory_space<vmem>> -> memref<1x125xi32, #tpu.memory_space<vmem>>
      %dma_start3A_169 = tpu.memref_squeeze %dma_start3A_168 : memref<1x125xi32, #tpu.memory_space<vmem>> -> memref<125xi32, #tpu.memory_space<vmem>>
      %dma_start3A_170 = arith.constant 0 : i32
      %dma_start3A_171 = arith.constant 0 : i32
      %dma_start3A_172 = tpu.memref_slice %arg2[%dma_start3A_170, %dma_start3A_171] : memref<10000x128xf32, #tpu.memory_space<hbm>> -> memref<10000x128xf32, #tpu.memory_space<hbm>>
      tpu.enqueue_indirect_dma source(%dma_start3A_172 : memref<10000x128xf32, #tpu.memory_space<hbm>>) target(%arg9 : memref<125x128xf32, #tpu.memory_space<vmem>>) offsets(%dma_start3A_169 : memref<125xi32, #tpu.memory_space<vmem>>) semaphore(%arg12 : memref<!tpu.dma_semaphore, #tpu.memory_space<semaphore_mem>>)
      %dma_wait3A_173 = arith.constant 8 : i32
      %dma_wait3A_174 = arith.constant 0 : i32
      %dma_wait3A_175 = tpu.memref_slice %arg6[%dma_wait3A_173, %dma_wait3A_174] : memref<40x125xi32, #tpu.memory_space<vmem>> -> memref<1x125xi32, #tpu.memory_space<vmem>>
      %dma_wait3A_176 = tpu.memref_squeeze %dma_wait3A_175 : memref<1x125xi32, #tpu.memory_space<vmem>> -> memref<125xi32, #tpu.memory_space<vmem>>
      %dma_wait3A_177 = arith.constant 0 : i32
      %dma_wait3A_178 = arith.constant 0 : i32
      %dma_wait3A_179 = tpu.memref_slice %arg2[%dma_wait3A_177, %dma_wait3A_178] : memref<10000x128xf32, #tpu.memory_space<hbm>> -> memref<10000x128xf32, #tpu.memory_space<hbm>>
      tpu.wait_indirect_dma semaphore(%arg11 : memref<!tpu.dma_semaphore, #tpu.memory_space<semaphore_mem>>) src(%dma_wait3A_179 : memref<10000x128xf32, #tpu.memory_space<hbm>>) dst(%arg8 : memref<125x128xf32, #tpu.memory_space<vmem>>)
      %run_scoped3A_180 = arith.constant 8 : i32
      "tpu.region"() ({
        %run_scoped3A_639 = tpu.sem_alloc : memref<!tpu.dma_semaphore, #tpu.memory_space<semaphore_mem>>
        %dma_start3A_640 = arith.constant 0 : i32
        %dma_start3A_641 = tpu.memref_slice %arg7[%run_scoped3A_180, %dma_start3A_640] : memref<40x125xi32, #tpu.memory_space<vmem>> -> memref<1x125xi32, #tpu.memory_space<vmem>>
        %dma_start3A_642 = tpu.memref_squeeze %dma_start3A_641 : memref<1x125xi32, #tpu.memory_space<vmem>> -> memref<125xi32, #tpu.memory_space<vmem>>
        %dma_start3A_643 = arith.constant 0 : i32
        %dma_start3A_644 = arith.constant 0 : i32
        %dma_start3A_645 = tpu.memref_slice %arg10[%dma_start3A_643, %dma_start3A_644] : memref<10000x128xf32, #tpu.memory_space<vmem_shared>> -> memref<10000x128xf32, #tpu.memory_space<vmem_shared>>
        tpu.enqueue_indirect_dma source(%arg8 : memref<125x128xf32, #tpu.memory_space<vmem>>) target(%dma_start3A_645 : memref<10000x128xf32, #tpu.memory_space<vmem_shared>>) offsets(%dma_start3A_642 : memref<125xi32, #tpu.memory_space<vmem>>) semaphore(%run_scoped3A_639 : memref<!tpu.dma_semaphore, #tpu.memory_space<semaphore_mem>>) {add = true}
        %dma_wait3A_646 = arith.constant 0 : i32
        %dma_wait3A_647 = tpu.memref_slice %arg7[%run_scoped3A_180, %dma_wait3A_646] : memref<40x125xi32, #tpu.memory_space<vmem>> -> memref<1x125xi32, #tpu.memory_space<vmem>>
        %dma_wait3A_648 = tpu.memref_squeeze %dma_wait3A_647 : memref<1x125xi32, #tpu.memory_space<vmem>> -> memref<125xi32, #tpu.memory_space<vmem>>
        %dma_wait3A_649 = arith.constant 0 : i32
        %dma_wait3A_650 = arith.constant 0 : i32
        %dma_wait3A_651 = tpu.memref_slice %arg10[%dma_wait3A_649, %dma_wait3A_650] : memref<10000x128xf32, #tpu.memory_space<vmem_shared>> -> memref<10000x128xf32, #tpu.memory_space<vmem_shared>>
        tpu.wait_indirect_dma semaphore(%run_scoped3A_639 : memref<!tpu.dma_semaphore, #tpu.memory_space<semaphore_mem>>) src(%arg8 : memref<125x128xf32, #tpu.memory_space<vmem>>) dst(%dma_wait3A_651 : memref<10000x128xf32, #tpu.memory_space<vmem_shared>>)
        tpu.yield
      }) : () -> ()
      %dma_start3A_181 = arith.constant 10 : i32
      %dma_start3A_182 = arith.constant 0 : i32
      %dma_start3A_183 = tpu.memref_slice %arg6[%dma_start3A_181, %dma_start3A_182] : memref<40x125xi32, #tpu.memory_space<vmem>> -> memref<1x125xi32, #tpu.memory_space<vmem>>
      %dma_start3A_184 = tpu.memref_squeeze %dma_start3A_183 : memref<1x125xi32, #tpu.memory_space<vmem>> -> memref<125xi32, #tpu.memory_space<vmem>>
      %dma_start3A_185 = arith.constant 0 : i32
      %dma_start3A_186 = arith.constant 0 : i32
      %dma_start3A_187 = tpu.memref_slice %arg2[%dma_start3A_185, %dma_start3A_186] : memref<10000x128xf32, #tpu.memory_space<hbm>> -> memref<10000x128xf32, #tpu.memory_space<hbm>>
      tpu.enqueue_indirect_dma source(%dma_start3A_187 : memref<10000x128xf32, #tpu.memory_space<hbm>>) target(%arg8 : memref<125x128xf32, #tpu.memory_space<vmem>>) offsets(%dma_start3A_184 : memref<125xi32, #tpu.memory_space<vmem>>) semaphore(%arg11 : memref<!tpu.dma_semaphore, #tpu.memory_space<semaphore_mem>>)
      %dma_wait3A_188 = arith.constant 9 : i32
      %dma_wait3A_189 = arith.constant 0 : i32
      %dma_wait3A_190 = tpu.memref_slice %arg6[%dma_wait3A_188, %dma_wait3A_189] : memref<40x125xi32, #tpu.memory_space<vmem>> -> memref<1x125xi32, #tpu.memory_space<vmem>>
      %dma_wait3A_191 = tpu.memref_squeeze %dma_wait3A_190 : memref<1x125xi32, #tpu.memory_space<vmem>> -> memref<125xi32, #tpu.memory_space<vmem>>
      %dma_wait3A_192 = arith.constant 0 : i32
      %dma_wait3A_193 = arith.constant 0 : i32
      %dma_wait3A_194 = tpu.memref_slice %arg2[%dma_wait3A_192, %dma_wait3A_193] : memref<10000x128xf32, #tpu.memory_space<hbm>> -> memref<10000x128xf32, #tpu.memory_space<hbm>>
      tpu.wait_indirect_dma semaphore(%arg12 : memref<!tpu.dma_semaphore, #tpu.memory_space<semaphore_mem>>) src(%dma_wait3A_194 : memref<10000x128xf32, #tpu.memory_space<hbm>>) dst(%arg9 : memref<125x128xf32, #tpu.memory_space<vmem>>)
      %run_scoped3A_195 = arith.constant 9 : i32
      "tpu.region"() ({
        %run_scoped3A_639 = tpu.sem_alloc : memref<!tpu.dma_semaphore, #tpu.memory_space<semaphore_mem>>
        %dma_start3A_640 = arith.constant 0 : i32
        %dma_start3A_641 = tpu.memref_slice %arg7[%run_scoped3A_195, %dma_start3A_640] : memref<40x125xi32, #tpu.memory_space<vmem>> -> memref<1x125xi32, #tpu.memory_space<vmem>>
        %dma_start3A_642 = tpu.memref_squeeze %dma_start3A_641 : memref<1x125xi32, #tpu.memory_space<vmem>> -> memref<125xi32, #tpu.memory_space<vmem>>
        %dma_start3A_643 = arith.constant 0 : i32
        %dma_start3A_644 = arith.constant 0 : i32
        %dma_start3A_645 = tpu.memref_slice %arg10[%dma_start3A_643, %dma_start3A_644] : memref<10000x128xf32, #tpu.memory_space<vmem_shared>> -> memref<10000x128xf32, #tpu.memory_space<vmem_shared>>
        tpu.enqueue_indirect_dma source(%arg9 : memref<125x128xf32, #tpu.memory_space<vmem>>) target(%dma_start3A_645 : memref<10000x128xf32, #tpu.memory_space<vmem_shared>>) offsets(%dma_start3A_642 : memref<125xi32, #tpu.memory_space<vmem>>) semaphore(%run_scoped3A_639 : memref<!tpu.dma_semaphore, #tpu.memory_space<semaphore_mem>>) {add = true}
        %dma_wait3A_646 = arith.constant 0 : i32
        %dma_wait3A_647 = tpu.memref_slice %arg7[%run_scoped3A_195, %dma_wait3A_646] : memref<40x125xi32, #tpu.memory_space<vmem>> -> memref<1x125xi32, #tpu.memory_space<vmem>>
        %dma_wait3A_648 = tpu.memref_squeeze %dma_wait3A_647 : memref<1x125xi32, #tpu.memory_space<vmem>> -> memref<125xi32, #tpu.memory_space<vmem>>
        %dma_wait3A_649 = arith.constant 0 : i32
        %dma_wait3A_650 = arith.constant 0 : i32
        %dma_wait3A_651 = tpu.memref_slice %arg10[%dma_wait3A_649, %dma_wait3A_650] : memref<10000x128xf32, #tpu.memory_space<vmem_shared>> -> memref<10000x128xf32, #tpu.memory_space<vmem_shared>>
        tpu.wait_indirect_dma semaphore(%run_scoped3A_639 : memref<!tpu.dma_semaphore, #tpu.memory_space<semaphore_mem>>) src(%arg9 : memref<125x128xf32, #tpu.memory_space<vmem>>) dst(%dma_wait3A_651 : memref<10000x128xf32, #tpu.memory_space<vmem_shared>>)
        tpu.yield
      }) : () -> ()
      %dma_start3A_196 = arith.constant 11 : i32
      %dma_start3A_197 = arith.constant 0 : i32
      %dma_start3A_198 = tpu.memref_slice %arg6[%dma_start3A_196, %dma_start3A_197] : memref<40x125xi32, #tpu.memory_space<vmem>> -> memref<1x125xi32, #tpu.memory_space<vmem>>
      %dma_start3A_199 = tpu.memref_squeeze %dma_start3A_198 : memref<1x125xi32, #tpu.memory_space<vmem>> -> memref<125xi32, #tpu.memory_space<vmem>>
      %dma_start3A_200 = arith.constant 0 : i32
      %dma_start3A_201 = arith.constant 0 : i32
      %dma_start3A_202 = tpu.memref_slice %arg2[%dma_start3A_200, %dma_start3A_201] : memref<10000x128xf32, #tpu.memory_space<hbm>> -> memref<10000x128xf32, #tpu.memory_space<hbm>>
      tpu.enqueue_indirect_dma source(%dma_start3A_202 : memref<10000x128xf32, #tpu.memory_space<hbm>>) target(%arg9 : memref<125x128xf32, #tpu.memory_space<vmem>>) offsets(%dma_start3A_199 : memref<125xi32, #tpu.memory_space<vmem>>) semaphore(%arg12 : memref<!tpu.dma_semaphore, #tpu.memory_space<semaphore_mem>>)
      %dma_wait3A_203 = arith.constant 10 : i32
      %dma_wait3A_204 = arith.constant 0 : i32
      %dma_wait3A_205 = tpu.memref_slice %arg6[%dma_wait3A_203, %dma_wait3A_204] : memref<40x125xi32, #tpu.memory_space<vmem>> -> memref<1x125xi32, #tpu.memory_space<vmem>>
      %dma_wait3A_206 = tpu.memref_squeeze %dma_wait3A_205 : memref<1x125xi32, #tpu.memory_space<vmem>> -> memref<125xi32, #tpu.memory_space<vmem>>
      %dma_wait3A_207 = arith.constant 0 : i32
      %dma_wait3A_208 = arith.constant 0 : i32
      %dma_wait3A_209 = tpu.memref_slice %arg2[%dma_wait3A_207, %dma_wait3A_208] : memref<10000x128xf32, #tpu.memory_space<hbm>> -> memref<10000x128xf32, #tpu.memory_space<hbm>>
      tpu.wait_indirect_dma semaphore(%arg11 : memref<!tpu.dma_semaphore, #tpu.memory_space<semaphore_mem>>) src(%dma_wait3A_209 : memref<10000x128xf32, #tpu.memory_space<hbm>>) dst(%arg8 : memref<125x128xf32, #tpu.memory_space<vmem>>)
      %run_scoped3A_210 = arith.constant 10 : i32
      "tpu.region"() ({
        %run_scoped3A_639 = tpu.sem_alloc : memref<!tpu.dma_semaphore, #tpu.memory_space<semaphore_mem>>
        %dma_start3A_640 = arith.constant 0 : i32
        %dma_start3A_641 = tpu.memref_slice %arg7[%run_scoped3A_210, %dma_start3A_640] : memref<40x125xi32, #tpu.memory_space<vmem>> -> memref<1x125xi32, #tpu.memory_space<vmem>>
        %dma_start3A_642 = tpu.memref_squeeze %dma_start3A_641 : memref<1x125xi32, #tpu.memory_space<vmem>> -> memref<125xi32, #tpu.memory_space<vmem>>
        %dma_start3A_643 = arith.constant 0 : i32
        %dma_start3A_644 = arith.constant 0 : i32
        %dma_start3A_645 = tpu.memref_slice %arg10[%dma_start3A_643, %dma_start3A_644] : memref<10000x128xf32, #tpu.memory_space<vmem_shared>> -> memref<10000x128xf32, #tpu.memory_space<vmem_shared>>
        tpu.enqueue_indirect_dma source(%arg8 : memref<125x128xf32, #tpu.memory_space<vmem>>) target(%dma_start3A_645 : memref<10000x128xf32, #tpu.memory_space<vmem_shared>>) offsets(%dma_start3A_642 : memref<125xi32, #tpu.memory_space<vmem>>) semaphore(%run_scoped3A_639 : memref<!tpu.dma_semaphore, #tpu.memory_space<semaphore_mem>>) {add = true}
        %dma_wait3A_646 = arith.constant 0 : i32
        %dma_wait3A_647 = tpu.memref_slice %arg7[%run_scoped3A_210, %dma_wait3A_646] : memref<40x125xi32, #tpu.memory_space<vmem>> -> memref<1x125xi32, #tpu.memory_space<vmem>>
        %dma_wait3A_648 = tpu.memref_squeeze %dma_wait3A_647 : memref<1x125xi32, #tpu.memory_space<vmem>> -> memref<125xi32, #tpu.memory_space<vmem>>
        %dma_wait3A_649 = arith.constant 0 : i32
        %dma_wait3A_650 = arith.constant 0 : i32
        %dma_wait3A_651 = tpu.memref_slice %arg10[%dma_wait3A_649, %dma_wait3A_650] : memref<10000x128xf32, #tpu.memory_space<vmem_shared>> -> memref<10000x128xf32, #tpu.memory_space<vmem_shared>>
        tpu.wait_indirect_dma semaphore(%run_scoped3A_639 : memref<!tpu.dma_semaphore, #tpu.memory_space<semaphore_mem>>) src(%arg8 : memref<125x128xf32, #tpu.memory_space<vmem>>) dst(%dma_wait3A_651 : memref<10000x128xf32, #tpu.memory_space<vmem_shared>>)
        tpu.yield
      }) : () -> ()
      %dma_start3A_211 = arith.constant 12 : i32
      %dma_start3A_212 = arith.constant 0 : i32
      %dma_start3A_213 = tpu.memref_slice %arg6[%dma_start3A_211, %dma_start3A_212] : memref<40x125xi32, #tpu.memory_space<vmem>> -> memref<1x125xi32, #tpu.memory_space<vmem>>
      %dma_start3A_214 = tpu.memref_squeeze %dma_start3A_213 : memref<1x125xi32, #tpu.memory_space<vmem>> -> memref<125xi32, #tpu.memory_space<vmem>>
      %dma_start3A_215 = arith.constant 0 : i32
      %dma_start3A_216 = arith.constant 0 : i32
      %dma_start3A_217 = tpu.memref_slice %arg2[%dma_start3A_215, %dma_start3A_216] : memref<10000x128xf32, #tpu.memory_space<hbm>> -> memref<10000x128xf32, #tpu.memory_space<hbm>>
      tpu.enqueue_indirect_dma source(%dma_start3A_217 : memref<10000x128xf32, #tpu.memory_space<hbm>>) target(%arg8 : memref<125x128xf32, #tpu.memory_space<vmem>>) offsets(%dma_start3A_214 : memref<125xi32, #tpu.memory_space<vmem>>) semaphore(%arg11 : memref<!tpu.dma_semaphore, #tpu.memory_space<semaphore_mem>>)
      %dma_wait3A_218 = arith.constant 11 : i32
      %dma_wait3A_219 = arith.constant 0 : i32
      %dma_wait3A_220 = tpu.memref_slice %arg6[%dma_wait3A_218, %dma_wait3A_219] : memref<40x125xi32, #tpu.memory_space<vmem>> -> memref<1x125xi32, #tpu.memory_space<vmem>>
      %dma_wait3A_221 = tpu.memref_squeeze %dma_wait3A_220 : memref<1x125xi32, #tpu.memory_space<vmem>> -> memref<125xi32, #tpu.memory_space<vmem>>
      %dma_wait3A_222 = arith.constant 0 : i32
      %dma_wait3A_223 = arith.constant 0 : i32
      %dma_wait3A_224 = tpu.memref_slice %arg2[%dma_wait3A_222, %dma_wait3A_223] : memref<10000x128xf32, #tpu.memory_space<hbm>> -> memref<10000x128xf32, #tpu.memory_space<hbm>>
      tpu.wait_indirect_dma semaphore(%arg12 : memref<!tpu.dma_semaphore, #tpu.memory_space<semaphore_mem>>) src(%dma_wait3A_224 : memref<10000x128xf32, #tpu.memory_space<hbm>>) dst(%arg9 : memref<125x128xf32, #tpu.memory_space<vmem>>)
      %run_scoped3A_225 = arith.constant 11 : i32
      "tpu.region"() ({
        %run_scoped3A_639 = tpu.sem_alloc : memref<!tpu.dma_semaphore, #tpu.memory_space<semaphore_mem>>
        %dma_start3A_640 = arith.constant 0 : i32
        %dma_start3A_641 = tpu.memref_slice %arg7[%run_scoped3A_225, %dma_start3A_640] : memref<40x125xi32, #tpu.memory_space<vmem>> -> memref<1x125xi32, #tpu.memory_space<vmem>>
        %dma_start3A_642 = tpu.memref_squeeze %dma_start3A_641 : memref<1x125xi32, #tpu.memory_space<vmem>> -> memref<125xi32, #tpu.memory_space<vmem>>
        %dma_start3A_643 = arith.constant 0 : i32
        %dma_start3A_644 = arith.constant 0 : i32
        %dma_start3A_645 = tpu.memref_slice %arg10[%dma_start3A_643, %dma_start3A_644] : memref<10000x128xf32, #tpu.memory_space<vmem_shared>> -> memref<10000x128xf32, #tpu.memory_space<vmem_shared>>
        tpu.enqueue_indirect_dma source(%arg9 : memref<125x128xf32, #tpu.memory_space<vmem>>) target(%dma_start3A_645 : memref<10000x128xf32, #tpu.memory_space<vmem_shared>>) offsets(%dma_start3A_642 : memref<125xi32, #tpu.memory_space<vmem>>) semaphore(%run_scoped3A_639 : memref<!tpu.dma_semaphore, #tpu.memory_space<semaphore_mem>>) {add = true}
        %dma_wait3A_646 = arith.constant 0 : i32
        %dma_wait3A_647 = tpu.memref_slice %arg7[%run_scoped3A_225, %dma_wait3A_646] : memref<40x125xi32, #tpu.memory_space<vmem>> -> memref<1x125xi32, #tpu.memory_space<vmem>>
        %dma_wait3A_648 = tpu.memref_squeeze %dma_wait3A_647 : memref<1x125xi32, #tpu.memory_space<vmem>> -> memref<125xi32, #tpu.memory_space<vmem>>
        %dma_wait3A_649 = arith.constant 0 : i32
        %dma_wait3A_650 = arith.constant 0 : i32
        %dma_wait3A_651 = tpu.memref_slice %arg10[%dma_wait3A_649, %dma_wait3A_650] : memref<10000x128xf32, #tpu.memory_space<vmem_shared>> -> memref<10000x128xf32, #tpu.memory_space<vmem_shared>>
        tpu.wait_indirect_dma semaphore(%run_scoped3A_639 : memref<!tpu.dma_semaphore, #tpu.memory_space<semaphore_mem>>) src(%arg9 : memref<125x128xf32, #tpu.memory_space<vmem>>) dst(%dma_wait3A_651 : memref<10000x128xf32, #tpu.memory_space<vmem_shared>>)
        tpu.yield
      }) : () -> ()
      %dma_start3A_226 = arith.constant 13 : i32
      %dma_start3A_227 = arith.constant 0 : i32
      %dma_start3A_228 = tpu.memref_slice %arg6[%dma_start3A_226, %dma_start3A_227] : memref<40x125xi32, #tpu.memory_space<vmem>> -> memref<1x125xi32, #tpu.memory_space<vmem>>
      %dma_start3A_229 = tpu.memref_squeeze %dma_start3A_228 : memref<1x125xi32, #tpu.memory_space<vmem>> -> memref<125xi32, #tpu.memory_space<vmem>>
      %dma_start3A_230 = arith.constant 0 : i32
      %dma_start3A_231 = arith.constant 0 : i32
      %dma_start3A_232 = tpu.memref_slice %arg2[%dma_start3A_230, %dma_start3A_231] : memref<10000x128xf32, #tpu.memory_space<hbm>> -> memref<10000x128xf32, #tpu.memory_space<hbm>>
      tpu.enqueue_indirect_dma source(%dma_start3A_232 : memref<10000x128xf32, #tpu.memory_space<hbm>>) target(%arg9 : memref<125x128xf32, #tpu.memory_space<vmem>>) offsets(%dma_start3A_229 : memref<125xi32, #tpu.memory_space<vmem>>) semaphore(%arg12 : memref<!tpu.dma_semaphore, #tpu.memory_space<semaphore_mem>>)
      %dma_wait3A_233 = arith.constant 12 : i32
      %dma_wait3A_234 = arith.constant 0 : i32
      %dma_wait3A_235 = tpu.memref_slice %arg6[%dma_wait3A_233, %dma_wait3A_234] : memref<40x125xi32, #tpu.memory_space<vmem>> -> memref<1x125xi32, #tpu.memory_space<vmem>>
      %dma_wait3A_236 = tpu.memref_squeeze %dma_wait3A_235 : memref<1x125xi32, #tpu.memory_space<vmem>> -> memref<125xi32, #tpu.memory_space<vmem>>
      %dma_wait3A_237 = arith.constant 0 : i32
      %dma_wait3A_238 = arith.constant 0 : i32
      %dma_wait3A_239 = tpu.memref_slice %arg2[%dma_wait3A_237, %dma_wait3A_238] : memref<10000x128xf32, #tpu.memory_space<hbm>> -> memref<10000x128xf32, #tpu.memory_space<hbm>>
      tpu.wait_indirect_dma semaphore(%arg11 : memref<!tpu.dma_semaphore, #tpu.memory_space<semaphore_mem>>) src(%dma_wait3A_239 : memref<10000x128xf32, #tpu.memory_space<hbm>>) dst(%arg8 : memref<125x128xf32, #tpu.memory_space<vmem>>)
      %run_scoped3A_240 = arith.constant 12 : i32
      "tpu.region"() ({
        %run_scoped3A_639 = tpu.sem_alloc : memref<!tpu.dma_semaphore, #tpu.memory_space<semaphore_mem>>
        %dma_start3A_640 = arith.constant 0 : i32
        %dma_start3A_641 = tpu.memref_slice %arg7[%run_scoped3A_240, %dma_start3A_640] : memref<40x125xi32, #tpu.memory_space<vmem>> -> memref<1x125xi32, #tpu.memory_space<vmem>>
        %dma_start3A_642 = tpu.memref_squeeze %dma_start3A_641 : memref<1x125xi32, #tpu.memory_space<vmem>> -> memref<125xi32, #tpu.memory_space<vmem>>
        %dma_start3A_643 = arith.constant 0 : i32
        %dma_start3A_644 = arith.constant 0 : i32
        %dma_start3A_645 = tpu.memref_slice %arg10[%dma_start3A_643, %dma_start3A_644] : memref<10000x128xf32, #tpu.memory_space<vmem_shared>> -> memref<10000x128xf32, #tpu.memory_space<vmem_shared>>
        tpu.enqueue_indirect_dma source(%arg8 : memref<125x128xf32, #tpu.memory_space<vmem>>) target(%dma_start3A_645 : memref<10000x128xf32, #tpu.memory_space<vmem_shared>>) offsets(%dma_start3A_642 : memref<125xi32, #tpu.memory_space<vmem>>) semaphore(%run_scoped3A_639 : memref<!tpu.dma_semaphore, #tpu.memory_space<semaphore_mem>>) {add = true}
        %dma_wait3A_646 = arith.constant 0 : i32
        %dma_wait3A_647 = tpu.memref_slice %arg7[%run_scoped3A_240, %dma_wait3A_646] : memref<40x125xi32, #tpu.memory_space<vmem>> -> memref<1x125xi32, #tpu.memory_space<vmem>>
        %dma_wait3A_648 = tpu.memref_squeeze %dma_wait3A_647 : memref<1x125xi32, #tpu.memory_space<vmem>> -> memref<125xi32, #tpu.memory_space<vmem>>
        %dma_wait3A_649 = arith.constant 0 : i32
        %dma_wait3A_650 = arith.constant 0 : i32
        %dma_wait3A_651 = tpu.memref_slice %arg10[%dma_wait3A_649, %dma_wait3A_650] : memref<10000x128xf32, #tpu.memory_space<vmem_shared>> -> memref<10000x128xf32, #tpu.memory_space<vmem_shared>>
        tpu.wait_indirect_dma semaphore(%run_scoped3A_639 : memref<!tpu.dma_semaphore, #tpu.memory_space<semaphore_mem>>) src(%arg8 : memref<125x128xf32, #tpu.memory_space<vmem>>) dst(%dma_wait3A_651 : memref<10000x128xf32, #tpu.memory_space<vmem_shared>>)
        tpu.yield
      }) : () -> ()
      %dma_start3A_241 = arith.constant 14 : i32
      %dma_start3A_242 = arith.constant 0 : i32
      %dma_start3A_243 = tpu.memref_slice %arg6[%dma_start3A_241, %dma_start3A_242] : memref<40x125xi32, #tpu.memory_space<vmem>> -> memref<1x125xi32, #tpu.memory_space<vmem>>
      %dma_start3A_244 = tpu.memref_squeeze %dma_start3A_243 : memref<1x125xi32, #tpu.memory_space<vmem>> -> memref<125xi32, #tpu.memory_space<vmem>>
      %dma_start3A_245 = arith.constant 0 : i32
      %dma_start3A_246 = arith.constant 0 : i32
      %dma_start3A_247 = tpu.memref_slice %arg2[%dma_start3A_245, %dma_start3A_246] : memref<10000x128xf32, #tpu.memory_space<hbm>> -> memref<10000x128xf32, #tpu.memory_space<hbm>>
      tpu.enqueue_indirect_dma source(%dma_start3A_247 : memref<10000x128xf32, #tpu.memory_space<hbm>>) target(%arg8 : memref<125x128xf32, #tpu.memory_space<vmem>>) offsets(%dma_start3A_244 : memref<125xi32, #tpu.memory_space<vmem>>) semaphore(%arg11 : memref<!tpu.dma_semaphore, #tpu.memory_space<semaphore_mem>>)
      %dma_wait3A_248 = arith.constant 13 : i32
      %dma_wait3A_249 = arith.constant 0 : i32
      %dma_wait3A_250 = tpu.memref_slice %arg6[%dma_wait3A_248, %dma_wait3A_249] : memref<40x125xi32, #tpu.memory_space<vmem>> -> memref<1x125xi32, #tpu.memory_space<vmem>>
      %dma_wait3A_251 = tpu.memref_squeeze %dma_wait3A_250 : memref<1x125xi32, #tpu.memory_space<vmem>> -> memref<125xi32, #tpu.memory_space<vmem>>
      %dma_wait3A_252 = arith.constant 0 : i32
      %dma_wait3A_253 = arith.constant 0 : i32
      %dma_wait3A_254 = tpu.memref_slice %arg2[%dma_wait3A_252, %dma_wait3A_253] : memref<10000x128xf32, #tpu.memory_space<hbm>> -> memref<10000x128xf32, #tpu.memory_space<hbm>>
      tpu.wait_indirect_dma semaphore(%arg12 : memref<!tpu.dma_semaphore, #tpu.memory_space<semaphore_mem>>) src(%dma_wait3A_254 : memref<10000x128xf32, #tpu.memory_space<hbm>>) dst(%arg9 : memref<125x128xf32, #tpu.memory_space<vmem>>)
      %run_scoped3A_255 = arith.constant 13 : i32
      "tpu.region"() ({
        %run_scoped3A_639 = tpu.sem_alloc : memref<!tpu.dma_semaphore, #tpu.memory_space<semaphore_mem>>
        %dma_start3A_640 = arith.constant 0 : i32
        %dma_start3A_641 = tpu.memref_slice %arg7[%run_scoped3A_255, %dma_start3A_640] : memref<40x125xi32, #tpu.memory_space<vmem>> -> memref<1x125xi32, #tpu.memory_space<vmem>>
        %dma_start3A_642 = tpu.memref_squeeze %dma_start3A_641 : memref<1x125xi32, #tpu.memory_space<vmem>> -> memref<125xi32, #tpu.memory_space<vmem>>
        %dma_start3A_643 = arith.constant 0 : i32
        %dma_start3A_644 = arith.constant 0 : i32
        %dma_start3A_645 = tpu.memref_slice %arg10[%dma_start3A_643, %dma_start3A_644] : memref<10000x128xf32, #tpu.memory_space<vmem_shared>> -> memref<10000x128xf32, #tpu.memory_space<vmem_shared>>
        tpu.enqueue_indirect_dma source(%arg9 : memref<125x128xf32, #tpu.memory_space<vmem>>) target(%dma_start3A_645 : memref<10000x128xf32, #tpu.memory_space<vmem_shared>>) offsets(%dma_start3A_642 : memref<125xi32, #tpu.memory_space<vmem>>) semaphore(%run_scoped3A_639 : memref<!tpu.dma_semaphore, #tpu.memory_space<semaphore_mem>>) {add = true}
        %dma_wait3A_646 = arith.constant 0 : i32
        %dma_wait3A_647 = tpu.memref_slice %arg7[%run_scoped3A_255, %dma_wait3A_646] : memref<40x125xi32, #tpu.memory_space<vmem>> -> memref<1x125xi32, #tpu.memory_space<vmem>>
        %dma_wait3A_648 = tpu.memref_squeeze %dma_wait3A_647 : memref<1x125xi32, #tpu.memory_space<vmem>> -> memref<125xi32, #tpu.memory_space<vmem>>
        %dma_wait3A_649 = arith.constant 0 : i32
        %dma_wait3A_650 = arith.constant 0 : i32
        %dma_wait3A_651 = tpu.memref_slice %arg10[%dma_wait3A_649, %dma_wait3A_650] : memref<10000x128xf32, #tpu.memory_space<vmem_shared>> -> memref<10000x128xf32, #tpu.memory_space<vmem_shared>>
        tpu.wait_indirect_dma semaphore(%run_scoped3A_639 : memref<!tpu.dma_semaphore, #tpu.memory_space<semaphore_mem>>) src(%arg9 : memref<125x128xf32, #tpu.memory_space<vmem>>) dst(%dma_wait3A_651 : memref<10000x128xf32, #tpu.memory_space<vmem_shared>>)
        tpu.yield
      }) : () -> ()
      %dma_start3A_256 = arith.constant 15 : i32
      %dma_start3A_257 = arith.constant 0 : i32
      %dma_start3A_258 = tpu.memref_slice %arg6[%dma_start3A_256, %dma_start3A_257] : memref<40x125xi32, #tpu.memory_space<vmem>> -> memref<1x125xi32, #tpu.memory_space<vmem>>
      %dma_start3A_259 = tpu.memref_squeeze %dma_start3A_258 : memref<1x125xi32, #tpu.memory_space<vmem>> -> memref<125xi32, #tpu.memory_space<vmem>>
      %dma_start3A_260 = arith.constant 0 : i32
      %dma_start3A_261 = arith.constant 0 : i32
      %dma_start3A_262 = tpu.memref_slice %arg2[%dma_start3A_260, %dma_start3A_261] : memref<10000x128xf32, #tpu.memory_space<hbm>> -> memref<10000x128xf32, #tpu.memory_space<hbm>>
      tpu.enqueue_indirect_dma source(%dma_start3A_262 : memref<10000x128xf32, #tpu.memory_space<hbm>>) target(%arg9 : memref<125x128xf32, #tpu.memory_space<vmem>>) offsets(%dma_start3A_259 : memref<125xi32, #tpu.memory_space<vmem>>) semaphore(%arg12 : memref<!tpu.dma_semaphore, #tpu.memory_space<semaphore_mem>>)
      %dma_wait3A_263 = arith.constant 14 : i32
      %dma_wait3A_264 = arith.constant 0 : i32
      %dma_wait3A_265 = tpu.memref_slice %arg6[%dma_wait3A_263, %dma_wait3A_264] : memref<40x125xi32, #tpu.memory_space<vmem>> -> memref<1x125xi32, #tpu.memory_space<vmem>>
      %dma_wait3A_266 = tpu.memref_squeeze %dma_wait3A_265 : memref<1x125xi32, #tpu.memory_space<vmem>> -> memref<125xi32, #tpu.memory_space<vmem>>
      %dma_wait3A_267 = arith.constant 0 : i32
      %dma_wait3A_268 = arith.constant 0 : i32
      %dma_wait3A_269 = tpu.memref_slice %arg2[%dma_wait3A_267, %dma_wait3A_268] : memref<10000x128xf32, #tpu.memory_space<hbm>> -> memref<10000x128xf32, #tpu.memory_space<hbm>>
      tpu.wait_indirect_dma semaphore(%arg11 : memref<!tpu.dma_semaphore, #tpu.memory_space<semaphore_mem>>) src(%dma_wait3A_269 : memref<10000x128xf32, #tpu.memory_space<hbm>>) dst(%arg8 : memref<125x128xf32, #tpu.memory_space<vmem>>)
      %run_scoped3A_270 = arith.constant 14 : i32
      "tpu.region"() ({
        %run_scoped3A_639 = tpu.sem_alloc : memref<!tpu.dma_semaphore, #tpu.memory_space<semaphore_mem>>
        %dma_start3A_640 = arith.constant 0 : i32
        %dma_start3A_641 = tpu.memref_slice %arg7[%run_scoped3A_270, %dma_start3A_640] : memref<40x125xi32, #tpu.memory_space<vmem>> -> memref<1x125xi32, #tpu.memory_space<vmem>>
        %dma_start3A_642 = tpu.memref_squeeze %dma_start3A_641 : memref<1x125xi32, #tpu.memory_space<vmem>> -> memref<125xi32, #tpu.memory_space<vmem>>
        %dma_start3A_643 = arith.constant 0 : i32
        %dma_start3A_644 = arith.constant 0 : i32
        %dma_start3A_645 = tpu.memref_slice %arg10[%dma_start3A_643, %dma_start3A_644] : memref<10000x128xf32, #tpu.memory_space<vmem_shared>> -> memref<10000x128xf32, #tpu.memory_space<vmem_shared>>
        tpu.enqueue_indirect_dma source(%arg8 : memref<125x128xf32, #tpu.memory_space<vmem>>) target(%dma_start3A_645 : memref<10000x128xf32, #tpu.memory_space<vmem_shared>>) offsets(%dma_start3A_642 : memref<125xi32, #tpu.memory_space<vmem>>) semaphore(%run_scoped3A_639 : memref<!tpu.dma_semaphore, #tpu.memory_space<semaphore_mem>>) {add = true}
        %dma_wait3A_646 = arith.constant 0 : i32
        %dma_wait3A_647 = tpu.memref_slice %arg7[%run_scoped3A_270, %dma_wait3A_646] : memref<40x125xi32, #tpu.memory_space<vmem>> -> memref<1x125xi32, #tpu.memory_space<vmem>>
        %dma_wait3A_648 = tpu.memref_squeeze %dma_wait3A_647 : memref<1x125xi32, #tpu.memory_space<vmem>> -> memref<125xi32, #tpu.memory_space<vmem>>
        %dma_wait3A_649 = arith.constant 0 : i32
        %dma_wait3A_650 = arith.constant 0 : i32
        %dma_wait3A_651 = tpu.memref_slice %arg10[%dma_wait3A_649, %dma_wait3A_650] : memref<10000x128xf32, #tpu.memory_space<vmem_shared>> -> memref<10000x128xf32, #tpu.memory_space<vmem_shared>>
        tpu.wait_indirect_dma semaphore(%run_scoped3A_639 : memref<!tpu.dma_semaphore, #tpu.memory_space<semaphore_mem>>) src(%arg8 : memref<125x128xf32, #tpu.memory_space<vmem>>) dst(%dma_wait3A_651 : memref<10000x128xf32, #tpu.memory_space<vmem_shared>>)
        tpu.yield
      }) : () -> ()
      %dma_start3A_271 = arith.constant 16 : i32
      %dma_start3A_272 = arith.constant 0 : i32
      %dma_start3A_273 = tpu.memref_slice %arg6[%dma_start3A_271, %dma_start3A_272] : memref<40x125xi32, #tpu.memory_space<vmem>> -> memref<1x125xi32, #tpu.memory_space<vmem>>
      %dma_start3A_274 = tpu.memref_squeeze %dma_start3A_273 : memref<1x125xi32, #tpu.memory_space<vmem>> -> memref<125xi32, #tpu.memory_space<vmem>>
      %dma_start3A_275 = arith.constant 0 : i32
      %dma_start3A_276 = arith.constant 0 : i32
      %dma_start3A_277 = tpu.memref_slice %arg2[%dma_start3A_275, %dma_start3A_276] : memref<10000x128xf32, #tpu.memory_space<hbm>> -> memref<10000x128xf32, #tpu.memory_space<hbm>>
      tpu.enqueue_indirect_dma source(%dma_start3A_277 : memref<10000x128xf32, #tpu.memory_space<hbm>>) target(%arg8 : memref<125x128xf32, #tpu.memory_space<vmem>>) offsets(%dma_start3A_274 : memref<125xi32, #tpu.memory_space<vmem>>) semaphore(%arg11 : memref<!tpu.dma_semaphore, #tpu.memory_space<semaphore_mem>>)
      %dma_wait3A_278 = arith.constant 15 : i32
      %dma_wait3A_279 = arith.constant 0 : i32
      %dma_wait3A_280 = tpu.memref_slice %arg6[%dma_wait3A_278, %dma_wait3A_279] : memref<40x125xi32, #tpu.memory_space<vmem>> -> memref<1x125xi32, #tpu.memory_space<vmem>>
      %dma_wait3A_281 = tpu.memref_squeeze %dma_wait3A_280 : memref<1x125xi32, #tpu.memory_space<vmem>> -> memref<125xi32, #tpu.memory_space<vmem>>
      %dma_wait3A_282 = arith.constant 0 : i32
      %dma_wait3A_283 = arith.constant 0 : i32
      %dma_wait3A_284 = tpu.memref_slice %arg2[%dma_wait3A_282, %dma_wait3A_283] : memref<10000x128xf32, #tpu.memory_space<hbm>> -> memref<10000x128xf32, #tpu.memory_space<hbm>>
      tpu.wait_indirect_dma semaphore(%arg12 : memref<!tpu.dma_semaphore, #tpu.memory_space<semaphore_mem>>) src(%dma_wait3A_284 : memref<10000x128xf32, #tpu.memory_space<hbm>>) dst(%arg9 : memref<125x128xf32, #tpu.memory_space<vmem>>)
      %run_scoped3A_285 = arith.constant 15 : i32
      "tpu.region"() ({
        %run_scoped3A_639 = tpu.sem_alloc : memref<!tpu.dma_semaphore, #tpu.memory_space<semaphore_mem>>
        %dma_start3A_640 = arith.constant 0 : i32
        %dma_start3A_641 = tpu.memref_slice %arg7[%run_scoped3A_285, %dma_start3A_640] : memref<40x125xi32, #tpu.memory_space<vmem>> -> memref<1x125xi32, #tpu.memory_space<vmem>>
        %dma_start3A_642 = tpu.memref_squeeze %dma_start3A_641 : memref<1x125xi32, #tpu.memory_space<vmem>> -> memref<125xi32, #tpu.memory_space<vmem>>
        %dma_start3A_643 = arith.constant 0 : i32
        %dma_start3A_644 = arith.constant 0 : i32
        %dma_start3A_645 = tpu.memref_slice %arg10[%dma_start3A_643, %dma_start3A_644] : memref<10000x128xf32, #tpu.memory_space<vmem_shared>> -> memref<10000x128xf32, #tpu.memory_space<vmem_shared>>
        tpu.enqueue_indirect_dma source(%arg9 : memref<125x128xf32, #tpu.memory_space<vmem>>) target(%dma_start3A_645 : memref<10000x128xf32, #tpu.memory_space<vmem_shared>>) offsets(%dma_start3A_642 : memref<125xi32, #tpu.memory_space<vmem>>) semaphore(%run_scoped3A_639 : memref<!tpu.dma_semaphore, #tpu.memory_space<semaphore_mem>>) {add = true}
        %dma_wait3A_646 = arith.constant 0 : i32
        %dma_wait3A_647 = tpu.memref_slice %arg7[%run_scoped3A_285, %dma_wait3A_646] : memref<40x125xi32, #tpu.memory_space<vmem>> -> memref<1x125xi32, #tpu.memory_space<vmem>>
        %dma_wait3A_648 = tpu.memref_squeeze %dma_wait3A_647 : memref<1x125xi32, #tpu.memory_space<vmem>> -> memref<125xi32, #tpu.memory_space<vmem>>
        %dma_wait3A_649 = arith.constant 0 : i32
        %dma_wait3A_650 = arith.constant 0 : i32
        %dma_wait3A_651 = tpu.memref_slice %arg10[%dma_wait3A_649, %dma_wait3A_650] : memref<10000x128xf32, #tpu.memory_space<vmem_shared>> -> memref<10000x128xf32, #tpu.memory_space<vmem_shared>>
        tpu.wait_indirect_dma semaphore(%run_scoped3A_639 : memref<!tpu.dma_semaphore, #tpu.memory_space<semaphore_mem>>) src(%arg9 : memref<125x128xf32, #tpu.memory_space<vmem>>) dst(%dma_wait3A_651 : memref<10000x128xf32, #tpu.memory_space<vmem_shared>>)
        tpu.yield
      }) : () -> ()
      %dma_start3A_286 = arith.constant 17 : i32
      %dma_start3A_287 = arith.constant 0 : i32
      %dma_start3A_288 = tpu.memref_slice %arg6[%dma_start3A_286, %dma_start3A_287] : memref<40x125xi32, #tpu.memory_space<vmem>> -> memref<1x125xi32, #tpu.memory_space<vmem>>
      %dma_start3A_289 = tpu.memref_squeeze %dma_start3A_288 : memref<1x125xi32, #tpu.memory_space<vmem>> -> memref<125xi32, #tpu.memory_space<vmem>>
      %dma_start3A_290 = arith.constant 0 : i32
      %dma_start3A_291 = arith.constant 0 : i32
      %dma_start3A_292 = tpu.memref_slice %arg2[%dma_start3A_290, %dma_start3A_291] : memref<10000x128xf32, #tpu.memory_space<hbm>> -> memref<10000x128xf32, #tpu.memory_space<hbm>>
      tpu.enqueue_indirect_dma source(%dma_start3A_292 : memref<10000x128xf32, #tpu.memory_space<hbm>>) target(%arg9 : memref<125x128xf32, #tpu.memory_space<vmem>>) offsets(%dma_start3A_289 : memref<125xi32, #tpu.memory_space<vmem>>) semaphore(%arg12 : memref<!tpu.dma_semaphore, #tpu.memory_space<semaphore_mem>>)
      %dma_wait3A_293 = arith.constant 16 : i32
      %dma_wait3A_294 = arith.constant 0 : i32
      %dma_wait3A_295 = tpu.memref_slice %arg6[%dma_wait3A_293, %dma_wait3A_294] : memref<40x125xi32, #tpu.memory_space<vmem>> -> memref<1x125xi32, #tpu.memory_space<vmem>>
      %dma_wait3A_296 = tpu.memref_squeeze %dma_wait3A_295 : memref<1x125xi32, #tpu.memory_space<vmem>> -> memref<125xi32, #tpu.memory_space<vmem>>
      %dma_wait3A_297 = arith.constant 0 : i32
      %dma_wait3A_298 = arith.constant 0 : i32
      %dma_wait3A_299 = tpu.memref_slice %arg2[%dma_wait3A_297, %dma_wait3A_298] : memref<10000x128xf32, #tpu.memory_space<hbm>> -> memref<10000x128xf32, #tpu.memory_space<hbm>>
      tpu.wait_indirect_dma semaphore(%arg11 : memref<!tpu.dma_semaphore, #tpu.memory_space<semaphore_mem>>) src(%dma_wait3A_299 : memref<10000x128xf32, #tpu.memory_space<hbm>>) dst(%arg8 : memref<125x128xf32, #tpu.memory_space<vmem>>)
      %run_scoped3A_300 = arith.constant 16 : i32
      "tpu.region"() ({
        %run_scoped3A_639 = tpu.sem_alloc : memref<!tpu.dma_semaphore, #tpu.memory_space<semaphore_mem>>
        %dma_start3A_640 = arith.constant 0 : i32
        %dma_start3A_641 = tpu.memref_slice %arg7[%run_scoped3A_300, %dma_start3A_640] : memref<40x125xi32, #tpu.memory_space<vmem>> -> memref<1x125xi32, #tpu.memory_space<vmem>>
        %dma_start3A_642 = tpu.memref_squeeze %dma_start3A_641 : memref<1x125xi32, #tpu.memory_space<vmem>> -> memref<125xi32, #tpu.memory_space<vmem>>
        %dma_start3A_643 = arith.constant 0 : i32
        %dma_start3A_644 = arith.constant 0 : i32
        %dma_start3A_645 = tpu.memref_slice %arg10[%dma_start3A_643, %dma_start3A_644] : memref<10000x128xf32, #tpu.memory_space<vmem_shared>> -> memref<10000x128xf32, #tpu.memory_space<vmem_shared>>
        tpu.enqueue_indirect_dma source(%arg8 : memref<125x128xf32, #tpu.memory_space<vmem>>) target(%dma_start3A_645 : memref<10000x128xf32, #tpu.memory_space<vmem_shared>>) offsets(%dma_start3A_642 : memref<125xi32, #tpu.memory_space<vmem>>) semaphore(%run_scoped3A_639 : memref<!tpu.dma_semaphore, #tpu.memory_space<semaphore_mem>>) {add = true}
        %dma_wait3A_646 = arith.constant 0 : i32
        %dma_wait3A_647 = tpu.memref_slice %arg7[%run_scoped3A_300, %dma_wait3A_646] : memref<40x125xi32, #tpu.memory_space<vmem>> -> memref<1x125xi32, #tpu.memory_space<vmem>>
        %dma_wait3A_648 = tpu.memref_squeeze %dma_wait3A_647 : memref<1x125xi32, #tpu.memory_space<vmem>> -> memref<125xi32, #tpu.memory_space<vmem>>
        %dma_wait3A_649 = arith.constant 0 : i32
        %dma_wait3A_650 = arith.constant 0 : i32
        %dma_wait3A_651 = tpu.memref_slice %arg10[%dma_wait3A_649, %dma_wait3A_650] : memref<10000x128xf32, #tpu.memory_space<vmem_shared>> -> memref<10000x128xf32, #tpu.memory_space<vmem_shared>>
        tpu.wait_indirect_dma semaphore(%run_scoped3A_639 : memref<!tpu.dma_semaphore, #tpu.memory_space<semaphore_mem>>) src(%arg8 : memref<125x128xf32, #tpu.memory_space<vmem>>) dst(%dma_wait3A_651 : memref<10000x128xf32, #tpu.memory_space<vmem_shared>>)
        tpu.yield
      }) : () -> ()
      %dma_start3A_301 = arith.constant 18 : i32
      %dma_start3A_302 = arith.constant 0 : i32
      %dma_start3A_303 = tpu.memref_slice %arg6[%dma_start3A_301, %dma_start3A_302] : memref<40x125xi32, #tpu.memory_space<vmem>> -> memref<1x125xi32, #tpu.memory_space<vmem>>
      %dma_start3A_304 = tpu.memref_squeeze %dma_start3A_303 : memref<1x125xi32, #tpu.memory_space<vmem>> -> memref<125xi32, #tpu.memory_space<vmem>>
      %dma_start3A_305 = arith.constant 0 : i32
      %dma_start3A_306 = arith.constant 0 : i32
      %dma_start3A_307 = tpu.memref_slice %arg2[%dma_start3A_305, %dma_start3A_306] : memref<10000x128xf32, #tpu.memory_space<hbm>> -> memref<10000x128xf32, #tpu.memory_space<hbm>>
      tpu.enqueue_indirect_dma source(%dma_start3A_307 : memref<10000x128xf32, #tpu.memory_space<hbm>>) target(%arg8 : memref<125x128xf32, #tpu.memory_space<vmem>>) offsets(%dma_start3A_304 : memref<125xi32, #tpu.memory_space<vmem>>) semaphore(%arg11 : memref<!tpu.dma_semaphore, #tpu.memory_space<semaphore_mem>>)
      %dma_wait3A_308 = arith.constant 17 : i32
      %dma_wait3A_309 = arith.constant 0 : i32
      %dma_wait3A_310 = tpu.memref_slice %arg6[%dma_wait3A_308, %dma_wait3A_309] : memref<40x125xi32, #tpu.memory_space<vmem>> -> memref<1x125xi32, #tpu.memory_space<vmem>>
      %dma_wait3A_311 = tpu.memref_squeeze %dma_wait3A_310 : memref<1x125xi32, #tpu.memory_space<vmem>> -> memref<125xi32, #tpu.memory_space<vmem>>
      %dma_wait3A_312 = arith.constant 0 : i32
      %dma_wait3A_313 = arith.constant 0 : i32
      %dma_wait3A_314 = tpu.memref_slice %arg2[%dma_wait3A_312, %dma_wait3A_313] : memref<10000x128xf32, #tpu.memory_space<hbm>> -> memref<10000x128xf32, #tpu.memory_space<hbm>>
      tpu.wait_indirect_dma semaphore(%arg12 : memref<!tpu.dma_semaphore, #tpu.memory_space<semaphore_mem>>) src(%dma_wait3A_314 : memref<10000x128xf32, #tpu.memory_space<hbm>>) dst(%arg9 : memref<125x128xf32, #tpu.memory_space<vmem>>)
      %run_scoped3A_315 = arith.constant 17 : i32
      "tpu.region"() ({
        %run_scoped3A_639 = tpu.sem_alloc : memref<!tpu.dma_semaphore, #tpu.memory_space<semaphore_mem>>
        %dma_start3A_640 = arith.constant 0 : i32
        %dma_start3A_641 = tpu.memref_slice %arg7[%run_scoped3A_315, %dma_start3A_640] : memref<40x125xi32, #tpu.memory_space<vmem>> -> memref<1x125xi32, #tpu.memory_space<vmem>>
        %dma_start3A_642 = tpu.memref_squeeze %dma_start3A_641 : memref<1x125xi32, #tpu.memory_space<vmem>> -> memref<125xi32, #tpu.memory_space<vmem>>
        %dma_start3A_643 = arith.constant 0 : i32
        %dma_start3A_644 = arith.constant 0 : i32
        %dma_start3A_645 = tpu.memref_slice %arg10[%dma_start3A_643, %dma_start3A_644] : memref<10000x128xf32, #tpu.memory_space<vmem_shared>> -> memref<10000x128xf32, #tpu.memory_space<vmem_shared>>
        tpu.enqueue_indirect_dma source(%arg9 : memref<125x128xf32, #tpu.memory_space<vmem>>) target(%dma_start3A_645 : memref<10000x128xf32, #tpu.memory_space<vmem_shared>>) offsets(%dma_start3A_642 : memref<125xi32, #tpu.memory_space<vmem>>) semaphore(%run_scoped3A_639 : memref<!tpu.dma_semaphore, #tpu.memory_space<semaphore_mem>>) {add = true}
        %dma_wait3A_646 = arith.constant 0 : i32
        %dma_wait3A_647 = tpu.memref_slice %arg7[%run_scoped3A_315, %dma_wait3A_646] : memref<40x125xi32, #tpu.memory_space<vmem>> -> memref<1x125xi32, #tpu.memory_space<vmem>>
        %dma_wait3A_648 = tpu.memref_squeeze %dma_wait3A_647 : memref<1x125xi32, #tpu.memory_space<vmem>> -> memref<125xi32, #tpu.memory_space<vmem>>
        %dma_wait3A_649 = arith.constant 0 : i32
        %dma_wait3A_650 = arith.constant 0 : i32
        %dma_wait3A_651 = tpu.memref_slice %arg10[%dma_wait3A_649, %dma_wait3A_650] : memref<10000x128xf32, #tpu.memory_space<vmem_shared>> -> memref<10000x128xf32, #tpu.memory_space<vmem_shared>>
        tpu.wait_indirect_dma semaphore(%run_scoped3A_639 : memref<!tpu.dma_semaphore, #tpu.memory_space<semaphore_mem>>) src(%arg9 : memref<125x128xf32, #tpu.memory_space<vmem>>) dst(%dma_wait3A_651 : memref<10000x128xf32, #tpu.memory_space<vmem_shared>>)
        tpu.yield
      }) : () -> ()
      %dma_start3A_316 = arith.constant 19 : i32
      %dma_start3A_317 = arith.constant 0 : i32
      %dma_start3A_318 = tpu.memref_slice %arg6[%dma_start3A_316, %dma_start3A_317] : memref<40x125xi32, #tpu.memory_space<vmem>> -> memref<1x125xi32, #tpu.memory_space<vmem>>
      %dma_start3A_319 = tpu.memref_squeeze %dma_start3A_318 : memref<1x125xi32, #tpu.memory_space<vmem>> -> memref<125xi32, #tpu.memory_space<vmem>>
      %dma_start3A_320 = arith.constant 0 : i32
      %dma_start3A_321 = arith.constant 0 : i32
      %dma_start3A_322 = tpu.memref_slice %arg2[%dma_start3A_320, %dma_start3A_321] : memref<10000x128xf32, #tpu.memory_space<hbm>> -> memref<10000x128xf32, #tpu.memory_space<hbm>>
      tpu.enqueue_indirect_dma source(%dma_start3A_322 : memref<10000x128xf32, #tpu.memory_space<hbm>>) target(%arg9 : memref<125x128xf32, #tpu.memory_space<vmem>>) offsets(%dma_start3A_319 : memref<125xi32, #tpu.memory_space<vmem>>) semaphore(%arg12 : memref<!tpu.dma_semaphore, #tpu.memory_space<semaphore_mem>>)
      %dma_wait3A_323 = arith.constant 18 : i32
      %dma_wait3A_324 = arith.constant 0 : i32
      %dma_wait3A_325 = tpu.memref_slice %arg6[%dma_wait3A_323, %dma_wait3A_324] : memref<40x125xi32, #tpu.memory_space<vmem>> -> memref<1x125xi32, #tpu.memory_space<vmem>>
      %dma_wait3A_326 = tpu.memref_squeeze %dma_wait3A_325 : memref<1x125xi32, #tpu.memory_space<vmem>> -> memref<125xi32, #tpu.memory_space<vmem>>
      %dma_wait3A_327 = arith.constant 0 : i32
      %dma_wait3A_328 = arith.constant 0 : i32
      %dma_wait3A_329 = tpu.memref_slice %arg2[%dma_wait3A_327, %dma_wait3A_328] : memref<10000x128xf32, #tpu.memory_space<hbm>> -> memref<10000x128xf32, #tpu.memory_space<hbm>>
      tpu.wait_indirect_dma semaphore(%arg11 : memref<!tpu.dma_semaphore, #tpu.memory_space<semaphore_mem>>) src(%dma_wait3A_329 : memref<10000x128xf32, #tpu.memory_space<hbm>>) dst(%arg8 : memref<125x128xf32, #tpu.memory_space<vmem>>)
      %run_scoped3A_330 = arith.constant 18 : i32
      "tpu.region"() ({
        %run_scoped3A_639 = tpu.sem_alloc : memref<!tpu.dma_semaphore, #tpu.memory_space<semaphore_mem>>
        %dma_start3A_640 = arith.constant 0 : i32
        %dma_start3A_641 = tpu.memref_slice %arg7[%run_scoped3A_330, %dma_start3A_640] : memref<40x125xi32, #tpu.memory_space<vmem>> -> memref<1x125xi32, #tpu.memory_space<vmem>>
        %dma_start3A_642 = tpu.memref_squeeze %dma_start3A_641 : memref<1x125xi32, #tpu.memory_space<vmem>> -> memref<125xi32, #tpu.memory_space<vmem>>
        %dma_start3A_643 = arith.constant 0 : i32
        %dma_start3A_644 = arith.constant 0 : i32
        %dma_start3A_645 = tpu.memref_slice %arg10[%dma_start3A_643, %dma_start3A_644] : memref<10000x128xf32, #tpu.memory_space<vmem_shared>> -> memref<10000x128xf32, #tpu.memory_space<vmem_shared>>
        tpu.enqueue_indirect_dma source(%arg8 : memref<125x128xf32, #tpu.memory_space<vmem>>) target(%dma_start3A_645 : memref<10000x128xf32, #tpu.memory_space<vmem_shared>>) offsets(%dma_start3A_642 : memref<125xi32, #tpu.memory_space<vmem>>) semaphore(%run_scoped3A_639 : memref<!tpu.dma_semaphore, #tpu.memory_space<semaphore_mem>>) {add = true}
        %dma_wait3A_646 = arith.constant 0 : i32
        %dma_wait3A_647 = tpu.memref_slice %arg7[%run_scoped3A_330, %dma_wait3A_646] : memref<40x125xi32, #tpu.memory_space<vmem>> -> memref<1x125xi32, #tpu.memory_space<vmem>>
        %dma_wait3A_648 = tpu.memref_squeeze %dma_wait3A_647 : memref<1x125xi32, #tpu.memory_space<vmem>> -> memref<125xi32, #tpu.memory_space<vmem>>
        %dma_wait3A_649 = arith.constant 0 : i32
        %dma_wait3A_650 = arith.constant 0 : i32
        %dma_wait3A_651 = tpu.memref_slice %arg10[%dma_wait3A_649, %dma_wait3A_650] : memref<10000x128xf32, #tpu.memory_space<vmem_shared>> -> memref<10000x128xf32, #tpu.memory_space<vmem_shared>>
        tpu.wait_indirect_dma semaphore(%run_scoped3A_639 : memref<!tpu.dma_semaphore, #tpu.memory_space<semaphore_mem>>) src(%arg8 : memref<125x128xf32, #tpu.memory_space<vmem>>) dst(%dma_wait3A_651 : memref<10000x128xf32, #tpu.memory_space<vmem_shared>>)
        tpu.yield
      }) : () -> ()
      %dma_start3A_331 = arith.constant 20 : i32
      %dma_start3A_332 = arith.constant 0 : i32
      %dma_start3A_333 = tpu.memref_slice %arg6[%dma_start3A_331, %dma_start3A_332] : memref<40x125xi32, #tpu.memory_space<vmem>> -> memref<1x125xi32, #tpu.memory_space<vmem>>
      %dma_start3A_334 = tpu.memref_squeeze %dma_start3A_333 : memref<1x125xi32, #tpu.memory_space<vmem>> -> memref<125xi32, #tpu.memory_space<vmem>>
      %dma_start3A_335 = arith.constant 0 : i32
      %dma_start3A_336 = arith.constant 0 : i32
      %dma_start3A_337 = tpu.memref_slice %arg2[%dma_start3A_335, %dma_start3A_336] : memref<10000x128xf32, #tpu.memory_space<hbm>> -> memref<10000x128xf32, #tpu.memory_space<hbm>>
      tpu.enqueue_indirect_dma source(%dma_start3A_337 : memref<10000x128xf32, #tpu.memory_space<hbm>>) target(%arg8 : memref<125x128xf32, #tpu.memory_space<vmem>>) offsets(%dma_start3A_334 : memref<125xi32, #tpu.memory_space<vmem>>) semaphore(%arg11 : memref<!tpu.dma_semaphore, #tpu.memory_space<semaphore_mem>>)
      %dma_wait3A_338 = arith.constant 19 : i32
      %dma_wait3A_339 = arith.constant 0 : i32
      %dma_wait3A_340 = tpu.memref_slice %arg6[%dma_wait3A_338, %dma_wait3A_339] : memref<40x125xi32, #tpu.memory_space<vmem>> -> memref<1x125xi32, #tpu.memory_space<vmem>>
      %dma_wait3A_341 = tpu.memref_squeeze %dma_wait3A_340 : memref<1x125xi32, #tpu.memory_space<vmem>> -> memref<125xi32, #tpu.memory_space<vmem>>
      %dma_wait3A_342 = arith.constant 0 : i32
      %dma_wait3A_343 = arith.constant 0 : i32
      %dma_wait3A_344 = tpu.memref_slice %arg2[%dma_wait3A_342, %dma_wait3A_343] : memref<10000x128xf32, #tpu.memory_space<hbm>> -> memref<10000x128xf32, #tpu.memory_space<hbm>>
      tpu.wait_indirect_dma semaphore(%arg12 : memref<!tpu.dma_semaphore, #tpu.memory_space<semaphore_mem>>) src(%dma_wait3A_344 : memref<10000x128xf32, #tpu.memory_space<hbm>>) dst(%arg9 : memref<125x128xf32, #tpu.memory_space<vmem>>)
      %run_scoped3A_345 = arith.constant 19 : i32
      "tpu.region"() ({
        %run_scoped3A_639 = tpu.sem_alloc : memref<!tpu.dma_semaphore, #tpu.memory_space<semaphore_mem>>
        %dma_start3A_640 = arith.constant 0 : i32
        %dma_start3A_641 = tpu.memref_slice %arg7[%run_scoped3A_345, %dma_start3A_640] : memref<40x125xi32, #tpu.memory_space<vmem>> -> memref<1x125xi32, #tpu.memory_space<vmem>>
        %dma_start3A_642 = tpu.memref_squeeze %dma_start3A_641 : memref<1x125xi32, #tpu.memory_space<vmem>> -> memref<125xi32, #tpu.memory_space<vmem>>
        %dma_start3A_643 = arith.constant 0 : i32
        %dma_start3A_644 = arith.constant 0 : i32
        %dma_start3A_645 = tpu.memref_slice %arg10[%dma_start3A_643, %dma_start3A_644] : memref<10000x128xf32, #tpu.memory_space<vmem_shared>> -> memref<10000x128xf32, #tpu.memory_space<vmem_shared>>
        tpu.enqueue_indirect_dma source(%arg9 : memref<125x128xf32, #tpu.memory_space<vmem>>) target(%dma_start3A_645 : memref<10000x128xf32, #tpu.memory_space<vmem_shared>>) offsets(%dma_start3A_642 : memref<125xi32, #tpu.memory_space<vmem>>) semaphore(%run_scoped3A_639 : memref<!tpu.dma_semaphore, #tpu.memory_space<semaphore_mem>>) {add = true}
        %dma_wait3A_646 = arith.constant 0 : i32
        %dma_wait3A_647 = tpu.memref_slice %arg7[%run_scoped3A_345, %dma_wait3A_646] : memref<40x125xi32, #tpu.memory_space<vmem>> -> memref<1x125xi32, #tpu.memory_space<vmem>>
        %dma_wait3A_648 = tpu.memref_squeeze %dma_wait3A_647 : memref<1x125xi32, #tpu.memory_space<vmem>> -> memref<125xi32, #tpu.memory_space<vmem>>
        %dma_wait3A_649 = arith.constant 0 : i32
        %dma_wait3A_650 = arith.constant 0 : i32
        %dma_wait3A_651 = tpu.memref_slice %arg10[%dma_wait3A_649, %dma_wait3A_650] : memref<10000x128xf32, #tpu.memory_space<vmem_shared>> -> memref<10000x128xf32, #tpu.memory_space<vmem_shared>>
        tpu.wait_indirect_dma semaphore(%run_scoped3A_639 : memref<!tpu.dma_semaphore, #tpu.memory_space<semaphore_mem>>) src(%arg9 : memref<125x128xf32, #tpu.memory_space<vmem>>) dst(%dma_wait3A_651 : memref<10000x128xf32, #tpu.memory_space<vmem_shared>>)
        tpu.yield
      }) : () -> ()
      %dma_start3A_346 = arith.constant 21 : i32
      %dma_start3A_347 = arith.constant 0 : i32
      %dma_start3A_348 = tpu.memref_slice %arg6[%dma_start3A_346, %dma_start3A_347] : memref<40x125xi32, #tpu.memory_space<vmem>> -> memref<1x125xi32, #tpu.memory_space<vmem>>
      %dma_start3A_349 = tpu.memref_squeeze %dma_start3A_348 : memref<1x125xi32, #tpu.memory_space<vmem>> -> memref<125xi32, #tpu.memory_space<vmem>>
      %dma_start3A_350 = arith.constant 0 : i32
      %dma_start3A_351 = arith.constant 0 : i32
      %dma_start3A_352 = tpu.memref_slice %arg2[%dma_start3A_350, %dma_start3A_351] : memref<10000x128xf32, #tpu.memory_space<hbm>> -> memref<10000x128xf32, #tpu.memory_space<hbm>>
      tpu.enqueue_indirect_dma source(%dma_start3A_352 : memref<10000x128xf32, #tpu.memory_space<hbm>>) target(%arg9 : memref<125x128xf32, #tpu.memory_space<vmem>>) offsets(%dma_start3A_349 : memref<125xi32, #tpu.memory_space<vmem>>) semaphore(%arg12 : memref<!tpu.dma_semaphore, #tpu.memory_space<semaphore_mem>>)
      %dma_wait3A_353 = arith.constant 20 : i32
      %dma_wait3A_354 = arith.constant 0 : i32
      %dma_wait3A_355 = tpu.memref_slice %arg6[%dma_wait3A_353, %dma_wait3A_354] : memref<40x125xi32, #tpu.memory_space<vmem>> -> memref<1x125xi32, #tpu.memory_space<vmem>>
      %dma_wait3A_356 = tpu.memref_squeeze %dma_wait3A_355 : memref<1x125xi32, #tpu.memory_space<vmem>> -> memref<125xi32, #tpu.memory_space<vmem>>
      %dma_wait3A_357 = arith.constant 0 : i32
      %dma_wait3A_358 = arith.constant 0 : i32
      %dma_wait3A_359 = tpu.memref_slice %arg2[%dma_wait3A_357, %dma_wait3A_358] : memref<10000x128xf32, #tpu.memory_space<hbm>> -> memref<10000x128xf32, #tpu.memory_space<hbm>>
      tpu.wait_indirect_dma semaphore(%arg11 : memref<!tpu.dma_semaphore, #tpu.memory_space<semaphore_mem>>) src(%dma_wait3A_359 : memref<10000x128xf32, #tpu.memory_space<hbm>>) dst(%arg8 : memref<125x128xf32, #tpu.memory_space<vmem>>)
      %run_scoped3A_360 = arith.constant 20 : i32
      "tpu.region"() ({
        %run_scoped3A_639 = tpu.sem_alloc : memref<!tpu.dma_semaphore, #tpu.memory_space<semaphore_mem>>
        %dma_start3A_640 = arith.constant 0 : i32
        %dma_start3A_641 = tpu.memref_slice %arg7[%run_scoped3A_360, %dma_start3A_640] : memref<40x125xi32, #tpu.memory_space<vmem>> -> memref<1x125xi32, #tpu.memory_space<vmem>>
        %dma_start3A_642 = tpu.memref_squeeze %dma_start3A_641 : memref<1x125xi32, #tpu.memory_space<vmem>> -> memref<125xi32, #tpu.memory_space<vmem>>
        %dma_start3A_643 = arith.constant 0 : i32
        %dma_start3A_644 = arith.constant 0 : i32
        %dma_start3A_645 = tpu.memref_slice %arg10[%dma_start3A_643, %dma_start3A_644] : memref<10000x128xf32, #tpu.memory_space<vmem_shared>> -> memref<10000x128xf32, #tpu.memory_space<vmem_shared>>
        tpu.enqueue_indirect_dma source(%arg8 : memref<125x128xf32, #tpu.memory_space<vmem>>) target(%dma_start3A_645 : memref<10000x128xf32, #tpu.memory_space<vmem_shared>>) offsets(%dma_start3A_642 : memref<125xi32, #tpu.memory_space<vmem>>) semaphore(%run_scoped3A_639 : memref<!tpu.dma_semaphore, #tpu.memory_space<semaphore_mem>>) {add = true}
        %dma_wait3A_646 = arith.constant 0 : i32
        %dma_wait3A_647 = tpu.memref_slice %arg7[%run_scoped3A_360, %dma_wait3A_646] : memref<40x125xi32, #tpu.memory_space<vmem>> -> memref<1x125xi32, #tpu.memory_space<vmem>>
        %dma_wait3A_648 = tpu.memref_squeeze %dma_wait3A_647 : memref<1x125xi32, #tpu.memory_space<vmem>> -> memref<125xi32, #tpu.memory_space<vmem>>
        %dma_wait3A_649 = arith.constant 0 : i32
        %dma_wait3A_650 = arith.constant 0 : i32
        %dma_wait3A_651 = tpu.memref_slice %arg10[%dma_wait3A_649, %dma_wait3A_650] : memref<10000x128xf32, #tpu.memory_space<vmem_shared>> -> memref<10000x128xf32, #tpu.memory_space<vmem_shared>>
        tpu.wait_indirect_dma semaphore(%run_scoped3A_639 : memref<!tpu.dma_semaphore, #tpu.memory_space<semaphore_mem>>) src(%arg8 : memref<125x128xf32, #tpu.memory_space<vmem>>) dst(%dma_wait3A_651 : memref<10000x128xf32, #tpu.memory_space<vmem_shared>>)
        tpu.yield
      }) : () -> ()
      %dma_start3A_361 = arith.constant 22 : i32
      %dma_start3A_362 = arith.constant 0 : i32
      %dma_start3A_363 = tpu.memref_slice %arg6[%dma_start3A_361, %dma_start3A_362] : memref<40x125xi32, #tpu.memory_space<vmem>> -> memref<1x125xi32, #tpu.memory_space<vmem>>
      %dma_start3A_364 = tpu.memref_squeeze %dma_start3A_363 : memref<1x125xi32, #tpu.memory_space<vmem>> -> memref<125xi32, #tpu.memory_space<vmem>>
      %dma_start3A_365 = arith.constant 0 : i32
      %dma_start3A_366 = arith.constant 0 : i32
      %dma_start3A_367 = tpu.memref_slice %arg2[%dma_start3A_365, %dma_start3A_366] : memref<10000x128xf32, #tpu.memory_space<hbm>> -> memref<10000x128xf32, #tpu.memory_space<hbm>>
      tpu.enqueue_indirect_dma source(%dma_start3A_367 : memref<10000x128xf32, #tpu.memory_space<hbm>>) target(%arg8 : memref<125x128xf32, #tpu.memory_space<vmem>>) offsets(%dma_start3A_364 : memref<125xi32, #tpu.memory_space<vmem>>) semaphore(%arg11 : memref<!tpu.dma_semaphore, #tpu.memory_space<semaphore_mem>>)
      %dma_wait3A_368 = arith.constant 21 : i32
      %dma_wait3A_369 = arith.constant 0 : i32
      %dma_wait3A_370 = tpu.memref_slice %arg6[%dma_wait3A_368, %dma_wait3A_369] : memref<40x125xi32, #tpu.memory_space<vmem>> -> memref<1x125xi32, #tpu.memory_space<vmem>>
      %dma_wait3A_371 = tpu.memref_squeeze %dma_wait3A_370 : memref<1x125xi32, #tpu.memory_space<vmem>> -> memref<125xi32, #tpu.memory_space<vmem>>
      %dma_wait3A_372 = arith.constant 0 : i32
      %dma_wait3A_373 = arith.constant 0 : i32
      %dma_wait3A_374 = tpu.memref_slice %arg2[%dma_wait3A_372, %dma_wait3A_373] : memref<10000x128xf32, #tpu.memory_space<hbm>> -> memref<10000x128xf32, #tpu.memory_space<hbm>>
      tpu.wait_indirect_dma semaphore(%arg12 : memref<!tpu.dma_semaphore, #tpu.memory_space<semaphore_mem>>) src(%dma_wait3A_374 : memref<10000x128xf32, #tpu.memory_space<hbm>>) dst(%arg9 : memref<125x128xf32, #tpu.memory_space<vmem>>)
      %run_scoped3A_375 = arith.constant 21 : i32
      "tpu.region"() ({
        %run_scoped3A_639 = tpu.sem_alloc : memref<!tpu.dma_semaphore, #tpu.memory_space<semaphore_mem>>
        %dma_start3A_640 = arith.constant 0 : i32
        %dma_start3A_641 = tpu.memref_slice %arg7[%run_scoped3A_375, %dma_start3A_640] : memref<40x125xi32, #tpu.memory_space<vmem>> -> memref<1x125xi32, #tpu.memory_space<vmem>>
        %dma_start3A_642 = tpu.memref_squeeze %dma_start3A_641 : memref<1x125xi32, #tpu.memory_space<vmem>> -> memref<125xi32, #tpu.memory_space<vmem>>
        %dma_start3A_643 = arith.constant 0 : i32
        %dma_start3A_644 = arith.constant 0 : i32
        %dma_start3A_645 = tpu.memref_slice %arg10[%dma_start3A_643, %dma_start3A_644] : memref<10000x128xf32, #tpu.memory_space<vmem_shared>> -> memref<10000x128xf32, #tpu.memory_space<vmem_shared>>
        tpu.enqueue_indirect_dma source(%arg9 : memref<125x128xf32, #tpu.memory_space<vmem>>) target(%dma_start3A_645 : memref<10000x128xf32, #tpu.memory_space<vmem_shared>>) offsets(%dma_start3A_642 : memref<125xi32, #tpu.memory_space<vmem>>) semaphore(%run_scoped3A_639 : memref<!tpu.dma_semaphore, #tpu.memory_space<semaphore_mem>>) {add = true}
        %dma_wait3A_646 = arith.constant 0 : i32
        %dma_wait3A_647 = tpu.memref_slice %arg7[%run_scoped3A_375, %dma_wait3A_646] : memref<40x125xi32, #tpu.memory_space<vmem>> -> memref<1x125xi32, #tpu.memory_space<vmem>>
        %dma_wait3A_648 = tpu.memref_squeeze %dma_wait3A_647 : memref<1x125xi32, #tpu.memory_space<vmem>> -> memref<125xi32, #tpu.memory_space<vmem>>
        %dma_wait3A_649 = arith.constant 0 : i32
        %dma_wait3A_650 = arith.constant 0 : i32
        %dma_wait3A_651 = tpu.memref_slice %arg10[%dma_wait3A_649, %dma_wait3A_650] : memref<10000x128xf32, #tpu.memory_space<vmem_shared>> -> memref<10000x128xf32, #tpu.memory_space<vmem_shared>>
        tpu.wait_indirect_dma semaphore(%run_scoped3A_639 : memref<!tpu.dma_semaphore, #tpu.memory_space<semaphore_mem>>) src(%arg9 : memref<125x128xf32, #tpu.memory_space<vmem>>) dst(%dma_wait3A_651 : memref<10000x128xf32, #tpu.memory_space<vmem_shared>>)
        tpu.yield
      }) : () -> ()
      %dma_start3A_376 = arith.constant 23 : i32
      %dma_start3A_377 = arith.constant 0 : i32
      %dma_start3A_378 = tpu.memref_slice %arg6[%dma_start3A_376, %dma_start3A_377] : memref<40x125xi32, #tpu.memory_space<vmem>> -> memref<1x125xi32, #tpu.memory_space<vmem>>
      %dma_start3A_379 = tpu.memref_squeeze %dma_start3A_378 : memref<1x125xi32, #tpu.memory_space<vmem>> -> memref<125xi32, #tpu.memory_space<vmem>>
      %dma_start3A_380 = arith.constant 0 : i32
      %dma_start3A_381 = arith.constant 0 : i32
      %dma_start3A_382 = tpu.memref_slice %arg2[%dma_start3A_380, %dma_start3A_381] : memref<10000x128xf32, #tpu.memory_space<hbm>> -> memref<10000x128xf32, #tpu.memory_space<hbm>>
      tpu.enqueue_indirect_dma source(%dma_start3A_382 : memref<10000x128xf32, #tpu.memory_space<hbm>>) target(%arg9 : memref<125x128xf32, #tpu.memory_space<vmem>>) offsets(%dma_start3A_379 : memref<125xi32, #tpu.memory_space<vmem>>) semaphore(%arg12 : memref<!tpu.dma_semaphore, #tpu.memory_space<semaphore_mem>>)
      %dma_wait3A_383 = arith.constant 22 : i32
      %dma_wait3A_384 = arith.constant 0 : i32
      %dma_wait3A_385 = tpu.memref_slice %arg6[%dma_wait3A_383, %dma_wait3A_384] : memref<40x125xi32, #tpu.memory_space<vmem>> -> memref<1x125xi32, #tpu.memory_space<vmem>>
      %dma_wait3A_386 = tpu.memref_squeeze %dma_wait3A_385 : memref<1x125xi32, #tpu.memory_space<vmem>> -> memref<125xi32, #tpu.memory_space<vmem>>
      %dma_wait3A_387 = arith.constant 0 : i32
      %dma_wait3A_388 = arith.constant 0 : i32
      %dma_wait3A_389 = tpu.memref_slice %arg2[%dma_wait3A_387, %dma_wait3A_388] : memref<10000x128xf32, #tpu.memory_space<hbm>> -> memref<10000x128xf32, #tpu.memory_space<hbm>>
      tpu.wait_indirect_dma semaphore(%arg11 : memref<!tpu.dma_semaphore, #tpu.memory_space<semaphore_mem>>) src(%dma_wait3A_389 : memref<10000x128xf32, #tpu.memory_space<hbm>>) dst(%arg8 : memref<125x128xf32, #tpu.memory_space<vmem>>)
      %run_scoped3A_390 = arith.constant 22 : i32
      "tpu.region"() ({
        %run_scoped3A_639 = tpu.sem_alloc : memref<!tpu.dma_semaphore, #tpu.memory_space<semaphore_mem>>
        %dma_start3A_640 = arith.constant 0 : i32
        %dma_start3A_641 = tpu.memref_slice %arg7[%run_scoped3A_390, %dma_start3A_640] : memref<40x125xi32, #tpu.memory_space<vmem>> -> memref<1x125xi32, #tpu.memory_space<vmem>>
        %dma_start3A_642 = tpu.memref_squeeze %dma_start3A_641 : memref<1x125xi32, #tpu.memory_space<vmem>> -> memref<125xi32, #tpu.memory_space<vmem>>
        %dma_start3A_643 = arith.constant 0 : i32
        %dma_start3A_644 = arith.constant 0 : i32
        %dma_start3A_645 = tpu.memref_slice %arg10[%dma_start3A_643, %dma_start3A_644] : memref<10000x128xf32, #tpu.memory_space<vmem_shared>> -> memref<10000x128xf32, #tpu.memory_space<vmem_shared>>
        tpu.enqueue_indirect_dma source(%arg8 : memref<125x128xf32, #tpu.memory_space<vmem>>) target(%dma_start3A_645 : memref<10000x128xf32, #tpu.memory_space<vmem_shared>>) offsets(%dma_start3A_642 : memref<125xi32, #tpu.memory_space<vmem>>) semaphore(%run_scoped3A_639 : memref<!tpu.dma_semaphore, #tpu.memory_space<semaphore_mem>>) {add = true}
        %dma_wait3A_646 = arith.constant 0 : i32
        %dma_wait3A_647 = tpu.memref_slice %arg7[%run_scoped3A_390, %dma_wait3A_646] : memref<40x125xi32, #tpu.memory_space<vmem>> -> memref<1x125xi32, #tpu.memory_space<vmem>>
        %dma_wait3A_648 = tpu.memref_squeeze %dma_wait3A_647 : memref<1x125xi32, #tpu.memory_space<vmem>> -> memref<125xi32, #tpu.memory_space<vmem>>
        %dma_wait3A_649 = arith.constant 0 : i32
        %dma_wait3A_650 = arith.constant 0 : i32
        %dma_wait3A_651 = tpu.memref_slice %arg10[%dma_wait3A_649, %dma_wait3A_650] : memref<10000x128xf32, #tpu.memory_space<vmem_shared>> -> memref<10000x128xf32, #tpu.memory_space<vmem_shared>>
        tpu.wait_indirect_dma semaphore(%run_scoped3A_639 : memref<!tpu.dma_semaphore, #tpu.memory_space<semaphore_mem>>) src(%arg8 : memref<125x128xf32, #tpu.memory_space<vmem>>) dst(%dma_wait3A_651 : memref<10000x128xf32, #tpu.memory_space<vmem_shared>>)
        tpu.yield
      }) : () -> ()
      %dma_start3A_391 = arith.constant 24 : i32
      %dma_start3A_392 = arith.constant 0 : i32
      %dma_start3A_393 = tpu.memref_slice %arg6[%dma_start3A_391, %dma_start3A_392] : memref<40x125xi32, #tpu.memory_space<vmem>> -> memref<1x125xi32, #tpu.memory_space<vmem>>
      %dma_start3A_394 = tpu.memref_squeeze %dma_start3A_393 : memref<1x125xi32, #tpu.memory_space<vmem>> -> memref<125xi32, #tpu.memory_space<vmem>>
      %dma_start3A_395 = arith.constant 0 : i32
      %dma_start3A_396 = arith.constant 0 : i32
      %dma_start3A_397 = tpu.memref_slice %arg2[%dma_start3A_395, %dma_start3A_396] : memref<10000x128xf32, #tpu.memory_space<hbm>> -> memref<10000x128xf32, #tpu.memory_space<hbm>>
      tpu.enqueue_indirect_dma source(%dma_start3A_397 : memref<10000x128xf32, #tpu.memory_space<hbm>>) target(%arg8 : memref<125x128xf32, #tpu.memory_space<vmem>>) offsets(%dma_start3A_394 : memref<125xi32, #tpu.memory_space<vmem>>) semaphore(%arg11 : memref<!tpu.dma_semaphore, #tpu.memory_space<semaphore_mem>>)
      %dma_wait3A_398 = arith.constant 23 : i32
      %dma_wait3A_399 = arith.constant 0 : i32
      %dma_wait3A_400 = tpu.memref_slice %arg6[%dma_wait3A_398, %dma_wait3A_399] : memref<40x125xi32, #tpu.memory_space<vmem>> -> memref<1x125xi32, #tpu.memory_space<vmem>>
      %dma_wait3A_401 = tpu.memref_squeeze %dma_wait3A_400 : memref<1x125xi32, #tpu.memory_space<vmem>> -> memref<125xi32, #tpu.memory_space<vmem>>
      %dma_wait3A_402 = arith.constant 0 : i32
      %dma_wait3A_403 = arith.constant 0 : i32
      %dma_wait3A_404 = tpu.memref_slice %arg2[%dma_wait3A_402, %dma_wait3A_403] : memref<10000x128xf32, #tpu.memory_space<hbm>> -> memref<10000x128xf32, #tpu.memory_space<hbm>>
      tpu.wait_indirect_dma semaphore(%arg12 : memref<!tpu.dma_semaphore, #tpu.memory_space<semaphore_mem>>) src(%dma_wait3A_404 : memref<10000x128xf32, #tpu.memory_space<hbm>>) dst(%arg9 : memref<125x128xf32, #tpu.memory_space<vmem>>)
      %run_scoped3A_405 = arith.constant 23 : i32
      "tpu.region"() ({
        %run_scoped3A_639 = tpu.sem_alloc : memref<!tpu.dma_semaphore, #tpu.memory_space<semaphore_mem>>
        %dma_start3A_640 = arith.constant 0 : i32
        %dma_start3A_641 = tpu.memref_slice %arg7[%run_scoped3A_405, %dma_start3A_640] : memref<40x125xi32, #tpu.memory_space<vmem>> -> memref<1x125xi32, #tpu.memory_space<vmem>>
        %dma_start3A_642 = tpu.memref_squeeze %dma_start3A_641 : memref<1x125xi32, #tpu.memory_space<vmem>> -> memref<125xi32, #tpu.memory_space<vmem>>
        %dma_start3A_643 = arith.constant 0 : i32
        %dma_start3A_644 = arith.constant 0 : i32
        %dma_start3A_645 = tpu.memref_slice %arg10[%dma_start3A_643, %dma_start3A_644] : memref<10000x128xf32, #tpu.memory_space<vmem_shared>> -> memref<10000x128xf32, #tpu.memory_space<vmem_shared>>
        tpu.enqueue_indirect_dma source(%arg9 : memref<125x128xf32, #tpu.memory_space<vmem>>) target(%dma_start3A_645 : memref<10000x128xf32, #tpu.memory_space<vmem_shared>>) offsets(%dma_start3A_642 : memref<125xi32, #tpu.memory_space<vmem>>) semaphore(%run_scoped3A_639 : memref<!tpu.dma_semaphore, #tpu.memory_space<semaphore_mem>>) {add = true}
        %dma_wait3A_646 = arith.constant 0 : i32
        %dma_wait3A_647 = tpu.memref_slice %arg7[%run_scoped3A_405, %dma_wait3A_646] : memref<40x125xi32, #tpu.memory_space<vmem>> -> memref<1x125xi32, #tpu.memory_space<vmem>>
        %dma_wait3A_648 = tpu.memref_squeeze %dma_wait3A_647 : memref<1x125xi32, #tpu.memory_space<vmem>> -> memref<125xi32, #tpu.memory_space<vmem>>
        %dma_wait3A_649 = arith.constant 0 : i32
        %dma_wait3A_650 = arith.constant 0 : i32
        %dma_wait3A_651 = tpu.memref_slice %arg10[%dma_wait3A_649, %dma_wait3A_650] : memref<10000x128xf32, #tpu.memory_space<vmem_shared>> -> memref<10000x128xf32, #tpu.memory_space<vmem_shared>>
        tpu.wait_indirect_dma semaphore(%run_scoped3A_639 : memref<!tpu.dma_semaphore, #tpu.memory_space<semaphore_mem>>) src(%arg9 : memref<125x128xf32, #tpu.memory_space<vmem>>) dst(%dma_wait3A_651 : memref<10000x128xf32, #tpu.memory_space<vmem_shared>>)
        tpu.yield
      }) : () -> ()
      %dma_start3A_406 = arith.constant 25 : i32
      %dma_start3A_407 = arith.constant 0 : i32
      %dma_start3A_408 = tpu.memref_slice %arg6[%dma_start3A_406, %dma_start3A_407] : memref<40x125xi32, #tpu.memory_space<vmem>> -> memref<1x125xi32, #tpu.memory_space<vmem>>
      %dma_start3A_409 = tpu.memref_squeeze %dma_start3A_408 : memref<1x125xi32, #tpu.memory_space<vmem>> -> memref<125xi32, #tpu.memory_space<vmem>>
      %dma_start3A_410 = arith.constant 0 : i32
      %dma_start3A_411 = arith.constant 0 : i32
      %dma_start3A_412 = tpu.memref_slice %arg2[%dma_start3A_410, %dma_start3A_411] : memref<10000x128xf32, #tpu.memory_space<hbm>> -> memref<10000x128xf32, #tpu.memory_space<hbm>>
      tpu.enqueue_indirect_dma source(%dma_start3A_412 : memref<10000x128xf32, #tpu.memory_space<hbm>>) target(%arg9 : memref<125x128xf32, #tpu.memory_space<vmem>>) offsets(%dma_start3A_409 : memref<125xi32, #tpu.memory_space<vmem>>) semaphore(%arg12 : memref<!tpu.dma_semaphore, #tpu.memory_space<semaphore_mem>>)
      %dma_wait3A_413 = arith.constant 24 : i32
      %dma_wait3A_414 = arith.constant 0 : i32
      %dma_wait3A_415 = tpu.memref_slice %arg6[%dma_wait3A_413, %dma_wait3A_414] : memref<40x125xi32, #tpu.memory_space<vmem>> -> memref<1x125xi32, #tpu.memory_space<vmem>>
      %dma_wait3A_416 = tpu.memref_squeeze %dma_wait3A_415 : memref<1x125xi32, #tpu.memory_space<vmem>> -> memref<125xi32, #tpu.memory_space<vmem>>
      %dma_wait3A_417 = arith.constant 0 : i32
      %dma_wait3A_418 = arith.constant 0 : i32
      %dma_wait3A_419 = tpu.memref_slice %arg2[%dma_wait3A_417, %dma_wait3A_418] : memref<10000x128xf32, #tpu.memory_space<hbm>> -> memref<10000x128xf32, #tpu.memory_space<hbm>>
      tpu.wait_indirect_dma semaphore(%arg11 : memref<!tpu.dma_semaphore, #tpu.memory_space<semaphore_mem>>) src(%dma_wait3A_419 : memref<10000x128xf32, #tpu.memory_space<hbm>>) dst(%arg8 : memref<125x128xf32, #tpu.memory_space<vmem>>)
      %run_scoped3A_420 = arith.constant 24 : i32
      "tpu.region"() ({
        %run_scoped3A_639 = tpu.sem_alloc : memref<!tpu.dma_semaphore, #tpu.memory_space<semaphore_mem>>
        %dma_start3A_640 = arith.constant 0 : i32
        %dma_start3A_641 = tpu.memref_slice %arg7[%run_scoped3A_420, %dma_start3A_640] : memref<40x125xi32, #tpu.memory_space<vmem>> -> memref<1x125xi32, #tpu.memory_space<vmem>>
        %dma_start3A_642 = tpu.memref_squeeze %dma_start3A_641 : memref<1x125xi32, #tpu.memory_space<vmem>> -> memref<125xi32, #tpu.memory_space<vmem>>
        %dma_start3A_643 = arith.constant 0 : i32
        %dma_start3A_644 = arith.constant 0 : i32
        %dma_start3A_645 = tpu.memref_slice %arg10[%dma_start3A_643, %dma_start3A_644] : memref<10000x128xf32, #tpu.memory_space<vmem_shared>> -> memref<10000x128xf32, #tpu.memory_space<vmem_shared>>
        tpu.enqueue_indirect_dma source(%arg8 : memref<125x128xf32, #tpu.memory_space<vmem>>) target(%dma_start3A_645 : memref<10000x128xf32, #tpu.memory_space<vmem_shared>>) offsets(%dma_start3A_642 : memref<125xi32, #tpu.memory_space<vmem>>) semaphore(%run_scoped3A_639 : memref<!tpu.dma_semaphore, #tpu.memory_space<semaphore_mem>>) {add = true}
        %dma_wait3A_646 = arith.constant 0 : i32
        %dma_wait3A_647 = tpu.memref_slice %arg7[%run_scoped3A_420, %dma_wait3A_646] : memref<40x125xi32, #tpu.memory_space<vmem>> -> memref<1x125xi32, #tpu.memory_space<vmem>>
        %dma_wait3A_648 = tpu.memref_squeeze %dma_wait3A_647 : memref<1x125xi32, #tpu.memory_space<vmem>> -> memref<125xi32, #tpu.memory_space<vmem>>
        %dma_wait3A_649 = arith.constant 0 : i32
        %dma_wait3A_650 = arith.constant 0 : i32
        %dma_wait3A_651 = tpu.memref_slice %arg10[%dma_wait3A_649, %dma_wait3A_650] : memref<10000x128xf32, #tpu.memory_space<vmem_shared>> -> memref<10000x128xf32, #tpu.memory_space<vmem_shared>>
        tpu.wait_indirect_dma semaphore(%run_scoped3A_639 : memref<!tpu.dma_semaphore, #tpu.memory_space<semaphore_mem>>) src(%arg8 : memref<125x128xf32, #tpu.memory_space<vmem>>) dst(%dma_wait3A_651 : memref<10000x128xf32, #tpu.memory_space<vmem_shared>>)
        tpu.yield
      }) : () -> ()
      %dma_start3A_421 = arith.constant 26 : i32
      %dma_start3A_422 = arith.constant 0 : i32
      %dma_start3A_423 = tpu.memref_slice %arg6[%dma_start3A_421, %dma_start3A_422] : memref<40x125xi32, #tpu.memory_space<vmem>> -> memref<1x125xi32, #tpu.memory_space<vmem>>
      %dma_start3A_424 = tpu.memref_squeeze %dma_start3A_423 : memref<1x125xi32, #tpu.memory_space<vmem>> -> memref<125xi32, #tpu.memory_space<vmem>>
      %dma_start3A_425 = arith.constant 0 : i32
      %dma_start3A_426 = arith.constant 0 : i32
      %dma_start3A_427 = tpu.memref_slice %arg2[%dma_start3A_425, %dma_start3A_426] : memref<10000x128xf32, #tpu.memory_space<hbm>> -> memref<10000x128xf32, #tpu.memory_space<hbm>>
      tpu.enqueue_indirect_dma source(%dma_start3A_427 : memref<10000x128xf32, #tpu.memory_space<hbm>>) target(%arg8 : memref<125x128xf32, #tpu.memory_space<vmem>>) offsets(%dma_start3A_424 : memref<125xi32, #tpu.memory_space<vmem>>) semaphore(%arg11 : memref<!tpu.dma_semaphore, #tpu.memory_space<semaphore_mem>>)
      %dma_wait3A_428 = arith.constant 25 : i32
      %dma_wait3A_429 = arith.constant 0 : i32
      %dma_wait3A_430 = tpu.memref_slice %arg6[%dma_wait3A_428, %dma_wait3A_429] : memref<40x125xi32, #tpu.memory_space<vmem>> -> memref<1x125xi32, #tpu.memory_space<vmem>>
      %dma_wait3A_431 = tpu.memref_squeeze %dma_wait3A_430 : memref<1x125xi32, #tpu.memory_space<vmem>> -> memref<125xi32, #tpu.memory_space<vmem>>
      %dma_wait3A_432 = arith.constant 0 : i32
      %dma_wait3A_433 = arith.constant 0 : i32
      %dma_wait3A_434 = tpu.memref_slice %arg2[%dma_wait3A_432, %dma_wait3A_433] : memref<10000x128xf32, #tpu.memory_space<hbm>> -> memref<10000x128xf32, #tpu.memory_space<hbm>>
      tpu.wait_indirect_dma semaphore(%arg12 : memref<!tpu.dma_semaphore, #tpu.memory_space<semaphore_mem>>) src(%dma_wait3A_434 : memref<10000x128xf32, #tpu.memory_space<hbm>>) dst(%arg9 : memref<125x128xf32, #tpu.memory_space<vmem>>)
      %run_scoped3A_435 = arith.constant 25 : i32
      "tpu.region"() ({
        %run_scoped3A_639 = tpu.sem_alloc : memref<!tpu.dma_semaphore, #tpu.memory_space<semaphore_mem>>
        %dma_start3A_640 = arith.constant 0 : i32
        %dma_start3A_641 = tpu.memref_slice %arg7[%run_scoped3A_435, %dma_start3A_640] : memref<40x125xi32, #tpu.memory_space<vmem>> -> memref<1x125xi32, #tpu.memory_space<vmem>>
        %dma_start3A_642 = tpu.memref_squeeze %dma_start3A_641 : memref<1x125xi32, #tpu.memory_space<vmem>> -> memref<125xi32, #tpu.memory_space<vmem>>
        %dma_start3A_643 = arith.constant 0 : i32
        %dma_start3A_644 = arith.constant 0 : i32
        %dma_start3A_645 = tpu.memref_slice %arg10[%dma_start3A_643, %dma_start3A_644] : memref<10000x128xf32, #tpu.memory_space<vmem_shared>> -> memref<10000x128xf32, #tpu.memory_space<vmem_shared>>
        tpu.enqueue_indirect_dma source(%arg9 : memref<125x128xf32, #tpu.memory_space<vmem>>) target(%dma_start3A_645 : memref<10000x128xf32, #tpu.memory_space<vmem_shared>>) offsets(%dma_start3A_642 : memref<125xi32, #tpu.memory_space<vmem>>) semaphore(%run_scoped3A_639 : memref<!tpu.dma_semaphore, #tpu.memory_space<semaphore_mem>>) {add = true}
        %dma_wait3A_646 = arith.constant 0 : i32
        %dma_wait3A_647 = tpu.memref_slice %arg7[%run_scoped3A_435, %dma_wait3A_646] : memref<40x125xi32, #tpu.memory_space<vmem>> -> memref<1x125xi32, #tpu.memory_space<vmem>>
        %dma_wait3A_648 = tpu.memref_squeeze %dma_wait3A_647 : memref<1x125xi32, #tpu.memory_space<vmem>> -> memref<125xi32, #tpu.memory_space<vmem>>
        %dma_wait3A_649 = arith.constant 0 : i32
        %dma_wait3A_650 = arith.constant 0 : i32
        %dma_wait3A_651 = tpu.memref_slice %arg10[%dma_wait3A_649, %dma_wait3A_650] : memref<10000x128xf32, #tpu.memory_space<vmem_shared>> -> memref<10000x128xf32, #tpu.memory_space<vmem_shared>>
        tpu.wait_indirect_dma semaphore(%run_scoped3A_639 : memref<!tpu.dma_semaphore, #tpu.memory_space<semaphore_mem>>) src(%arg9 : memref<125x128xf32, #tpu.memory_space<vmem>>) dst(%dma_wait3A_651 : memref<10000x128xf32, #tpu.memory_space<vmem_shared>>)
        tpu.yield
      }) : () -> ()
      %dma_start3A_436 = arith.constant 27 : i32
      %dma_start3A_437 = arith.constant 0 : i32
      %dma_start3A_438 = tpu.memref_slice %arg6[%dma_start3A_436, %dma_start3A_437] : memref<40x125xi32, #tpu.memory_space<vmem>> -> memref<1x125xi32, #tpu.memory_space<vmem>>
      %dma_start3A_439 = tpu.memref_squeeze %dma_start3A_438 : memref<1x125xi32, #tpu.memory_space<vmem>> -> memref<125xi32, #tpu.memory_space<vmem>>
      %dma_start3A_440 = arith.constant 0 : i32
      %dma_start3A_441 = arith.constant 0 : i32
      %dma_start3A_442 = tpu.memref_slice %arg2[%dma_start3A_440, %dma_start3A_441] : memref<10000x128xf32, #tpu.memory_space<hbm>> -> memref<10000x128xf32, #tpu.memory_space<hbm>>
      tpu.enqueue_indirect_dma source(%dma_start3A_442 : memref<10000x128xf32, #tpu.memory_space<hbm>>) target(%arg9 : memref<125x128xf32, #tpu.memory_space<vmem>>) offsets(%dma_start3A_439 : memref<125xi32, #tpu.memory_space<vmem>>) semaphore(%arg12 : memref<!tpu.dma_semaphore, #tpu.memory_space<semaphore_mem>>)
      %dma_wait3A_443 = arith.constant 26 : i32
      %dma_wait3A_444 = arith.constant 0 : i32
      %dma_wait3A_445 = tpu.memref_slice %arg6[%dma_wait3A_443, %dma_wait3A_444] : memref<40x125xi32, #tpu.memory_space<vmem>> -> memref<1x125xi32, #tpu.memory_space<vmem>>
      %dma_wait3A_446 = tpu.memref_squeeze %dma_wait3A_445 : memref<1x125xi32, #tpu.memory_space<vmem>> -> memref<125xi32, #tpu.memory_space<vmem>>
      %dma_wait3A_447 = arith.constant 0 : i32
      %dma_wait3A_448 = arith.constant 0 : i32
      %dma_wait3A_449 = tpu.memref_slice %arg2[%dma_wait3A_447, %dma_wait3A_448] : memref<10000x128xf32, #tpu.memory_space<hbm>> -> memref<10000x128xf32, #tpu.memory_space<hbm>>
      tpu.wait_indirect_dma semaphore(%arg11 : memref<!tpu.dma_semaphore, #tpu.memory_space<semaphore_mem>>) src(%dma_wait3A_449 : memref<10000x128xf32, #tpu.memory_space<hbm>>) dst(%arg8 : memref<125x128xf32, #tpu.memory_space<vmem>>)
      %run_scoped3A_450 = arith.constant 26 : i32
      "tpu.region"() ({
        %run_scoped3A_639 = tpu.sem_alloc : memref<!tpu.dma_semaphore, #tpu.memory_space<semaphore_mem>>
        %dma_start3A_640 = arith.constant 0 : i32
        %dma_start3A_641 = tpu.memref_slice %arg7[%run_scoped3A_450, %dma_start3A_640] : memref<40x125xi32, #tpu.memory_space<vmem>> -> memref<1x125xi32, #tpu.memory_space<vmem>>
        %dma_start3A_642 = tpu.memref_squeeze %dma_start3A_641 : memref<1x125xi32, #tpu.memory_space<vmem>> -> memref<125xi32, #tpu.memory_space<vmem>>
        %dma_start3A_643 = arith.constant 0 : i32
        %dma_start3A_644 = arith.constant 0 : i32
        %dma_start3A_645 = tpu.memref_slice %arg10[%dma_start3A_643, %dma_start3A_644] : memref<10000x128xf32, #tpu.memory_space<vmem_shared>> -> memref<10000x128xf32, #tpu.memory_space<vmem_shared>>
        tpu.enqueue_indirect_dma source(%arg8 : memref<125x128xf32, #tpu.memory_space<vmem>>) target(%dma_start3A_645 : memref<10000x128xf32, #tpu.memory_space<vmem_shared>>) offsets(%dma_start3A_642 : memref<125xi32, #tpu.memory_space<vmem>>) semaphore(%run_scoped3A_639 : memref<!tpu.dma_semaphore, #tpu.memory_space<semaphore_mem>>) {add = true}
        %dma_wait3A_646 = arith.constant 0 : i32
        %dma_wait3A_647 = tpu.memref_slice %arg7[%run_scoped3A_450, %dma_wait3A_646] : memref<40x125xi32, #tpu.memory_space<vmem>> -> memref<1x125xi32, #tpu.memory_space<vmem>>
        %dma_wait3A_648 = tpu.memref_squeeze %dma_wait3A_647 : memref<1x125xi32, #tpu.memory_space<vmem>> -> memref<125xi32, #tpu.memory_space<vmem>>
        %dma_wait3A_649 = arith.constant 0 : i32
        %dma_wait3A_650 = arith.constant 0 : i32
        %dma_wait3A_651 = tpu.memref_slice %arg10[%dma_wait3A_649, %dma_wait3A_650] : memref<10000x128xf32, #tpu.memory_space<vmem_shared>> -> memref<10000x128xf32, #tpu.memory_space<vmem_shared>>
        tpu.wait_indirect_dma semaphore(%run_scoped3A_639 : memref<!tpu.dma_semaphore, #tpu.memory_space<semaphore_mem>>) src(%arg8 : memref<125x128xf32, #tpu.memory_space<vmem>>) dst(%dma_wait3A_651 : memref<10000x128xf32, #tpu.memory_space<vmem_shared>>)
        tpu.yield
      }) : () -> ()
      %dma_start3A_451 = arith.constant 28 : i32
      %dma_start3A_452 = arith.constant 0 : i32
      %dma_start3A_453 = tpu.memref_slice %arg6[%dma_start3A_451, %dma_start3A_452] : memref<40x125xi32, #tpu.memory_space<vmem>> -> memref<1x125xi32, #tpu.memory_space<vmem>>
      %dma_start3A_454 = tpu.memref_squeeze %dma_start3A_453 : memref<1x125xi32, #tpu.memory_space<vmem>> -> memref<125xi32, #tpu.memory_space<vmem>>
      %dma_start3A_455 = arith.constant 0 : i32
      %dma_start3A_456 = arith.constant 0 : i32
      %dma_start3A_457 = tpu.memref_slice %arg2[%dma_start3A_455, %dma_start3A_456] : memref<10000x128xf32, #tpu.memory_space<hbm>> -> memref<10000x128xf32, #tpu.memory_space<hbm>>
      tpu.enqueue_indirect_dma source(%dma_start3A_457 : memref<10000x128xf32, #tpu.memory_space<hbm>>) target(%arg8 : memref<125x128xf32, #tpu.memory_space<vmem>>) offsets(%dma_start3A_454 : memref<125xi32, #tpu.memory_space<vmem>>) semaphore(%arg11 : memref<!tpu.dma_semaphore, #tpu.memory_space<semaphore_mem>>)
      %dma_wait3A_458 = arith.constant 27 : i32
      %dma_wait3A_459 = arith.constant 0 : i32
      %dma_wait3A_460 = tpu.memref_slice %arg6[%dma_wait3A_458, %dma_wait3A_459] : memref<40x125xi32, #tpu.memory_space<vmem>> -> memref<1x125xi32, #tpu.memory_space<vmem>>
      %dma_wait3A_461 = tpu.memref_squeeze %dma_wait3A_460 : memref<1x125xi32, #tpu.memory_space<vmem>> -> memref<125xi32, #tpu.memory_space<vmem>>
      %dma_wait3A_462 = arith.constant 0 : i32
      %dma_wait3A_463 = arith.constant 0 : i32
      %dma_wait3A_464 = tpu.memref_slice %arg2[%dma_wait3A_462, %dma_wait3A_463] : memref<10000x128xf32, #tpu.memory_space<hbm>> -> memref<10000x128xf32, #tpu.memory_space<hbm>>
      tpu.wait_indirect_dma semaphore(%arg12 : memref<!tpu.dma_semaphore, #tpu.memory_space<semaphore_mem>>) src(%dma_wait3A_464 : memref<10000x128xf32, #tpu.memory_space<hbm>>) dst(%arg9 : memref<125x128xf32, #tpu.memory_space<vmem>>)
      %run_scoped3A_465 = arith.constant 27 : i32
      "tpu.region"() ({
        %run_scoped3A_639 = tpu.sem_alloc : memref<!tpu.dma_semaphore, #tpu.memory_space<semaphore_mem>>
        %dma_start3A_640 = arith.constant 0 : i32
        %dma_start3A_641 = tpu.memref_slice %arg7[%run_scoped3A_465, %dma_start3A_640] : memref<40x125xi32, #tpu.memory_space<vmem>> -> memref<1x125xi32, #tpu.memory_space<vmem>>
        %dma_start3A_642 = tpu.memref_squeeze %dma_start3A_641 : memref<1x125xi32, #tpu.memory_space<vmem>> -> memref<125xi32, #tpu.memory_space<vmem>>
        %dma_start3A_643 = arith.constant 0 : i32
        %dma_start3A_644 = arith.constant 0 : i32
        %dma_start3A_645 = tpu.memref_slice %arg10[%dma_start3A_643, %dma_start3A_644] : memref<10000x128xf32, #tpu.memory_space<vmem_shared>> -> memref<10000x128xf32, #tpu.memory_space<vmem_shared>>
        tpu.enqueue_indirect_dma source(%arg9 : memref<125x128xf32, #tpu.memory_space<vmem>>) target(%dma_start3A_645 : memref<10000x128xf32, #tpu.memory_space<vmem_shared>>) offsets(%dma_start3A_642 : memref<125xi32, #tpu.memory_space<vmem>>) semaphore(%run_scoped3A_639 : memref<!tpu.dma_semaphore, #tpu.memory_space<semaphore_mem>>) {add = true}
        %dma_wait3A_646 = arith.constant 0 : i32
        %dma_wait3A_647 = tpu.memref_slice %arg7[%run_scoped3A_465, %dma_wait3A_646] : memref<40x125xi32, #tpu.memory_space<vmem>> -> memref<1x125xi32, #tpu.memory_space<vmem>>
        %dma_wait3A_648 = tpu.memref_squeeze %dma_wait3A_647 : memref<1x125xi32, #tpu.memory_space<vmem>> -> memref<125xi32, #tpu.memory_space<vmem>>
        %dma_wait3A_649 = arith.constant 0 : i32
        %dma_wait3A_650 = arith.constant 0 : i32
        %dma_wait3A_651 = tpu.memref_slice %arg10[%dma_wait3A_649, %dma_wait3A_650] : memref<10000x128xf32, #tpu.memory_space<vmem_shared>> -> memref<10000x128xf32, #tpu.memory_space<vmem_shared>>
        tpu.wait_indirect_dma semaphore(%run_scoped3A_639 : memref<!tpu.dma_semaphore, #tpu.memory_space<semaphore_mem>>) src(%arg9 : memref<125x128xf32, #tpu.memory_space<vmem>>) dst(%dma_wait3A_651 : memref<10000x128xf32, #tpu.memory_space<vmem_shared>>)
        tpu.yield
      }) : () -> ()
      %dma_start3A_466 = arith.constant 29 : i32
      %dma_start3A_467 = arith.constant 0 : i32
      %dma_start3A_468 = tpu.memref_slice %arg6[%dma_start3A_466, %dma_start3A_467] : memref<40x125xi32, #tpu.memory_space<vmem>> -> memref<1x125xi32, #tpu.memory_space<vmem>>
      %dma_start3A_469 = tpu.memref_squeeze %dma_start3A_468 : memref<1x125xi32, #tpu.memory_space<vmem>> -> memref<125xi32, #tpu.memory_space<vmem>>
      %dma_start3A_470 = arith.constant 0 : i32
      %dma_start3A_471 = arith.constant 0 : i32
      %dma_start3A_472 = tpu.memref_slice %arg2[%dma_start3A_470, %dma_start3A_471] : memref<10000x128xf32, #tpu.memory_space<hbm>> -> memref<10000x128xf32, #tpu.memory_space<hbm>>
      tpu.enqueue_indirect_dma source(%dma_start3A_472 : memref<10000x128xf32, #tpu.memory_space<hbm>>) target(%arg9 : memref<125x128xf32, #tpu.memory_space<vmem>>) offsets(%dma_start3A_469 : memref<125xi32, #tpu.memory_space<vmem>>) semaphore(%arg12 : memref<!tpu.dma_semaphore, #tpu.memory_space<semaphore_mem>>)
      %dma_wait3A_473 = arith.constant 28 : i32
      %dma_wait3A_474 = arith.constant 0 : i32
      %dma_wait3A_475 = tpu.memref_slice %arg6[%dma_wait3A_473, %dma_wait3A_474] : memref<40x125xi32, #tpu.memory_space<vmem>> -> memref<1x125xi32, #tpu.memory_space<vmem>>
      %dma_wait3A_476 = tpu.memref_squeeze %dma_wait3A_475 : memref<1x125xi32, #tpu.memory_space<vmem>> -> memref<125xi32, #tpu.memory_space<vmem>>
      %dma_wait3A_477 = arith.constant 0 : i32
      %dma_wait3A_478 = arith.constant 0 : i32
      %dma_wait3A_479 = tpu.memref_slice %arg2[%dma_wait3A_477, %dma_wait3A_478] : memref<10000x128xf32, #tpu.memory_space<hbm>> -> memref<10000x128xf32, #tpu.memory_space<hbm>>
      tpu.wait_indirect_dma semaphore(%arg11 : memref<!tpu.dma_semaphore, #tpu.memory_space<semaphore_mem>>) src(%dma_wait3A_479 : memref<10000x128xf32, #tpu.memory_space<hbm>>) dst(%arg8 : memref<125x128xf32, #tpu.memory_space<vmem>>)
      %run_scoped3A_480 = arith.constant 28 : i32
      "tpu.region"() ({
        %run_scoped3A_639 = tpu.sem_alloc : memref<!tpu.dma_semaphore, #tpu.memory_space<semaphore_mem>>
        %dma_start3A_640 = arith.constant 0 : i32
        %dma_start3A_641 = tpu.memref_slice %arg7[%run_scoped3A_480, %dma_start3A_640] : memref<40x125xi32, #tpu.memory_space<vmem>> -> memref<1x125xi32, #tpu.memory_space<vmem>>
        %dma_start3A_642 = tpu.memref_squeeze %dma_start3A_641 : memref<1x125xi32, #tpu.memory_space<vmem>> -> memref<125xi32, #tpu.memory_space<vmem>>
        %dma_start3A_643 = arith.constant 0 : i32
        %dma_start3A_644 = arith.constant 0 : i32
        %dma_start3A_645 = tpu.memref_slice %arg10[%dma_start3A_643, %dma_start3A_644] : memref<10000x128xf32, #tpu.memory_space<vmem_shared>> -> memref<10000x128xf32, #tpu.memory_space<vmem_shared>>
        tpu.enqueue_indirect_dma source(%arg8 : memref<125x128xf32, #tpu.memory_space<vmem>>) target(%dma_start3A_645 : memref<10000x128xf32, #tpu.memory_space<vmem_shared>>) offsets(%dma_start3A_642 : memref<125xi32, #tpu.memory_space<vmem>>) semaphore(%run_scoped3A_639 : memref<!tpu.dma_semaphore, #tpu.memory_space<semaphore_mem>>) {add = true}
        %dma_wait3A_646 = arith.constant 0 : i32
        %dma_wait3A_647 = tpu.memref_slice %arg7[%run_scoped3A_480, %dma_wait3A_646] : memref<40x125xi32, #tpu.memory_space<vmem>> -> memref<1x125xi32, #tpu.memory_space<vmem>>
        %dma_wait3A_648 = tpu.memref_squeeze %dma_wait3A_647 : memref<1x125xi32, #tpu.memory_space<vmem>> -> memref<125xi32, #tpu.memory_space<vmem>>
        %dma_wait3A_649 = arith.constant 0 : i32
        %dma_wait3A_650 = arith.constant 0 : i32
        %dma_wait3A_651 = tpu.memref_slice %arg10[%dma_wait3A_649, %dma_wait3A_650] : memref<10000x128xf32, #tpu.memory_space<vmem_shared>> -> memref<10000x128xf32, #tpu.memory_space<vmem_shared>>
        tpu.wait_indirect_dma semaphore(%run_scoped3A_639 : memref<!tpu.dma_semaphore, #tpu.memory_space<semaphore_mem>>) src(%arg8 : memref<125x128xf32, #tpu.memory_space<vmem>>) dst(%dma_wait3A_651 : memref<10000x128xf32, #tpu.memory_space<vmem_shared>>)
        tpu.yield
      }) : () -> ()
      %dma_start3A_481 = arith.constant 30 : i32
      %dma_start3A_482 = arith.constant 0 : i32
      %dma_start3A_483 = tpu.memref_slice %arg6[%dma_start3A_481, %dma_start3A_482] : memref<40x125xi32, #tpu.memory_space<vmem>> -> memref<1x125xi32, #tpu.memory_space<vmem>>
      %dma_start3A_484 = tpu.memref_squeeze %dma_start3A_483 : memref<1x125xi32, #tpu.memory_space<vmem>> -> memref<125xi32, #tpu.memory_space<vmem>>
      %dma_start3A_485 = arith.constant 0 : i32
      %dma_start3A_486 = arith.constant 0 : i32
      %dma_start3A_487 = tpu.memref_slice %arg2[%dma_start3A_485, %dma_start3A_486] : memref<10000x128xf32, #tpu.memory_space<hbm>> -> memref<10000x128xf32, #tpu.memory_space<hbm>>
      tpu.enqueue_indirect_dma source(%dma_start3A_487 : memref<10000x128xf32, #tpu.memory_space<hbm>>) target(%arg8 : memref<125x128xf32, #tpu.memory_space<vmem>>) offsets(%dma_start3A_484 : memref<125xi32, #tpu.memory_space<vmem>>) semaphore(%arg11 : memref<!tpu.dma_semaphore, #tpu.memory_space<semaphore_mem>>)
      %dma_wait3A_488 = arith.constant 29 : i32
      %dma_wait3A_489 = arith.constant 0 : i32
      %dma_wait3A_490 = tpu.memref_slice %arg6[%dma_wait3A_488, %dma_wait3A_489] : memref<40x125xi32, #tpu.memory_space<vmem>> -> memref<1x125xi32, #tpu.memory_space<vmem>>
      %dma_wait3A_491 = tpu.memref_squeeze %dma_wait3A_490 : memref<1x125xi32, #tpu.memory_space<vmem>> -> memref<125xi32, #tpu.memory_space<vmem>>
      %dma_wait3A_492 = arith.constant 0 : i32
      %dma_wait3A_493 = arith.constant 0 : i32
      %dma_wait3A_494 = tpu.memref_slice %arg2[%dma_wait3A_492, %dma_wait3A_493] : memref<10000x128xf32, #tpu.memory_space<hbm>> -> memref<10000x128xf32, #tpu.memory_space<hbm>>
      tpu.wait_indirect_dma semaphore(%arg12 : memref<!tpu.dma_semaphore, #tpu.memory_space<semaphore_mem>>) src(%dma_wait3A_494 : memref<10000x128xf32, #tpu.memory_space<hbm>>) dst(%arg9 : memref<125x128xf32, #tpu.memory_space<vmem>>)
      %run_scoped3A_495 = arith.constant 29 : i32
      "tpu.region"() ({
        %run_scoped3A_639 = tpu.sem_alloc : memref<!tpu.dma_semaphore, #tpu.memory_space<semaphore_mem>>
        %dma_start3A_640 = arith.constant 0 : i32
        %dma_start3A_641 = tpu.memref_slice %arg7[%run_scoped3A_495, %dma_start3A_640] : memref<40x125xi32, #tpu.memory_space<vmem>> -> memref<1x125xi32, #tpu.memory_space<vmem>>
        %dma_start3A_642 = tpu.memref_squeeze %dma_start3A_641 : memref<1x125xi32, #tpu.memory_space<vmem>> -> memref<125xi32, #tpu.memory_space<vmem>>
        %dma_start3A_643 = arith.constant 0 : i32
        %dma_start3A_644 = arith.constant 0 : i32
        %dma_start3A_645 = tpu.memref_slice %arg10[%dma_start3A_643, %dma_start3A_644] : memref<10000x128xf32, #tpu.memory_space<vmem_shared>> -> memref<10000x128xf32, #tpu.memory_space<vmem_shared>>
        tpu.enqueue_indirect_dma source(%arg9 : memref<125x128xf32, #tpu.memory_space<vmem>>) target(%dma_start3A_645 : memref<10000x128xf32, #tpu.memory_space<vmem_shared>>) offsets(%dma_start3A_642 : memref<125xi32, #tpu.memory_space<vmem>>) semaphore(%run_scoped3A_639 : memref<!tpu.dma_semaphore, #tpu.memory_space<semaphore_mem>>) {add = true}
        %dma_wait3A_646 = arith.constant 0 : i32
        %dma_wait3A_647 = tpu.memref_slice %arg7[%run_scoped3A_495, %dma_wait3A_646] : memref<40x125xi32, #tpu.memory_space<vmem>> -> memref<1x125xi32, #tpu.memory_space<vmem>>
        %dma_wait3A_648 = tpu.memref_squeeze %dma_wait3A_647 : memref<1x125xi32, #tpu.memory_space<vmem>> -> memref<125xi32, #tpu.memory_space<vmem>>
        %dma_wait3A_649 = arith.constant 0 : i32
        %dma_wait3A_650 = arith.constant 0 : i32
        %dma_wait3A_651 = tpu.memref_slice %arg10[%dma_wait3A_649, %dma_wait3A_650] : memref<10000x128xf32, #tpu.memory_space<vmem_shared>> -> memref<10000x128xf32, #tpu.memory_space<vmem_shared>>
        tpu.wait_indirect_dma semaphore(%run_scoped3A_639 : memref<!tpu.dma_semaphore, #tpu.memory_space<semaphore_mem>>) src(%arg9 : memref<125x128xf32, #tpu.memory_space<vmem>>) dst(%dma_wait3A_651 : memref<10000x128xf32, #tpu.memory_space<vmem_shared>>)
        tpu.yield
      }) : () -> ()
      %dma_start3A_496 = arith.constant 31 : i32
      %dma_start3A_497 = arith.constant 0 : i32
      %dma_start3A_498 = tpu.memref_slice %arg6[%dma_start3A_496, %dma_start3A_497] : memref<40x125xi32, #tpu.memory_space<vmem>> -> memref<1x125xi32, #tpu.memory_space<vmem>>
      %dma_start3A_499 = tpu.memref_squeeze %dma_start3A_498 : memref<1x125xi32, #tpu.memory_space<vmem>> -> memref<125xi32, #tpu.memory_space<vmem>>
      %dma_start3A_500 = arith.constant 0 : i32
      %dma_start3A_501 = arith.constant 0 : i32
      %dma_start3A_502 = tpu.memref_slice %arg2[%dma_start3A_500, %dma_start3A_501] : memref<10000x128xf32, #tpu.memory_space<hbm>> -> memref<10000x128xf32, #tpu.memory_space<hbm>>
      tpu.enqueue_indirect_dma source(%dma_start3A_502 : memref<10000x128xf32, #tpu.memory_space<hbm>>) target(%arg9 : memref<125x128xf32, #tpu.memory_space<vmem>>) offsets(%dma_start3A_499 : memref<125xi32, #tpu.memory_space<vmem>>) semaphore(%arg12 : memref<!tpu.dma_semaphore, #tpu.memory_space<semaphore_mem>>)
      %dma_wait3A_503 = arith.constant 30 : i32
      %dma_wait3A_504 = arith.constant 0 : i32
      %dma_wait3A_505 = tpu.memref_slice %arg6[%dma_wait3A_503, %dma_wait3A_504] : memref<40x125xi32, #tpu.memory_space<vmem>> -> memref<1x125xi32, #tpu.memory_space<vmem>>
      %dma_wait3A_506 = tpu.memref_squeeze %dma_wait3A_505 : memref<1x125xi32, #tpu.memory_space<vmem>> -> memref<125xi32, #tpu.memory_space<vmem>>
      %dma_wait3A_507 = arith.constant 0 : i32
      %dma_wait3A_508 = arith.constant 0 : i32
      %dma_wait3A_509 = tpu.memref_slice %arg2[%dma_wait3A_507, %dma_wait3A_508] : memref<10000x128xf32, #tpu.memory_space<hbm>> -> memref<10000x128xf32, #tpu.memory_space<hbm>>
      tpu.wait_indirect_dma semaphore(%arg11 : memref<!tpu.dma_semaphore, #tpu.memory_space<semaphore_mem>>) src(%dma_wait3A_509 : memref<10000x128xf32, #tpu.memory_space<hbm>>) dst(%arg8 : memref<125x128xf32, #tpu.memory_space<vmem>>)
      %run_scoped3A_510 = arith.constant 30 : i32
      "tpu.region"() ({
        %run_scoped3A_639 = tpu.sem_alloc : memref<!tpu.dma_semaphore, #tpu.memory_space<semaphore_mem>>
        %dma_start3A_640 = arith.constant 0 : i32
        %dma_start3A_641 = tpu.memref_slice %arg7[%run_scoped3A_510, %dma_start3A_640] : memref<40x125xi32, #tpu.memory_space<vmem>> -> memref<1x125xi32, #tpu.memory_space<vmem>>
        %dma_start3A_642 = tpu.memref_squeeze %dma_start3A_641 : memref<1x125xi32, #tpu.memory_space<vmem>> -> memref<125xi32, #tpu.memory_space<vmem>>
        %dma_start3A_643 = arith.constant 0 : i32
        %dma_start3A_644 = arith.constant 0 : i32
        %dma_start3A_645 = tpu.memref_slice %arg10[%dma_start3A_643, %dma_start3A_644] : memref<10000x128xf32, #tpu.memory_space<vmem_shared>> -> memref<10000x128xf32, #tpu.memory_space<vmem_shared>>
        tpu.enqueue_indirect_dma source(%arg8 : memref<125x128xf32, #tpu.memory_space<vmem>>) target(%dma_start3A_645 : memref<10000x128xf32, #tpu.memory_space<vmem_shared>>) offsets(%dma_start3A_642 : memref<125xi32, #tpu.memory_space<vmem>>) semaphore(%run_scoped3A_639 : memref<!tpu.dma_semaphore, #tpu.memory_space<semaphore_mem>>) {add = true}
        %dma_wait3A_646 = arith.constant 0 : i32
        %dma_wait3A_647 = tpu.memref_slice %arg7[%run_scoped3A_510, %dma_wait3A_646] : memref<40x125xi32, #tpu.memory_space<vmem>> -> memref<1x125xi32, #tpu.memory_space<vmem>>
        %dma_wait3A_648 = tpu.memref_squeeze %dma_wait3A_647 : memref<1x125xi32, #tpu.memory_space<vmem>> -> memref<125xi32, #tpu.memory_space<vmem>>
        %dma_wait3A_649 = arith.constant 0 : i32
        %dma_wait3A_650 = arith.constant 0 : i32
        %dma_wait3A_651 = tpu.memref_slice %arg10[%dma_wait3A_649, %dma_wait3A_650] : memref<10000x128xf32, #tpu.memory_space<vmem_shared>> -> memref<10000x128xf32, #tpu.memory_space<vmem_shared>>
        tpu.wait_indirect_dma semaphore(%run_scoped3A_639 : memref<!tpu.dma_semaphore, #tpu.memory_space<semaphore_mem>>) src(%arg8 : memref<125x128xf32, #tpu.memory_space<vmem>>) dst(%dma_wait3A_651 : memref<10000x128xf32, #tpu.memory_space<vmem_shared>>)
        tpu.yield
      }) : () -> ()
      %dma_start3A_511 = arith.constant 32 : i32
      %dma_start3A_512 = arith.constant 0 : i32
      %dma_start3A_513 = tpu.memref_slice %arg6[%dma_start3A_511, %dma_start3A_512] : memref<40x125xi32, #tpu.memory_space<vmem>> -> memref<1x125xi32, #tpu.memory_space<vmem>>
      %dma_start3A_514 = tpu.memref_squeeze %dma_start3A_513 : memref<1x125xi32, #tpu.memory_space<vmem>> -> memref<125xi32, #tpu.memory_space<vmem>>
      %dma_start3A_515 = arith.constant 0 : i32
      %dma_start3A_516 = arith.constant 0 : i32
      %dma_start3A_517 = tpu.memref_slice %arg2[%dma_start3A_515, %dma_start3A_516] : memref<10000x128xf32, #tpu.memory_space<hbm>> -> memref<10000x128xf32, #tpu.memory_space<hbm>>
      tpu.enqueue_indirect_dma source(%dma_start3A_517 : memref<10000x128xf32, #tpu.memory_space<hbm>>) target(%arg8 : memref<125x128xf32, #tpu.memory_space<vmem>>) offsets(%dma_start3A_514 : memref<125xi32, #tpu.memory_space<vmem>>) semaphore(%arg11 : memref<!tpu.dma_semaphore, #tpu.memory_space<semaphore_mem>>)
      %dma_wait3A_518 = arith.constant 31 : i32
      %dma_wait3A_519 = arith.constant 0 : i32
      %dma_wait3A_520 = tpu.memref_slice %arg6[%dma_wait3A_518, %dma_wait3A_519] : memref<40x125xi32, #tpu.memory_space<vmem>> -> memref<1x125xi32, #tpu.memory_space<vmem>>
      %dma_wait3A_521 = tpu.memref_squeeze %dma_wait3A_520 : memref<1x125xi32, #tpu.memory_space<vmem>> -> memref<125xi32, #tpu.memory_space<vmem>>
      %dma_wait3A_522 = arith.constant 0 : i32
      %dma_wait3A_523 = arith.constant 0 : i32
      %dma_wait3A_524 = tpu.memref_slice %arg2[%dma_wait3A_522, %dma_wait3A_523] : memref<10000x128xf32, #tpu.memory_space<hbm>> -> memref<10000x128xf32, #tpu.memory_space<hbm>>
      tpu.wait_indirect_dma semaphore(%arg12 : memref<!tpu.dma_semaphore, #tpu.memory_space<semaphore_mem>>) src(%dma_wait3A_524 : memref<10000x128xf32, #tpu.memory_space<hbm>>) dst(%arg9 : memref<125x128xf32, #tpu.memory_space<vmem>>)
      %run_scoped3A_525 = arith.constant 31 : i32
      "tpu.region"() ({
        %run_scoped3A_639 = tpu.sem_alloc : memref<!tpu.dma_semaphore, #tpu.memory_space<semaphore_mem>>
        %dma_start3A_640 = arith.constant 0 : i32
        %dma_start3A_641 = tpu.memref_slice %arg7[%run_scoped3A_525, %dma_start3A_640] : memref<40x125xi32, #tpu.memory_space<vmem>> -> memref<1x125xi32, #tpu.memory_space<vmem>>
        %dma_start3A_642 = tpu.memref_squeeze %dma_start3A_641 : memref<1x125xi32, #tpu.memory_space<vmem>> -> memref<125xi32, #tpu.memory_space<vmem>>
        %dma_start3A_643 = arith.constant 0 : i32
        %dma_start3A_644 = arith.constant 0 : i32
        %dma_start3A_645 = tpu.memref_slice %arg10[%dma_start3A_643, %dma_start3A_644] : memref<10000x128xf32, #tpu.memory_space<vmem_shared>> -> memref<10000x128xf32, #tpu.memory_space<vmem_shared>>
        tpu.enqueue_indirect_dma source(%arg9 : memref<125x128xf32, #tpu.memory_space<vmem>>) target(%dma_start3A_645 : memref<10000x128xf32, #tpu.memory_space<vmem_shared>>) offsets(%dma_start3A_642 : memref<125xi32, #tpu.memory_space<vmem>>) semaphore(%run_scoped3A_639 : memref<!tpu.dma_semaphore, #tpu.memory_space<semaphore_mem>>) {add = true}
        %dma_wait3A_646 = arith.constant 0 : i32
        %dma_wait3A_647 = tpu.memref_slice %arg7[%run_scoped3A_525, %dma_wait3A_646] : memref<40x125xi32, #tpu.memory_space<vmem>> -> memref<1x125xi32, #tpu.memory_space<vmem>>
        %dma_wait3A_648 = tpu.memref_squeeze %dma_wait3A_647 : memref<1x125xi32, #tpu.memory_space<vmem>> -> memref<125xi32, #tpu.memory_space<vmem>>
        %dma_wait3A_649 = arith.constant 0 : i32
        %dma_wait3A_650 = arith.constant 0 : i32
        %dma_wait3A_651 = tpu.memref_slice %arg10[%dma_wait3A_649, %dma_wait3A_650] : memref<10000x128xf32, #tpu.memory_space<vmem_shared>> -> memref<10000x128xf32, #tpu.memory_space<vmem_shared>>
        tpu.wait_indirect_dma semaphore(%run_scoped3A_639 : memref<!tpu.dma_semaphore, #tpu.memory_space<semaphore_mem>>) src(%arg9 : memref<125x128xf32, #tpu.memory_space<vmem>>) dst(%dma_wait3A_651 : memref<10000x128xf32, #tpu.memory_space<vmem_shared>>)
        tpu.yield
      }) : () -> ()
      %dma_start3A_526 = arith.constant 33 : i32
      %dma_start3A_527 = arith.constant 0 : i32
      %dma_start3A_528 = tpu.memref_slice %arg6[%dma_start3A_526, %dma_start3A_527] : memref<40x125xi32, #tpu.memory_space<vmem>> -> memref<1x125xi32, #tpu.memory_space<vmem>>
      %dma_start3A_529 = tpu.memref_squeeze %dma_start3A_528 : memref<1x125xi32, #tpu.memory_space<vmem>> -> memref<125xi32, #tpu.memory_space<vmem>>
      %dma_start3A_530 = arith.constant 0 : i32
      %dma_start3A_531 = arith.constant 0 : i32
      %dma_start3A_532 = tpu.memref_slice %arg2[%dma_start3A_530, %dma_start3A_531] : memref<10000x128xf32, #tpu.memory_space<hbm>> -> memref<10000x128xf32, #tpu.memory_space<hbm>>
      tpu.enqueue_indirect_dma source(%dma_start3A_532 : memref<10000x128xf32, #tpu.memory_space<hbm>>) target(%arg9 : memref<125x128xf32, #tpu.memory_space<vmem>>) offsets(%dma_start3A_529 : memref<125xi32, #tpu.memory_space<vmem>>) semaphore(%arg12 : memref<!tpu.dma_semaphore, #tpu.memory_space<semaphore_mem>>)
      %dma_wait3A_533 = arith.constant 32 : i32
      %dma_wait3A_534 = arith.constant 0 : i32
      %dma_wait3A_535 = tpu.memref_slice %arg6[%dma_wait3A_533, %dma_wait3A_534] : memref<40x125xi32, #tpu.memory_space<vmem>> -> memref<1x125xi32, #tpu.memory_space<vmem>>
      %dma_wait3A_536 = tpu.memref_squeeze %dma_wait3A_535 : memref<1x125xi32, #tpu.memory_space<vmem>> -> memref<125xi32, #tpu.memory_space<vmem>>
      %dma_wait3A_537 = arith.constant 0 : i32
      %dma_wait3A_538 = arith.constant 0 : i32
      %dma_wait3A_539 = tpu.memref_slice %arg2[%dma_wait3A_537, %dma_wait3A_538] : memref<10000x128xf32, #tpu.memory_space<hbm>> -> memref<10000x128xf32, #tpu.memory_space<hbm>>
      tpu.wait_indirect_dma semaphore(%arg11 : memref<!tpu.dma_semaphore, #tpu.memory_space<semaphore_mem>>) src(%dma_wait3A_539 : memref<10000x128xf32, #tpu.memory_space<hbm>>) dst(%arg8 : memref<125x128xf32, #tpu.memory_space<vmem>>)
      %run_scoped3A_540 = arith.constant 32 : i32
      "tpu.region"() ({
        %run_scoped3A_639 = tpu.sem_alloc : memref<!tpu.dma_semaphore, #tpu.memory_space<semaphore_mem>>
        %dma_start3A_640 = arith.constant 0 : i32
        %dma_start3A_641 = tpu.memref_slice %arg7[%run_scoped3A_540, %dma_start3A_640] : memref<40x125xi32, #tpu.memory_space<vmem>> -> memref<1x125xi32, #tpu.memory_space<vmem>>
        %dma_start3A_642 = tpu.memref_squeeze %dma_start3A_641 : memref<1x125xi32, #tpu.memory_space<vmem>> -> memref<125xi32, #tpu.memory_space<vmem>>
        %dma_start3A_643 = arith.constant 0 : i32
        %dma_start3A_644 = arith.constant 0 : i32
        %dma_start3A_645 = tpu.memref_slice %arg10[%dma_start3A_643, %dma_start3A_644] : memref<10000x128xf32, #tpu.memory_space<vmem_shared>> -> memref<10000x128xf32, #tpu.memory_space<vmem_shared>>
        tpu.enqueue_indirect_dma source(%arg8 : memref<125x128xf32, #tpu.memory_space<vmem>>) target(%dma_start3A_645 : memref<10000x128xf32, #tpu.memory_space<vmem_shared>>) offsets(%dma_start3A_642 : memref<125xi32, #tpu.memory_space<vmem>>) semaphore(%run_scoped3A_639 : memref<!tpu.dma_semaphore, #tpu.memory_space<semaphore_mem>>) {add = true}
        %dma_wait3A_646 = arith.constant 0 : i32
        %dma_wait3A_647 = tpu.memref_slice %arg7[%run_scoped3A_540, %dma_wait3A_646] : memref<40x125xi32, #tpu.memory_space<vmem>> -> memref<1x125xi32, #tpu.memory_space<vmem>>
        %dma_wait3A_648 = tpu.memref_squeeze %dma_wait3A_647 : memref<1x125xi32, #tpu.memory_space<vmem>> -> memref<125xi32, #tpu.memory_space<vmem>>
        %dma_wait3A_649 = arith.constant 0 : i32
        %dma_wait3A_650 = arith.constant 0 : i32
        %dma_wait3A_651 = tpu.memref_slice %arg10[%dma_wait3A_649, %dma_wait3A_650] : memref<10000x128xf32, #tpu.memory_space<vmem_shared>> -> memref<10000x128xf32, #tpu.memory_space<vmem_shared>>
        tpu.wait_indirect_dma semaphore(%run_scoped3A_639 : memref<!tpu.dma_semaphore, #tpu.memory_space<semaphore_mem>>) src(%arg8 : memref<125x128xf32, #tpu.memory_space<vmem>>) dst(%dma_wait3A_651 : memref<10000x128xf32, #tpu.memory_space<vmem_shared>>)
        tpu.yield
      }) : () -> ()
      %dma_start3A_541 = arith.constant 34 : i32
      %dma_start3A_542 = arith.constant 0 : i32
      %dma_start3A_543 = tpu.memref_slice %arg6[%dma_start3A_541, %dma_start3A_542] : memref<40x125xi32, #tpu.memory_space<vmem>> -> memref<1x125xi32, #tpu.memory_space<vmem>>
      %dma_start3A_544 = tpu.memref_squeeze %dma_start3A_543 : memref<1x125xi32, #tpu.memory_space<vmem>> -> memref<125xi32, #tpu.memory_space<vmem>>
      %dma_start3A_545 = arith.constant 0 : i32
      %dma_start3A_546 = arith.constant 0 : i32
      %dma_start3A_547 = tpu.memref_slice %arg2[%dma_start3A_545, %dma_start3A_546] : memref<10000x128xf32, #tpu.memory_space<hbm>> -> memref<10000x128xf32, #tpu.memory_space<hbm>>
      tpu.enqueue_indirect_dma source(%dma_start3A_547 : memref<10000x128xf32, #tpu.memory_space<hbm>>) target(%arg8 : memref<125x128xf32, #tpu.memory_space<vmem>>) offsets(%dma_start3A_544 : memref<125xi32, #tpu.memory_space<vmem>>) semaphore(%arg11 : memref<!tpu.dma_semaphore, #tpu.memory_space<semaphore_mem>>)
      %dma_wait3A_548 = arith.constant 33 : i32
      %dma_wait3A_549 = arith.constant 0 : i32
      %dma_wait3A_550 = tpu.memref_slice %arg6[%dma_wait3A_548, %dma_wait3A_549] : memref<40x125xi32, #tpu.memory_space<vmem>> -> memref<1x125xi32, #tpu.memory_space<vmem>>
      %dma_wait3A_551 = tpu.memref_squeeze %dma_wait3A_550 : memref<1x125xi32, #tpu.memory_space<vmem>> -> memref<125xi32, #tpu.memory_space<vmem>>
      %dma_wait3A_552 = arith.constant 0 : i32
      %dma_wait3A_553 = arith.constant 0 : i32
      %dma_wait3A_554 = tpu.memref_slice %arg2[%dma_wait3A_552, %dma_wait3A_553] : memref<10000x128xf32, #tpu.memory_space<hbm>> -> memref<10000x128xf32, #tpu.memory_space<hbm>>
      tpu.wait_indirect_dma semaphore(%arg12 : memref<!tpu.dma_semaphore, #tpu.memory_space<semaphore_mem>>) src(%dma_wait3A_554 : memref<10000x128xf32, #tpu.memory_space<hbm>>) dst(%arg9 : memref<125x128xf32, #tpu.memory_space<vmem>>)
      %run_scoped3A_555 = arith.constant 33 : i32
      "tpu.region"() ({
        %run_scoped3A_639 = tpu.sem_alloc : memref<!tpu.dma_semaphore, #tpu.memory_space<semaphore_mem>>
        %dma_start3A_640 = arith.constant 0 : i32
        %dma_start3A_641 = tpu.memref_slice %arg7[%run_scoped3A_555, %dma_start3A_640] : memref<40x125xi32, #tpu.memory_space<vmem>> -> memref<1x125xi32, #tpu.memory_space<vmem>>
        %dma_start3A_642 = tpu.memref_squeeze %dma_start3A_641 : memref<1x125xi32, #tpu.memory_space<vmem>> -> memref<125xi32, #tpu.memory_space<vmem>>
        %dma_start3A_643 = arith.constant 0 : i32
        %dma_start3A_644 = arith.constant 0 : i32
        %dma_start3A_645 = tpu.memref_slice %arg10[%dma_start3A_643, %dma_start3A_644] : memref<10000x128xf32, #tpu.memory_space<vmem_shared>> -> memref<10000x128xf32, #tpu.memory_space<vmem_shared>>
        tpu.enqueue_indirect_dma source(%arg9 : memref<125x128xf32, #tpu.memory_space<vmem>>) target(%dma_start3A_645 : memref<10000x128xf32, #tpu.memory_space<vmem_shared>>) offsets(%dma_start3A_642 : memref<125xi32, #tpu.memory_space<vmem>>) semaphore(%run_scoped3A_639 : memref<!tpu.dma_semaphore, #tpu.memory_space<semaphore_mem>>) {add = true}
        %dma_wait3A_646 = arith.constant 0 : i32
        %dma_wait3A_647 = tpu.memref_slice %arg7[%run_scoped3A_555, %dma_wait3A_646] : memref<40x125xi32, #tpu.memory_space<vmem>> -> memref<1x125xi32, #tpu.memory_space<vmem>>
        %dma_wait3A_648 = tpu.memref_squeeze %dma_wait3A_647 : memref<1x125xi32, #tpu.memory_space<vmem>> -> memref<125xi32, #tpu.memory_space<vmem>>
        %dma_wait3A_649 = arith.constant 0 : i32
        %dma_wait3A_650 = arith.constant 0 : i32
        %dma_wait3A_651 = tpu.memref_slice %arg10[%dma_wait3A_649, %dma_wait3A_650] : memref<10000x128xf32, #tpu.memory_space<vmem_shared>> -> memref<10000x128xf32, #tpu.memory_space<vmem_shared>>
        tpu.wait_indirect_dma semaphore(%run_scoped3A_639 : memref<!tpu.dma_semaphore, #tpu.memory_space<semaphore_mem>>) src(%arg9 : memref<125x128xf32, #tpu.memory_space<vmem>>) dst(%dma_wait3A_651 : memref<10000x128xf32, #tpu.memory_space<vmem_shared>>)
        tpu.yield
      }) : () -> ()
      %dma_start3A_556 = arith.constant 35 : i32
      %dma_start3A_557 = arith.constant 0 : i32
      %dma_start3A_558 = tpu.memref_slice %arg6[%dma_start3A_556, %dma_start3A_557] : memref<40x125xi32, #tpu.memory_space<vmem>> -> memref<1x125xi32, #tpu.memory_space<vmem>>
      %dma_start3A_559 = tpu.memref_squeeze %dma_start3A_558 : memref<1x125xi32, #tpu.memory_space<vmem>> -> memref<125xi32, #tpu.memory_space<vmem>>
      %dma_start3A_560 = arith.constant 0 : i32
      %dma_start3A_561 = arith.constant 0 : i32
      %dma_start3A_562 = tpu.memref_slice %arg2[%dma_start3A_560, %dma_start3A_561] : memref<10000x128xf32, #tpu.memory_space<hbm>> -> memref<10000x128xf32, #tpu.memory_space<hbm>>
      tpu.enqueue_indirect_dma source(%dma_start3A_562 : memref<10000x128xf32, #tpu.memory_space<hbm>>) target(%arg9 : memref<125x128xf32, #tpu.memory_space<vmem>>) offsets(%dma_start3A_559 : memref<125xi32, #tpu.memory_space<vmem>>) semaphore(%arg12 : memref<!tpu.dma_semaphore, #tpu.memory_space<semaphore_mem>>)
      %dma_wait3A_563 = arith.constant 34 : i32
      %dma_wait3A_564 = arith.constant 0 : i32
      %dma_wait3A_565 = tpu.memref_slice %arg6[%dma_wait3A_563, %dma_wait3A_564] : memref<40x125xi32, #tpu.memory_space<vmem>> -> memref<1x125xi32, #tpu.memory_space<vmem>>
      %dma_wait3A_566 = tpu.memref_squeeze %dma_wait3A_565 : memref<1x125xi32, #tpu.memory_space<vmem>> -> memref<125xi32, #tpu.memory_space<vmem>>
      %dma_wait3A_567 = arith.constant 0 : i32
      %dma_wait3A_568 = arith.constant 0 : i32
      %dma_wait3A_569 = tpu.memref_slice %arg2[%dma_wait3A_567, %dma_wait3A_568] : memref<10000x128xf32, #tpu.memory_space<hbm>> -> memref<10000x128xf32, #tpu.memory_space<hbm>>
      tpu.wait_indirect_dma semaphore(%arg11 : memref<!tpu.dma_semaphore, #tpu.memory_space<semaphore_mem>>) src(%dma_wait3A_569 : memref<10000x128xf32, #tpu.memory_space<hbm>>) dst(%arg8 : memref<125x128xf32, #tpu.memory_space<vmem>>)
      %run_scoped3A_570 = arith.constant 34 : i32
      "tpu.region"() ({
        %run_scoped3A_639 = tpu.sem_alloc : memref<!tpu.dma_semaphore, #tpu.memory_space<semaphore_mem>>
        %dma_start3A_640 = arith.constant 0 : i32
        %dma_start3A_641 = tpu.memref_slice %arg7[%run_scoped3A_570, %dma_start3A_640] : memref<40x125xi32, #tpu.memory_space<vmem>> -> memref<1x125xi32, #tpu.memory_space<vmem>>
        %dma_start3A_642 = tpu.memref_squeeze %dma_start3A_641 : memref<1x125xi32, #tpu.memory_space<vmem>> -> memref<125xi32, #tpu.memory_space<vmem>>
        %dma_start3A_643 = arith.constant 0 : i32
        %dma_start3A_644 = arith.constant 0 : i32
        %dma_start3A_645 = tpu.memref_slice %arg10[%dma_start3A_643, %dma_start3A_644] : memref<10000x128xf32, #tpu.memory_space<vmem_shared>> -> memref<10000x128xf32, #tpu.memory_space<vmem_shared>>
        tpu.enqueue_indirect_dma source(%arg8 : memref<125x128xf32, #tpu.memory_space<vmem>>) target(%dma_start3A_645 : memref<10000x128xf32, #tpu.memory_space<vmem_shared>>) offsets(%dma_start3A_642 : memref<125xi32, #tpu.memory_space<vmem>>) semaphore(%run_scoped3A_639 : memref<!tpu.dma_semaphore, #tpu.memory_space<semaphore_mem>>) {add = true}
        %dma_wait3A_646 = arith.constant 0 : i32
        %dma_wait3A_647 = tpu.memref_slice %arg7[%run_scoped3A_570, %dma_wait3A_646] : memref<40x125xi32, #tpu.memory_space<vmem>> -> memref<1x125xi32, #tpu.memory_space<vmem>>
        %dma_wait3A_648 = tpu.memref_squeeze %dma_wait3A_647 : memref<1x125xi32, #tpu.memory_space<vmem>> -> memref<125xi32, #tpu.memory_space<vmem>>
        %dma_wait3A_649 = arith.constant 0 : i32
        %dma_wait3A_650 = arith.constant 0 : i32
        %dma_wait3A_651 = tpu.memref_slice %arg10[%dma_wait3A_649, %dma_wait3A_650] : memref<10000x128xf32, #tpu.memory_space<vmem_shared>> -> memref<10000x128xf32, #tpu.memory_space<vmem_shared>>
        tpu.wait_indirect_dma semaphore(%run_scoped3A_639 : memref<!tpu.dma_semaphore, #tpu.memory_space<semaphore_mem>>) src(%arg8 : memref<125x128xf32, #tpu.memory_space<vmem>>) dst(%dma_wait3A_651 : memref<10000x128xf32, #tpu.memory_space<vmem_shared>>)
        tpu.yield
      }) : () -> ()
      %dma_start3A_571 = arith.constant 36 : i32
      %dma_start3A_572 = arith.constant 0 : i32
      %dma_start3A_573 = tpu.memref_slice %arg6[%dma_start3A_571, %dma_start3A_572] : memref<40x125xi32, #tpu.memory_space<vmem>> -> memref<1x125xi32, #tpu.memory_space<vmem>>
      %dma_start3A_574 = tpu.memref_squeeze %dma_start3A_573 : memref<1x125xi32, #tpu.memory_space<vmem>> -> memref<125xi32, #tpu.memory_space<vmem>>
      %dma_start3A_575 = arith.constant 0 : i32
      %dma_start3A_576 = arith.constant 0 : i32
      %dma_start3A_577 = tpu.memref_slice %arg2[%dma_start3A_575, %dma_start3A_576] : memref<10000x128xf32, #tpu.memory_space<hbm>> -> memref<10000x128xf32, #tpu.memory_space<hbm>>
      tpu.enqueue_indirect_dma source(%dma_start3A_577 : memref<10000x128xf32, #tpu.memory_space<hbm>>) target(%arg8 : memref<125x128xf32, #tpu.memory_space<vmem>>) offsets(%dma_start3A_574 : memref<125xi32, #tpu.memory_space<vmem>>) semaphore(%arg11 : memref<!tpu.dma_semaphore, #tpu.memory_space<semaphore_mem>>)
      %dma_wait3A_578 = arith.constant 35 : i32
      %dma_wait3A_579 = arith.constant 0 : i32
      %dma_wait3A_580 = tpu.memref_slice %arg6[%dma_wait3A_578, %dma_wait3A_579] : memref<40x125xi32, #tpu.memory_space<vmem>> -> memref<1x125xi32, #tpu.memory_space<vmem>>
      %dma_wait3A_581 = tpu.memref_squeeze %dma_wait3A_580 : memref<1x125xi32, #tpu.memory_space<vmem>> -> memref<125xi32, #tpu.memory_space<vmem>>
      %dma_wait3A_582 = arith.constant 0 : i32
      %dma_wait3A_583 = arith.constant 0 : i32
      %dma_wait3A_584 = tpu.memref_slice %arg2[%dma_wait3A_582, %dma_wait3A_583] : memref<10000x128xf32, #tpu.memory_space<hbm>> -> memref<10000x128xf32, #tpu.memory_space<hbm>>
      tpu.wait_indirect_dma semaphore(%arg12 : memref<!tpu.dma_semaphore, #tpu.memory_space<semaphore_mem>>) src(%dma_wait3A_584 : memref<10000x128xf32, #tpu.memory_space<hbm>>) dst(%arg9 : memref<125x128xf32, #tpu.memory_space<vmem>>)
      %run_scoped3A_585 = arith.constant 35 : i32
      "tpu.region"() ({
        %run_scoped3A_639 = tpu.sem_alloc : memref<!tpu.dma_semaphore, #tpu.memory_space<semaphore_mem>>
        %dma_start3A_640 = arith.constant 0 : i32
        %dma_start3A_641 = tpu.memref_slice %arg7[%run_scoped3A_585, %dma_start3A_640] : memref<40x125xi32, #tpu.memory_space<vmem>> -> memref<1x125xi32, #tpu.memory_space<vmem>>
        %dma_start3A_642 = tpu.memref_squeeze %dma_start3A_641 : memref<1x125xi32, #tpu.memory_space<vmem>> -> memref<125xi32, #tpu.memory_space<vmem>>
        %dma_start3A_643 = arith.constant 0 : i32
        %dma_start3A_644 = arith.constant 0 : i32
        %dma_start3A_645 = tpu.memref_slice %arg10[%dma_start3A_643, %dma_start3A_644] : memref<10000x128xf32, #tpu.memory_space<vmem_shared>> -> memref<10000x128xf32, #tpu.memory_space<vmem_shared>>
        tpu.enqueue_indirect_dma source(%arg9 : memref<125x128xf32, #tpu.memory_space<vmem>>) target(%dma_start3A_645 : memref<10000x128xf32, #tpu.memory_space<vmem_shared>>) offsets(%dma_start3A_642 : memref<125xi32, #tpu.memory_space<vmem>>) semaphore(%run_scoped3A_639 : memref<!tpu.dma_semaphore, #tpu.memory_space<semaphore_mem>>) {add = true}
        %dma_wait3A_646 = arith.constant 0 : i32
        %dma_wait3A_647 = tpu.memref_slice %arg7[%run_scoped3A_585, %dma_wait3A_646] : memref<40x125xi32, #tpu.memory_space<vmem>> -> memref<1x125xi32, #tpu.memory_space<vmem>>
        %dma_wait3A_648 = tpu.memref_squeeze %dma_wait3A_647 : memref<1x125xi32, #tpu.memory_space<vmem>> -> memref<125xi32, #tpu.memory_space<vmem>>
        %dma_wait3A_649 = arith.constant 0 : i32
        %dma_wait3A_650 = arith.constant 0 : i32
        %dma_wait3A_651 = tpu.memref_slice %arg10[%dma_wait3A_649, %dma_wait3A_650] : memref<10000x128xf32, #tpu.memory_space<vmem_shared>> -> memref<10000x128xf32, #tpu.memory_space<vmem_shared>>
        tpu.wait_indirect_dma semaphore(%run_scoped3A_639 : memref<!tpu.dma_semaphore, #tpu.memory_space<semaphore_mem>>) src(%arg9 : memref<125x128xf32, #tpu.memory_space<vmem>>) dst(%dma_wait3A_651 : memref<10000x128xf32, #tpu.memory_space<vmem_shared>>)
        tpu.yield
      }) : () -> ()
      %dma_start3A_586 = arith.constant 37 : i32
      %dma_start3A_587 = arith.constant 0 : i32
      %dma_start3A_588 = tpu.memref_slice %arg6[%dma_start3A_586, %dma_start3A_587] : memref<40x125xi32, #tpu.memory_space<vmem>> -> memref<1x125xi32, #tpu.memory_space<vmem>>
      %dma_start3A_589 = tpu.memref_squeeze %dma_start3A_588 : memref<1x125xi32, #tpu.memory_space<vmem>> -> memref<125xi32, #tpu.memory_space<vmem>>
      %dma_start3A_590 = arith.constant 0 : i32
      %dma_start3A_591 = arith.constant 0 : i32
      %dma_start3A_592 = tpu.memref_slice %arg2[%dma_start3A_590, %dma_start3A_591] : memref<10000x128xf32, #tpu.memory_space<hbm>> -> memref<10000x128xf32, #tpu.memory_space<hbm>>
      tpu.enqueue_indirect_dma source(%dma_start3A_592 : memref<10000x128xf32, #tpu.memory_space<hbm>>) target(%arg9 : memref<125x128xf32, #tpu.memory_space<vmem>>) offsets(%dma_start3A_589 : memref<125xi32, #tpu.memory_space<vmem>>) semaphore(%arg12 : memref<!tpu.dma_semaphore, #tpu.memory_space<semaphore_mem>>)
      %dma_wait3A_593 = arith.constant 36 : i32
      %dma_wait3A_594 = arith.constant 0 : i32
      %dma_wait3A_595 = tpu.memref_slice %arg6[%dma_wait3A_593, %dma_wait3A_594] : memref<40x125xi32, #tpu.memory_space<vmem>> -> memref<1x125xi32, #tpu.memory_space<vmem>>
      %dma_wait3A_596 = tpu.memref_squeeze %dma_wait3A_595 : memref<1x125xi32, #tpu.memory_space<vmem>> -> memref<125xi32, #tpu.memory_space<vmem>>
      %dma_wait3A_597 = arith.constant 0 : i32
      %dma_wait3A_598 = arith.constant 0 : i32
      %dma_wait3A_599 = tpu.memref_slice %arg2[%dma_wait3A_597, %dma_wait3A_598] : memref<10000x128xf32, #tpu.memory_space<hbm>> -> memref<10000x128xf32, #tpu.memory_space<hbm>>
      tpu.wait_indirect_dma semaphore(%arg11 : memref<!tpu.dma_semaphore, #tpu.memory_space<semaphore_mem>>) src(%dma_wait3A_599 : memref<10000x128xf32, #tpu.memory_space<hbm>>) dst(%arg8 : memref<125x128xf32, #tpu.memory_space<vmem>>)
      %run_scoped3A_600 = arith.constant 36 : i32
      "tpu.region"() ({
        %run_scoped3A_639 = tpu.sem_alloc : memref<!tpu.dma_semaphore, #tpu.memory_space<semaphore_mem>>
        %dma_start3A_640 = arith.constant 0 : i32
        %dma_start3A_641 = tpu.memref_slice %arg7[%run_scoped3A_600, %dma_start3A_640] : memref<40x125xi32, #tpu.memory_space<vmem>> -> memref<1x125xi32, #tpu.memory_space<vmem>>
        %dma_start3A_642 = tpu.memref_squeeze %dma_start3A_641 : memref<1x125xi32, #tpu.memory_space<vmem>> -> memref<125xi32, #tpu.memory_space<vmem>>
        %dma_start3A_643 = arith.constant 0 : i32
        %dma_start3A_644 = arith.constant 0 : i32
        %dma_start3A_645 = tpu.memref_slice %arg10[%dma_start3A_643, %dma_start3A_644] : memref<10000x128xf32, #tpu.memory_space<vmem_shared>> -> memref<10000x128xf32, #tpu.memory_space<vmem_shared>>
        tpu.enqueue_indirect_dma source(%arg8 : memref<125x128xf32, #tpu.memory_space<vmem>>) target(%dma_start3A_645 : memref<10000x128xf32, #tpu.memory_space<vmem_shared>>) offsets(%dma_start3A_642 : memref<125xi32, #tpu.memory_space<vmem>>) semaphore(%run_scoped3A_639 : memref<!tpu.dma_semaphore, #tpu.memory_space<semaphore_mem>>) {add = true}
        %dma_wait3A_646 = arith.constant 0 : i32
        %dma_wait3A_647 = tpu.memref_slice %arg7[%run_scoped3A_600, %dma_wait3A_646] : memref<40x125xi32, #tpu.memory_space<vmem>> -> memref<1x125xi32, #tpu.memory_space<vmem>>
        %dma_wait3A_648 = tpu.memref_squeeze %dma_wait3A_647 : memref<1x125xi32, #tpu.memory_space<vmem>> -> memref<125xi32, #tpu.memory_space<vmem>>
        %dma_wait3A_649 = arith.constant 0 : i32
        %dma_wait3A_650 = arith.constant 0 : i32
        %dma_wait3A_651 = tpu.memref_slice %arg10[%dma_wait3A_649, %dma_wait3A_650] : memref<10000x128xf32, #tpu.memory_space<vmem_shared>> -> memref<10000x128xf32, #tpu.memory_space<vmem_shared>>
        tpu.wait_indirect_dma semaphore(%run_scoped3A_639 : memref<!tpu.dma_semaphore, #tpu.memory_space<semaphore_mem>>) src(%arg8 : memref<125x128xf32, #tpu.memory_space<vmem>>) dst(%dma_wait3A_651 : memref<10000x128xf32, #tpu.memory_space<vmem_shared>>)
        tpu.yield
      }) : () -> ()
      %dma_start3A_601 = arith.constant 38 : i32
      %dma_start3A_602 = arith.constant 0 : i32
      %dma_start3A_603 = tpu.memref_slice %arg6[%dma_start3A_601, %dma_start3A_602] : memref<40x125xi32, #tpu.memory_space<vmem>> -> memref<1x125xi32, #tpu.memory_space<vmem>>
      %dma_start3A_604 = tpu.memref_squeeze %dma_start3A_603 : memref<1x125xi32, #tpu.memory_space<vmem>> -> memref<125xi32, #tpu.memory_space<vmem>>
      %dma_start3A_605 = arith.constant 0 : i32
      %dma_start3A_606 = arith.constant 0 : i32
      %dma_start3A_607 = tpu.memref_slice %arg2[%dma_start3A_605, %dma_start3A_606] : memref<10000x128xf32, #tpu.memory_space<hbm>> -> memref<10000x128xf32, #tpu.memory_space<hbm>>
      tpu.enqueue_indirect_dma source(%dma_start3A_607 : memref<10000x128xf32, #tpu.memory_space<hbm>>) target(%arg8 : memref<125x128xf32, #tpu.memory_space<vmem>>) offsets(%dma_start3A_604 : memref<125xi32, #tpu.memory_space<vmem>>) semaphore(%arg11 : memref<!tpu.dma_semaphore, #tpu.memory_space<semaphore_mem>>)
      %dma_wait3A_608 = arith.constant 37 : i32
      %dma_wait3A_609 = arith.constant 0 : i32
      %dma_wait3A_610 = tpu.memref_slice %arg6[%dma_wait3A_608, %dma_wait3A_609] : memref<40x125xi32, #tpu.memory_space<vmem>> -> memref<1x125xi32, #tpu.memory_space<vmem>>
      %dma_wait3A_611 = tpu.memref_squeeze %dma_wait3A_610 : memref<1x125xi32, #tpu.memory_space<vmem>> -> memref<125xi32, #tpu.memory_space<vmem>>
      %dma_wait3A_612 = arith.constant 0 : i32
      %dma_wait3A_613 = arith.constant 0 : i32
      %dma_wait3A_614 = tpu.memref_slice %arg2[%dma_wait3A_612, %dma_wait3A_613] : memref<10000x128xf32, #tpu.memory_space<hbm>> -> memref<10000x128xf32, #tpu.memory_space<hbm>>
      tpu.wait_indirect_dma semaphore(%arg12 : memref<!tpu.dma_semaphore, #tpu.memory_space<semaphore_mem>>) src(%dma_wait3A_614 : memref<10000x128xf32, #tpu.memory_space<hbm>>) dst(%arg9 : memref<125x128xf32, #tpu.memory_space<vmem>>)
      %run_scoped3A_615 = arith.constant 37 : i32
      "tpu.region"() ({
        %run_scoped3A_639 = tpu.sem_alloc : memref<!tpu.dma_semaphore, #tpu.memory_space<semaphore_mem>>
        %dma_start3A_640 = arith.constant 0 : i32
        %dma_start3A_641 = tpu.memref_slice %arg7[%run_scoped3A_615, %dma_start3A_640] : memref<40x125xi32, #tpu.memory_space<vmem>> -> memref<1x125xi32, #tpu.memory_space<vmem>>
        %dma_start3A_642 = tpu.memref_squeeze %dma_start3A_641 : memref<1x125xi32, #tpu.memory_space<vmem>> -> memref<125xi32, #tpu.memory_space<vmem>>
        %dma_start3A_643 = arith.constant 0 : i32
        %dma_start3A_644 = arith.constant 0 : i32
        %dma_start3A_645 = tpu.memref_slice %arg10[%dma_start3A_643, %dma_start3A_644] : memref<10000x128xf32, #tpu.memory_space<vmem_shared>> -> memref<10000x128xf32, #tpu.memory_space<vmem_shared>>
        tpu.enqueue_indirect_dma source(%arg9 : memref<125x128xf32, #tpu.memory_space<vmem>>) target(%dma_start3A_645 : memref<10000x128xf32, #tpu.memory_space<vmem_shared>>) offsets(%dma_start3A_642 : memref<125xi32, #tpu.memory_space<vmem>>) semaphore(%run_scoped3A_639 : memref<!tpu.dma_semaphore, #tpu.memory_space<semaphore_mem>>) {add = true}
        %dma_wait3A_646 = arith.constant 0 : i32
        %dma_wait3A_647 = tpu.memref_slice %arg7[%run_scoped3A_615, %dma_wait3A_646] : memref<40x125xi32, #tpu.memory_space<vmem>> -> memref<1x125xi32, #tpu.memory_space<vmem>>
        %dma_wait3A_648 = tpu.memref_squeeze %dma_wait3A_647 : memref<1x125xi32, #tpu.memory_space<vmem>> -> memref<125xi32, #tpu.memory_space<vmem>>
        %dma_wait3A_649 = arith.constant 0 : i32
        %dma_wait3A_650 = arith.constant 0 : i32
        %dma_wait3A_651 = tpu.memref_slice %arg10[%dma_wait3A_649, %dma_wait3A_650] : memref<10000x128xf32, #tpu.memory_space<vmem_shared>> -> memref<10000x128xf32, #tpu.memory_space<vmem_shared>>
        tpu.wait_indirect_dma semaphore(%run_scoped3A_639 : memref<!tpu.dma_semaphore, #tpu.memory_space<semaphore_mem>>) src(%arg9 : memref<125x128xf32, #tpu.memory_space<vmem>>) dst(%dma_wait3A_651 : memref<10000x128xf32, #tpu.memory_space<vmem_shared>>)
        tpu.yield
      }) : () -> ()
      %dma_start3A_616 = arith.constant 39 : i32
      %dma_start3A_617 = arith.constant 0 : i32
      %dma_start3A_618 = tpu.memref_slice %arg6[%dma_start3A_616, %dma_start3A_617] : memref<40x125xi32, #tpu.memory_space<vmem>> -> memref<1x125xi32, #tpu.memory_space<vmem>>
      %dma_start3A_619 = tpu.memref_squeeze %dma_start3A_618 : memref<1x125xi32, #tpu.memory_space<vmem>> -> memref<125xi32, #tpu.memory_space<vmem>>
      %dma_start3A_620 = arith.constant 0 : i32
      %dma_start3A_621 = arith.constant 0 : i32
      %dma_start3A_622 = tpu.memref_slice %arg2[%dma_start3A_620, %dma_start3A_621] : memref<10000x128xf32, #tpu.memory_space<hbm>> -> memref<10000x128xf32, #tpu.memory_space<hbm>>
      tpu.enqueue_indirect_dma source(%dma_start3A_622 : memref<10000x128xf32, #tpu.memory_space<hbm>>) target(%arg9 : memref<125x128xf32, #tpu.memory_space<vmem>>) offsets(%dma_start3A_619 : memref<125xi32, #tpu.memory_space<vmem>>) semaphore(%arg12 : memref<!tpu.dma_semaphore, #tpu.memory_space<semaphore_mem>>)
      %dma_wait3A_623 = arith.constant 38 : i32
      %dma_wait3A_624 = arith.constant 0 : i32
      %dma_wait3A_625 = tpu.memref_slice %arg6[%dma_wait3A_623, %dma_wait3A_624] : memref<40x125xi32, #tpu.memory_space<vmem>> -> memref<1x125xi32, #tpu.memory_space<vmem>>
      %dma_wait3A_626 = tpu.memref_squeeze %dma_wait3A_625 : memref<1x125xi32, #tpu.memory_space<vmem>> -> memref<125xi32, #tpu.memory_space<vmem>>
      %dma_wait3A_627 = arith.constant 0 : i32
      %dma_wait3A_628 = arith.constant 0 : i32
      %dma_wait3A_629 = tpu.memref_slice %arg2[%dma_wait3A_627, %dma_wait3A_628] : memref<10000x128xf32, #tpu.memory_space<hbm>> -> memref<10000x128xf32, #tpu.memory_space<hbm>>
      tpu.wait_indirect_dma semaphore(%arg11 : memref<!tpu.dma_semaphore, #tpu.memory_space<semaphore_mem>>) src(%dma_wait3A_629 : memref<10000x128xf32, #tpu.memory_space<hbm>>) dst(%arg8 : memref<125x128xf32, #tpu.memory_space<vmem>>)
      %run_scoped3A_630 = arith.constant 38 : i32
      "tpu.region"() ({
        %run_scoped3A_639 = tpu.sem_alloc : memref<!tpu.dma_semaphore, #tpu.memory_space<semaphore_mem>>
        %dma_start3A_640 = arith.constant 0 : i32
        %dma_start3A_641 = tpu.memref_slice %arg7[%run_scoped3A_630, %dma_start3A_640] : memref<40x125xi32, #tpu.memory_space<vmem>> -> memref<1x125xi32, #tpu.memory_space<vmem>>
        %dma_start3A_642 = tpu.memref_squeeze %dma_start3A_641 : memref<1x125xi32, #tpu.memory_space<vmem>> -> memref<125xi32, #tpu.memory_space<vmem>>
        %dma_start3A_643 = arith.constant 0 : i32
        %dma_start3A_644 = arith.constant 0 : i32
        %dma_start3A_645 = tpu.memref_slice %arg10[%dma_start3A_643, %dma_start3A_644] : memref<10000x128xf32, #tpu.memory_space<vmem_shared>> -> memref<10000x128xf32, #tpu.memory_space<vmem_shared>>
        tpu.enqueue_indirect_dma source(%arg8 : memref<125x128xf32, #tpu.memory_space<vmem>>) target(%dma_start3A_645 : memref<10000x128xf32, #tpu.memory_space<vmem_shared>>) offsets(%dma_start3A_642 : memref<125xi32, #tpu.memory_space<vmem>>) semaphore(%run_scoped3A_639 : memref<!tpu.dma_semaphore, #tpu.memory_space<semaphore_mem>>) {add = true}
        %dma_wait3A_646 = arith.constant 0 : i32
        %dma_wait3A_647 = tpu.memref_slice %arg7[%run_scoped3A_630, %dma_wait3A_646] : memref<40x125xi32, #tpu.memory_space<vmem>> -> memref<1x125xi32, #tpu.memory_space<vmem>>
        %dma_wait3A_648 = tpu.memref_squeeze %dma_wait3A_647 : memref<1x125xi32, #tpu.memory_space<vmem>> -> memref<125xi32, #tpu.memory_space<vmem>>
        %dma_wait3A_649 = arith.constant 0 : i32
        %dma_wait3A_650 = arith.constant 0 : i32
        %dma_wait3A_651 = tpu.memref_slice %arg10[%dma_wait3A_649, %dma_wait3A_650] : memref<10000x128xf32, #tpu.memory_space<vmem_shared>> -> memref<10000x128xf32, #tpu.memory_space<vmem_shared>>
        tpu.wait_indirect_dma semaphore(%run_scoped3A_639 : memref<!tpu.dma_semaphore, #tpu.memory_space<semaphore_mem>>) src(%arg8 : memref<125x128xf32, #tpu.memory_space<vmem>>) dst(%dma_wait3A_651 : memref<10000x128xf32, #tpu.memory_space<vmem_shared>>)
        tpu.yield
      }) : () -> ()
      %dma_wait3A_631 = arith.constant 39 : i32
      %dma_wait3A_632 = arith.constant 0 : i32
      %dma_wait3A_633 = tpu.memref_slice %arg6[%dma_wait3A_631, %dma_wait3A_632] : memref<40x125xi32, #tpu.memory_space<vmem>> -> memref<1x125xi32, #tpu.memory_space<vmem>>
      %dma_wait3A_634 = tpu.memref_squeeze %dma_wait3A_633 : memref<1x125xi32, #tpu.memory_space<vmem>> -> memref<125xi32, #tpu.memory_space<vmem>>
      %dma_wait3A_635 = arith.constant 0 : i32
      %dma_wait3A_636 = arith.constant 0 : i32
      %dma_wait3A_637 = tpu.memref_slice %arg2[%dma_wait3A_635, %dma_wait3A_636] : memref<10000x128xf32, #tpu.memory_space<hbm>> -> memref<10000x128xf32, #tpu.memory_space<hbm>>
      tpu.wait_indirect_dma semaphore(%arg12 : memref<!tpu.dma_semaphore, #tpu.memory_space<semaphore_mem>>) src(%dma_wait3A_637 : memref<10000x128xf32, #tpu.memory_space<hbm>>) dst(%arg9 : memref<125x128xf32, #tpu.memory_space<vmem>>)
      %run_scoped3A_638 = arith.constant 39 : i32
      "tpu.region"() ({
        %run_scoped3A_639 = tpu.sem_alloc : memref<!tpu.dma_semaphore, #tpu.memory_space<semaphore_mem>>
        %dma_start3A_640 = arith.constant 0 : i32
        %dma_start3A_641 = tpu.memref_slice %arg7[%run_scoped3A_638, %dma_start3A_640] : memref<40x125xi32, #tpu.memory_space<vmem>> -> memref<1x125xi32, #tpu.memory_space<vmem>>
        %dma_start3A_642 = tpu.memref_squeeze %dma_start3A_641 : memref<1x125xi32, #tpu.memory_space<vmem>> -> memref<125xi32, #tpu.memory_space<vmem>>
        %dma_start3A_643 = arith.constant 0 : i32
        %dma_start3A_644 = arith.constant 0 : i32
        %dma_start3A_645 = tpu.memref_slice %arg10[%dma_start3A_643, %dma_start3A_644] : memref<10000x128xf32, #tpu.memory_space<vmem_shared>> -> memref<10000x128xf32, #tpu.memory_space<vmem_shared>>
        tpu.enqueue_indirect_dma source(%arg9 : memref<125x128xf32, #tpu.memory_space<vmem>>) target(%dma_start3A_645 : memref<10000x128xf32, #tpu.memory_space<vmem_shared>>) offsets(%dma_start3A_642 : memref<125xi32, #tpu.memory_space<vmem>>) semaphore(%run_scoped3A_639 : memref<!tpu.dma_semaphore, #tpu.memory_space<semaphore_mem>>) {add = true}
        %dma_wait3A_646 = arith.constant 0 : i32
        %dma_wait3A_647 = tpu.memref_slice %arg7[%run_scoped3A_638, %dma_wait3A_646] : memref<40x125xi32, #tpu.memory_space<vmem>> -> memref<1x125xi32, #tpu.memory_space<vmem>>
        %dma_wait3A_648 = tpu.memref_squeeze %dma_wait3A_647 : memref<1x125xi32, #tpu.memory_space<vmem>> -> memref<125xi32, #tpu.memory_space<vmem>>
        %dma_wait3A_649 = arith.constant 0 : i32
        %dma_wait3A_650 = arith.constant 0 : i32
        %dma_wait3A_651 = tpu.memref_slice %arg10[%dma_wait3A_649, %dma_wait3A_650] : memref<10000x128xf32, #tpu.memory_space<vmem_shared>> -> memref<10000x128xf32, #tpu.memory_space<vmem_shared>>
        tpu.wait_indirect_dma semaphore(%run_scoped3A_639 : memref<!tpu.dma_semaphore, #tpu.memory_space<semaphore_mem>>) src(%arg9 : memref<125x128xf32, #tpu.memory_space<vmem>>) dst(%dma_wait3A_651 : memref<10000x128xf32, #tpu.memory_space<vmem_shared>>)
        tpu.yield
      }) : () -> ()
    }
    %scan3A_23 = arith.constant 2 : i32
    %barrier3A_24 = arith.constant 0 : index
    tpu.barrier barrier_id(%barrier3A_24)
    %scan3A_25 = arith.constant 0 : i32
    %scan3A_26 = arith.constant 3 : i32
    %scan3A_27 = arith.addi %scan3A_25, %scan3A_26 : i32
    %scan3A_28 = arith.constant 1 : i32
    scf.for %scan3A_35 = %scan3A_25 to %scan3A_27 step %scan3A_28  : i32 {
      %mul3A_36 = arith.constant 208 : i32
      %mul3A_37 = arith.muli %scan3A_35, %mul3A_36 : i32
      %add3A_38 = arith.constant 0 : i32
      %add3A_39 = arith.addi %add3A_38, %mul3A_37 : i32
      %add3A_40 = arith.addi %mul3A_0, %add3A_39 : i32
      %add3A_41 = arith.addi %mul3A_0, %add3A_39 : i32
      "tpu.region"() ({
        %run_scoped3A = tpu.sem_alloc : memref<!tpu.dma_semaphore, #tpu.memory_space<semaphore_mem>>
        %dma_start3A = arith.constant 0 : i32
        %dma_start3A_42 = arith.constant 0 : i32
        %dma_start3A_43 = tpu.memref_slice %arg5[%arg0, %dma_start3A, %dma_start3A_42] : memref<2x10000x128xf32, #tpu.memory_space<hbm>> -> memref<1x10000x128xf32, #tpu.memory_space<hbm>>
        %dma_start3A_44 = tpu.memref_squeeze %dma_start3A_43 : memref<1x10000x128xf32, #tpu.memory_space<hbm>> -> memref<10000x128xf32, #tpu.memory_space<hbm>>
        %dma_start3A_45 = arith.constant 0 : i32
        %dma_start3A_46 = tpu.memref_slice %dma_start3A_44[%add3A_41, %dma_start3A_45] : memref<10000x128xf32, #tpu.memory_space<hbm>> -> memref<208x128xf32, #tpu.memory_space<hbm>>
        %dma_start3A_47 = arith.constant 0 : i32
        %dma_start3A_48 = tpu.memref_slice %arg10[%add3A_40, %dma_start3A_47] : memref<10000x128xf32, #tpu.memory_space<vmem_shared>> -> memref<208x128xf32, #tpu.memory_space<vmem_shared>>
        tpu.enqueue_dma source(%dma_start3A_48 : memref<208x128xf32, #tpu.memory_space<vmem_shared>>) target(%dma_start3A_46 : memref<208x128xf32, #tpu.memory_space<hbm>>) target_semaphore(%run_scoped3A : memref<!tpu.dma_semaphore, #tpu.memory_space<semaphore_mem>>)
        %dma_wait3A = arith.constant 0 : i32
        %dma_wait3A_49 = arith.constant 0 : i32
        %dma_wait3A_50 = tpu.memref_slice %arg5[%arg0, %dma_wait3A, %dma_wait3A_49] : memref<2x10000x128xf32, #tpu.memory_space<hbm>> -> memref<1x10000x128xf32, #tpu.memory_space<hbm>>
        %dma_wait3A_51 = tpu.memref_squeeze %dma_wait3A_50 : memref<1x10000x128xf32, #tpu.memory_space<hbm>> -> memref<10000x128xf32, #tpu.memory_space<hbm>>
        %dma_wait3A_52 = arith.constant 0 : i32
        %dma_wait3A_53 = tpu.memref_slice %dma_wait3A_51[%add3A_41, %dma_wait3A_52] : memref<10000x128xf32, #tpu.memory_space<hbm>> -> memref<208x128xf32, #tpu.memory_space<hbm>>
        %dma_wait3A_54 = arith.constant 0 : i32
        %dma_wait3A_55 = tpu.memref_slice %arg10[%add3A_40, %dma_wait3A_54] : memref<10000x128xf32, #tpu.memory_space<vmem_shared>> -> memref<208x128xf32, #tpu.memory_space<vmem_shared>>
        tpu.wait_dma2 semaphore(%run_scoped3A : memref<!tpu.dma_semaphore, #tpu.memory_space<semaphore_mem>>) src(%dma_wait3A_55 : memref<208x128xf32, #tpu.memory_space<vmem_shared>>) dst(%dma_wait3A_53 : memref<208x128xf32, #tpu.memory_space<hbm>>)
        tpu.yield
      }) : () -> ()
    }
    %scan3A_29 = arith.constant 3 : i32
    %eq3A_30 = arith.constant 15 : i32
    %eq3A_31 = arith.cmpi eq, %arg1, %eq3A_30 : i32
    %convert_element_type3A_32 = arith.extui %eq3A_31 : i1 to i32
    %cond3A_33 = arith.constant 0 : i32
    %cond3A_34 = arith.cmpi ne, %convert_element_type3A_32, %cond3A_33 : i32
    scf.if %cond3A_34 {
      %add3A_35 = arith.constant 624 : i32
      %add3A_36 = arith.addi %mul3A_0, %add3A_35 : i32
      %add3A_37 = arith.constant 624 : i32
      %add3A_38 = arith.addi %mul3A_0, %add3A_37 : i32
      "tpu.region"() ({
        %run_scoped3A = tpu.sem_alloc : memref<!tpu.dma_semaphore, #tpu.memory_space<semaphore_mem>>
        %dma_start3A = arith.constant 0 : i32
        %dma_start3A_39 = arith.constant 0 : i32
        %dma_start3A_40 = tpu.memref_slice %arg5[%arg0, %dma_start3A, %dma_start3A_39] : memref<2x10000x128xf32, #tpu.memory_space<hbm>> -> memref<1x10000x128xf32, #tpu.memory_space<hbm>>
        %dma_start3A_41 = tpu.memref_squeeze %dma_start3A_40 : memref<1x10000x128xf32, #tpu.memory_space<hbm>> -> memref<10000x128xf32, #tpu.memory_space<hbm>>
        %dma_start3A_42 = arith.constant 0 : i32
        %dma_start3A_43 = tpu.memref_slice %dma_start3A_41[%add3A_38, %dma_start3A_42] : memref<10000x128xf32, #tpu.memory_space<hbm>> -> memref<16x128xf32, #tpu.memory_space<hbm>>
        %dma_start3A_44 = arith.constant 0 : i32
        %dma_start3A_45 = tpu.memref_slice %arg10[%add3A_36, %dma_start3A_44] : memref<10000x128xf32, #tpu.memory_space<vmem_shared>> -> memref<16x128xf32, #tpu.memory_space<vmem_shared>>
        tpu.enqueue_dma source(%dma_start3A_45 : memref<16x128xf32, #tpu.memory_space<vmem_shared>>) target(%dma_start3A_43 : memref<16x128xf32, #tpu.memory_space<hbm>>) target_semaphore(%run_scoped3A : memref<!tpu.dma_semaphore, #tpu.memory_space<semaphore_mem>>)
        %dma_wait3A = arith.constant 0 : i32
        %dma_wait3A_46 = arith.constant 0 : i32
        %dma_wait3A_47 = tpu.memref_slice %arg5[%arg0, %dma_wait3A, %dma_wait3A_46] : memref<2x10000x128xf32, #tpu.memory_space<hbm>> -> memref<1x10000x128xf32, #tpu.memory_space<hbm>>
        %dma_wait3A_48 = tpu.memref_squeeze %dma_wait3A_47 : memref<1x10000x128xf32, #tpu.memory_space<hbm>> -> memref<10000x128xf32, #tpu.memory_space<hbm>>
        %dma_wait3A_49 = arith.constant 0 : i32
        %dma_wait3A_50 = tpu.memref_slice %dma_wait3A_48[%add3A_38, %dma_wait3A_49] : memref<10000x128xf32, #tpu.memory_space<hbm>> -> memref<16x128xf32, #tpu.memory_space<hbm>>
        %dma_wait3A_51 = arith.constant 0 : i32
        %dma_wait3A_52 = tpu.memref_slice %arg10[%add3A_36, %dma_wait3A_51] : memref<10000x128xf32, #tpu.memory_space<vmem_shared>> -> memref<16x128xf32, #tpu.memory_space<vmem_shared>>
        tpu.wait_dma2 semaphore(%run_scoped3A : memref<!tpu.dma_semaphore, #tpu.memory_space<semaphore_mem>>) src(%dma_wait3A_52 : memref<16x128xf32, #tpu.memory_space<vmem_shared>>) dst(%dma_wait3A_50 : memref<16x128xf32, #tpu.memory_space<hbm>>)
        tpu.yield
      }) : () -> ()
    } else {
    }
    return
  }
}

module attributes {stable_mosaic.version = 14 : i64} {
  func.func @_mlp_block(%arg0: i32, %arg1: memref<2000x128xf32, #tpu.memory_space<vmem>>, %arg2: memref<2x2000x128xf32, #tpu.memory_space<vmem>>, %arg3: memref<2x2000x128xf32, #tpu.memory_space<vmem>>, %arg4: memref<128x128xf32, #tpu.memory_space<vmem>>, %arg5: memref<1x128xf32, #tpu.memory_space<vmem>>, %arg6: memref<128x128xf32, #tpu.memory_space<vmem>>, %arg7: memref<1x128xf32, #tpu.memory_space<vmem>>, %arg8: memref<2000x128xf32, #tpu.memory_space<vmem>>) attributes {dimension_semantics = [#tpu.dimension_semantics<arbitrary>], iteration_bounds = array<i64: 5>, scalar_prefetch = 0 : i64, scratch_operands = 0 : i64, tpu.core_type = #tpu.core_type<tc>, window_params = [{transform_indices = @transform_0, window_bounds = array<i64: 2000, 128>}, {transform_indices = @transform_1, window_bounds = array<i64: 2, 2000, 128>}, {transform_indices = @transform_2, window_bounds = array<i64: 2, 2000, 128>}, {pipeline_mode = #tpu.pipeline_mode<synchronous>, transform_indices = @transform_3, window_bounds = array<i64: 128, 128>}, {pipeline_mode = #tpu.pipeline_mode<synchronous>, transform_indices = @transform_4, window_bounds = array<i64: 1, 128>}, {pipeline_mode = #tpu.pipeline_mode<synchronous>, transform_indices = @transform_5, window_bounds = array<i64: 128, 128>}, {pipeline_mode = #tpu.pipeline_mode<synchronous>, transform_indices = @transform_6, window_bounds = array<i64: 1, 128>}, {transform_indices = @transform_7, window_bounds = array<i64: 2000, 128>}]} {
    %get3A = arith.constant 0 : index
    %get3A_0 = arith.constant 0 : index
    %get3A_1 = arith.constant 0 : index
    %get3A_2 = vector.load %arg3[%get3A, %get3A_0, %get3A_1] : memref<2x2000x128xf32, #tpu.memory_space<vmem>>, vector<1x2000x1xf32>
    %get3A_3 = vector.shape_cast %get3A_2 : vector<1x2000x1xf32> to vector<2000x1xf32>
    %get3A_4 = arith.constant 1 : index
    %get3A_5 = arith.constant 0 : index
    %get3A_6 = arith.constant 0 : index
    %get3A_7 = vector.load %arg3[%get3A_4, %get3A_5, %get3A_6] : memref<2x2000x128xf32, #tpu.memory_space<vmem>>, vector<1x2000x1xf32>
    %get3A_8 = vector.shape_cast %get3A_7 : vector<1x2000x1xf32> to vector<2000x1xf32>
    %add3A = arith.addf %get3A_3, %get3A_8 : vector<2000x1xf32>
    %max3A = arith.constant 1.000000e+00 : f32
    %max3A_9 = vector.broadcast %max3A : f32 to vector<2000x1xf32>
    %max3A_10 = arith.maximumf %add3A, %max3A_9 : vector<2000x1xf32>
    %div3A = arith.constant 1.000000e+00 : f32
    %div3A_11 = vector.broadcast %div3A : f32 to vector<2000x1xf32>
    %div3A_12 = arith.divf %div3A_11, %max3A_10 : vector<2000x1xf32>
    %get3A_13 = arith.constant 0 : index
    %get3A_14 = arith.constant 0 : index
    %get3A_15 = vector.load %arg1[%get3A_13, %get3A_14] : memref<2000x128xf32, #tpu.memory_space<vmem>>, vector<2000x128xf32>
    %get3A_16 = arith.constant 0 : index
    %get3A_17 = arith.constant 0 : index
    %get3A_18 = arith.constant 0 : index
    %get3A_19 = vector.load %arg2[%get3A_16, %get3A_17, %get3A_18] : memref<2x2000x128xf32, #tpu.memory_space<vmem>>, vector<1x2000x128xf32>
    %get3A_20 = vector.shape_cast %get3A_19 : vector<1x2000x128xf32> to vector<2000x128xf32>
    %get3A_21 = arith.constant 1 : index
    %get3A_22 = arith.constant 0 : index
    %get3A_23 = arith.constant 0 : index
    %get3A_24 = vector.load %arg2[%get3A_21, %get3A_22, %get3A_23] : memref<2x2000x128xf32, #tpu.memory_space<vmem>>, vector<1x2000x128xf32>
    %get3A_25 = vector.shape_cast %get3A_24 : vector<1x2000x128xf32> to vector<2000x128xf32>
    %add3A_26 = arith.addf %get3A_20, %get3A_25 : vector<2000x128xf32>
    %mul3A = vector.broadcast %div3A_12 : vector<2000x1xf32> to vector<2000x128xf32>
    %mul3A_27 = arith.mulf %add3A_26, %mul3A : vector<2000x128xf32>
    %add3A_28 = arith.addf %get3A_15, %mul3A_27 : vector<2000x128xf32>
    %get3A_29 = arith.constant 0 : index
    %get3A_30 = arith.constant 0 : index
    %get3A_31 = vector.load %arg4[%get3A_29, %get3A_30] : memref<128x128xf32, #tpu.memory_space<vmem>>, vector<128x128xf32>
    %dot_general3A = arith.constant dense<0.000000e+00> : vector<2000x128xf32>
    %dot_general3A_32 = tpu.matmul %add3A_28, %get3A_31, %dot_general3A {dimension_numbers = #tpu.dot_dimension_numbers<[1], [1], [0], [0], [0, 0, 1, 0], [], []>, transpose_lhs_hint = false} : vector<2000x128xf32>, vector<128x128xf32>, vector<2000x128xf32> -> vector<2000x128xf32>
    %get3A_33 = arith.constant 0 : index
    %get3A_34 = arith.constant 0 : index
    %get3A_35 = vector.load %arg5[%get3A_33, %get3A_34] : memref<1x128xf32, #tpu.memory_space<vmem>>, vector<1x128xf32>
    %add3A_36 = vector.broadcast %get3A_35 : vector<1x128xf32> to vector<2000x128xf32>
    %add3A_37 = arith.addf %dot_general3A_32, %add3A_36 : vector<2000x128xf32>
    %get3A_38 = arith.constant 0 : index
    %get3A_39 = arith.constant 0 : index
    %get3A_40 = vector.load %arg6[%get3A_38, %get3A_39] : memref<128x128xf32, #tpu.memory_space<vmem>>, vector<128x128xf32>
    %dot_general3A_41 = arith.constant dense<0.000000e+00> : vector<2000x128xf32>
    %dot_general3A_42 = tpu.matmul %add3A_37, %get3A_40, %dot_general3A_41 {dimension_numbers = #tpu.dot_dimension_numbers<[1], [1], [0], [0], [0, 0, 1, 0], [], []>, transpose_lhs_hint = false} : vector<2000x128xf32>, vector<128x128xf32>, vector<2000x128xf32> -> vector<2000x128xf32>
    %get3A_43 = arith.constant 0 : index
    %get3A_44 = arith.constant 0 : index
    %get3A_45 = vector.load %arg7[%get3A_43, %get3A_44] : memref<1x128xf32, #tpu.memory_space<vmem>>, vector<1x128xf32>
    %add3A_46 = vector.broadcast %get3A_45 : vector<1x128xf32> to vector<2000x128xf32>
    %add3A_47 = arith.addf %dot_general3A_42, %add3A_46 : vector<2000x128xf32>
    %max3A_48 = arith.constant 0.000000e+00 : f32
    %max3A_49 = vector.broadcast %max3A_48 : f32 to vector<2000x128xf32>
    %max3A_50 = arith.maximumf %add3A_47, %max3A_49 : vector<2000x128xf32>
    %swap3A = arith.constant 0 : index
    %swap3A_51 = arith.constant 0 : index
    %swap3A_52 = vector.load %arg8[%swap3A, %swap3A_51] : memref<2000x128xf32, #tpu.memory_space<vmem>>, vector<2000x128xf32>
    tpu.vector_store %arg8[%swap3A, %swap3A_51], %max3A_50 {strides = array<i32>} : memref<2000x128xf32, #tpu.memory_space<vmem>>, vector<2000x128xf32>,
    return
  }
  func.func @transform_0(%arg0: i32) -> (i32, i32) {
    %c0_i32 = arith.constant 0 : i32
    %c0_i32_0 = arith.constant 0 : i32
    return %arg0, %c0_i32 : i32, i32
  }
  func.func @transform_1(%arg0: i32) -> (i32, i32, i32) {
    %c0_i32 = arith.constant 0 : i32
    %c0_i32_0 = arith.constant 0 : i32
    %c0_i32_1 = arith.constant 0 : i32
    return %c0_i32, %arg0, %c0_i32_0 : i32, i32, i32
  }
  func.func @transform_2(%arg0: i32) -> (i32, i32, i32) {
    %c0_i32 = arith.constant 0 : i32
    %c0_i32_0 = arith.constant 0 : i32
    %c0_i32_1 = arith.constant 0 : i32
    return %c0_i32, %arg0, %c0_i32_0 : i32, i32, i32
  }
  func.func @transform_3(%arg0: i32) -> (i32, i32) {
    %c0_i32 = arith.constant 0 : i32
    %c0_i32_0 = arith.constant 0 : i32
    %c0_i32_1 = arith.constant 0 : i32
    return %c0_i32, %c0_i32_0 : i32, i32
  }
  func.func @transform_4(%arg0: i32) -> (i32, i32) {
    %c0_i32 = arith.constant 0 : i32
    %c0_i32_0 = arith.constant 0 : i32
    %c0_i32_1 = arith.constant 0 : i32
    return %c0_i32, %c0_i32_0 : i32, i32
  }
  func.func @transform_5(%arg0: i32) -> (i32, i32) {
    %c0_i32 = arith.constant 0 : i32
    %c0_i32_0 = arith.constant 0 : i32
    %c0_i32_1 = arith.constant 0 : i32
    return %c0_i32, %c0_i32_0 : i32, i32
  }
  func.func @transform_6(%arg0: i32) -> (i32, i32) {
    %c0_i32 = arith.constant 0 : i32
    %c0_i32_0 = arith.constant 0 : i32
    %c0_i32_1 = arith.constant 0 : i32
    return %c0_i32, %c0_i32_0 : i32, i32
  }
  func.func @transform_7(%arg0: i32) -> (i32, i32) {
    %c0_i32 = arith.constant 0 : i32
    %c0_i32_0 = arith.constant 0 : i32
    return %arg0, %c0_i32 : i32, i32
  }
}

module attributes {stable_mosaic.version = 14 : i64} {
  func.func @_mlp_block(%arg0: i32, %arg1: memref<2000x128xf32, #tpu.memory_space<vmem>>, %arg2: memref<2x2000x128xf32, #tpu.memory_space<vmem>>, %arg3: memref<2x2000x128xf32, #tpu.memory_space<vmem>>, %arg4: memref<128x128xf32, #tpu.memory_space<vmem>>, %arg5: memref<1x128xf32, #tpu.memory_space<vmem>>, %arg6: memref<128x128xf32, #tpu.memory_space<vmem>>, %arg7: memref<1x128xf32, #tpu.memory_space<vmem>>, %arg8: memref<2000x128xf32, #tpu.memory_space<vmem>>) attributes {dimension_semantics = [#tpu.dimension_semantics<arbitrary>], iteration_bounds = array<i64: 5>, scalar_prefetch = 0 : i64, scratch_operands = 0 : i64, tpu.core_type = #tpu.core_type<tc>, window_params = [{transform_indices = @transform_0, window_bounds = array<i64: 2000, 128>}, {transform_indices = @transform_1, window_bounds = array<i64: 2, 2000, 128>}, {transform_indices = @transform_2, window_bounds = array<i64: 2, 2000, 128>}, {pipeline_mode = #tpu.pipeline_mode<synchronous>, transform_indices = @transform_3, window_bounds = array<i64: 128, 128>}, {pipeline_mode = #tpu.pipeline_mode<synchronous>, transform_indices = @transform_4, window_bounds = array<i64: 1, 128>}, {pipeline_mode = #tpu.pipeline_mode<synchronous>, transform_indices = @transform_5, window_bounds = array<i64: 128, 128>}, {pipeline_mode = #tpu.pipeline_mode<synchronous>, transform_indices = @transform_6, window_bounds = array<i64: 1, 128>}, {transform_indices = @transform_7, window_bounds = array<i64: 2000, 128>}]} {
    %get3A = arith.constant 0 : index
    %get3A_0 = arith.constant 0 : index
    %get3A_1 = arith.constant 0 : index
    %get3A_2 = vector.load %arg3[%get3A, %get3A_0, %get3A_1] : memref<2x2000x128xf32, #tpu.memory_space<vmem>>, vector<1x2000x1xf32>
    %get3A_3 = vector.shape_cast %get3A_2 : vector<1x2000x1xf32> to vector<2000x1xf32>
    %get3A_4 = arith.constant 1 : index
    %get3A_5 = arith.constant 0 : index
    %get3A_6 = arith.constant 0 : index
    %get3A_7 = vector.load %arg3[%get3A_4, %get3A_5, %get3A_6] : memref<2x2000x128xf32, #tpu.memory_space<vmem>>, vector<1x2000x1xf32>
    %get3A_8 = vector.shape_cast %get3A_7 : vector<1x2000x1xf32> to vector<2000x1xf32>
    %add3A = arith.addf %get3A_3, %get3A_8 : vector<2000x1xf32>
    %max3A = arith.constant 1.000000e+00 : f32
    %max3A_9 = vector.broadcast %max3A : f32 to vector<2000x1xf32>
    %max3A_10 = arith.maximumf %add3A, %max3A_9 : vector<2000x1xf32>
    %div3A = arith.constant 1.000000e+00 : f32
    %div3A_11 = vector.broadcast %div3A : f32 to vector<2000x1xf32>
    %div3A_12 = arith.divf %div3A_11, %max3A_10 : vector<2000x1xf32>
    %get3A_13 = arith.constant 0 : index
    %get3A_14 = arith.constant 0 : index
    %get3A_15 = vector.load %arg1[%get3A_13, %get3A_14] : memref<2000x128xf32, #tpu.memory_space<vmem>>, vector<2000x128xf32>
    %get3A_16 = arith.constant 0 : index
    %get3A_17 = arith.constant 0 : index
    %get3A_18 = arith.constant 0 : index
    %get3A_19 = vector.load %arg2[%get3A_16, %get3A_17, %get3A_18] : memref<2x2000x128xf32, #tpu.memory_space<vmem>>, vector<1x2000x128xf32>
    %get3A_20 = vector.shape_cast %get3A_19 : vector<1x2000x128xf32> to vector<2000x128xf32>
    %get3A_21 = arith.constant 1 : index
    %get3A_22 = arith.constant 0 : index
    %get3A_23 = arith.constant 0 : index
    %get3A_24 = vector.load %arg2[%get3A_21, %get3A_22, %get3A_23] : memref<2x2000x128xf32, #tpu.memory_space<vmem>>, vector<1x2000x128xf32>
    %get3A_25 = vector.shape_cast %get3A_24 : vector<1x2000x128xf32> to vector<2000x128xf32>
    %add3A_26 = arith.addf %get3A_20, %get3A_25 : vector<2000x128xf32>
    %mul3A = vector.broadcast %div3A_12 : vector<2000x1xf32> to vector<2000x128xf32>
    %mul3A_27 = arith.mulf %add3A_26, %mul3A : vector<2000x128xf32>
    %add3A_28 = arith.addf %get3A_15, %mul3A_27 : vector<2000x128xf32>
    %get3A_29 = arith.constant 0 : index
    %get3A_30 = arith.constant 0 : index
    %get3A_31 = vector.load %arg4[%get3A_29, %get3A_30] : memref<128x128xf32, #tpu.memory_space<vmem>>, vector<128x128xf32>
    %dot_general3A = arith.constant dense<0.000000e+00> : vector<2000x128xf32>
    %dot_general3A_32 = tpu.matmul %add3A_28, %get3A_31, %dot_general3A {dimension_numbers = #tpu.dot_dimension_numbers<[1], [1], [0], [0], [0, 0, 1, 0], [], []>, transpose_lhs_hint = false} : vector<2000x128xf32>, vector<128x128xf32>, vector<2000x128xf32> -> vector<2000x128xf32>
    %get3A_33 = arith.constant 0 : index
    %get3A_34 = arith.constant 0 : index
    %get3A_35 = vector.load %arg5[%get3A_33, %get3A_34] : memref<1x128xf32, #tpu.memory_space<vmem>>, vector<1x128xf32>
    %add3A_36 = vector.broadcast %get3A_35 : vector<1x128xf32> to vector<2000x128xf32>
    %add3A_37 = arith.addf %dot_general3A_32, %add3A_36 : vector<2000x128xf32>
    %get3A_38 = arith.constant 0 : index
    %get3A_39 = arith.constant 0 : index
    %get3A_40 = vector.load %arg6[%get3A_38, %get3A_39] : memref<128x128xf32, #tpu.memory_space<vmem>>, vector<128x128xf32>
    %dot_general3A_41 = arith.constant dense<0.000000e+00> : vector<2000x128xf32>
    %dot_general3A_42 = tpu.matmul %add3A_37, %get3A_40, %dot_general3A_41 {dimension_numbers = #tpu.dot_dimension_numbers<[1], [1], [0], [0], [0, 0, 1, 0], [], []>, transpose_lhs_hint = false} : vector<2000x128xf32>, vector<128x128xf32>, vector<2000x128xf32> -> vector<2000x128xf32>
    %get3A_43 = arith.constant 0 : index
    %get3A_44 = arith.constant 0 : index
    %get3A_45 = vector.load %arg7[%get3A_43, %get3A_44] : memref<1x128xf32, #tpu.memory_space<vmem>>, vector<1x128xf32>
    %add3A_46 = vector.broadcast %get3A_45 : vector<1x128xf32> to vector<2000x128xf32>
    %add3A_47 = arith.addf %dot_general3A_42, %add3A_46 : vector<2000x128xf32>
    %max3A_48 = arith.constant 0.000000e+00 : f32
    %max3A_49 = vector.broadcast %max3A_48 : f32 to vector<2000x128xf32>
    %max3A_50 = arith.maximumf %add3A_47, %max3A_49 : vector<2000x128xf32>
    %swap3A = arith.constant 0 : index
    %swap3A_51 = arith.constant 0 : index
    %swap3A_52 = vector.load %arg8[%swap3A, %swap3A_51] : memref<2000x128xf32, #tpu.memory_space<vmem>>, vector<2000x128xf32>
    tpu.vector_store %arg8[%swap3A, %swap3A_51], %max3A_50 {strides = array<i32>} : memref<2000x128xf32, #tpu.memory_space<vmem>>, vector<2000x128xf32>,
    return
  }
  func.func @transform_0(%arg0: i32) -> (i32, i32) {
    %c0_i32 = arith.constant 0 : i32
    %c0_i32_0 = arith.constant 0 : i32
    return %arg0, %c0_i32 : i32, i32
  }
  func.func @transform_1(%arg0: i32) -> (i32, i32, i32) {
    %c0_i32 = arith.constant 0 : i32
    %c0_i32_0 = arith.constant 0 : i32
    %c0_i32_1 = arith.constant 0 : i32
    return %c0_i32, %arg0, %c0_i32_0 : i32, i32, i32
  }
  func.func @transform_2(%arg0: i32) -> (i32, i32, i32) {
    %c0_i32 = arith.constant 0 : i32
    %c0_i32_0 = arith.constant 0 : i32
    %c0_i32_1 = arith.constant 0 : i32
    return %c0_i32, %arg0, %c0_i32_0 : i32, i32, i32
  }
  func.func @transform_3(%arg0: i32) -> (i32, i32) {
    %c0_i32 = arith.constant 0 : i32
    %c0_i32_0 = arith.constant 0 : i32
    %c0_i32_1 = arith.constant 0 : i32
    return %c0_i32, %c0_i32_0 : i32, i32
  }
  func.func @transform_4(%arg0: i32) -> (i32, i32) {
    %c0_i32 = arith.constant 0 : i32
    %c0_i32_0 = arith.constant 0 : i32
    %c0_i32_1 = arith.constant 0 : i32
    return %c0_i32, %c0_i32_0 : i32, i32
  }
  func.func @transform_5(%arg0: i32) -> (i32, i32) {
    %c0_i32 = arith.constant 0 : i32
    %c0_i32_0 = arith.constant 0 : i32
    %c0_i32_1 = arith.constant 0 : i32
    return %c0_i32, %c0_i32_0 : i32, i32
  }
  func.func @transform_6(%arg0: i32) -> (i32, i32) {
    %c0_i32 = arith.constant 0 : i32
    %c0_i32_0 = arith.constant 0 : i32
    %c0_i32_1 = arith.constant 0 : i32
    return %c0_i32, %c0_i32_0 : i32, i32
  }
  func.func @transform_7(%arg0: i32) -> (i32, i32) {
    %c0_i32 = arith.constant 0 : i32
    %c0_i32_0 = arith.constant 0 : i32
    return %arg0, %c0_i32 : i32, i32
  }
}

</mosaic_0001>

<sc_bundles>
// kernel: kernel.10.cloned.1.call-start
scs
__scs_entry_jumppad:
0x0: {  	(pc) =	sbr.rel $0x88, $3  }
0x1: {  	(tag) =	ssettag $0x0;
	lr =	simm.s32 $0x1  }
0x2: {  	[smem:$0x3F97] =	sst lr;
	_ =	strace $0xD0000000  }
0x3: {  	_ = 	snop  }
0x4: {  	_ = 	snop  }
0x5: {  	_ = 	snop  }
0x6: {  	_ = 	snop  }
0x7: {  	_ = 	snop  }
__scs_overlays_trampoline_lowered:
0x8: {  	[smem:$0x3FA6] =	sst s0  }
0x9: {  	[smem:$0x3FA7] =	sst s1  }
0xa: {  	[smem:$0x3FA8] =	sst s2  }
0xb: {  	[smem:$0x3FA9] =	sst s3  }
0xc: {  	[smem:$0x3FAA] =	sst s4  }
0xd: {  	[smem:$0x3FAB] =	sst s5  }
0xe: {  	[smem:$0x3FAC] =	sst s6  }
0xf: {  	[smem:$0x3FAD] =	sst s7  }
0x10: {  	[smem:$0x3FAE] =	sst s8  }
0x11: {  	[smem:$0x3FAF] =	sst s9;
	s0 =	simm.s32 @!p0 $0x0  }
0x12: {  	s1 =	sld [smem:$0x3F95];
	s0 =	simm.s32 @p0 $0x1  }
0x13: {  	[smem:$0x3FB0] =	sst s0;
	s0 =	simm.s32 @!p1 $0x0  }
0x14: {  	s2 =	sld [smem:$0x3F94];
	s0 =	simm.s32 @p1 $0x1  }
0x15: {  	[smem:$0x3FB1] =	sst s0;
	s0 =	simm.s32 @!p2 $0x0  }
0x16: {  	s3 =	sld [smem:$0x3FDB];
	s0 =	simm.s32 @p2 $0x1  }
0x17: {  	s4 =	simm.s32 $0x1BF5;
	[smem:$0x3FB3] =	sst s0  }
0x18: {  	s0 =	sld [smem:$0x3F96];
	_ =	swait.ge [sflag:s4], $0x0  }
0x19: {  	s7 =	sld [smem:$0x3F97]  }
0x1a: {  	s8 =	sadd.s32 $0xFFFFE003, lr  }
0x1b: {  	s9 =	sadd.s32 $0xFFFFFEF7, lr;
	s5 =	simm.s32 $0xFFFFFFFF;
	p2 =	slt.u32 s8, $0xFFFFF086  }
0x1c: {  	p1 =	slt.u32 s9, $0xF7A;
	s5 =	simm.s32 @!p2 $0x0  }
0x1d: {  	s5 =	simm.s32 @p1 $0x1;
	p0 =	seq.s32 s7, s2  }
0x1e: {  	s7 =	smul.u32 @!p0 $0xF7A, s2;
	p2 =	seq.s32 @!p0 s5, $0x0  }
0x1f: {  	s9 =	smul.u32 $0xF7A, s1;
	s8 =	simm.s32 @!p0 $0x1BF5;
	p2 =	por !p2, p0  }
0x20: {  	[sflag:s8] =	ssyncset.s32 @!p0 $0xFFFFF086;
	s6 =	sadd.s32 @!p0 s3, s7;
	s7 =	simm.s32 @!p0 $0x108  }
0x21: {  	s3 =	sadd.s32 s3, s9;
	s6 =	sadd.s32 @!p0 $0x88, s6;
	s7 =	simm.s32 @p2 $0x1082  }
0x22: {  	[simem:s7], [sflag:s8] =	dma.local @!p0 [hbm:s6], $0xF7A  }
0x23: {  	s9 =	sor.u32 $0xD0000000, s2;
	s6 =	simm.s32 $0x108;
	_ =	swait.ge @!p0 [sflag:s8], $0x0  }
0x24: {  	s3 =	sadd.s32 $0x88, s3;
	s6 =	simm.s32 @!p1 $0x1082;
	[sflag:s4] =	ssyncset.s32 $0xFFFFF086  }
0x25: {  	[simem:s6], [sflag:s4] =	dma.local [hbm:s3], $0xF7A  }
0x26: {  	[smem:$0x3F97] =	sst s1;
	(tag) =	ssettag s2;
	_ =	strace s9  }
0x27: {  	s1 =	sld [smem:$0x3FA7]  }
0x28: {  	s2 =	sld [smem:$0x3FA8]  }
0x29: {  	s4 =	sld [smem:$0x3FAA]  }
0x2a: {  	p0 =	seq.s32 s5, $0x0;
	s5 =	sld [smem:$0x3FAB]  }
0x2b: {  	s6 =	sld [smem:$0x3FAC]  }
0x2c: {  	s7 =	sld [smem:$0x3FAD]  }
0x2d: {  	s3 =	simm.s32 $0x108;
	s8 =	sld [smem:$0x3FAE]  }
0x2e: {  	s3 =	simm.s32 @!p0 $0x1082;
	s9 =	sld [smem:$0x3FAF]  }
0x2f: {  	lr =	sadd.s32 s0, s3;
	s0 =	sld [smem:$0x3FA6]  }
0x30: {  	s3 =	sld [smem:$0x3FA9]  }
0x31: {  	[smem:$0x3FB2] =	sst s10  }
0x32: {  	s10 =	sld [smem:$0x3FB0];
	_ =	sdelay $0x3  }
0x33: {  	p0 =	seq.s32 s10, $0x1;
	s10 =	sld [smem:$0x3FB2];
	_ =	sdelay $0x3  }
0x34: {  	[smem:$0x3FB2] =	sst s10  }
0x35: {  	s10 =	sld [smem:$0x3FB1];
	_ =	sdelay $0x3  }
0x36: {  	p1 =	seq.s32 s10, $0x1;
	s10 =	sld [smem:$0x3FB2];
	_ =	sdelay $0x3  }
0x37: {  	[smem:$0x3FB2] =	sst s10  }
0x38: {  	s10 =	sld [smem:$0x3FB3]  }
0x39: {  	_ = 	snop;
	(pc) =	sbr.ind lr, $3  }
0x3a: {  	_ = 	snop  }
0x3b: {  	_ = 	snop  }
0x3c: {  	p2 =	seq.s32 s10, $0x1;
	s10 =	sld [smem:$0x3FB2]  }
0x3d: {  	_ =	shalt  }
0x3e: {  	_ =	shalt  }
0x3f: {  	_ =	shalt  }
0x40: {  	_ =	shalt  }
0x41: {  	_ =	shalt  }
0x42: {  	_ =	shalt  }
0x43: {  	_ =	shalt  }
0x44: {  	_ =	shalt  }
0x45: {  	_ =	shalt  }
0x46: {  	_ =	shalt  }
0x47: {  	_ =	shalt  }
0x48: {  	_ =	shalt  }
0x49: {  	_ =	shalt  }
0x4a: {  	_ =	shalt  }
0x4b: {  	_ =	shalt  }
0x4c: {  	_ =	shalt  }
0x4d: {  	_ =	shalt  }
0x4e: {  	_ =	shalt  }
0x4f: {  	_ =	shalt  }
0x50: {  	_ =	shalt  }
0x51: {  	_ =	shalt  }
0x52: {  	_ =	shalt  }
0x53: {  	_ =	shalt  }
0x54: {  	_ =	shalt  }
0x55: {  	_ =	shalt  }
0x56: {  	_ =	shalt  }
0x57: {  	_ =	shalt  }
0x58: {  	_ =	shalt  }
0x59: {  	_ =	shalt  }
0x5a: {  	_ =	shalt  }
0x5b: {  	_ =	shalt  }
0x5c: {  	_ =	shalt  }
0x5d: {  	_ =	shalt  }
0x5e: {  	_ =	shalt  }
0x5f: {  	_ =	shalt  }
0x60: {  	_ =	shalt  }
0x61: {  	_ =	shalt  }
0x62: {  	_ =	shalt  }
0x63: {  	_ =	shalt  }
0x64: {  	_ =	shalt  }
0x65: {  	_ =	shalt  }
0x66: {  	_ =	shalt  }
0x67: {  	_ =	shalt  }
0x68: {  	_ =	shalt  }
0x69: {  	_ =	shalt  }
0x6a: {  	_ =	shalt  }
0x6b: {  	_ =	shalt  }
0x6c: {  	_ =	shalt  }
0x6d: {  	_ =	shalt  }
0x6e: {  	_ =	shalt  }
0x6f: {  	_ =	shalt  }
0x70: {  	_ =	shalt  }
0x71: {  	_ =	shalt  }
0x72: {  	_ =	shalt  }
0x73: {  	_ =	shalt  }
0x74: {  	_ =	shalt  }
0x75: {  	_ =	shalt  }
0x76: {  	_ =	shalt  }
0x77: {  	_ =	shalt  }
0x78: {  	_ =	shalt  }
0x79: {  	_ =	shalt  }
0x7a: {  	_ =	shalt  }
0x7b: {  	_ =	shalt  }
0x7c: {  	_ =	shalt  }
0x7d: {  	_ =	shalt  }
0x7e: {  	_ =	shalt  }
0x7f: {  	_ =	shalt  }
0x80: {  	_ =	shalt  }
0x81: {  	_ =	shalt  }
0x82: {  	_ =	shalt  }
0x83: {  	_ =	shalt  }
0x84: {  	_ =	shalt  }
0x85: {  	_ =	shalt  }
0x86: {  	_ =	shalt  }
0x87: {  	_ =	shalt  }
.Lfunc_end0:
.L_simem_size_0:
called_computation.1_lowered:
.L_overlay_start_0:
0x88: {  	s2 =	sld [smem:$0x3FD9]  }
0x89: {  	s3 =	sld [smem:$0x3FFE];
	_ =	sdelay $0x1  }
0x8a: {  	s1 =	srdreg.scid  }
0x8b: {  	s0 =	sand.u32 $0x1, s1  }
0x8c: {  	s17 =	sshll.u32 s0, $0xA;
	s2 =	sadd.s32 s3, s2  }
0x8d: {  	s2 =	sadd.s32 s2, s17  }
0x8e: {  	[smem:$0x3FBE] =	sst s2  }
0x8f: {  	_ = 	snop  }
0x90: {  	s2 =	sld [smem:$0x3FC9];
	(tm) =	ssettm $0x1  }
0x91: {  	s18 =	sld [smem:$0x3FFB];
	_ =	sdelay $0x3  }
0x92: {  	_ =	strace s18  }
0x93: {  	s3 =	sld [smem:$0x3FFC];
	_ =	sdelay $0x3  }
0x94: {  	_ =	strace s3  }
0x95: {  	s3 =	sld [smem:$0x3FFD];
	_ =	sdelay $0x3  }
0x96: {  	_ =	strace s3  }
0x97: {  	_ =	strace $0x8FFFFFFF  }
0x98: {  	s19 =	sld [smem:$0x3FDB];
	_ =	sdelay $0x1  }
0x99: {  	s4 =	simm.s32 $_scs_section_size  }
0x9a: {  	s5 =	simm.s32 $_size__tile_overlayer_lowered;
	s6 =	simm.s32 $_tile_overlayer_lowered  }
0x9b: {  	s22 =	simm.s32 $0x1BFF;
	s21 =	sshll.u32 s6, $0x1;
	s3 =	sadd.s32 s4, s19  }
0x9c: {  	s7 =	simm.s32 $0x0;
	s20 =	sshll.u32 s5, $0x1;
	s5 =	sadd.s32 s21, s3  }
0x9d: {  	[timem:s7], [sflag:s22] =	dma.local [hbm:s5], s20  }
0x9e: {  	_ =	swait.ge [sflag:s22], s20  }
0x9f: {  	s4 =	ssub.s32 $0x0, s20;
	[sflag:s22] =	ssyncset.done $0x0  }
0xa0: {  	[sflag:s22] =	ssyncadd.s32 s4;
	_ =	sdelay $0x1  }
0xa1: {  	s23 =	simm.s32 $0x1B8B  }
0xa2: {  	_ =	swait.ge [sflag:s23], $0x1  }
0xa3: {  	[sflag:s23] =	ssyncset.done $0x0  }
0xa4: {  	s25 =	simm.s32 $0x1B8E;
	s24 =	sld [smem:$0x3FFE];
	[sflag:s23] =	ssyncadd.s32 $0xFFFFFFFF  }
0xa5: {  	s26 =	simm.s32 $execute0_lowered;
	[smem:$0x3FD2] =	sst s25  }
0xa6: {  	s5 =	sshll.u32 s26, $0x1;
	_ =	strace $0x80000046;
	[dreg:$0x1] =	wrdreg $0xFFFFFFFF  }
0xa7: {  	s28 =	simm.s32 $_size_execute0_lowered;
	s3 =	sadd.s32 s3, s5;
	[dreg:$0x0] =	wrdreg $0x0  }
0xa8: {  	s5 =	sshll.u32 s28, $0x1;
	[dreg:$0x2] =	wrdreg s3  }
0xa9: {  	[dreg:$0x3] =	wrdreg s5  }
0xaa: {  	[dreg:$0x4] =	wrdreg $0xC0  }
0xab: {  	_ =	task [dreg:s7], $0x5FFFF  }
0xac: {  	[dreg:$0x1] =	wrdreg $0xFFFFFFFF  }
0xad: {  	[dreg:$0x0] =	wrdreg $0x60  }
0xae: {  	[dreg:$0x2] =	wrdreg s2  }
0xaf: {  	[dreg:$0x3] =	wrdreg s24  }
0xb0: {  	[dreg:$0x4] =	wrdreg $0xA8000  }
0xb1: {  	[dreg:$0x5] =	wrdreg $0xA  }
0xb2: {  	_ =	task.clear_ibuf [dreg:s7], $0x6FFFF;
	_ =	strace $0x90000046  }
0xb3: {  	s29 =	simm.s32 $0xA;
	_ =	strace $0x80000048  }
0xb4: {  	_ =	swait.ge [sflag:s29], $0x1  }
0xb5: {  	[sflag:s29] =	ssyncadd.s32 $0xFFFFFFFF  }
0xb6: {  	_ =	strace $0x90000048  }
0xb7: {  	_ =	sfence  }
0xb8: {  	s30 =	sld [smem:$0x0];
	_ =	sdelay $0x2  }
0xb9: {  	s31 =	sshll.u32 s1, $0xD;
	s1 =	sshrl.u32 s1, $0x2  }
0xba: {  	s3 =	sand.u32 $0x4000, s31;
	s1 =	sadd.s32 s1, s30  }
0xbb: {  	s0 =	sor.u32 s3, s0;
	s1 =	sshll.u32 s1, $0x11  }
0xbc: {  	s0 =	sor.u32 s1, s0  }
0xbd: {  	s0 =	sadd.s32 $0x8F2B, s0  }
0xbe: {  	[sflag:s0] =	ssyncadd.remote.s32 $0x1  }
0xbf: {  	_ =	sfence.sel $0xFFFF  }
0xc0: {  	[dreg:$0x0] =	wrdreg $0xFFFFFFFF;
	(pc) =	sbr.abs _section_cstart, $3  }
0xc1: {  	[dreg:$0x1] =	wrdreg $0xFFFFFFFF  }
0xc2: {  	_ =	task.clear_ibuf [dreg:s7], $0x2FFFF;
	_ =	strace $0x9FFFFFFF  }
0xc3: {  	(tm) =	ssettm $0x7FFFFFFF  }
tec
execute0_lowered:
.L_overlay_start_1:
0x0: {  	(tag) =	ssettag $0x1  }
0x1: {  	s1 =	rddreg [dreg:$0x0]  }
0x2: {  	s0 =	rddreg [dreg:$0x1]  }
0x3: {  	s2 =	rddreg [dreg:$0x2];
	s4 =	srdreg.scid;
	s3 =	simm.s32 $0x0  }
0x4: {  	s11 =	stileid.u32;
	s29 =	simm.s32 $0x2;
	s28 =	simm.s32 $0x1280  }
0x5: {  	s30 =	simm.s32 $0x2600;
	s31 =	simm.s32 $0x1300;
	s9 =	smul.u32 $0x270, s11  }
0x6: {  	s4 =	sand.u32 $0x1, s4;
	[smem:$0x7FF] =	sst s3;
	s10 =	smul.u32 $0x4E000, s11  }
0x7: {  	s5 =	sadd.s32 $0xC400, s0;
	s6 =	sadd.s32 $0x2400, s0;
	s24 =	smul.u32 $0x2700, s11  }
0x8: {  	s14 =	sadd.s32 $0x138000, s2;
	p0 =	sne.s32 s11, $0xF;
	s7 =	smul.u32 $0x27100, s4  }
0x9: {  	_ =	strace $0x80000047;
	s13 =	ssub.s32 $0x2, s4;
	s4 =	sshll.u32 s4, $0x4  }
0xa: {  	[dreg:$0x4] =	wrdreg s14;
	s14 =	simm.s32 $0x80;
	s8 =	sshrl.u32 s13, $0x1  }
0xb: {  	s4 =	sor.u32 s11, s4;
	s16 =	sshrl.u32 s10, $0x2;
	s17 =	sadd.s32 $0xD0, s9  }
0xc: {  	s19 =	sadd.s32 $0x1A0, s9;
	s9 =	simm.s32 $0x1100;
	s11 =	simm.s32 $0x1200  }
0xd: {  	s0 =	sadd.s32 s7, s0;
	s7 =	ssub.s32 s13, s8;
	s8 =	smul.u32 $0x50, s4  }
0xe: {  	s10 =	sadd.s32 s16, s2;
	s18 =	sshll.u32 s17, $0x7;
	s21 =	sshll.u32 s19, $0x7  }
0xf: {  	s4 =	sshll.u32 s17, $0x4;
	s17 =	simm.s32 $0x2800;
	s13 =	simm.s32 $0x1180  }
0x10: {  	s16 =	simm.s32 $0x2700;
	s15 =	smax.u32 s7, $0x1;
	[dreg:$0x7] =	wrdreg s10  }
0x11: {  	s12 =	sadd.s32 $0x16400, s0;
	s20 =	sadd.s32 $0x3400, s10;
	[dreg:$0x6] =	wrdreg s15  }
0x12: {  	s0 =	sadd.s32 s18, s2;
	s22 =	sadd.s32 $0x9C00, s10;
	[dreg:$0x8] =	wrdreg s20  }
0x13: {  	s23 =	sadd.s32 $0x10400, s10;
	s7 =	sshll.u32 s19, $0x4;
	[dreg:$0x9] =	wrdreg s0  }
0x14: {  	s18 =	simm.s32 $0x3;
	s19 =	simm.s32 $0x1400;
	[dreg:$0xa] =	wrdreg s22  }
0x15: {  	s0 =	sadd.s32 s21, s2;
	[dreg:$0xc] =	wrdreg s23;
	s20 =	simm.s32 $0x7D  }
0x16: {  	s22 =	simm.s32 $0x6800;
	s25 =	sadd.s32 s4, s12;
	[dreg:$0x5] =	wrdreg s12  }
0x17: {  	s26 =	sadd.s32 s7, s12;
	s7 =	simm.s32 $0x2480;
	s15 =	simm.s32 $0x2500  }
0x18: {  	s21 =	simm.s32 $0x2580;
	s4 =	simm.s32 $0x1380;
	[dreg:$0xb] =	wrdreg s0  }
0x19: {  	s23 =	simm.s32 $0x2780;
	s0 =	sadd.s32 s24, s12;
	[dreg:$0xe] =	wrdreg s25  }
0x1a: {  	[dreg:$0xf] =	wrdreg s26;
	s26 =	simm.s32 $0x1;
	s24 =	simm.s32 $0x1080  }
0x1b: {  	v0 =	vimm.f32 $0.0e+00;
	s25 =	simm.s32 $0x2400;
	[dreg:$0xd] =	wrdreg s0;
	s0 =	simm.s32 $0x0  }
.LBB2_1:
0x1c: {  	[dreg:$0x10] =	wrdreg s0;
	s10 =	simm.s32 $0x70;
	s12 =	simm.s32 $0x3C0  }
.LBB2_2:
0x1d: {  	p1 =	sne.s32 s12, $0xF9C0;
	[tilespmem:s10+$0x2800] =	vst v0  }
0x1e: {  	[tilespmem:s10+$0x2790] =	vst v0  }
0x1f: {  	[tilespmem:s10+$0x27A0] =	vst v0  }
.Ltmp0:
0x20: {  	[tilespmem:s10+$0x27B0] =	vst v0;
	(pc) =	sbr.rel @p1 .LBB2_2-.Ltmp0, $4  }
0x21: {  	[tilespmem:s10+$0x27C0] =	vst v0  }
0x22: {  	[tilespmem:s10+$0x27D0] =	vst v0  }
0x23: {  	[tilespmem:s10+$0x27E0] =	vst v0  }
0x24: {  	[tilespmem:s10+$0x27F0] =	vst v0;
	s10 =	sshra.s32 s12, $0x2;
	s12 =	sadd.s32 $0x200, s12  }
0x25: {  	[tilespmem:s10+$0x2800] =	vst v0  }
0x26: {  	[tilespmem:s10+$0x2790] =	vst v0  }
0x27: {  	[tilespmem:s10+$0x27A0] =	vst v0  }
0x28: {  	[tilespmem:s10+$0x27B0] =	vst v0  }
0x29: {  	[tilespmem:s10+$0x27C0] =	vst v0  }
0x2a: {  	[tilespmem:s10+$0x27D0] =	vst v0  }
0x2b: {  	[tilespmem:s10+$0x27E0] =	vst v0  }
0x2c: {  	[tilespmem:s10+$0x27F0] =	vst v0;
	s0 =	rddreg [dreg:$0x7]  }
0x2d: {  	[spmem:s0] =	stream.linear.scatter [tilespmem:s17], [sflag:$0x3], $0x3400, $0x38;
	[tilespmem:$0x1E080] =	vst v63  }
0x2e: {  	_ =	swait.ge [sflag:s18], $0x3400  }
0x2f: {  	[sflag:s18] =	ssyncset.done $0x0  }
0x30: {  	s12 =	rddreg [dreg:$0x8];
	[sflag:s18] =	ssyncadd.s32 $0xFFFFCC00  }
0x31: {  	[spmem:s12] =	stream.linear.scatter [tilespmem:s17], [sflag:$0x3], $0x3400, $0x38;
	[tilespmem:$0x1E080] =	vst v63  }
0x32: {  	_ =	swait.ge [sflag:s18], $0x3400  }
0x33: {  	[sflag:s18] =	ssyncset.done $0x0  }
0x34: {  	s0 =	rddreg [dreg:$0x9];
	[sflag:s18] =	ssyncadd.s32 $0xFFFFCC00  }
0x35: {  	[spmem:s0] =	stream.linear.scatter [tilespmem:s17], [sflag:$0x3], $0x3400, $0x38;
	[tilespmem:$0x1E080] =	vst v63  }
0x36: {  	_ =	swait.ge [sflag:s18], $0x3400  }
0x37: {  	[sflag:s18] =	ssyncset.done $0x0  }
0x38: {  	s12 =	rddreg [dreg:$0xa];
	[sflag:s18] =	ssyncadd.s32 $0xFFFFCC00  }
0x39: {  	[spmem:s12] =	stream.linear.scatter [tilespmem:s17], [sflag:$0x3], $0x3400, $0x38;
	[tilespmem:$0x1E080] =	vst v63  }
0x3a: {  	_ =	swait.ge [sflag:s18], $0x3400  }
0x3b: {  	[sflag:s18] =	ssyncset.done $0x0  }
0x3c: {  	s0 =	rddreg [dreg:$0xb];
	[sflag:s18] =	ssyncadd.s32 $0xFFFFCC00  }
0x3d: {  	[spmem:s0] =	stream.linear.scatter [tilespmem:s17], [sflag:$0x3], $0x3400, $0x38;
	[tilespmem:$0x1E080] =	vst v63  }
0x3e: {  	_ =	swait.ge [sflag:s18], $0x3400  }
0x3f: {  	[sflag:s18] =	ssyncset.done $0x0  }
0x40: {  	s12 =	rddreg [dreg:$0xc];
	[sflag:s18] =	ssyncadd.s32 $0xFFFFCC00  }
0x41: {  	[spmem:s12] =	stream.linear.scatter [tilespmem:s17], [sflag:$0x3], $0x3400, $0x38;
	[tilespmem:$0x1E080] =	vst v63  }
0x42: {  	_ =	swait.ge [sflag:s18], $0x3400  }
0x43: {  	[sflag:s18] =	ssyncset.done $0x0  }
0x44: {  	s10 =	simm.s32 @!p0 $0x2800;
	s12 =	rddreg [dreg:$0x4];
	[sflag:s18] =	ssyncadd.s32 $0xFFFFCC00  }
0x45: {  	[spmem:s12] =	stream.linear.scatter @!p0 [tilespmem:s10], [sflag:$0x3], $0x800, $0x38;
	[tilespmem:$0x1E080] =	vst v63  }
0x46: {  	s10 =	simm.s32 @!p0 $0x3  }
0x47: {  	_ =	swait.ge @!p0 [sflag:s10], $0x800  }
0x48: {  	[sflag:s10] =	ssyncset.done @!p0 $0x0  }
0x49: {  	p1 =	por $0x1, $0x1;
	[sflag:s10] =	ssyncadd.s32 @!p0 $0xFFFFF800  }
0x4a: {  	s0 =	simm.s32 $0x2680;
	s10 =	simm.s32 $0x0;
	[bflag:$0x0] =	sbarrier.arrive $0xFFFF  }
.LBB2_4:
0x4b: {  	s10 =	sadd.s32 s8, s10  }
0x4c: {  	s10 =	sshll.u32 s10, $0x4  }
0x4d: {  	s12 =	sadd.s32 s5, s10  }
0x4e: {  	[tilespmem:s3], [sflag:$0x3] =	stream.linear.gather [hbm4b:s12+s3], $0x1400, $0x38;
	[tilespmem:$0x1E080] =	vst v63  }
0x4f: {  	_ =	swait.ge [sflag:s18], $0x1400  }
0x50: {  	[sflag:s18] =	ssyncset.done $0x0  }
0x51: {  	s10 =	sadd.s32 s6, s10;
	[sflag:s18] =	ssyncadd.s32 $0xFFFFEC00  }
0x52: {  	[tilespmem:s19], [sflag:$0x3] =	stream.linear.gather [hbm4b:s10+s3], $0x1400, $0x38;
	[tilespmem:$0x1E080] =	vst v63  }
0x53: {  	_ =	swait.ge [sflag:s18], $0x1400  }
0x54: {  	[sflag:s18] =	ssyncset.done $0x0  }
0x55: {  	[sflag:s18] =	ssyncadd.s32 $0xFFFFEC00  }
0x56: {  	[tilespmem:s17], [sflag:$0x1] =	stream.indirect.gather [hbm4b:s1+s20], $0x80, s3, s20, $0xb8;
	[tilespmem:$0x1E080] =	vst v63  }
0x57: {  	_ = 	snop  }
0x58: {  	[tilespmem:s22], [sflag:$0x2] =	stream.indirect.gather [hbm4b:s1+s20], $0x80, s14, s20, $0xb8;
	[tilespmem:$0x1E080] =	vst v63  }
0x59: {  	_ =	swait.ge [sflag:s26], $0x3E80  }
0x5a: {  	[sflag:s26] =	ssyncset.done $0x0  }
0x5b: {  	[sflag:s26] =	ssyncadd.s32 $0xFFFFC180  }
0x5c: {  	[spmem:s2] =	stream.indirect.scatter.add.f32 [tilespmem:s17], [sflag:$0x3], $0x80, s19, s20, $0xb8;
	[tilespmem:$0x1E080] =	vst v63  }
0x5d: {  	_ =	swait.ge [sflag:s18], $0x3E80  }
0x5e: {  	[sflag:s18] =	ssyncset.done $0x0  }
0x5f: {  	s12 =	simm.s32 $0x100;
	[sflag:s18] =	ssyncadd.s32 $0xFFFFC180  }
0x60: {  	[tilespmem:s17], [sflag:$0x1] =	stream.indirect.gather [hbm4b:s1+s20], $0x80, s12, s20, $0xb8;
	[tilespmem:$0x1E080] =	vst v63  }
0x61: {  	_ =	swait.ge [sflag:s29], $0x3E80  }
0x62: {  	[sflag:s29] =	ssyncset.done $0x0  }
0x63: {  	s12 =	simm.s32 $0x1480;
	[sflag:s29] =	ssyncadd.s32 $0xFFFFC180  }
0x64: {  	[spmem:s2] =	stream.indirect.scatter.add.f32 [tilespmem:s22], [sflag:$0x3], $0x80, s12, s20, $0xb8;
	[tilespmem:$0x1E080] =	vst v63  }
0x65: {  	_ =	swait.ge [sflag:s18], $0x3E80  }
0x66: {  	[sflag:s18] =	ssyncset.done $0x0  }
0x67: {  	s12 =	simm.s32 $0x180;
	[sflag:s18] =	ssyncadd.s32 $0xFFFFC180  }
0x68: {  	[tilespmem:s22], [sflag:$0x2] =	stream.indirect.gather [hbm4b:s1+s20], $0x80, s12, s20, $0xb8;
	[tilespmem:$0x1E080] =	vst v63  }
0x69: {  	_ =	swait.ge [sflag:s26], $0x3E80  }
0x6a: {  	[sflag:s26] =	ssyncset.done $0x0  }
0x6b: {  	s12 =	simm.s32 $0x1500;
	[sflag:s26] =	ssyncadd.s32 $0xFFFFC180  }
0x6c: {  	[spmem:s2] =	stream.indirect.scatter.add.f32 [tilespmem:s17], [sflag:$0x3], $0x80, s12, s20, $0xb8;
	[tilespmem:$0x1E080] =	vst v63  }
0x6d: {  	_ =	swait.ge [sflag:s18], $0x3E80  }
0x6e: {  	[sflag:s18] =	ssyncset.done $0x0  }
0x6f: {  	s12 =	simm.s32 $0x200;
	[sflag:s18] =	ssyncadd.s32 $0xFFFFC180  }
0x70: {  	[tilespmem:s17], [sflag:$0x1] =	stream.indirect.gather [hbm4b:s1+s20], $0x80, s12, s20, $0xb8;
	[tilespmem:$0x1E080] =	vst v63  }
0x71: {  	_ =	swait.ge [sflag:s29], $0x3E80  }
0x72: {  	[sflag:s29] =	ssyncset.done $0x0  }
0x73: {  	s12 =	simm.s32 $0x1580;
	[sflag:s29] =	ssyncadd.s32 $0xFFFFC180  }
0x74: {  	[spmem:s2] =	stream.indirect.scatter.add.f32 [tilespmem:s22], [sflag:$0x3], $0x80, s12, s20, $0xb8;
	[tilespmem:$0x1E080] =	vst v63  }
0x75: {  	_ =	swait.ge [sflag:s18], $0x3E80  }
0x76: {  	[sflag:s18] =	ssyncset.done $0x0  }
0x77: {  	s12 =	simm.s32 $0x280;
	[sflag:s18] =	ssyncadd.s32 $0xFFFFC180  }
0x78: {  	[tilespmem:s22], [sflag:$0x2] =	stream.indirect.gather [hbm4b:s1+s20], $0x80, s12, s20, $0xb8;
	[tilespmem:$0x1E080] =	vst v63  }
0x79: {  	_ =	swait.ge [sflag:s26], $0x3E80  }
0x7a: {  	[sflag:s26] =	ssyncset.done $0x0  }
0x7b: {  	s12 =	simm.s32 $0x1600;
	[sflag:s26] =	ssyncadd.s32 $0xFFFFC180  }
0x7c: {  	[spmem:s2] =	stream.indirect.scatter.add.f32 [tilespmem:s17], [sflag:$0x3], $0x80, s12, s20, $0xb8;
	[tilespmem:$0x1E080] =	vst v63  }
0x7d: {  	_ =	swait.ge [sflag:s18], $0x3E80  }
0x7e: {  	[sflag:s18] =	ssyncset.done $0x0  }
0x7f: {  	s12 =	simm.s32 $0x300;
	[sflag:s18] =	ssyncadd.s32 $0xFFFFC180  }
0x80: {  	[tilespmem:s17], [sflag:$0x1] =	stream.indirect.gather [hbm4b:s1+s20], $0x80, s12, s20, $0xb8;
	[tilespmem:$0x1E080] =	vst v63  }
0x81: {  	_ =	swait.ge [sflag:s29], $0x3E80  }
0x82: {  	[sflag:s29] =	ssyncset.done $0x0  }
0x83: {  	s12 =	simm.s32 $0x1680;
	[sflag:s29] =	ssyncadd.s32 $0xFFFFC180  }
0x84: {  	[spmem:s2] =	stream.indirect.scatter.add.f32 [tilespmem:s22], [sflag:$0x3], $0x80, s12, s20, $0xb8;
	[tilespmem:$0x1E080] =	vst v63  }
0x85: {  	_ =	swait.ge [sflag:s18], $0x3E80  }
0x86: {  	[sflag:s18] =	ssyncset.done $0x0  }
0x87: {  	s12 =	simm.s32 $0x380;
	[sflag:s18] =	ssyncadd.s32 $0xFFFFC180  }
0x88: {  	[tilespmem:s22], [sflag:$0x2] =	stream.indirect.gather [hbm4b:s1+s20], $0x80, s12, s20, $0xb8;
	[tilespmem:$0x1E080] =	vst v63  }
0x89: {  	_ =	swait.ge [sflag:s26], $0x3E80  }
0x8a: {  	[sflag:s26] =	ssyncset.done $0x0  }
0x8b: {  	s12 =	simm.s32 $0x1700;
	[sflag:s26] =	ssyncadd.s32 $0xFFFFC180  }
0x8c: {  	[spmem:s2] =	stream.indirect.scatter.add.f32 [tilespmem:s17], [sflag:$0x3], $0x80, s12, s20, $0xb8;
	[tilespmem:$0x1E080] =	vst v63  }
0x8d: {  	_ =	swait.ge [sflag:s18], $0x3E80  }
0x8e: {  	[sflag:s18] =	ssyncset.done $0x0  }
0x8f: {  	s12 =	simm.s32 $0x400;
	[sflag:s18] =	ssyncadd.s32 $0xFFFFC180  }
0x90: {  	[tilespmem:s17], [sflag:$0x1] =	stream.indirect.gather [hbm4b:s1+s20], $0x80, s12, s20, $0xb8;
	[tilespmem:$0x1E080] =	vst v63  }
0x91: {  	_ =	swait.ge [sflag:s29], $0x3E80  }
0x92: {  	[sflag:s29] =	ssyncset.done $0x0  }
0x93: {  	s12 =	simm.s32 $0x1780;
	[sflag:s29] =	ssyncadd.s32 $0xFFFFC180  }
0x94: {  	[spmem:s2] =	stream.indirect.scatter.add.f32 [tilespmem:s22], [sflag:$0x3], $0x80, s12, s20, $0xb8;
	[tilespmem:$0x1E080] =	vst v63  }
0x95: {  	_ =	swait.ge [sflag:s18], $0x3E80  }
0x96: {  	[sflag:s18] =	ssyncset.done $0x0  }
0x97: {  	s12 =	simm.s32 $0x480;
	[sflag:s18] =	ssyncadd.s32 $0xFFFFC180  }
0x98: {  	[tilespmem:s22], [sflag:$0x2] =	stream.indirect.gather [hbm4b:s1+s20], $0x80, s12, s20, $0xb8;
	[tilespmem:$0x1E080] =	vst v63  }
0x99: {  	_ =	swait.ge [sflag:s26], $0x3E80  }
0x9a: {  	[sflag:s26] =	ssyncset.done $0x0  }
0x9b: {  	s12 =	simm.s32 $0x1800;
	[sflag:s26] =	ssyncadd.s32 $0xFFFFC180  }
0x9c: {  	[spmem:s2] =	stream.indirect.scatter.add.f32 [tilespmem:s17], [sflag:$0x3], $0x80, s12, s20, $0xb8;
	[tilespmem:$0x1E080] =	vst v63  }
0x9d: {  	_ =	swait.ge [sflag:s18], $0x3E80  }
0x9e: {  	[sflag:s18] =	ssyncset.done $0x0  }
0x9f: {  	s12 =	simm.s32 $0x500;
	[sflag:s18] =	ssyncadd.s32 $0xFFFFC180  }
0xa0: {  	[tilespmem:s17], [sflag:$0x1] =	stream.indirect.gather [hbm4b:s1+s20], $0x80, s12, s20, $0xb8;
	[tilespmem:$0x1E080] =	vst v63  }
0xa1: {  	_ =	swait.ge [sflag:s29], $0x3E80  }
0xa2: {  	[sflag:s29] =	ssyncset.done $0x0  }
0xa3: {  	s12 =	simm.s32 $0x1880;
	[sflag:s29] =	ssyncadd.s32 $0xFFFFC180  }
0xa4: {  	[spmem:s2] =	stream.indirect.scatter.add.f32 [tilespmem:s22], [sflag:$0x3], $0x80, s12, s20, $0xb8;
	[tilespmem:$0x1E080] =	vst v63  }
0xa5: {  	_ =	swait.ge [sflag:s18], $0x3E80  }
0xa6: {  	[sflag:s18] =	ssyncset.done $0x0  }
0xa7: {  	s12 =	simm.s32 $0x580;
	[sflag:s18] =	ssyncadd.s32 $0xFFFFC180  }
0xa8: {  	[tilespmem:s22], [sflag:$0x2] =	stream.indirect.gather [hbm4b:s1+s20], $0x80, s12, s20, $0xb8;
	[tilespmem:$0x1E080] =	vst v63  }
0xa9: {  	_ =	swait.ge [sflag:s26], $0x3E80  }
0xaa: {  	[sflag:s26] =	ssyncset.done $0x0  }
0xab: {  	s12 =	simm.s32 $0x1900;
	[sflag:s26] =	ssyncadd.s32 $0xFFFFC180  }
0xac: {  	[spmem:s2] =	stream.indirect.scatter.add.f32 [tilespmem:s17], [sflag:$0x3], $0x80, s12, s20, $0xb8;
	[tilespmem:$0x1E080] =	vst v63  }
0xad: {  	_ =	swait.ge [sflag:s18], $0x3E80  }
0xae: {  	[sflag:s18] =	ssyncset.done $0x0  }
0xaf: {  	s12 =	simm.s32 $0x600;
	[sflag:s18] =	ssyncadd.s32 $0xFFFFC180  }
0xb0: {  	[tilespmem:s17], [sflag:$0x1] =	stream.indirect.gather [hbm4b:s1+s20], $0x80, s12, s20, $0xb8;
	[tilespmem:$0x1E080] =	vst v63  }
0xb1: {  	_ =	swait.ge [sflag:s29], $0x3E80  }
0xb2: {  	[sflag:s29] =	ssyncset.done $0x0  }
0xb3: {  	s12 =	simm.s32 $0x1980;
	[sflag:s29] =	ssyncadd.s32 $0xFFFFC180  }
0xb4: {  	[spmem:s2] =	stream.indirect.scatter.add.f32 [tilespmem:s22], [sflag:$0x3], $0x80, s12, s20, $0xb8;
	[tilespmem:$0x1E080] =	vst v63  }
0xb5: {  	_ =	swait.ge [sflag:s18], $0x3E80  }
0xb6: {  	[sflag:s18] =	ssyncset.done $0x0  }
0xb7: {  	s12 =	simm.s32 $0x680;
	[sflag:s18] =	ssyncadd.s32 $0xFFFFC180  }
0xb8: {  	[tilespmem:s22], [sflag:$0x2] =	stream.indirect.gather [hbm4b:s1+s20], $0x80, s12, s20, $0xb8;
	[tilespmem:$0x1E080] =	vst v63  }
0xb9: {  	_ =	swait.ge [sflag:s26], $0x3E80  }
0xba: {  	[sflag:s26] =	ssyncset.done $0x0  }
0xbb: {  	s12 =	simm.s32 $0x1A00;
	[sflag:s26] =	ssyncadd.s32 $0xFFFFC180  }
0xbc: {  	[spmem:s2] =	stream.indirect.scatter.add.f32 [tilespmem:s17], [sflag:$0x3], $0x80, s12, s20, $0xb8;
	[tilespmem:$0x1E080] =	vst v63  }
0xbd: {  	_ =	swait.ge [sflag:s18], $0x3E80  }
0xbe: {  	[sflag:s18] =	ssyncset.done $0x0  }
0xbf: {  	s12 =	simm.s32 $0x700;
	[sflag:s18] =	ssyncadd.s32 $0xFFFFC180  }
0xc0: {  	[tilespmem:s17], [sflag:$0x1] =	stream.indirect.gather [hbm4b:s1+s20], $0x80, s12, s20, $0xb8;
	[tilespmem:$0x1E080] =	vst v63  }
0xc1: {  	_ =	swait.ge [sflag:s29], $0x3E80  }
0xc2: {  	[sflag:s29] =	ssyncset.done $0x0  }
0xc3: {  	s12 =	simm.s32 $0x1A80;
	[sflag:s29] =	ssyncadd.s32 $0xFFFFC180  }
0xc4: {  	[spmem:s2] =	stream.indirect.scatter.add.f32 [tilespmem:s22], [sflag:$0x3], $0x80, s12, s20, $0xb8;
	[tilespmem:$0x1E080] =	vst v63  }
0xc5: {  	_ =	swait.ge [sflag:s18], $0x3E80  }
0xc6: {  	[sflag:s18] =	ssyncset.done $0x0  }
0xc7: {  	s12 =	simm.s32 $0x780;
	[sflag:s18] =	ssyncadd.s32 $0xFFFFC180  }
0xc8: {  	[tilespmem:s22], [sflag:$0x2] =	stream.indirect.gather [hbm4b:s1+s20], $0x80, s12, s20, $0xb8;
	[tilespmem:$0x1E080] =	vst v63  }
0xc9: {  	_ =	swait.ge [sflag:s26], $0x3E80  }
0xca: {  	[sflag:s26] =	ssyncset.done $0x0  }
0xcb: {  	s12 =	simm.s32 $0x1B00;
	[sflag:s26] =	ssyncadd.s32 $0xFFFFC180  }
0xcc: {  	[spmem:s2] =	stream.indirect.scatter.add.f32 [tilespmem:s17], [sflag:$0x3], $0x80, s12, s20, $0xb8;
	[tilespmem:$0x1E080] =	vst v63  }
0xcd: {  	_ =	swait.ge [sflag:s18], $0x3E80  }
0xce: {  	[sflag:s18] =	ssyncset.done $0x0  }
0xcf: {  	s12 =	simm.s32 $0x800;
	[sflag:s18] =	ssyncadd.s32 $0xFFFFC180  }
0xd0: {  	[tilespmem:s17], [sflag:$0x1] =	stream.indirect.gather [hbm4b:s1+s20], $0x80, s12, s20, $0xb8;
	[tilespmem:$0x1E080] =	vst v63  }
0xd1: {  	_ =	swait.ge [sflag:s29], $0x3E80  }
0xd2: {  	[sflag:s29] =	ssyncset.done $0x0  }
0xd3: {  	s12 =	simm.s32 $0x1B80;
	[sflag:s29] =	ssyncadd.s32 $0xFFFFC180  }
0xd4: {  	[spmem:s2] =	stream.indirect.scatter.add.f32 [tilespmem:s22], [sflag:$0x3], $0x80, s12, s20, $0xb8;
	[tilespmem:$0x1E080] =	vst v63  }
0xd5: {  	_ =	swait.ge [sflag:s18], $0x3E80  }
0xd6: {  	[sflag:s18] =	ssyncset.done $0x0  }
0xd7: {  	s12 =	simm.s32 $0x880;
	[sflag:s18] =	ssyncadd.s32 $0xFFFFC180  }
0xd8: {  	[tilespmem:s22], [sflag:$0x2] =	stream.indirect.gather [hbm4b:s1+s20], $0x80, s12, s20, $0xb8;
	[tilespmem:$0x1E080] =	vst v63  }
0xd9: {  	_ =	swait.ge [sflag:s26], $0x3E80  }
0xda: {  	[sflag:s26] =	ssyncset.done $0x0  }
0xdb: {  	s12 =	simm.s32 $0x1C00;
	[sflag:s26] =	ssyncadd.s32 $0xFFFFC180  }
0xdc: {  	[spmem:s2] =	stream.indirect.scatter.add.f32 [tilespmem:s17], [sflag:$0x3], $0x80, s12, s20, $0xb8;
	[tilespmem:$0x1E080] =	vst v63  }
0xdd: {  	_ =	swait.ge [sflag:s18], $0x3E80  }
0xde: {  	[sflag:s18] =	ssyncset.done $0x0  }
0xdf: {  	s12 =	simm.s32 $0x900;
	[sflag:s18] =	ssyncadd.s32 $0xFFFFC180  }
0xe0: {  	[tilespmem:s17], [sflag:$0x1] =	stream.indirect.gather [hbm4b:s1+s20], $0x80, s12, s20, $0xb8;
	[tilespmem:$0x1E080] =	vst v63  }
0xe1: {  	_ =	swait.ge [sflag:s29], $0x3E80  }
0xe2: {  	[sflag:s29] =	ssyncset.done $0x0  }
0xe3: {  	s12 =	simm.s32 $0x1C80;
	[sflag:s29] =	ssyncadd.s32 $0xFFFFC180  }
0xe4: {  	[spmem:s2] =	stream.indirect.scatter.add.f32 [tilespmem:s22], [sflag:$0x3], $0x80, s12, s20, $0xb8;
	[tilespmem:$0x1E080] =	vst v63  }
0xe5: {  	_ =	swait.ge [sflag:s18], $0x3E80  }
0xe6: {  	[sflag:s18] =	ssyncset.done $0x0  }
0xe7: {  	s12 =	simm.s32 $0x980;
	[sflag:s18] =	ssyncadd.s32 $0xFFFFC180  }
0xe8: {  	[tilespmem:s22], [sflag:$0x2] =	stream.indirect.gather [hbm4b:s1+s20], $0x80, s12, s20, $0xb8;
	[tilespmem:$0x1E080] =	vst v63  }
0xe9: {  	_ =	swait.ge [sflag:s26], $0x3E80  }
0xea: {  	[sflag:s26] =	ssyncset.done $0x0  }
0xeb: {  	s12 =	simm.s32 $0x1D00;
	[sflag:s26] =	ssyncadd.s32 $0xFFFFC180  }
0xec: {  	[spmem:s2] =	stream.indirect.scatter.add.f32 [tilespmem:s17], [sflag:$0x3], $0x80, s12, s20, $0xb8;
	[tilespmem:$0x1E080] =	vst v63  }
0xed: {  	_ =	swait.ge [sflag:s18], $0x3E80  }
0xee: {  	[sflag:s18] =	ssyncset.done $0x0  }
0xef: {  	s12 =	simm.s32 $0xA00;
	[sflag:s18] =	ssyncadd.s32 $0xFFFFC180  }
0xf0: {  	[tilespmem:s17], [sflag:$0x1] =	stream.indirect.gather [hbm4b:s1+s20], $0x80, s12, s20, $0xb8;
	[tilespmem:$0x1E080] =	vst v63  }
0xf1: {  	_ =	swait.ge [sflag:s29], $0x3E80  }
0xf2: {  	[sflag:s29] =	ssyncset.done $0x0  }
0xf3: {  	s12 =	simm.s32 $0x1D80;
	[sflag:s29] =	ssyncadd.s32 $0xFFFFC180  }
0xf4: {  	[spmem:s2] =	stream.indirect.scatter.add.f32 [tilespmem:s22], [sflag:$0x3], $0x80, s12, s20, $0xb8;
	[tilespmem:$0x1E080] =	vst v63  }
0xf5: {  	_ =	swait.ge [sflag:s18], $0x3E80  }
0xf6: {  	[sflag:s18] =	ssyncset.done $0x0  }
0xf7: {  	s12 =	simm.s32 $0xA80;
	[sflag:s18] =	ssyncadd.s32 $0xFFFFC180  }
0xf8: {  	[tilespmem:s22], [sflag:$0x2] =	stream.indirect.gather [hbm4b:s1+s20], $0x80, s12, s20, $0xb8;
	[tilespmem:$0x1E080] =	vst v63  }
0xf9: {  	_ =	swait.ge [sflag:s26], $0x3E80  }
0xfa: {  	[sflag:s26] =	ssyncset.done $0x0  }
0xfb: {  	s12 =	simm.s32 $0x1E00;
	[sflag:s26] =	ssyncadd.s32 $0xFFFFC180  }
0xfc: {  	[spmem:s2] =	stream.indirect.scatter.add.f32 [tilespmem:s17], [sflag:$0x3], $0x80, s12, s20, $0xb8;
	[tilespmem:$0x1E080] =	vst v63  }
0xfd: {  	_ =	swait.ge [sflag:s18], $0x3E80  }
0xfe: {  	[sflag:s18] =	ssyncset.done $0x0  }
0xff: {  	s12 =	simm.s32 $0xB00;
	[sflag:s18] =	ssyncadd.s32 $0xFFFFC180  }
0x100: {  	[tilespmem:s17], [sflag:$0x1] =	stream.indirect.gather [hbm4b:s1+s20], $0x80, s12, s20, $0xb8;
	[tilespmem:$0x1E080] =	vst v63  }
0x101: {  	_ =	swait.ge [sflag:s29], $0x3E80  }
0x102: {  	[sflag:s29] =	ssyncset.done $0x0  }
0x103: {  	s12 =	simm.s32 $0x1E80;
	[sflag:s29] =	ssyncadd.s32 $0xFFFFC180  }
0x104: {  	[spmem:s2] =	stream.indirect.scatter.add.f32 [tilespmem:s22], [sflag:$0x3], $0x80, s12, s20, $0xb8;
	[tilespmem:$0x1E080] =	vst v63  }
0x105: {  	_ =	swait.ge [sflag:s18], $0x3E80  }
0x106: {  	[sflag:s18] =	ssyncset.done $0x0  }
0x107: {  	s12 =	simm.s32 $0xB80;
	[sflag:s18] =	ssyncadd.s32 $0xFFFFC180  }
0x108: {  	[tilespmem:s22], [sflag:$0x2] =	stream.indirect.gather [hbm4b:s1+s20], $0x80, s12, s20, $0xb8;
	[tilespmem:$0x1E080] =	vst v63  }
0x109: {  	_ =	swait.ge [sflag:s26], $0x3E80  }
0x10a: {  	[sflag:s26] =	ssyncset.done $0x0  }
0x10b: {  	s12 =	simm.s32 $0x1F00;
	[sflag:s26] =	ssyncadd.s32 $0xFFFFC180  }
0x10c: {  	[spmem:s2] =	stream.indirect.scatter.add.f32 [tilespmem:s17], [sflag:$0x3], $0x80, s12, s20, $0xb8;
	[tilespmem:$0x1E080] =	vst v63  }
0x10d: {  	_ =	swait.ge [sflag:s18], $0x3E80  }
0x10e: {  	[sflag:s18] =	ssyncset.done $0x0  }
0x10f: {  	s12 =	simm.s32 $0xC00;
	[sflag:s18] =	ssyncadd.s32 $0xFFFFC180  }
0x110: {  	[tilespmem:s17], [sflag:$0x1] =	stream.indirect.gather [hbm4b:s1+s20], $0x80, s12, s20, $0xb8;
	[tilespmem:$0x1E080] =	vst v63  }
0x111: {  	_ =	swait.ge [sflag:s29], $0x3E80  }
0x112: {  	[sflag:s29] =	ssyncset.done $0x0  }
0x113: {  	s12 =	simm.s32 $0x1F80;
	[sflag:s29] =	ssyncadd.s32 $0xFFFFC180  }
0x114: {  	[spmem:s2] =	stream.indirect.scatter.add.f32 [tilespmem:s22], [sflag:$0x3], $0x80, s12, s20, $0xb8;
	[tilespmem:$0x1E080] =	vst v63  }
0x115: {  	_ =	swait.ge [sflag:s18], $0x3E80  }
0x116: {  	[sflag:s18] =	ssyncset.done $0x0  }
0x117: {  	s12 =	simm.s32 $0xC80;
	[sflag:s18] =	ssyncadd.s32 $0xFFFFC180  }
0x118: {  	[tilespmem:s22], [sflag:$0x2] =	stream.indirect.gather [hbm4b:s1+s20], $0x80, s12, s20, $0xb8;
	[tilespmem:$0x1E080] =	vst v63  }
0x119: {  	_ =	swait.ge [sflag:s26], $0x3E80  }
0x11a: {  	[sflag:s26] =	ssyncset.done $0x0  }
0x11b: {  	s12 =	simm.s32 $0x2000;
	[sflag:s26] =	ssyncadd.s32 $0xFFFFC180  }
0x11c: {  	[spmem:s2] =	stream.indirect.scatter.add.f32 [tilespmem:s17], [sflag:$0x3], $0x80, s12, s20, $0xb8;
	[tilespmem:$0x1E080] =	vst v63  }
0x11d: {  	_ =	swait.ge [sflag:s18], $0x3E80  }
0x11e: {  	[sflag:s18] =	ssyncset.done $0x0  }
0x11f: {  	s12 =	simm.s32 $0xD00;
	[sflag:s18] =	ssyncadd.s32 $0xFFFFC180  }
0x120: {  	[tilespmem:s17], [sflag:$0x1] =	stream.indirect.gather [hbm4b:s1+s20], $0x80, s12, s20, $0xb8;
	[tilespmem:$0x1E080] =	vst v63  }
0x121: {  	_ =	swait.ge [sflag:s29], $0x3E80  }
0x122: {  	[sflag:s29] =	ssyncset.done $0x0  }
0x123: {  	s12 =	simm.s32 $0x2080;
	[sflag:s29] =	ssyncadd.s32 $0xFFFFC180  }
0x124: {  	[spmem:s2] =	stream.indirect.scatter.add.f32 [tilespmem:s22], [sflag:$0x3], $0x80, s12, s20, $0xb8;
	[tilespmem:$0x1E080] =	vst v63  }
0x125: {  	_ =	swait.ge [sflag:s18], $0x3E80  }
0x126: {  	[sflag:s18] =	ssyncset.done $0x0  }
0x127: {  	s12 =	simm.s32 $0xD80;
	[sflag:s18] =	ssyncadd.s32 $0xFFFFC180  }
0x128: {  	[tilespmem:s22], [sflag:$0x2] =	stream.indirect.gather [hbm4b:s1+s20], $0x80, s12, s20, $0xb8;
	[tilespmem:$0x1E080] =	vst v63  }
0x129: {  	_ =	swait.ge [sflag:s26], $0x3E80  }
0x12a: {  	[sflag:s26] =	ssyncset.done $0x0  }
0x12b: {  	s12 =	simm.s32 $0x2100;
	[sflag:s26] =	ssyncadd.s32 $0xFFFFC180  }
0x12c: {  	[spmem:s2] =	stream.indirect.scatter.add.f32 [tilespmem:s17], [sflag:$0x3], $0x80, s12, s20, $0xb8;
	[tilespmem:$0x1E080] =	vst v63  }
0x12d: {  	_ =	swait.ge [sflag:s18], $0x3E80  }
0x12e: {  	[sflag:s18] =	ssyncset.done $0x0  }
0x12f: {  	s12 =	simm.s32 $0xE00;
	[sflag:s18] =	ssyncadd.s32 $0xFFFFC180  }
0x130: {  	[tilespmem:s17], [sflag:$0x1] =	stream.indirect.gather [hbm4b:s1+s20], $0x80, s12, s20, $0xb8;
	[tilespmem:$0x1E080] =	vst v63  }
0x131: {  	_ =	swait.ge [sflag:s29], $0x3E80  }
0x132: {  	[sflag:s29] =	ssyncset.done $0x0  }
0x133: {  	s12 =	simm.s32 $0x2180;
	[sflag:s29] =	ssyncadd.s32 $0xFFFFC180  }
0x134: {  	[spmem:s2] =	stream.indirect.scatter.add.f32 [tilespmem:s22], [sflag:$0x3], $0x80, s12, s20, $0xb8;
	[tilespmem:$0x1E080] =	vst v63  }
0x135: {  	_ =	swait.ge [sflag:s18], $0x3E80  }
0x136: {  	[sflag:s18] =	ssyncset.done $0x0  }
0x137: {  	s12 =	simm.s32 $0xE80;
	[sflag:s18] =	ssyncadd.s32 $0xFFFFC180  }
0x138: {  	[tilespmem:s22], [sflag:$0x2] =	stream.indirect.gather [hbm4b:s1+s20], $0x80, s12, s20, $0xb8;
	[tilespmem:$0x1E080] =	vst v63  }
0x139: {  	_ =	swait.ge [sflag:s26], $0x3E80  }
0x13a: {  	[sflag:s26] =	ssyncset.done $0x0  }
0x13b: {  	s12 =	simm.s32 $0x2200;
	[sflag:s26] =	ssyncadd.s32 $0xFFFFC180  }
0x13c: {  	[spmem:s2] =	stream.indirect.scatter.add.f32 [tilespmem:s17], [sflag:$0x3], $0x80, s12, s20, $0xb8;
	[tilespmem:$0x1E080] =	vst v63  }
0x13d: {  	_ =	swait.ge [sflag:s18], $0x3E80  }
0x13e: {  	[sflag:s18] =	ssyncset.done $0x0  }
0x13f: {  	s12 =	simm.s32 $0xF00;
	[sflag:s18] =	ssyncadd.s32 $0xFFFFC180  }
0x140: {  	[tilespmem:s17], [sflag:$0x1] =	stream.indirect.gather [hbm4b:s1+s20], $0x80, s12, s20, $0xb8;
	[tilespmem:$0x1E080] =	vst v63  }
0x141: {  	_ =	swait.ge [sflag:s29], $0x3E80  }
0x142: {  	[sflag:s29] =	ssyncset.done $0x0  }
0x143: {  	s12 =	simm.s32 $0x2280;
	[sflag:s29] =	ssyncadd.s32 $0xFFFFC180  }
0x144: {  	[spmem:s2] =	stream.indirect.scatter.add.f32 [tilespmem:s22], [sflag:$0x3], $0x80, s12, s20, $0xb8;
	[tilespmem:$0x1E080] =	vst v63  }
0x145: {  	_ =	swait.ge [sflag:s18], $0x3E80  }
0x146: {  	[sflag:s18] =	ssyncset.done $0x0  }
0x147: {  	s12 =	simm.s32 $0xF80;
	[sflag:s18] =	ssyncadd.s32 $0xFFFFC180  }
0x148: {  	[tilespmem:s22], [sflag:$0x2] =	stream.indirect.gather [hbm4b:s1+s20], $0x80, s12, s20, $0xb8;
	[tilespmem:$0x1E080] =	vst v63  }
0x149: {  	_ =	swait.ge [sflag:s26], $0x3E80  }
0x14a: {  	[sflag:s26] =	ssyncset.done $0x0  }
0x14b: {  	s12 =	simm.s32 $0x2300;
	[sflag:s26] =	ssyncadd.s32 $0xFFFFC180  }
0x14c: {  	[spmem:s2] =	stream.indirect.scatter.add.f32 [tilespmem:s17], [sflag:$0x3], $0x80, s12, s20, $0xb8;
	[tilespmem:$0x1E080] =	vst v63  }
0x14d: {  	_ =	swait.ge [sflag:s18], $0x3E80  }
0x14e: {  	[sflag:s18] =	ssyncset.done $0x0  }
0x14f: {  	s12 =	simm.s32 $0x1000;
	[sflag:s18] =	ssyncadd.s32 $0xFFFFC180  }
0x150: {  	[tilespmem:s17], [sflag:$0x1] =	stream.indirect.gather [hbm4b:s1+s20], $0x80, s12, s20, $0xb8;
	[tilespmem:$0x1E080] =	vst v63  }
0x151: {  	_ =	swait.ge [sflag:s29], $0x3E80  }
0x152: {  	[sflag:s29] =	ssyncset.done $0x0  }
0x153: {  	s12 =	simm.s32 $0x2380;
	[sflag:s29] =	ssyncadd.s32 $0xFFFFC180  }
0x154: {  	[spmem:s2] =	stream.indirect.scatter.add.f32 [tilespmem:s22], [sflag:$0x3], $0x80, s12, s20, $0xb8;
	[tilespmem:$0x1E080] =	vst v63  }
0x155: {  	_ =	swait.ge [sflag:s18], $0x3E80  }
0x156: {  	[sflag:s18] =	ssyncset.done $0x0  }
0x157: {  	[sflag:s18] =	ssyncadd.s32 $0xFFFFC180  }
0x158: {  	[tilespmem:s22], [sflag:$0x2] =	stream.indirect.gather [hbm4b:s1+s20], $0x80, s24, s20, $0xb8;
	[tilespmem:$0x1E080] =	vst v63  }
0x159: {  	_ =	swait.ge [sflag:s26], $0x3E80  }
0x15a: {  	[sflag:s26] =	ssyncset.done $0x0  }
0x15b: {  	[sflag:s26] =	ssyncadd.s32 $0xFFFFC180  }
0x15c: {  	[spmem:s2] =	stream.indirect.scatter.add.f32 [tilespmem:s17], [sflag:$0x3], $0x80, s25, s20, $0xb8;
	[tilespmem:$0x1E080] =	vst v63  }
0x15d: {  	_ =	swait.ge [sflag:s18], $0x3E80  }
0x15e: {  	[sflag:s18] =	ssyncset.done $0x0  }
0x15f: {  	[sflag:s18] =	ssyncadd.s32 $0xFFFFC180  }
0x160: {  	[tilespmem:s17], [sflag:$0x1] =	stream.indirect.gather [hbm4b:s1+s20], $0x80, s9, s20, $0xb8;
	[tilespmem:$0x1E080] =	vst v63  }
0x161: {  	_ =	swait.ge [sflag:s29], $0x3E80  }
0x162: {  	[sflag:s29] =	ssyncset.done $0x0  }
0x163: {  	[sflag:s29] =	ssyncadd.s32 $0xFFFFC180  }
0x164: {  	[spmem:s2] =	stream.indirect.scatter.add.f32 [tilespmem:s22], [sflag:$0x3], $0x80, s7, s20, $0xb8;
	[tilespmem:$0x1E080] =	vst v63  }
0x165: {  	_ =	swait.ge [sflag:s18], $0x3E80  }
0x166: {  	[sflag:s18] =	ssyncset.done $0x0  }
0x167: {  	[sflag:s18] =	ssyncadd.s32 $0xFFFFC180  }
0x168: {  	[tilespmem:s22], [sflag:$0x2] =	stream.indirect.gather [hbm4b:s1+s20], $0x80, s13, s20, $0xb8;
	[tilespmem:$0x1E080] =	vst v63  }
0x169: {  	_ =	swait.ge [sflag:s26], $0x3E80  }
0x16a: {  	[sflag:s26] =	ssyncset.done $0x0  }
0x16b: {  	[sflag:s26] =	ssyncadd.s32 $0xFFFFC180  }
0x16c: {  	[spmem:s2] =	stream.indirect.scatter.add.f32 [tilespmem:s17], [sflag:$0x3], $0x80, s15, s20, $0xb8;
	[tilespmem:$0x1E080] =	vst v63  }
0x16d: {  	_ =	swait.ge [sflag:s18], $0x3E80  }
0x16e: {  	[sflag:s18] =	ssyncset.done $0x0  }
0x16f: {  	[sflag:s18] =	ssyncadd.s32 $0xFFFFC180  }
0x170: {  	[tilespmem:s17], [sflag:$0x1] =	stream.indirect.gather [hbm4b:s1+s20], $0x80, s11, s20, $0xb8;
	[tilespmem:$0x1E080] =	vst v63  }
0x171: {  	_ =	swait.ge [sflag:s29], $0x3E80  }
0x172: {  	[sflag:s29] =	ssyncset.done $0x0  }
0x173: {  	[sflag:s29] =	ssyncadd.s32 $0xFFFFC180  }
0x174: {  	[spmem:s2] =	stream.indirect.scatter.add.f32 [tilespmem:s22], [sflag:$0x3], $0x80, s21, s20, $0xb8;
	[tilespmem:$0x1E080] =	vst v63  }
0x175: {  	_ =	swait.ge [sflag:s18], $0x3E80  }
0x176: {  	[sflag:s18] =	ssyncset.done $0x0  }
0x177: {  	[sflag:s18] =	ssyncadd.s32 $0xFFFFC180  }
0x178: {  	[tilespmem:s22], [sflag:$0x2] =	stream.indirect.gather [hbm4b:s1+s20], $0x80, s28, s20, $0xb8;
	[tilespmem:$0x1E080] =	vst v63  }
0x179: {  	_ =	swait.ge [sflag:s26], $0x3E80  }
0x17a: {  	[sflag:s26] =	ssyncset.done $0x0  }
0x17b: {  	[sflag:s26] =	ssyncadd.s32 $0xFFFFC180  }
0x17c: {  	[spmem:s2] =	stream.indirect.scatter.add.f32 [tilespmem:s17], [sflag:$0x3], $0x80, s30, s20, $0xb8;
	[tilespmem:$0x1E080] =	vst v63  }
0x17d: {  	_ =	swait.ge [sflag:s18], $0x3E80  }
0x17e: {  	[sflag:s18] =	ssyncset.done $0x0  }
0x17f: {  	[sflag:s18] =	ssyncadd.s32 $0xFFFFC180  }
0x180: {  	[tilespmem:s17], [sflag:$0x1] =	stream.indirect.gather [hbm4b:s1+s20], $0x80, s31, s20, $0xb8;
	[tilespmem:$0x1E080] =	vst v63  }
0x181: {  	_ =	swait.ge [sflag:s29], $0x3E80  }
0x182: {  	[sflag:s29] =	ssyncset.done $0x0  }
0x183: {  	[sflag:s29] =	ssyncadd.s32 $0xFFFFC180  }
0x184: {  	[spmem:s2] =	stream.indirect.scatter.add.f32 [tilespmem:s22], [sflag:$0x3], $0x80, s0, s20, $0xb8;
	[tilespmem:$0x1E080] =	vst v63  }
0x185: {  	_ =	swait.ge [sflag:s18], $0x3E80  }
0x186: {  	[sflag:s18] =	ssyncset.done $0x0  }
0x187: {  	[sflag:s18] =	ssyncadd.s32 $0xFFFFC180  }
0x188: {  	[tilespmem:s22], [sflag:$0x2] =	stream.indirect.gather [hbm4b:s1+s20], $0x80, s4, s20, $0xb8;
	[tilespmem:$0x1E080] =	vst v63  }
0x189: {  	_ =	swait.ge [sflag:s26], $0x3E80  }
0x18a: {  	[sflag:s26] =	ssyncset.done $0x0  }
0x18b: {  	[sflag:s26] =	ssyncadd.s32 $0xFFFFC180  }
0x18c: {  	[spmem:s2] =	stream.indirect.scatter.add.f32 [tilespmem:s17], [sflag:$0x3], $0x80, s16, s20, $0xb8;
	[tilespmem:$0x1E080] =	vst v63  }
0x18d: {  	_ =	swait.ge [sflag:s18], $0x3E80  }
0x18e: {  	[sflag:s18] =	ssyncset.done $0x0  }
0x18f: {  	[sflag:s18] =	ssyncadd.s32 $0xFFFFC180  }
0x190: {  	_ =	swait.ge [sflag:s29], $0x3E80  }
0x191: {  	p2 =	por p1, p1;
	[sflag:s29] =	ssyncset.done $0x0  }
.Ltmp1:
0x192: {  	[sflag:s29] =	ssyncadd.s32 $0xFFFFC180;
	(pc) =	sbr.rel @p2 .LBB2_4-.Ltmp1, $4  }
0x193: {  	[spmem:s2] =	stream.indirect.scatter.add.f32 [tilespmem:s22], [sflag:$0x3], $0x80, s23, s20, $0xb8;
	[tilespmem:$0x1E080] =	vst v63  }
0x194: {  	_ =	swait.ge [sflag:s18], $0x3E80  }
0x195: {  	[sflag:s18] =	ssyncset.done $0x0  }
0x196: {  	p1 =	por $0x0, $0x0;
	s10 =	simm.s32 $0x28;
	[sflag:s18] =	ssyncadd.s32 $0xFFFFC180  }
0x197: {  	s10 =	stileid.u32;
	[bflag:$0x0] =	sbarrier.arrive $0xFFFF  }
0x198: {  	s10 =	sshll.u32 s10, $0x6;
	s12 =	rddreg [dreg:$0x7]  }
0x199: {  	s14 =	rddreg [dreg:$0xd];
	s10 =	sor.u32 $0x1C03, s10;
	s12 =	sshrl.u32 s12, $0x3  }
0x19a: {  	[hbm:s14], [sflag:s10] =	dma.local [spmem:s12], $0xD00  }
0x19b: {  	_ =	swait.ge [sflag:s18], $0xD00  }
0x19c: {  	[sflag:s18] =	ssyncset.done $0x0;
	s14 =	rddreg [dreg:$0x9]  }
0x19d: {  	s0 =	rddreg [dreg:$0xe];
	[sflag:s18] =	ssyncadd.s32 $0xFFFFF300;
	s12 =	sshrl.u32 s14, $0x3  }
0x19e: {  	[hbm:s0], [sflag:s10] =	dma.local [spmem:s12], $0xD00  }
0x19f: {  	_ =	swait.ge [sflag:s18], $0xD00  }
0x1a0: {  	[sflag:s18] =	ssyncset.done $0x0;
	s14 =	rddreg [dreg:$0xb]  }
0x1a1: {  	s0 =	rddreg [dreg:$0xf];
	[sflag:s18] =	ssyncadd.s32 $0xFFFFF300;
	s12 =	sshrl.u32 s14, $0x3  }
0x1a2: {  	[hbm:s0], [sflag:s10] =	dma.local [spmem:s12], $0xD00  }
0x1a3: {  	_ =	swait.ge [sflag:s18], $0xD00  }
0x1a4: {  	s10 =	rddreg [dreg:$0x5]  }
0x1a5: {  	s14 =	simm.s32 @!p0 $0x1FC3;
	[sflag:s18] =	ssyncset.done $0x0;
	s12 =	rddreg [dreg:$0x4]  }
0x1a6: {  	[sflag:s18] =	ssyncadd.s32 $0xFFFFF300;
	s10 =	sadd.s32 @!p0 $0x27000, s10;
	s12 =	sshrl.u32 @!p0 s12, $0x3  }
0x1a7: {  	[hbm:s10], [sflag:s14] =	dma.local @!p0 [spmem:s12], $0x100  }
0x1a8: {  	s10 =	simm.s32 @!p0 $0x3  }
0x1a9: {  	_ =	swait.ge @!p0 [sflag:s10], $0x100  }
0x1aa: {  	s0 =	rddreg [dreg:$0x10]  }
0x1ab: {  	s12 =	rddreg [dreg:$0x6];
	s0 =	sadd.s32 $0x1, s0  }
0x1ac: {  	p1 =	sne.s32 s0, s12  }
.Ltmp2:
0x1ad: {  	_ = 	snop;
	(pc) =	sbr.rel @p1 .LBB2_1-.Ltmp2, $3  }
0x1ae: {  	_ =	sdelay $0x1  }
0x1af: {  	[sflag:s10] =	ssyncset.done @!p0 $0x0  }
0x1b0: {  	s14 =	simm.s32 $0x80;
	[sflag:s10] =	ssyncadd.s32 @!p0 $0xFFFFFF00  }
0x1b1: {  	_ =	sfence.sel $0x180000  }
0x1b2: {  	[bflag:$0x0] =	sbarrier.arrive $0xFFFF  }
0x1b3: {  	_ =	strace $0x90000047  }
0x1b4: {  	s0 =	stileid.u32;
	[bflag:$0x2] =	sbarrier.arrive $0xFFFF  }
0x1b5: {  	p0 =	sne.s32 s0, $0x0;
	s0 =	rddreg [dreg:$0x3]  }
0x1b6: {  	s0 =	sadd.s32 @!p0 $0x100000, s0  }
0x1b7: {  	[sflag:s0] =	ssyncadd.tile.s32 @!p0 $0x1;
	_ =	shalt  }
.Lfunc_end2:
_tile_overlayer_lowered:
.L_overlay_start_2:
0x1b8: {  	(tag) =	ssettag $0x2  }
0x1b9: {  	s0 =	rddreg [dreg:$0x0];
	s2 =	stileid.u32  }
0x1ba: {  	s1 =	rddreg [dreg:$0x1];
	p0 =	sne.s32 s2, $0x0  }
0x1bb: {  	s3 =	rddreg [dreg:$0x2];
	[bflag:$0x3] =	sbarrier.arrive $0xFFFF;
	s2 =	simm.s32 @!p0 $0x1C03  }
0x1bc: {  	[timem:s3], [sflag:s2] =	dma.local @!p0 [hbm:s0], s1  }
0x1bd: {  	s0 =	simm.s32 @!p0 $0x3  }
0x1be: {  	_ =	swait.ge @!p0 [sflag:s0], s1  }
0x1bf: {  	s1 =	ssub.s32 @!p0 $0x0, s1;
	[sflag:s0] =	ssyncset.done @!p0 $0x0  }
0x1c0: {  	[sflag:s0] =	ssyncadd.s32 @!p0 s1  }
0x1c1: {  	[bflag:$0x3] =	sbarrier.arrive $0xFFFF  }
0x1c2: {  	_ =	shalt  }

// kernel: kernel.13.cloned.1.call-start
scs
__scs_entry_jumppad:
0x0: {  	(pc) =	sbr.rel $0x88, $3  }
0x1: {  	(tag) =	ssettag $0x0;
	lr =	simm.s32 $0x1  }
0x2: {  	[smem:$0x3F97] =	sst lr;
	_ =	strace $0xD0000000  }
0x3: {  	_ = 	snop  }
0x4: {  	_ = 	snop  }
0x5: {  	_ = 	snop  }
0x6: {  	_ = 	snop  }
0x7: {  	_ = 	snop  }
__scs_overlays_trampoline_lowered:
0x8: {  	[smem:$0x3FA6] =	sst s0  }
0x9: {  	[smem:$0x3FA7] =	sst s1  }
0xa: {  	[smem:$0x3FA8] =	sst s2  }
0xb: {  	[smem:$0x3FA9] =	sst s3  }
0xc: {  	[smem:$0x3FAA] =	sst s4  }
0xd: {  	[smem:$0x3FAB] =	sst s5  }
0xe: {  	[smem:$0x3FAC] =	sst s6  }
0xf: {  	[smem:$0x3FAD] =	sst s7  }
0x10: {  	[smem:$0x3FAE] =	sst s8  }
0x11: {  	[smem:$0x3FAF] =	sst s9;
	s0 =	simm.s32 @!p0 $0x0  }
0x12: {  	s1 =	sld [smem:$0x3F95];
	s0 =	simm.s32 @p0 $0x1  }
0x13: {  	[smem:$0x3FB0] =	sst s0;
	s0 =	simm.s32 @!p1 $0x0  }
0x14: {  	s2 =	sld [smem:$0x3F94];
	s0 =	simm.s32 @p1 $0x1  }
0x15: {  	[smem:$0x3FB1] =	sst s0;
	s0 =	simm.s32 @!p2 $0x0  }
0x16: {  	s3 =	sld [smem:$0x3FDB];
	s0 =	simm.s32 @p2 $0x1  }
0x17: {  	s4 =	simm.s32 $0x1BF5;
	[smem:$0x3FB3] =	sst s0  }
0x18: {  	s0 =	sld [smem:$0x3F96];
	_ =	swait.ge [sflag:s4], $0x0  }
0x19: {  	s7 =	sld [smem:$0x3F97]  }
0x1a: {  	s8 =	sadd.s32 $0xFFFFE003, lr  }
0x1b: {  	s9 =	sadd.s32 $0xFFFFFEF7, lr;
	s5 =	simm.s32 $0xFFFFFFFF;
	p2 =	slt.u32 s8, $0xFFFFF086  }
0x1c: {  	p1 =	slt.u32 s9, $0xF7A;
	s5 =	simm.s32 @!p2 $0x0  }
0x1d: {  	s5 =	simm.s32 @p1 $0x1;
	p0 =	seq.s32 s7, s2  }
0x1e: {  	s7 =	smul.u32 @!p0 $0xF7A, s2;
	p2 =	seq.s32 @!p0 s5, $0x0  }
0x1f: {  	s9 =	smul.u32 $0xF7A, s1;
	s8 =	simm.s32 @!p0 $0x1BF5;
	p2 =	por !p2, p0  }
0x20: {  	[sflag:s8] =	ssyncset.s32 @!p0 $0xFFFFF086;
	s6 =	sadd.s32 @!p0 s3, s7;
	s7 =	simm.s32 @!p0 $0x108  }
0x21: {  	s3 =	sadd.s32 s3, s9;
	s6 =	sadd.s32 @!p0 $0x88, s6;
	s7 =	simm.s32 @p2 $0x1082  }
0x22: {  	[simem:s7], [sflag:s8] =	dma.local @!p0 [hbm:s6], $0xF7A  }
0x23: {  	s9 =	sor.u32 $0xD0000000, s2;
	s6 =	simm.s32 $0x108;
	_ =	swait.ge @!p0 [sflag:s8], $0x0  }
0x24: {  	s3 =	sadd.s32 $0x88, s3;
	s6 =	simm.s32 @!p1 $0x1082;
	[sflag:s4] =	ssyncset.s32 $0xFFFFF086  }
0x25: {  	[simem:s6], [sflag:s4] =	dma.local [hbm:s3], $0xF7A  }
0x26: {  	[smem:$0x3F97] =	sst s1;
	(tag) =	ssettag s2;
	_ =	strace s9  }
0x27: {  	s1 =	sld [smem:$0x3FA7]  }
0x28: {  	s2 =	sld [smem:$0x3FA8]  }
0x29: {  	s4 =	sld [smem:$0x3FAA]  }
0x2a: {  	p0 =	seq.s32 s5, $0x0;
	s5 =	sld [smem:$0x3FAB]  }
0x2b: {  	s6 =	sld [smem:$0x3FAC]  }
0x2c: {  	s7 =	sld [smem:$0x3FAD]  }
0x2d: {  	s3 =	simm.s32 $0x108;
	s8 =	sld [smem:$0x3FAE]  }
0x2e: {  	s3 =	simm.s32 @!p0 $0x1082;
	s9 =	sld [smem:$0x3FAF]  }
0x2f: {  	lr =	sadd.s32 s0, s3;
	s0 =	sld [smem:$0x3FA6]  }
0x30: {  	s3 =	sld [smem:$0x3FA9]  }
0x31: {  	[smem:$0x3FB2] =	sst s10  }
0x32: {  	s10 =	sld [smem:$0x3FB0];
	_ =	sdelay $0x3  }
0x33: {  	p0 =	seq.s32 s10, $0x1;
	s10 =	sld [smem:$0x3FB2];
	_ =	sdelay $0x3  }
0x34: {  	[smem:$0x3FB2] =	sst s10  }
0x35: {  	s10 =	sld [smem:$0x3FB1];
	_ =	sdelay $0x3  }
0x36: {  	p1 =	seq.s32 s10, $0x1;
	s10 =	sld [smem:$0x3FB2];
	_ =	sdelay $0x3  }
0x37: {  	[smem:$0x3FB2] =	sst s10  }
0x38: {  	s10 =	sld [smem:$0x3FB3]  }
0x39: {  	_ = 	snop;
	(pc) =	sbr.ind lr, $3  }
0x3a: {  	_ = 	snop  }
0x3b: {  	_ = 	snop  }
0x3c: {  	p2 =	seq.s32 s10, $0x1;
	s10 =	sld [smem:$0x3FB2]  }
0x3d: {  	_ =	shalt  }
0x3e: {  	_ =	shalt  }
0x3f: {  	_ =	shalt  }
0x40: {  	_ =	shalt  }
0x41: {  	_ =	shalt  }
0x42: {  	_ =	shalt  }
0x43: {  	_ =	shalt  }
0x44: {  	_ =	shalt  }
0x45: {  	_ =	shalt  }
0x46: {  	_ =	shalt  }
0x47: {  	_ =	shalt  }
0x48: {  	_ =	shalt  }
0x49: {  	_ =	shalt  }
0x4a: {  	_ =	shalt  }
0x4b: {  	_ =	shalt  }
0x4c: {  	_ =	shalt  }
0x4d: {  	_ =	shalt  }
0x4e: {  	_ =	shalt  }
0x4f: {  	_ =	shalt  }
0x50: {  	_ =	shalt  }
0x51: {  	_ =	shalt  }
0x52: {  	_ =	shalt  }
0x53: {  	_ =	shalt  }
0x54: {  	_ =	shalt  }
0x55: {  	_ =	shalt  }
0x56: {  	_ =	shalt  }
0x57: {  	_ =	shalt  }
0x58: {  	_ =	shalt  }
0x59: {  	_ =	shalt  }
0x5a: {  	_ =	shalt  }
0x5b: {  	_ =	shalt  }
0x5c: {  	_ =	shalt  }
0x5d: {  	_ =	shalt  }
0x5e: {  	_ =	shalt  }
0x5f: {  	_ =	shalt  }
0x60: {  	_ =	shalt  }
0x61: {  	_ =	shalt  }
0x62: {  	_ =	shalt  }
0x63: {  	_ =	shalt  }
0x64: {  	_ =	shalt  }
0x65: {  	_ =	shalt  }
0x66: {  	_ =	shalt  }
0x67: {  	_ =	shalt  }
0x68: {  	_ =	shalt  }
0x69: {  	_ =	shalt  }
0x6a: {  	_ =	shalt  }
0x6b: {  	_ =	shalt  }
0x6c: {  	_ =	shalt  }
0x6d: {  	_ =	shalt  }
0x6e: {  	_ =	shalt  }
0x6f: {  	_ =	shalt  }
0x70: {  	_ =	shalt  }
0x71: {  	_ =	shalt  }
0x72: {  	_ =	shalt  }
0x73: {  	_ =	shalt  }
0x74: {  	_ =	shalt  }
0x75: {  	_ =	shalt  }
0x76: {  	_ =	shalt  }
0x77: {  	_ =	shalt  }
0x78: {  	_ =	shalt  }
0x79: {  	_ =	shalt  }
0x7a: {  	_ =	shalt  }
0x7b: {  	_ =	shalt  }
0x7c: {  	_ =	shalt  }
0x7d: {  	_ =	shalt  }
0x7e: {  	_ =	shalt  }
0x7f: {  	_ =	shalt  }
0x80: {  	_ =	shalt  }
0x81: {  	_ =	shalt  }
0x82: {  	_ =	shalt  }
0x83: {  	_ =	shalt  }
0x84: {  	_ =	shalt  }
0x85: {  	_ =	shalt  }
0x86: {  	_ =	shalt  }
0x87: {  	_ =	shalt  }
.Lfunc_end0:
.L_simem_size_0:
called_computation.2_lowered:
.L_overlay_start_0:
0x88: {  	s2 =	sld [smem:$0x3FD9]  }
0x89: {  	s3 =	sld [smem:$0x3FFE];
	_ =	sdelay $0x1  }
0x8a: {  	s1 =	srdreg.scid  }
0x8b: {  	s0 =	sand.u32 $0x1, s1  }
0x8c: {  	s17 =	sshll.u32 s0, $0xA;
	s2 =	sadd.s32 s3, s2  }
0x8d: {  	s2 =	sadd.s32 s2, s17  }
0x8e: {  	[smem:$0x3FBE] =	sst s2  }
0x8f: {  	_ = 	snop  }
0x90: {  	s2 =	sld [smem:$0x3FD0];
	(tm) =	ssettm $0x1  }
0x91: {  	s18 =	sld [smem:$0x3FFB];
	_ =	sdelay $0x3  }
0x92: {  	_ =	strace s18  }
0x93: {  	s3 =	sld [smem:$0x3FFC];
	_ =	sdelay $0x3  }
0x94: {  	_ =	strace s3  }
0x95: {  	s3 =	sld [smem:$0x3FFD];
	_ =	sdelay $0x3  }
0x96: {  	_ =	strace s3  }
0x97: {  	_ =	strace $0x8FFFFFFF  }
0x98: {  	s19 =	sld [smem:$0x3FDB];
	_ =	sdelay $0x1  }
0x99: {  	s4 =	simm.s32 $_scs_section_size  }
0x9a: {  	s5 =	simm.s32 $_size__tile_overlayer_lowered;
	s6 =	simm.s32 $_tile_overlayer_lowered  }
0x9b: {  	s22 =	simm.s32 $0x1BFF;
	s21 =	sshll.u32 s6, $0x1;
	s3 =	sadd.s32 s4, s19  }
0x9c: {  	s7 =	simm.s32 $0x0;
	s20 =	sshll.u32 s5, $0x1;
	s5 =	sadd.s32 s21, s3  }
0x9d: {  	[timem:s7], [sflag:s22] =	dma.local [hbm:s5], s20  }
0x9e: {  	_ =	swait.ge [sflag:s22], s20  }
0x9f: {  	s4 =	ssub.s32 $0x0, s20;
	[sflag:s22] =	ssyncset.done $0x0  }
0xa0: {  	[sflag:s22] =	ssyncadd.s32 s4;
	_ =	sdelay $0x1  }
0xa1: {  	s23 =	simm.s32 $0x1B8B  }
0xa2: {  	_ =	swait.ge [sflag:s23], $0x1  }
0xa3: {  	[sflag:s23] =	ssyncset.done $0x0  }
0xa4: {  	s25 =	simm.s32 $0x1B8E;
	s24 =	sld [smem:$0x3FFE];
	[sflag:s23] =	ssyncadd.s32 $0xFFFFFFFF  }
0xa5: {  	s26 =	simm.s32 $execute0_lowered;
	[smem:$0x3FD2] =	sst s25  }
0xa6: {  	s5 =	sshll.u32 s26, $0x1;
	_ =	strace $0x8000004C;
	[dreg:$0x1] =	wrdreg $0xFFFFFFFF  }
0xa7: {  	s28 =	simm.s32 $_size_execute0_lowered;
	s3 =	sadd.s32 s3, s5;
	[dreg:$0x0] =	wrdreg $0x0  }
0xa8: {  	s5 =	sshll.u32 s28, $0x1;
	[dreg:$0x2] =	wrdreg s3  }
0xa9: {  	[dreg:$0x3] =	wrdreg s5  }
0xaa: {  	[dreg:$0x4] =	wrdreg $0xC0  }
0xab: {  	_ =	task [dreg:s7], $0x5FFFF  }
0xac: {  	[dreg:$0x1] =	wrdreg $0xFFFFFFFF  }
0xad: {  	[dreg:$0x0] =	wrdreg $0x60  }
0xae: {  	[dreg:$0x2] =	wrdreg s2  }
0xaf: {  	[dreg:$0x3] =	wrdreg s24  }
0xb0: {  	[dreg:$0x4] =	wrdreg $0xA8000  }
0xb1: {  	[dreg:$0x5] =	wrdreg $0x9  }
0xb2: {  	_ =	task.clear_ibuf [dreg:s7], $0x6FFFF;
	_ =	strace $0x9000004C  }
0xb3: {  	s29 =	simm.s32 $0x9;
	_ =	strace $0x8000004E  }
0xb4: {  	_ =	swait.ge [sflag:s29], $0x1  }
0xb5: {  	[sflag:s29] =	ssyncadd.s32 $0xFFFFFFFF  }
0xb6: {  	_ =	strace $0x9000004E  }
0xb7: {  	_ =	sfence  }
0xb8: {  	s30 =	sld [smem:$0x0];
	_ =	sdelay $0x2  }
0xb9: {  	s31 =	sshll.u32 s1, $0xD;
	s1 =	sshrl.u32 s1, $0x2  }
0xba: {  	s3 =	sand.u32 $0x4000, s31;
	s1 =	sadd.s32 s1, s30  }
0xbb: {  	s0 =	sor.u32 s3, s0;
	s1 =	sshll.u32 s1, $0x11  }
0xbc: {  	s0 =	sor.u32 s1, s0  }
0xbd: {  	s0 =	sadd.s32 $0x8F2B, s0  }
0xbe: {  	[sflag:s0] =	ssyncadd.remote.s32 $0x1  }
0xbf: {  	_ =	sfence.sel $0xFFFF  }
0xc0: {  	[dreg:$0x0] =	wrdreg $0xFFFFFFFF;
	(pc) =	sbr.abs _section_cstart, $3  }
0xc1: {  	[dreg:$0x1] =	wrdreg $0xFFFFFFFF  }
0xc2: {  	_ =	task.clear_ibuf [dreg:s7], $0x2FFFF;
	_ =	strace $0x9FFFFFFF  }
0xc3: {  	(tm) =	ssettm $0x7FFFFFFF  }
tec
execute0_lowered:
.L_overlay_start_1:
0x0: {  	(tag) =	ssettag $0x1  }
0x1: {  	s1 =	rddreg [dreg:$0x0]  }
0x2: {  	s0 =	rddreg [dreg:$0x1]  }
0x3: {  	s2 =	rddreg [dreg:$0x2];
	s4 =	srdreg.scid;
	s3 =	simm.s32 $0x0  }
0x4: {  	s11 =	stileid.u32;
	s29 =	simm.s32 $0x2;
	s28 =	simm.s32 $0x1280  }
0x5: {  	s30 =	simm.s32 $0x2600;
	s31 =	simm.s32 $0x1300;
	s9 =	smul.u32 $0x270, s11  }
0x6: {  	s4 =	sand.u32 $0x1, s4;
	[smem:$0x7FF] =	sst s3;
	s10 =	smul.u32 $0x4E000, s11  }
0x7: {  	s5 =	sadd.s32 $0xC400, s0;
	s6 =	sadd.s32 $0x2400, s0;
	s24 =	smul.u32 $0x2700, s11  }
0x8: {  	s14 =	sadd.s32 $0x138000, s2;
	p0 =	sne.s32 s11, $0xF;
	s7 =	smul.u32 $0x27100, s4  }
0x9: {  	_ =	strace $0x8000004D;
	s13 =	ssub.s32 $0x2, s4;
	s4 =	sshll.u32 s4, $0x4  }
0xa: {  	[dreg:$0x4] =	wrdreg s14;
	s14 =	simm.s32 $0x80;
	s8 =	sshrl.u32 s13, $0x1  }
0xb: {  	s4 =	sor.u32 s11, s4;
	s16 =	sshrl.u32 s10, $0x2;
	s17 =	sadd.s32 $0xD0, s9  }
0xc: {  	s19 =	sadd.s32 $0x1A0, s9;
	s9 =	simm.s32 $0x1100;
	s11 =	simm.s32 $0x1200  }
0xd: {  	s0 =	sadd.s32 s7, s0;
	s7 =	ssub.s32 s13, s8;
	s8 =	smul.u32 $0x50, s4  }
0xe: {  	s10 =	sadd.s32 s16, s2;
	s18 =	sshll.u32 s17, $0x7;
	s21 =	sshll.u32 s19, $0x7  }
0xf: {  	s4 =	sshll.u32 s17, $0x4;
	s17 =	simm.s32 $0x2800;
	s13 =	simm.s32 $0x1180  }
0x10: {  	s16 =	simm.s32 $0x2700;
	s15 =	smax.u32 s7, $0x1;
	[dreg:$0x7] =	wrdreg s10  }
0x11: {  	s12 =	sadd.s32 $0x16400, s0;
	s20 =	sadd.s32 $0x3400, s10;
	[dreg:$0x6] =	wrdreg s15  }
0x12: {  	s0 =	sadd.s32 s18, s2;
	s22 =	sadd.s32 $0x9C00, s10;
	[dreg:$0x8] =	wrdreg s20  }
0x13: {  	s23 =	sadd.s32 $0x10400, s10;
	s7 =	sshll.u32 s19, $0x4;
	[dreg:$0x9] =	wrdreg s0  }
0x14: {  	s18 =	simm.s32 $0x3;
	s19 =	simm.s32 $0x1400;
	[dreg:$0xa] =	wrdreg s22  }
0x15: {  	s0 =	sadd.s32 s21, s2;
	[dreg:$0xc] =	wrdreg s23;
	s20 =	simm.s32 $0x7D  }
0x16: {  	s22 =	simm.s32 $0x6800;
	s25 =	sadd.s32 s4, s12;
	[dreg:$0x5] =	wrdreg s12  }
0x17: {  	s26 =	sadd.s32 s7, s12;
	s7 =	simm.s32 $0x2480;
	s15 =	simm.s32 $0x2500  }
0x18: {  	s21 =	simm.s32 $0x2580;
	s4 =	simm.s32 $0x1380;
	[dreg:$0xb] =	wrdreg s0  }
0x19: {  	s23 =	simm.s32 $0x2780;
	s0 =	sadd.s32 s24, s12;
	[dreg:$0xe] =	wrdreg s25  }
0x1a: {  	[dreg:$0xf] =	wrdreg s26;
	s26 =	simm.s32 $0x1;
	s24 =	simm.s32 $0x1080  }
0x1b: {  	v0 =	vimm.f32 $0.0e+00;
	s25 =	simm.s32 $0x2400;
	[dreg:$0xd] =	wrdreg s0;
	s0 =	simm.s32 $0x0  }
.LBB2_1:
0x1c: {  	[dreg:$0x10] =	wrdreg s0;
	s10 =	simm.s32 $0x70;
	s12 =	simm.s32 $0x3C0  }
.LBB2_2:
0x1d: {  	p1 =	sne.s32 s12, $0xF9C0;
	[tilespmem:s10+$0x2800] =	vst v0  }
0x1e: {  	[tilespmem:s10+$0x2790] =	vst v0  }
0x1f: {  	[tilespmem:s10+$0x27A0] =	vst v0  }
.Ltmp0:
0x20: {  	[tilespmem:s10+$0x27B0] =	vst v0;
	(pc) =	sbr.rel @p1 .LBB2_2-.Ltmp0, $4  }
0x21: {  	[tilespmem:s10+$0x27C0] =	vst v0  }
0x22: {  	[tilespmem:s10+$0x27D0] =	vst v0  }
0x23: {  	[tilespmem:s10+$0x27E0] =	vst v0  }
0x24: {  	[tilespmem:s10+$0x27F0] =	vst v0;
	s10 =	sshra.s32 s12, $0x2;
	s12 =	sadd.s32 $0x200, s12  }
0x25: {  	[tilespmem:s10+$0x2800] =	vst v0  }
0x26: {  	[tilespmem:s10+$0x2790] =	vst v0  }
0x27: {  	[tilespmem:s10+$0x27A0] =	vst v0  }
0x28: {  	[tilespmem:s10+$0x27B0] =	vst v0  }
0x29: {  	[tilespmem:s10+$0x27C0] =	vst v0  }
0x2a: {  	[tilespmem:s10+$0x27D0] =	vst v0  }
0x2b: {  	[tilespmem:s10+$0x27E0] =	vst v0  }
0x2c: {  	[tilespmem:s10+$0x27F0] =	vst v0;
	s0 =	rddreg [dreg:$0x7]  }
0x2d: {  	[spmem:s0] =	stream.linear.scatter [tilespmem:s17], [sflag:$0x3], $0x3400, $0x38;
	[tilespmem:$0x1E080] =	vst v63  }
0x2e: {  	_ =	swait.ge [sflag:s18], $0x3400  }
0x2f: {  	[sflag:s18] =	ssyncset.done $0x0  }
0x30: {  	s12 =	rddreg [dreg:$0x8];
	[sflag:s18] =	ssyncadd.s32 $0xFFFFCC00  }
0x31: {  	[spmem:s12] =	stream.linear.scatter [tilespmem:s17], [sflag:$0x3], $0x3400, $0x38;
	[tilespmem:$0x1E080] =	vst v63  }
0x32: {  	_ =	swait.ge [sflag:s18], $0x3400  }
0x33: {  	[sflag:s18] =	ssyncset.done $0x0  }
0x34: {  	s0 =	rddreg [dreg:$0x9];
	[sflag:s18] =	ssyncadd.s32 $0xFFFFCC00  }
0x35: {  	[spmem:s0] =	stream.linear.scatter [tilespmem:s17], [sflag:$0x3], $0x3400, $0x38;
	[tilespmem:$0x1E080] =	vst v63  }
0x36: {  	_ =	swait.ge [sflag:s18], $0x3400  }
0x37: {  	[sflag:s18] =	ssyncset.done $0x0  }
0x38: {  	s12 =	rddreg [dreg:$0xa];
	[sflag:s18] =	ssyncadd.s32 $0xFFFFCC00  }
0x39: {  	[spmem:s12] =	stream.linear.scatter [tilespmem:s17], [sflag:$0x3], $0x3400, $0x38;
	[tilespmem:$0x1E080] =	vst v63  }
0x3a: {  	_ =	swait.ge [sflag:s18], $0x3400  }
0x3b: {  	[sflag:s18] =	ssyncset.done $0x0  }
0x3c: {  	s0 =	rddreg [dreg:$0xb];
	[sflag:s18] =	ssyncadd.s32 $0xFFFFCC00  }
0x3d: {  	[spmem:s0] =	stream.linear.scatter [tilespmem:s17], [sflag:$0x3], $0x3400, $0x38;
	[tilespmem:$0x1E080] =	vst v63  }
0x3e: {  	_ =	swait.ge [sflag:s18], $0x3400  }
0x3f: {  	[sflag:s18] =	ssyncset.done $0x0  }
0x40: {  	s12 =	rddreg [dreg:$0xc];
	[sflag:s18] =	ssyncadd.s32 $0xFFFFCC00  }
0x41: {  	[spmem:s12] =	stream.linear.scatter [tilespmem:s17], [sflag:$0x3], $0x3400, $0x38;
	[tilespmem:$0x1E080] =	vst v63  }
0x42: {  	_ =	swait.ge [sflag:s18], $0x3400  }
0x43: {  	[sflag:s18] =	ssyncset.done $0x0  }
0x44: {  	s10 =	simm.s32 @!p0 $0x2800;
	s12 =	rddreg [dreg:$0x4];
	[sflag:s18] =	ssyncadd.s32 $0xFFFFCC00  }
0x45: {  	[spmem:s12] =	stream.linear.scatter @!p0 [tilespmem:s10], [sflag:$0x3], $0x800, $0x38;
	[tilespmem:$0x1E080] =	vst v63  }
0x46: {  	s10 =	simm.s32 @!p0 $0x3  }
0x47: {  	_ =	swait.ge @!p0 [sflag:s10], $0x800  }
0x48: {  	[sflag:s10] =	ssyncset.done @!p0 $0x0  }
0x49: {  	p1 =	por $0x1, $0x1;
	[sflag:s10] =	ssyncadd.s32 @!p0 $0xFFFFF800  }
0x4a: {  	s0 =	simm.s32 $0x2680;
	s10 =	simm.s32 $0x0;
	[bflag:$0x0] =	sbarrier.arrive $0xFFFF  }
.LBB2_4:
0x4b: {  	s10 =	sadd.s32 s8, s10  }
0x4c: {  	s10 =	sshll.u32 s10, $0x4  }
0x4d: {  	s12 =	sadd.s32 s5, s10  }
0x4e: {  	[tilespmem:s3], [sflag:$0x3] =	stream.linear.gather [hbm4b:s12+s3], $0x1400, $0x38;
	[tilespmem:$0x1E080] =	vst v63  }
0x4f: {  	_ =	swait.ge [sflag:s18], $0x1400  }
0x50: {  	[sflag:s18] =	ssyncset.done $0x0  }
0x51: {  	s10 =	sadd.s32 s6, s10;
	[sflag:s18] =	ssyncadd.s32 $0xFFFFEC00  }
0x52: {  	[tilespmem:s19], [sflag:$0x3] =	stream.linear.gather [hbm4b:s10+s3], $0x1400, $0x38;
	[tilespmem:$0x1E080] =	vst v63  }
0x53: {  	_ =	swait.ge [sflag:s18], $0x1400  }
0x54: {  	[sflag:s18] =	ssyncset.done $0x0  }
0x55: {  	[sflag:s18] =	ssyncadd.s32 $0xFFFFEC00  }
0x56: {  	[tilespmem:s17], [sflag:$0x1] =	stream.indirect.gather [hbm4b:s1+s20], $0x80, s3, s20, $0xb8;
	[tilespmem:$0x1E080] =	vst v63  }
0x57: {  	_ = 	snop  }
0x58: {  	[tilespmem:s22], [sflag:$0x2] =	stream.indirect.gather [hbm4b:s1+s20], $0x80, s14, s20, $0xb8;
	[tilespmem:$0x1E080] =	vst v63  }
0x59: {  	_ =	swait.ge [sflag:s26], $0x3E80  }
0x5a: {  	[sflag:s26] =	ssyncset.done $0x0  }
0x5b: {  	[sflag:s26] =	ssyncadd.s32 $0xFFFFC180  }
0x5c: {  	[spmem:s2] =	stream.indirect.scatter.add.f32 [tilespmem:s17], [sflag:$0x3], $0x80, s19, s20, $0xb8;
	[tilespmem:$0x1E080] =	vst v63  }
0x5d: {  	_ =	swait.ge [sflag:s18], $0x3E80  }
0x5e: {  	[sflag:s18] =	ssyncset.done $0x0  }
0x5f: {  	s12 =	simm.s32 $0x100;
	[sflag:s18] =	ssyncadd.s32 $0xFFFFC180  }
0x60: {  	[tilespmem:s17], [sflag:$0x1] =	stream.indirect.gather [hbm4b:s1+s20], $0x80, s12, s20, $0xb8;
	[tilespmem:$0x1E080] =	vst v63  }
0x61: {  	_ =	swait.ge [sflag:s29], $0x3E80  }
0x62: {  	[sflag:s29] =	ssyncset.done $0x0  }
0x63: {  	s12 =	simm.s32 $0x1480;
	[sflag:s29] =	ssyncadd.s32 $0xFFFFC180  }
0x64: {  	[spmem:s2] =	stream.indirect.scatter.add.f32 [tilespmem:s22], [sflag:$0x3], $0x80, s12, s20, $0xb8;
	[tilespmem:$0x1E080] =	vst v63  }
0x65: {  	_ =	swait.ge [sflag:s18], $0x3E80  }
0x66: {  	[sflag:s18] =	ssyncset.done $0x0  }
0x67: {  	s12 =	simm.s32 $0x180;
	[sflag:s18] =	ssyncadd.s32 $0xFFFFC180  }
0x68: {  	[tilespmem:s22], [sflag:$0x2] =	stream.indirect.gather [hbm4b:s1+s20], $0x80, s12, s20, $0xb8;
	[tilespmem:$0x1E080] =	vst v63  }
0x69: {  	_ =	swait.ge [sflag:s26], $0x3E80  }
0x6a: {  	[sflag:s26] =	ssyncset.done $0x0  }
0x6b: {  	s12 =	simm.s32 $0x1500;
	[sflag:s26] =	ssyncadd.s32 $0xFFFFC180  }
0x6c: {  	[spmem:s2] =	stream.indirect.scatter.add.f32 [tilespmem:s17], [sflag:$0x3], $0x80, s12, s20, $0xb8;
	[tilespmem:$0x1E080] =	vst v63  }
0x6d: {  	_ =	swait.ge [sflag:s18], $0x3E80  }
0x6e: {  	[sflag:s18] =	ssyncset.done $0x0  }
0x6f: {  	s12 =	simm.s32 $0x200;
	[sflag:s18] =	ssyncadd.s32 $0xFFFFC180  }
0x70: {  	[tilespmem:s17], [sflag:$0x1] =	stream.indirect.gather [hbm4b:s1+s20], $0x80, s12, s20, $0xb8;
	[tilespmem:$0x1E080] =	vst v63  }
0x71: {  	_ =	swait.ge [sflag:s29], $0x3E80  }
0x72: {  	[sflag:s29] =	ssyncset.done $0x0  }
0x73: {  	s12 =	simm.s32 $0x1580;
	[sflag:s29] =	ssyncadd.s32 $0xFFFFC180  }
0x74: {  	[spmem:s2] =	stream.indirect.scatter.add.f32 [tilespmem:s22], [sflag:$0x3], $0x80, s12, s20, $0xb8;
	[tilespmem:$0x1E080] =	vst v63  }
0x75: {  	_ =	swait.ge [sflag:s18], $0x3E80  }
0x76: {  	[sflag:s18] =	ssyncset.done $0x0  }
0x77: {  	s12 =	simm.s32 $0x280;
	[sflag:s18] =	ssyncadd.s32 $0xFFFFC180  }
0x78: {  	[tilespmem:s22], [sflag:$0x2] =	stream.indirect.gather [hbm4b:s1+s20], $0x80, s12, s20, $0xb8;
	[tilespmem:$0x1E080] =	vst v63  }
0x79: {  	_ =	swait.ge [sflag:s26], $0x3E80  }
0x7a: {  	[sflag:s26] =	ssyncset.done $0x0  }
0x7b: {  	s12 =	simm.s32 $0x1600;
	[sflag:s26] =	ssyncadd.s32 $0xFFFFC180  }
0x7c: {  	[spmem:s2] =	stream.indirect.scatter.add.f32 [tilespmem:s17], [sflag:$0x3], $0x80, s12, s20, $0xb8;
	[tilespmem:$0x1E080] =	vst v63  }
0x7d: {  	_ =	swait.ge [sflag:s18], $0x3E80  }
0x7e: {  	[sflag:s18] =	ssyncset.done $0x0  }
0x7f: {  	s12 =	simm.s32 $0x300;
	[sflag:s18] =	ssyncadd.s32 $0xFFFFC180  }
0x80: {  	[tilespmem:s17], [sflag:$0x1] =	stream.indirect.gather [hbm4b:s1+s20], $0x80, s12, s20, $0xb8;
	[tilespmem:$0x1E080] =	vst v63  }
0x81: {  	_ =	swait.ge [sflag:s29], $0x3E80  }
0x82: {  	[sflag:s29] =	ssyncset.done $0x0  }
0x83: {  	s12 =	simm.s32 $0x1680;
	[sflag:s29] =	ssyncadd.s32 $0xFFFFC180  }
0x84: {  	[spmem:s2] =	stream.indirect.scatter.add.f32 [tilespmem:s22], [sflag:$0x3], $0x80, s12, s20, $0xb8;
	[tilespmem:$0x1E080] =	vst v63  }
0x85: {  	_ =	swait.ge [sflag:s18], $0x3E80  }
0x86: {  	[sflag:s18] =	ssyncset.done $0x0  }
0x87: {  	s12 =	simm.s32 $0x380;
	[sflag:s18] =	ssyncadd.s32 $0xFFFFC180  }
0x88: {  	[tilespmem:s22], [sflag:$0x2] =	stream.indirect.gather [hbm4b:s1+s20], $0x80, s12, s20, $0xb8;
	[tilespmem:$0x1E080] =	vst v63  }
0x89: {  	_ =	swait.ge [sflag:s26], $0x3E80  }
0x8a: {  	[sflag:s26] =	ssyncset.done $0x0  }
0x8b: {  	s12 =	simm.s32 $0x1700;
	[sflag:s26] =	ssyncadd.s32 $0xFFFFC180  }
0x8c: {  	[spmem:s2] =	stream.indirect.scatter.add.f32 [tilespmem:s17], [sflag:$0x3], $0x80, s12, s20, $0xb8;
	[tilespmem:$0x1E080] =	vst v63  }
0x8d: {  	_ =	swait.ge [sflag:s18], $0x3E80  }
0x8e: {  	[sflag:s18] =	ssyncset.done $0x0  }
0x8f: {  	s12 =	simm.s32 $0x400;
	[sflag:s18] =	ssyncadd.s32 $0xFFFFC180  }
0x90: {  	[tilespmem:s17], [sflag:$0x1] =	stream.indirect.gather [hbm4b:s1+s20], $0x80, s12, s20, $0xb8;
	[tilespmem:$0x1E080] =	vst v63  }
0x91: {  	_ =	swait.ge [sflag:s29], $0x3E80  }
0x92: {  	[sflag:s29] =	ssyncset.done $0x0  }
0x93: {  	s12 =	simm.s32 $0x1780;
	[sflag:s29] =	ssyncadd.s32 $0xFFFFC180  }
0x94: {  	[spmem:s2] =	stream.indirect.scatter.add.f32 [tilespmem:s22], [sflag:$0x3], $0x80, s12, s20, $0xb8;
	[tilespmem:$0x1E080] =	vst v63  }
0x95: {  	_ =	swait.ge [sflag:s18], $0x3E80  }
0x96: {  	[sflag:s18] =	ssyncset.done $0x0  }
0x97: {  	s12 =	simm.s32 $0x480;
	[sflag:s18] =	ssyncadd.s32 $0xFFFFC180  }
0x98: {  	[tilespmem:s22], [sflag:$0x2] =	stream.indirect.gather [hbm4b:s1+s20], $0x80, s12, s20, $0xb8;
	[tilespmem:$0x1E080] =	vst v63  }
0x99: {  	_ =	swait.ge [sflag:s26], $0x3E80  }
0x9a: {  	[sflag:s26] =	ssyncset.done $0x0  }
0x9b: {  	s12 =	simm.s32 $0x1800;
	[sflag:s26] =	ssyncadd.s32 $0xFFFFC180  }
0x9c: {  	[spmem:s2] =	stream.indirect.scatter.add.f32 [tilespmem:s17], [sflag:$0x3], $0x80, s12, s20, $0xb8;
	[tilespmem:$0x1E080] =	vst v63  }
0x9d: {  	_ =	swait.ge [sflag:s18], $0x3E80  }
0x9e: {  	[sflag:s18] =	ssyncset.done $0x0  }
0x9f: {  	s12 =	simm.s32 $0x500;
	[sflag:s18] =	ssyncadd.s32 $0xFFFFC180  }
0xa0: {  	[tilespmem:s17], [sflag:$0x1] =	stream.indirect.gather [hbm4b:s1+s20], $0x80, s12, s20, $0xb8;
	[tilespmem:$0x1E080] =	vst v63  }
0xa1: {  	_ =	swait.ge [sflag:s29], $0x3E80  }
0xa2: {  	[sflag:s29] =	ssyncset.done $0x0  }
0xa3: {  	s12 =	simm.s32 $0x1880;
	[sflag:s29] =	ssyncadd.s32 $0xFFFFC180  }
0xa4: {  	[spmem:s2] =	stream.indirect.scatter.add.f32 [tilespmem:s22], [sflag:$0x3], $0x80, s12, s20, $0xb8;
	[tilespmem:$0x1E080] =	vst v63  }
0xa5: {  	_ =	swait.ge [sflag:s18], $0x3E80  }
0xa6: {  	[sflag:s18] =	ssyncset.done $0x0  }
0xa7: {  	s12 =	simm.s32 $0x580;
	[sflag:s18] =	ssyncadd.s32 $0xFFFFC180  }
0xa8: {  	[tilespmem:s22], [sflag:$0x2] =	stream.indirect.gather [hbm4b:s1+s20], $0x80, s12, s20, $0xb8;
	[tilespmem:$0x1E080] =	vst v63  }
0xa9: {  	_ =	swait.ge [sflag:s26], $0x3E80  }
0xaa: {  	[sflag:s26] =	ssyncset.done $0x0  }
0xab: {  	s12 =	simm.s32 $0x1900;
	[sflag:s26] =	ssyncadd.s32 $0xFFFFC180  }
0xac: {  	[spmem:s2] =	stream.indirect.scatter.add.f32 [tilespmem:s17], [sflag:$0x3], $0x80, s12, s20, $0xb8;
	[tilespmem:$0x1E080] =	vst v63  }
0xad: {  	_ =	swait.ge [sflag:s18], $0x3E80  }
0xae: {  	[sflag:s18] =	ssyncset.done $0x0  }
0xaf: {  	s12 =	simm.s32 $0x600;
	[sflag:s18] =	ssyncadd.s32 $0xFFFFC180  }
0xb0: {  	[tilespmem:s17], [sflag:$0x1] =	stream.indirect.gather [hbm4b:s1+s20], $0x80, s12, s20, $0xb8;
	[tilespmem:$0x1E080] =	vst v63  }
0xb1: {  	_ =	swait.ge [sflag:s29], $0x3E80  }
0xb2: {  	[sflag:s29] =	ssyncset.done $0x0  }
0xb3: {  	s12 =	simm.s32 $0x1980;
	[sflag:s29] =	ssyncadd.s32 $0xFFFFC180  }
0xb4: {  	[spmem:s2] =	stream.indirect.scatter.add.f32 [tilespmem:s22], [sflag:$0x3], $0x80, s12, s20, $0xb8;
	[tilespmem:$0x1E080] =	vst v63  }
0xb5: {  	_ =	swait.ge [sflag:s18], $0x3E80  }
0xb6: {  	[sflag:s18] =	ssyncset.done $0x0  }
0xb7: {  	s12 =	simm.s32 $0x680;
	[sflag:s18] =	ssyncadd.s32 $0xFFFFC180  }
0xb8: {  	[tilespmem:s22], [sflag:$0x2] =	stream.indirect.gather [hbm4b:s1+s20], $0x80, s12, s20, $0xb8;
	[tilespmem:$0x1E080] =	vst v63  }
0xb9: {  	_ =	swait.ge [sflag:s26], $0x3E80  }
0xba: {  	[sflag:s26] =	ssyncset.done $0x0  }
0xbb: {  	s12 =	simm.s32 $0x1A00;
	[sflag:s26] =	ssyncadd.s32 $0xFFFFC180  }
0xbc: {  	[spmem:s2] =	stream.indirect.scatter.add.f32 [tilespmem:s17], [sflag:$0x3], $0x80, s12, s20, $0xb8;
	[tilespmem:$0x1E080] =	vst v63  }
0xbd: {  	_ =	swait.ge [sflag:s18], $0x3E80  }
0xbe: {  	[sflag:s18] =	ssyncset.done $0x0  }
0xbf: {  	s12 =	simm.s32 $0x700;
	[sflag:s18] =	ssyncadd.s32 $0xFFFFC180  }
0xc0: {  	[tilespmem:s17], [sflag:$0x1] =	stream.indirect.gather [hbm4b:s1+s20], $0x80, s12, s20, $0xb8;
	[tilespmem:$0x1E080] =	vst v63  }
0xc1: {  	_ =	swait.ge [sflag:s29], $0x3E80  }
0xc2: {  	[sflag:s29] =	ssyncset.done $0x0  }
0xc3: {  	s12 =	simm.s32 $0x1A80;
	[sflag:s29] =	ssyncadd.s32 $0xFFFFC180  }
0xc4: {  	[spmem:s2] =	stream.indirect.scatter.add.f32 [tilespmem:s22], [sflag:$0x3], $0x80, s12, s20, $0xb8;
	[tilespmem:$0x1E080] =	vst v63  }
0xc5: {  	_ =	swait.ge [sflag:s18], $0x3E80  }
0xc6: {  	[sflag:s18] =	ssyncset.done $0x0  }
0xc7: {  	s12 =	simm.s32 $0x780;
	[sflag:s18] =	ssyncadd.s32 $0xFFFFC180  }
0xc8: {  	[tilespmem:s22], [sflag:$0x2] =	stream.indirect.gather [hbm4b:s1+s20], $0x80, s12, s20, $0xb8;
	[tilespmem:$0x1E080] =	vst v63  }
0xc9: {  	_ =	swait.ge [sflag:s26], $0x3E80  }
0xca: {  	[sflag:s26] =	ssyncset.done $0x0  }
0xcb: {  	s12 =	simm.s32 $0x1B00;
	[sflag:s26] =	ssyncadd.s32 $0xFFFFC180  }
0xcc: {  	[spmem:s2] =	stream.indirect.scatter.add.f32 [tilespmem:s17], [sflag:$0x3], $0x80, s12, s20, $0xb8;
	[tilespmem:$0x1E080] =	vst v63  }
0xcd: {  	_ =	swait.ge [sflag:s18], $0x3E80  }
0xce: {  	[sflag:s18] =	ssyncset.done $0x0  }
0xcf: {  	s12 =	simm.s32 $0x800;
	[sflag:s18] =	ssyncadd.s32 $0xFFFFC180  }
0xd0: {  	[tilespmem:s17], [sflag:$0x1] =	stream.indirect.gather [hbm4b:s1+s20], $0x80, s12, s20, $0xb8;
	[tilespmem:$0x1E080] =	vst v63  }
0xd1: {  	_ =	swait.ge [sflag:s29], $0x3E80  }
0xd2: {  	[sflag:s29] =	ssyncset.done $0x0  }
0xd3: {  	s12 =	simm.s32 $0x1B80;
	[sflag:s29] =	ssyncadd.s32 $0xFFFFC180  }
0xd4: {  	[spmem:s2] =	stream.indirect.scatter.add.f32 [tilespmem:s22], [sflag:$0x3], $0x80, s12, s20, $0xb8;
	[tilespmem:$0x1E080] =	vst v63  }
0xd5: {  	_ =	swait.ge [sflag:s18], $0x3E80  }
0xd6: {  	[sflag:s18] =	ssyncset.done $0x0  }
0xd7: {  	s12 =	simm.s32 $0x880;
	[sflag:s18] =	ssyncadd.s32 $0xFFFFC180  }
0xd8: {  	[tilespmem:s22], [sflag:$0x2] =	stream.indirect.gather [hbm4b:s1+s20], $0x80, s12, s20, $0xb8;
	[tilespmem:$0x1E080] =	vst v63  }
0xd9: {  	_ =	swait.ge [sflag:s26], $0x3E80  }
0xda: {  	[sflag:s26] =	ssyncset.done $0x0  }
0xdb: {  	s12 =	simm.s32 $0x1C00;
	[sflag:s26] =	ssyncadd.s32 $0xFFFFC180  }
0xdc: {  	[spmem:s2] =	stream.indirect.scatter.add.f32 [tilespmem:s17], [sflag:$0x3], $0x80, s12, s20, $0xb8;
	[tilespmem:$0x1E080] =	vst v63  }
0xdd: {  	_ =	swait.ge [sflag:s18], $0x3E80  }
0xde: {  	[sflag:s18] =	ssyncset.done $0x0  }
0xdf: {  	s12 =	simm.s32 $0x900;
	[sflag:s18] =	ssyncadd.s32 $0xFFFFC180  }
0xe0: {  	[tilespmem:s17], [sflag:$0x1] =	stream.indirect.gather [hbm4b:s1+s20], $0x80, s12, s20, $0xb8;
	[tilespmem:$0x1E080] =	vst v63  }
0xe1: {  	_ =	swait.ge [sflag:s29], $0x3E80  }
0xe2: {  	[sflag:s29] =	ssyncset.done $0x0  }
0xe3: {  	s12 =	simm.s32 $0x1C80;
	[sflag:s29] =	ssyncadd.s32 $0xFFFFC180  }
0xe4: {  	[spmem:s2] =	stream.indirect.scatter.add.f32 [tilespmem:s22], [sflag:$0x3], $0x80, s12, s20, $0xb8;
	[tilespmem:$0x1E080] =	vst v63  }
0xe5: {  	_ =	swait.ge [sflag:s18], $0x3E80  }
0xe6: {  	[sflag:s18] =	ssyncset.done $0x0  }
0xe7: {  	s12 =	simm.s32 $0x980;
	[sflag:s18] =	ssyncadd.s32 $0xFFFFC180  }
0xe8: {  	[tilespmem:s22], [sflag:$0x2] =	stream.indirect.gather [hbm4b:s1+s20], $0x80, s12, s20, $0xb8;
	[tilespmem:$0x1E080] =	vst v63  }
0xe9: {  	_ =	swait.ge [sflag:s26], $0x3E80  }
0xea: {  	[sflag:s26] =	ssyncset.done $0x0  }
0xeb: {  	s12 =	simm.s32 $0x1D00;
	[sflag:s26] =	ssyncadd.s32 $0xFFFFC180  }
0xec: {  	[spmem:s2] =	stream.indirect.scatter.add.f32 [tilespmem:s17], [sflag:$0x3], $0x80, s12, s20, $0xb8;
	[tilespmem:$0x1E080] =	vst v63  }
0xed: {  	_ =	swait.ge [sflag:s18], $0x3E80  }
0xee: {  	[sflag:s18] =	ssyncset.done $0x0  }
0xef: {  	s12 =	simm.s32 $0xA00;
	[sflag:s18] =	ssyncadd.s32 $0xFFFFC180  }
0xf0: {  	[tilespmem:s17], [sflag:$0x1] =	stream.indirect.gather [hbm4b:s1+s20], $0x80, s12, s20, $0xb8;
	[tilespmem:$0x1E080] =	vst v63  }
0xf1: {  	_ =	swait.ge [sflag:s29], $0x3E80  }
0xf2: {  	[sflag:s29] =	ssyncset.done $0x0  }
0xf3: {  	s12 =	simm.s32 $0x1D80;
	[sflag:s29] =	ssyncadd.s32 $0xFFFFC180  }
0xf4: {  	[spmem:s2] =	stream.indirect.scatter.add.f32 [tilespmem:s22], [sflag:$0x3], $0x80, s12, s20, $0xb8;
	[tilespmem:$0x1E080] =	vst v63  }
0xf5: {  	_ =	swait.ge [sflag:s18], $0x3E80  }
0xf6: {  	[sflag:s18] =	ssyncset.done $0x0  }
0xf7: {  	s12 =	simm.s32 $0xA80;
	[sflag:s18] =	ssyncadd.s32 $0xFFFFC180  }
0xf8: {  	[tilespmem:s22], [sflag:$0x2] =	stream.indirect.gather [hbm4b:s1+s20], $0x80, s12, s20, $0xb8;
	[tilespmem:$0x1E080] =	vst v63  }
0xf9: {  	_ =	swait.ge [sflag:s26], $0x3E80  }
0xfa: {  	[sflag:s26] =	ssyncset.done $0x0  }
0xfb: {  	s12 =	simm.s32 $0x1E00;
	[sflag:s26] =	ssyncadd.s32 $0xFFFFC180  }
0xfc: {  	[spmem:s2] =	stream.indirect.scatter.add.f32 [tilespmem:s17], [sflag:$0x3], $0x80, s12, s20, $0xb8;
	[tilespmem:$0x1E080] =	vst v63  }
0xfd: {  	_ =	swait.ge [sflag:s18], $0x3E80  }
0xfe: {  	[sflag:s18] =	ssyncset.done $0x0  }
0xff: {  	s12 =	simm.s32 $0xB00;
	[sflag:s18] =	ssyncadd.s32 $0xFFFFC180  }
0x100: {  	[tilespmem:s17], [sflag:$0x1] =	stream.indirect.gather [hbm4b:s1+s20], $0x80, s12, s20, $0xb8;
	[tilespmem:$0x1E080] =	vst v63  }
0x101: {  	_ =	swait.ge [sflag:s29], $0x3E80  }
0x102: {  	[sflag:s29] =	ssyncset.done $0x0  }
0x103: {  	s12 =	simm.s32 $0x1E80;
	[sflag:s29] =	ssyncadd.s32 $0xFFFFC180  }
0x104: {  	[spmem:s2] =	stream.indirect.scatter.add.f32 [tilespmem:s22], [sflag:$0x3], $0x80, s12, s20, $0xb8;
	[tilespmem:$0x1E080] =	vst v63  }
0x105: {  	_ =	swait.ge [sflag:s18], $0x3E80  }
0x106: {  	[sflag:s18] =	ssyncset.done $0x0  }
0x107: {  	s12 =	simm.s32 $0xB80;
	[sflag:s18] =	ssyncadd.s32 $0xFFFFC180  }
0x108: {  	[tilespmem:s22], [sflag:$0x2] =	stream.indirect.gather [hbm4b:s1+s20], $0x80, s12, s20, $0xb8;
	[tilespmem:$0x1E080] =	vst v63  }
0x109: {  	_ =	swait.ge [sflag:s26], $0x3E80  }
0x10a: {  	[sflag:s26] =	ssyncset.done $0x0  }
0x10b: {  	s12 =	simm.s32 $0x1F00;
	[sflag:s26] =	ssyncadd.s32 $0xFFFFC180  }
0x10c: {  	[spmem:s2] =	stream.indirect.scatter.add.f32 [tilespmem:s17], [sflag:$0x3], $0x80, s12, s20, $0xb8;
	[tilespmem:$0x1E080] =	vst v63  }
0x10d: {  	_ =	swait.ge [sflag:s18], $0x3E80  }
0x10e: {  	[sflag:s18] =	ssyncset.done $0x0  }
0x10f: {  	s12 =	simm.s32 $0xC00;
	[sflag:s18] =	ssyncadd.s32 $0xFFFFC180  }
0x110: {  	[tilespmem:s17], [sflag:$0x1] =	stream.indirect.gather [hbm4b:s1+s20], $0x80, s12, s20, $0xb8;
	[tilespmem:$0x1E080] =	vst v63  }
0x111: {  	_ =	swait.ge [sflag:s29], $0x3E80  }
0x112: {  	[sflag:s29] =	ssyncset.done $0x0  }
0x113: {  	s12 =	simm.s32 $0x1F80;
	[sflag:s29] =	ssyncadd.s32 $0xFFFFC180  }
0x114: {  	[spmem:s2] =	stream.indirect.scatter.add.f32 [tilespmem:s22], [sflag:$0x3], $0x80, s12, s20, $0xb8;
	[tilespmem:$0x1E080] =	vst v63  }
0x115: {  	_ =	swait.ge [sflag:s18], $0x3E80  }
0x116: {  	[sflag:s18] =	ssyncset.done $0x0  }
0x117: {  	s12 =	simm.s32 $0xC80;
	[sflag:s18] =	ssyncadd.s32 $0xFFFFC180  }
0x118: {  	[tilespmem:s22], [sflag:$0x2] =	stream.indirect.gather [hbm4b:s1+s20], $0x80, s12, s20, $0xb8;
	[tilespmem:$0x1E080] =	vst v63  }
0x119: {  	_ =	swait.ge [sflag:s26], $0x3E80  }
0x11a: {  	[sflag:s26] =	ssyncset.done $0x0  }
0x11b: {  	s12 =	simm.s32 $0x2000;
	[sflag:s26] =	ssyncadd.s32 $0xFFFFC180  }
0x11c: {  	[spmem:s2] =	stream.indirect.scatter.add.f32 [tilespmem:s17], [sflag:$0x3], $0x80, s12, s20, $0xb8;
	[tilespmem:$0x1E080] =	vst v63  }
0x11d: {  	_ =	swait.ge [sflag:s18], $0x3E80  }
0x11e: {  	[sflag:s18] =	ssyncset.done $0x0  }
0x11f: {  	s12 =	simm.s32 $0xD00;
	[sflag:s18] =	ssyncadd.s32 $0xFFFFC180  }
0x120: {  	[tilespmem:s17], [sflag:$0x1] =	stream.indirect.gather [hbm4b:s1+s20], $0x80, s12, s20, $0xb8;
	[tilespmem:$0x1E080] =	vst v63  }
0x121: {  	_ =	swait.ge [sflag:s29], $0x3E80  }
0x122: {  	[sflag:s29] =	ssyncset.done $0x0  }
0x123: {  	s12 =	simm.s32 $0x2080;
	[sflag:s29] =	ssyncadd.s32 $0xFFFFC180  }
0x124: {  	[spmem:s2] =	stream.indirect.scatter.add.f32 [tilespmem:s22], [sflag:$0x3], $0x80, s12, s20, $0xb8;
	[tilespmem:$0x1E080] =	vst v63  }
0x125: {  	_ =	swait.ge [sflag:s18], $0x3E80  }
0x126: {  	[sflag:s18] =	ssyncset.done $0x0  }
0x127: {  	s12 =	simm.s32 $0xD80;
	[sflag:s18] =	ssyncadd.s32 $0xFFFFC180  }
0x128: {  	[tilespmem:s22], [sflag:$0x2] =	stream.indirect.gather [hbm4b:s1+s20], $0x80, s12, s20, $0xb8;
	[tilespmem:$0x1E080] =	vst v63  }
0x129: {  	_ =	swait.ge [sflag:s26], $0x3E80  }
0x12a: {  	[sflag:s26] =	ssyncset.done $0x0  }
0x12b: {  	s12 =	simm.s32 $0x2100;
	[sflag:s26] =	ssyncadd.s32 $0xFFFFC180  }
0x12c: {  	[spmem:s2] =	stream.indirect.scatter.add.f32 [tilespmem:s17], [sflag:$0x3], $0x80, s12, s20, $0xb8;
	[tilespmem:$0x1E080] =	vst v63  }
0x12d: {  	_ =	swait.ge [sflag:s18], $0x3E80  }
0x12e: {  	[sflag:s18] =	ssyncset.done $0x0  }
0x12f: {  	s12 =	simm.s32 $0xE00;
	[sflag:s18] =	ssyncadd.s32 $0xFFFFC180  }
0x130: {  	[tilespmem:s17], [sflag:$0x1] =	stream.indirect.gather [hbm4b:s1+s20], $0x80, s12, s20, $0xb8;
	[tilespmem:$0x1E080] =	vst v63  }
0x131: {  	_ =	swait.ge [sflag:s29], $0x3E80  }
0x132: {  	[sflag:s29] =	ssyncset.done $0x0  }
0x133: {  	s12 =	simm.s32 $0x2180;
	[sflag:s29] =	ssyncadd.s32 $0xFFFFC180  }
0x134: {  	[spmem:s2] =	stream.indirect.scatter.add.f32 [tilespmem:s22], [sflag:$0x3], $0x80, s12, s20, $0xb8;
	[tilespmem:$0x1E080] =	vst v63  }
0x135: {  	_ =	swait.ge [sflag:s18], $0x3E80  }
0x136: {  	[sflag:s18] =	ssyncset.done $0x0  }
0x137: {  	s12 =	simm.s32 $0xE80;
	[sflag:s18] =	ssyncadd.s32 $0xFFFFC180  }
0x138: {  	[tilespmem:s22], [sflag:$0x2] =	stream.indirect.gather [hbm4b:s1+s20], $0x80, s12, s20, $0xb8;
	[tilespmem:$0x1E080] =	vst v63  }
0x139: {  	_ =	swait.ge [sflag:s26], $0x3E80  }
0x13a: {  	[sflag:s26] =	ssyncset.done $0x0  }
0x13b: {  	s12 =	simm.s32 $0x2200;
	[sflag:s26] =	ssyncadd.s32 $0xFFFFC180  }
0x13c: {  	[spmem:s2] =	stream.indirect.scatter.add.f32 [tilespmem:s17], [sflag:$0x3], $0x80, s12, s20, $0xb8;
	[tilespmem:$0x1E080] =	vst v63  }
0x13d: {  	_ =	swait.ge [sflag:s18], $0x3E80  }
0x13e: {  	[sflag:s18] =	ssyncset.done $0x0  }
0x13f: {  	s12 =	simm.s32 $0xF00;
	[sflag:s18] =	ssyncadd.s32 $0xFFFFC180  }
0x140: {  	[tilespmem:s17], [sflag:$0x1] =	stream.indirect.gather [hbm4b:s1+s20], $0x80, s12, s20, $0xb8;
	[tilespmem:$0x1E080] =	vst v63  }
0x141: {  	_ =	swait.ge [sflag:s29], $0x3E80  }
0x142: {  	[sflag:s29] =	ssyncset.done $0x0  }
0x143: {  	s12 =	simm.s32 $0x2280;
	[sflag:s29] =	ssyncadd.s32 $0xFFFFC180  }
0x144: {  	[spmem:s2] =	stream.indirect.scatter.add.f32 [tilespmem:s22], [sflag:$0x3], $0x80, s12, s20, $0xb8;
	[tilespmem:$0x1E080] =	vst v63  }
0x145: {  	_ =	swait.ge [sflag:s18], $0x3E80  }
0x146: {  	[sflag:s18] =	ssyncset.done $0x0  }
0x147: {  	s12 =	simm.s32 $0xF80;
	[sflag:s18] =	ssyncadd.s32 $0xFFFFC180  }
0x148: {  	[tilespmem:s22], [sflag:$0x2] =	stream.indirect.gather [hbm4b:s1+s20], $0x80, s12, s20, $0xb8;
	[tilespmem:$0x1E080] =	vst v63  }
0x149: {  	_ =	swait.ge [sflag:s26], $0x3E80  }
0x14a: {  	[sflag:s26] =	ssyncset.done $0x0  }
0x14b: {  	s12 =	simm.s32 $0x2300;
	[sflag:s26] =	ssyncadd.s32 $0xFFFFC180  }
0x14c: {  	[spmem:s2] =	stream.indirect.scatter.add.f32 [tilespmem:s17], [sflag:$0x3], $0x80, s12, s20, $0xb8;
	[tilespmem:$0x1E080] =	vst v63  }
0x14d: {  	_ =	swait.ge [sflag:s18], $0x3E80  }
0x14e: {  	[sflag:s18] =	ssyncset.done $0x0  }
0x14f: {  	s12 =	simm.s32 $0x1000;
	[sflag:s18] =	ssyncadd.s32 $0xFFFFC180  }
0x150: {  	[tilespmem:s17], [sflag:$0x1] =	stream.indirect.gather [hbm4b:s1+s20], $0x80, s12, s20, $0xb8;
	[tilespmem:$0x1E080] =	vst v63  }
0x151: {  	_ =	swait.ge [sflag:s29], $0x3E80  }
0x152: {  	[sflag:s29] =	ssyncset.done $0x0  }
0x153: {  	s12 =	simm.s32 $0x2380;
	[sflag:s29] =	ssyncadd.s32 $0xFFFFC180  }
0x154: {  	[spmem:s2] =	stream.indirect.scatter.add.f32 [tilespmem:s22], [sflag:$0x3], $0x80, s12, s20, $0xb8;
	[tilespmem:$0x1E080] =	vst v63  }
0x155: {  	_ =	swait.ge [sflag:s18], $0x3E80  }
0x156: {  	[sflag:s18] =	ssyncset.done $0x0  }
0x157: {  	[sflag:s18] =	ssyncadd.s32 $0xFFFFC180  }
0x158: {  	[tilespmem:s22], [sflag:$0x2] =	stream.indirect.gather [hbm4b:s1+s20], $0x80, s24, s20, $0xb8;
	[tilespmem:$0x1E080] =	vst v63  }
0x159: {  	_ =	swait.ge [sflag:s26], $0x3E80  }
0x15a: {  	[sflag:s26] =	ssyncset.done $0x0  }
0x15b: {  	[sflag:s26] =	ssyncadd.s32 $0xFFFFC180  }
0x15c: {  	[spmem:s2] =	stream.indirect.scatter.add.f32 [tilespmem:s17], [sflag:$0x3], $0x80, s25, s20, $0xb8;
	[tilespmem:$0x1E080] =	vst v63  }
0x15d: {  	_ =	swait.ge [sflag:s18], $0x3E80  }
0x15e: {  	[sflag:s18] =	ssyncset.done $0x0  }
0x15f: {  	[sflag:s18] =	ssyncadd.s32 $0xFFFFC180  }
0x160: {  	[tilespmem:s17], [sflag:$0x1] =	stream.indirect.gather [hbm4b:s1+s20], $0x80, s9, s20, $0xb8;
	[tilespmem:$0x1E080] =	vst v63  }
0x161: {  	_ =	swait.ge [sflag:s29], $0x3E80  }
0x162: {  	[sflag:s29] =	ssyncset.done $0x0  }
0x163: {  	[sflag:s29] =	ssyncadd.s32 $0xFFFFC180  }
0x164: {  	[spmem:s2] =	stream.indirect.scatter.add.f32 [tilespmem:s22], [sflag:$0x3], $0x80, s7, s20, $0xb8;
	[tilespmem:$0x1E080] =	vst v63  }
0x165: {  	_ =	swait.ge [sflag:s18], $0x3E80  }
0x166: {  	[sflag:s18] =	ssyncset.done $0x0  }
0x167: {  	[sflag:s18] =	ssyncadd.s32 $0xFFFFC180  }
0x168: {  	[tilespmem:s22], [sflag:$0x2] =	stream.indirect.gather [hbm4b:s1+s20], $0x80, s13, s20, $0xb8;
	[tilespmem:$0x1E080] =	vst v63  }
0x169: {  	_ =	swait.ge [sflag:s26], $0x3E80  }
0x16a: {  	[sflag:s26] =	ssyncset.done $0x0  }
0x16b: {  	[sflag:s26] =	ssyncadd.s32 $0xFFFFC180  }
0x16c: {  	[spmem:s2] =	stream.indirect.scatter.add.f32 [tilespmem:s17], [sflag:$0x3], $0x80, s15, s20, $0xb8;
	[tilespmem:$0x1E080] =	vst v63  }
0x16d: {  	_ =	swait.ge [sflag:s18], $0x3E80  }
0x16e: {  	[sflag:s18] =	ssyncset.done $0x0  }
0x16f: {  	[sflag:s18] =	ssyncadd.s32 $0xFFFFC180  }
0x170: {  	[tilespmem:s17], [sflag:$0x1] =	stream.indirect.gather [hbm4b:s1+s20], $0x80, s11, s20, $0xb8;
	[tilespmem:$0x1E080] =	vst v63  }
0x171: {  	_ =	swait.ge [sflag:s29], $0x3E80  }
0x172: {  	[sflag:s29] =	ssyncset.done $0x0  }
0x173: {  	[sflag:s29] =	ssyncadd.s32 $0xFFFFC180  }
0x174: {  	[spmem:s2] =	stream.indirect.scatter.add.f32 [tilespmem:s22], [sflag:$0x3], $0x80, s21, s20, $0xb8;
	[tilespmem:$0x1E080] =	vst v63  }
0x175: {  	_ =	swait.ge [sflag:s18], $0x3E80  }
0x176: {  	[sflag:s18] =	ssyncset.done $0x0  }
0x177: {  	[sflag:s18] =	ssyncadd.s32 $0xFFFFC180  }
0x178: {  	[tilespmem:s22], [sflag:$0x2] =	stream.indirect.gather [hbm4b:s1+s20], $0x80, s28, s20, $0xb8;
	[tilespmem:$0x1E080] =	vst v63  }
0x179: {  	_ =	swait.ge [sflag:s26], $0x3E80  }
0x17a: {  	[sflag:s26] =	ssyncset.done $0x0  }
0x17b: {  	[sflag:s26] =	ssyncadd.s32 $0xFFFFC180  }
0x17c: {  	[spmem:s2] =	stream.indirect.scatter.add.f32 [tilespmem:s17], [sflag:$0x3], $0x80, s30, s20, $0xb8;
	[tilespmem:$0x1E080] =	vst v63  }
0x17d: {  	_ =	swait.ge [sflag:s18], $0x3E80  }
0x17e: {  	[sflag:s18] =	ssyncset.done $0x0  }
0x17f: {  	[sflag:s18] =	ssyncadd.s32 $0xFFFFC180  }
0x180: {  	[tilespmem:s17], [sflag:$0x1] =	stream.indirect.gather [hbm4b:s1+s20], $0x80, s31, s20, $0xb8;
	[tilespmem:$0x1E080] =	vst v63  }
0x181: {  	_ =	swait.ge [sflag:s29], $0x3E80  }
0x182: {  	[sflag:s29] =	ssyncset.done $0x0  }
0x183: {  	[sflag:s29] =	ssyncadd.s32 $0xFFFFC180  }
0x184: {  	[spmem:s2] =	stream.indirect.scatter.add.f32 [tilespmem:s22], [sflag:$0x3], $0x80, s0, s20, $0xb8;
	[tilespmem:$0x1E080] =	vst v63  }
0x185: {  	_ =	swait.ge [sflag:s18], $0x3E80  }
0x186: {  	[sflag:s18] =	ssyncset.done $0x0  }
0x187: {  	[sflag:s18] =	ssyncadd.s32 $0xFFFFC180  }
0x188: {  	[tilespmem:s22], [sflag:$0x2] =	stream.indirect.gather [hbm4b:s1+s20], $0x80, s4, s20, $0xb8;
	[tilespmem:$0x1E080] =	vst v63  }
0x189: {  	_ =	swait.ge [sflag:s26], $0x3E80  }
0x18a: {  	[sflag:s26] =	ssyncset.done $0x0  }
0x18b: {  	[sflag:s26] =	ssyncadd.s32 $0xFFFFC180  }
0x18c: {  	[spmem:s2] =	stream.indirect.scatter.add.f32 [tilespmem:s17], [sflag:$0x3], $0x80, s16, s20, $0xb8;
	[tilespmem:$0x1E080] =	vst v63  }
0x18d: {  	_ =	swait.ge [sflag:s18], $0x3E80  }
0x18e: {  	[sflag:s18] =	ssyncset.done $0x0  }
0x18f: {  	[sflag:s18] =	ssyncadd.s32 $0xFFFFC180  }
0x190: {  	_ =	swait.ge [sflag:s29], $0x3E80  }
0x191: {  	p2 =	por p1, p1;
	[sflag:s29] =	ssyncset.done $0x0  }
.Ltmp1:
0x192: {  	[sflag:s29] =	ssyncadd.s32 $0xFFFFC180;
	(pc) =	sbr.rel @p2 .LBB2_4-.Ltmp1, $4  }
0x193: {  	[spmem:s2] =	stream.indirect.scatter.add.f32 [tilespmem:s22], [sflag:$0x3], $0x80, s23, s20, $0xb8;
	[tilespmem:$0x1E080] =	vst v63  }
0x194: {  	_ =	swait.ge [sflag:s18], $0x3E80  }
0x195: {  	[sflag:s18] =	ssyncset.done $0x0  }
0x196: {  	p1 =	por $0x0, $0x0;
	s10 =	simm.s32 $0x28;
	[sflag:s18] =	ssyncadd.s32 $0xFFFFC180  }
0x197: {  	s10 =	stileid.u32;
	[bflag:$0x0] =	sbarrier.arrive $0xFFFF  }
0x198: {  	s10 =	sshll.u32 s10, $0x6;
	s12 =	rddreg [dreg:$0x7]  }
0x199: {  	s14 =	rddreg [dreg:$0xd];
	s10 =	sor.u32 $0x1C03, s10;
	s12 =	sshrl.u32 s12, $0x3  }
0x19a: {  	[hbm:s14], [sflag:s10] =	dma.local [spmem:s12], $0xD00  }
0x19b: {  	_ =	swait.ge [sflag:s18], $0xD00  }
0x19c: {  	[sflag:s18] =	ssyncset.done $0x0;
	s14 =	rddreg [dreg:$0x9]  }
0x19d: {  	s0 =	rddreg [dreg:$0xe];
	[sflag:s18] =	ssyncadd.s32 $0xFFFFF300;
	s12 =	sshrl.u32 s14, $0x3  }
0x19e: {  	[hbm:s0], [sflag:s10] =	dma.local [spmem:s12], $0xD00  }
0x19f: {  	_ =	swait.ge [sflag:s18], $0xD00  }
0x1a0: {  	[sflag:s18] =	ssyncset.done $0x0;
	s14 =	rddreg [dreg:$0xb]  }
0x1a1: {  	s0 =	rddreg [dreg:$0xf];
	[sflag:s18] =	ssyncadd.s32 $0xFFFFF300;
	s12 =	sshrl.u32 s14, $0x3  }
0x1a2: {  	[hbm:s0], [sflag:s10] =	dma.local [spmem:s12], $0xD00  }
0x1a3: {  	_ =	swait.ge [sflag:s18], $0xD00  }
0x1a4: {  	s10 =	rddreg [dreg:$0x5]  }
0x1a5: {  	s14 =	simm.s32 @!p0 $0x1FC3;
	[sflag:s18] =	ssyncset.done $0x0;
	s12 =	rddreg [dreg:$0x4]  }
0x1a6: {  	[sflag:s18] =	ssyncadd.s32 $0xFFFFF300;
	s10 =	sadd.s32 @!p0 $0x27000, s10;
	s12 =	sshrl.u32 @!p0 s12, $0x3  }
0x1a7: {  	[hbm:s10], [sflag:s14] =	dma.local @!p0 [spmem:s12], $0x100  }
0x1a8: {  	s10 =	simm.s32 @!p0 $0x3  }
0x1a9: {  	_ =	swait.ge @!p0 [sflag:s10], $0x100  }
0x1aa: {  	s0 =	rddreg [dreg:$0x10]  }
0x1ab: {  	s12 =	rddreg [dreg:$0x6];
	s0 =	sadd.s32 $0x1, s0  }
0x1ac: {  	p1 =	sne.s32 s0, s12  }
.Ltmp2:
0x1ad: {  	_ = 	snop;
	(pc) =	sbr.rel @p1 .LBB2_1-.Ltmp2, $3  }
0x1ae: {  	_ =	sdelay $0x1  }
0x1af: {  	[sflag:s10] =	ssyncset.done @!p0 $0x0  }
0x1b0: {  	s14 =	simm.s32 $0x80;
	[sflag:s10] =	ssyncadd.s32 @!p0 $0xFFFFFF00  }
0x1b1: {  	_ =	sfence.sel $0x180000  }
0x1b2: {  	[bflag:$0x0] =	sbarrier.arrive $0xFFFF  }
0x1b3: {  	_ =	strace $0x9000004D  }
0x1b4: {  	s0 =	stileid.u32;
	[bflag:$0x2] =	sbarrier.arrive $0xFFFF  }
0x1b5: {  	p0 =	sne.s32 s0, $0x0;
	s0 =	rddreg [dreg:$0x3]  }
0x1b6: {  	s0 =	sadd.s32 @!p0 $0x100000, s0  }
0x1b7: {  	[sflag:s0] =	ssyncadd.tile.s32 @!p0 $0x1;
	_ =	shalt  }
.Lfunc_end2:
_tile_overlayer_lowered:
.L_overlay_start_2:
0x1b8: {  	(tag) =	ssettag $0x2  }
0x1b9: {  	s0 =	rddreg [dreg:$0x0];
	s2 =	stileid.u32  }
0x1ba: {  	s1 =	rddreg [dreg:$0x1];
	p0 =	sne.s32 s2, $0x0  }
0x1bb: {  	s3 =	rddreg [dreg:$0x2];
	[bflag:$0x3] =	sbarrier.arrive $0xFFFF;
	s2 =	simm.s32 @!p0 $0x1C03  }
0x1bc: {  	[timem:s3], [sflag:s2] =	dma.local @!p0 [hbm:s0], s1  }
0x1bd: {  	s0 =	simm.s32 @!p0 $0x3  }
0x1be: {  	_ =	swait.ge @!p0 [sflag:s0], s1  }
0x1bf: {  	s1 =	ssub.s32 @!p0 $0x0, s1;
	[sflag:s0] =	ssyncset.done @!p0 $0x0  }
0x1c0: {  	[sflag:s0] =	ssyncadd.s32 @!p0 s1  }
0x1c1: {  	[bflag:$0x3] =	sbarrier.arrive $0xFFFF  }
0x1c2: {  	_ =	shalt  }

// kernel: kernel.7.cloned.1.call-start
scs
__scs_entry_jumppad:
0x0: {  	(pc) =	sbr.rel $0x88, $3  }
0x1: {  	(tag) =	ssettag $0x0;
	lr =	simm.s32 $0x1  }
0x2: {  	[smem:$0x3F97] =	sst lr;
	_ =	strace $0xD0000000  }
0x3: {  	_ = 	snop  }
0x4: {  	_ = 	snop  }
0x5: {  	_ = 	snop  }
0x6: {  	_ = 	snop  }
0x7: {  	_ = 	snop  }
__scs_overlays_trampoline_lowered:
0x8: {  	[smem:$0x3FA6] =	sst s0  }
0x9: {  	[smem:$0x3FA7] =	sst s1  }
0xa: {  	[smem:$0x3FA8] =	sst s2  }
0xb: {  	[smem:$0x3FA9] =	sst s3  }
0xc: {  	[smem:$0x3FAA] =	sst s4  }
0xd: {  	[smem:$0x3FAB] =	sst s5  }
0xe: {  	[smem:$0x3FAC] =	sst s6  }
0xf: {  	[smem:$0x3FAD] =	sst s7  }
0x10: {  	[smem:$0x3FAE] =	sst s8  }
0x11: {  	[smem:$0x3FAF] =	sst s9;
	s0 =	simm.s32 @!p0 $0x0  }
0x12: {  	s1 =	sld [smem:$0x3F95];
	s0 =	simm.s32 @p0 $0x1  }
0x13: {  	[smem:$0x3FB0] =	sst s0;
	s0 =	simm.s32 @!p1 $0x0  }
0x14: {  	s2 =	sld [smem:$0x3F94];
	s0 =	simm.s32 @p1 $0x1  }
0x15: {  	[smem:$0x3FB1] =	sst s0;
	s0 =	simm.s32 @!p2 $0x0  }
0x16: {  	s3 =	sld [smem:$0x3FDB];
	s0 =	simm.s32 @p2 $0x1  }
0x17: {  	s4 =	simm.s32 $0x1BF5;
	[smem:$0x3FB3] =	sst s0  }
0x18: {  	s0 =	sld [smem:$0x3F96];
	_ =	swait.ge [sflag:s4], $0x0  }
0x19: {  	s7 =	sld [smem:$0x3F97]  }
0x1a: {  	s8 =	sadd.s32 $0xFFFFE003, lr  }
0x1b: {  	s9 =	sadd.s32 $0xFFFFFEF7, lr;
	s5 =	simm.s32 $0xFFFFFFFF;
	p2 =	slt.u32 s8, $0xFFFFF086  }
0x1c: {  	p1 =	slt.u32 s9, $0xF7A;
	s5 =	simm.s32 @!p2 $0x0  }
0x1d: {  	s5 =	simm.s32 @p1 $0x1;
	p0 =	seq.s32 s7, s2  }
0x1e: {  	s7 =	smul.u32 @!p0 $0xF7A, s2;
	p2 =	seq.s32 @!p0 s5, $0x0  }
0x1f: {  	s9 =	smul.u32 $0xF7A, s1;
	s8 =	simm.s32 @!p0 $0x1BF5;
	p2 =	por !p2, p0  }
0x20: {  	[sflag:s8] =	ssyncset.s32 @!p0 $0xFFFFF086;
	s6 =	sadd.s32 @!p0 s3, s7;
	s7 =	simm.s32 @!p0 $0x108  }
0x21: {  	s3 =	sadd.s32 s3, s9;
	s6 =	sadd.s32 @!p0 $0x88, s6;
	s7 =	simm.s32 @p2 $0x1082  }
0x22: {  	[simem:s7], [sflag:s8] =	dma.local @!p0 [hbm:s6], $0xF7A  }
0x23: {  	s9 =	sor.u32 $0xD0000000, s2;
	s6 =	simm.s32 $0x108;
	_ =	swait.ge @!p0 [sflag:s8], $0x0  }
0x24: {  	s3 =	sadd.s32 $0x88, s3;
	s6 =	simm.s32 @!p1 $0x1082;
	[sflag:s4] =	ssyncset.s32 $0xFFFFF086  }
0x25: {  	[simem:s6], [sflag:s4] =	dma.local [hbm:s3], $0xF7A  }
0x26: {  	[smem:$0x3F97] =	sst s1;
	(tag) =	ssettag s2;
	_ =	strace s9  }
0x27: {  	s1 =	sld [smem:$0x3FA7]  }
0x28: {  	s2 =	sld [smem:$0x3FA8]  }
0x29: {  	s4 =	sld [smem:$0x3FAA]  }
0x2a: {  	p0 =	seq.s32 s5, $0x0;
	s5 =	sld [smem:$0x3FAB]  }
0x2b: {  	s6 =	sld [smem:$0x3FAC]  }
0x2c: {  	s7 =	sld [smem:$0x3FAD]  }
0x2d: {  	s3 =	simm.s32 $0x108;
	s8 =	sld [smem:$0x3FAE]  }
0x2e: {  	s3 =	simm.s32 @!p0 $0x1082;
	s9 =	sld [smem:$0x3FAF]  }
0x2f: {  	lr =	sadd.s32 s0, s3;
	s0 =	sld [smem:$0x3FA6]  }
0x30: {  	s3 =	sld [smem:$0x3FA9]  }
0x31: {  	[smem:$0x3FB2] =	sst s10  }
0x32: {  	s10 =	sld [smem:$0x3FB0];
	_ =	sdelay $0x3  }
0x33: {  	p0 =	seq.s32 s10, $0x1;
	s10 =	sld [smem:$0x3FB2];
	_ =	sdelay $0x3  }
0x34: {  	[smem:$0x3FB2] =	sst s10  }
0x35: {  	s10 =	sld [smem:$0x3FB1];
	_ =	sdelay $0x3  }
0x36: {  	p1 =	seq.s32 s10, $0x1;
	s10 =	sld [smem:$0x3FB2];
	_ =	sdelay $0x3  }
0x37: {  	[smem:$0x3FB2] =	sst s10  }
0x38: {  	s10 =	sld [smem:$0x3FB3]  }
0x39: {  	_ = 	snop;
	(pc) =	sbr.ind lr, $3  }
0x3a: {  	_ = 	snop  }
0x3b: {  	_ = 	snop  }
0x3c: {  	p2 =	seq.s32 s10, $0x1;
	s10 =	sld [smem:$0x3FB2]  }
0x3d: {  	_ =	shalt  }
0x3e: {  	_ =	shalt  }
0x3f: {  	_ =	shalt  }
0x40: {  	_ =	shalt  }
0x41: {  	_ =	shalt  }
0x42: {  	_ =	shalt  }
0x43: {  	_ =	shalt  }
0x44: {  	_ =	shalt  }
0x45: {  	_ =	shalt  }
0x46: {  	_ =	shalt  }
0x47: {  	_ =	shalt  }
0x48: {  	_ =	shalt  }
0x49: {  	_ =	shalt  }
0x4a: {  	_ =	shalt  }
0x4b: {  	_ =	shalt  }
0x4c: {  	_ =	shalt  }
0x4d: {  	_ =	shalt  }
0x4e: {  	_ =	shalt  }
0x4f: {  	_ =	shalt  }
0x50: {  	_ =	shalt  }
0x51: {  	_ =	shalt  }
0x52: {  	_ =	shalt  }
0x53: {  	_ =	shalt  }
0x54: {  	_ =	shalt  }
0x55: {  	_ =	shalt  }
0x56: {  	_ =	shalt  }
0x57: {  	_ =	shalt  }
0x58: {  	_ =	shalt  }
0x59: {  	_ =	shalt  }
0x5a: {  	_ =	shalt  }
0x5b: {  	_ =	shalt  }
0x5c: {  	_ =	shalt  }
0x5d: {  	_ =	shalt  }
0x5e: {  	_ =	shalt  }
0x5f: {  	_ =	shalt  }
0x60: {  	_ =	shalt  }
0x61: {  	_ =	shalt  }
0x62: {  	_ =	shalt  }
0x63: {  	_ =	shalt  }
0x64: {  	_ =	shalt  }
0x65: {  	_ =	shalt  }
0x66: {  	_ =	shalt  }
0x67: {  	_ =	shalt  }
0x68: {  	_ =	shalt  }
0x69: {  	_ =	shalt  }
0x6a: {  	_ =	shalt  }
0x6b: {  	_ =	shalt  }
0x6c: {  	_ =	shalt  }
0x6d: {  	_ =	shalt  }
0x6e: {  	_ =	shalt  }
0x6f: {  	_ =	shalt  }
0x70: {  	_ =	shalt  }
0x71: {  	_ =	shalt  }
0x72: {  	_ =	shalt  }
0x73: {  	_ =	shalt  }
0x74: {  	_ =	shalt  }
0x75: {  	_ =	shalt  }
0x76: {  	_ =	shalt  }
0x77: {  	_ =	shalt  }
0x78: {  	_ =	shalt  }
0x79: {  	_ =	shalt  }
0x7a: {  	_ =	shalt  }
0x7b: {  	_ =	shalt  }
0x7c: {  	_ =	shalt  }
0x7d: {  	_ =	shalt  }
0x7e: {  	_ =	shalt  }
0x7f: {  	_ =	shalt  }
0x80: {  	_ =	shalt  }
0x81: {  	_ =	shalt  }
0x82: {  	_ =	shalt  }
0x83: {  	_ =	shalt  }
0x84: {  	_ =	shalt  }
0x85: {  	_ =	shalt  }
0x86: {  	_ =	shalt  }
0x87: {  	_ =	shalt  }
.Lfunc_end0:
.L_simem_size_0:
called_computation_lowered:
.L_overlay_start_0:
0x88: {  	s2 =	sld [smem:$0x3FD9]  }
0x89: {  	s3 =	sld [smem:$0x3FFE];
	_ =	sdelay $0x1  }
0x8a: {  	s1 =	srdreg.scid  }
0x8b: {  	s0 =	sand.u32 $0x1, s1  }
0x8c: {  	s17 =	sshll.u32 s0, $0xA;
	s2 =	sadd.s32 s3, s2  }
0x8d: {  	s2 =	sadd.s32 s2, s17  }
0x8e: {  	[smem:$0x3FBE] =	sst s2  }
0x8f: {  	_ = 	snop  }
0x90: {  	(tm) =	ssettm $0x1  }
0x91: {  	s18 =	sld [smem:$0x3FFB];
	_ =	sdelay $0x3  }
0x92: {  	_ =	strace s18  }
0x93: {  	s2 =	sld [smem:$0x3FFC];
	_ =	sdelay $0x3  }
0x94: {  	_ =	strace s2  }
0x95: {  	s2 =	sld [smem:$0x3FFD];
	_ =	sdelay $0x3  }
0x96: {  	_ =	strace s2  }
0x97: {  	_ =	strace $0x8FFFFFFF  }
0x98: {  	s19 =	sld [smem:$0x3FDB];
	_ =	sdelay $0x1  }
0x99: {  	s20 =	simm.s32 $_scs_section_size  }
0x9a: {  	s4 =	simm.s32 $_size__tile_overlayer_lowered;
	s5 =	simm.s32 $_tile_overlayer_lowered  }
0x9b: {  	s6 =	simm.s32 $0x1BFF;
	s21 =	sshll.u32 s5, $0x1;
	s3 =	sadd.s32 s20, s19  }
0x9c: {  	s22 =	simm.s32 $0x0;
	s4 =	sshll.u32 s4, $0x1;
	s5 =	sadd.s32 s21, s3  }
0x9d: {  	[timem:s22], [sflag:s6] =	dma.local [hbm:s5], s4  }
0x9e: {  	_ =	swait.ge [sflag:s6], s4  }
0x9f: {  	s4 =	ssub.s32 $0x0, s4;
	[sflag:s6] =	ssyncset.done $0x0  }
0xa0: {  	[sflag:s6] =	ssyncadd.s32 s4;
	_ =	sdelay $0x1  }
0xa1: {  	s23 =	simm.s32 $0x1B8B  }
0xa2: {  	_ =	swait.ge [sflag:s23], $0x1  }
0xa3: {  	[sflag:s23] =	ssyncset.done $0x0  }
0xa4: {  	[sflag:s23] =	ssyncadd.s32 $0xFFFFFFFF  }
0xa5: {  	s4 =	sld [smem:$0x0]  }
0xa6: {  	s5 =	sand.u32 $0xFFFFFFFE, s1  }
0xa7: {  	p0 =	sne.s32 s1, s5  }
0xa8: {  	s5 =	sshll.u32 @p0 s5, $0xE  }
0xa9: {  	s5 =	sadd.s32 @p0 $0x11B8D, s5;
	s6 =	sshll.u32 @p0 s4, $0x11  }
0xaa: {  	s5 =	sor.u32 @p0 s6, s5  }
0xab: {  	[sflag:s5] =	ssyncadd.remote.s32 @p0 $0x1;
	_ =	sdelay $0x1  }
0xac: {  	s5 =	simm.s32 @p0 $0x1B8D  }
0xad: {  	_ =	swait.eq @p0 [sflag:s5], $0x1  }
0xae: {  	[sflag:s5] =	ssyncadd.s32 @p0 $0xFFFFFFFF  }
0xaf: {  	s6 =	sshll.u32 @!p0 s1, $0xE  }
0xb0: {  	s6 =	sor.u32 @!p0 $0x4000, s6;
	s5 =	simm.s32 @!p0 $0x1B8D  }
0xb1: {  	s4 =	sshll.u32 @!p0 s4, $0x11;
	s6 =	sadd.s32 @!p0 $0x11B8D, s6;
	_ =	swait.eq @!p0 [sflag:s5], $0x1  }
0xb2: {  	s4 =	sor.u32 @!p0 s4, s6;
	[sflag:s5] =	ssyncadd.s32 @!p0 $0xFFFFFFFF  }
0xb3: {  	s25 =	simm.s32 $0x1B8E;
	s24 =	sld [smem:$0x3FFE];
	[sflag:s4] =	ssyncadd.remote.s32 @!p0 $0x1  }
0xb4: {  	s26 =	simm.s32 $execute0_lowered;
	[smem:$0x3FD2] =	sst s25  }
0xb5: {  	s5 =	sshll.u32 s26, $0x1;
	_ =	strace $0x80000049;
	[dreg:$0x1] =	wrdreg $0xFFFFFFFF  }
0xb6: {  	s28 =	simm.s32 $_size_execute0_lowered;
	s3 =	sadd.s32 s3, s5;
	[dreg:$0x0] =	wrdreg $0x0  }
0xb7: {  	s5 =	sshll.u32 s28, $0x1;
	[dreg:$0x2] =	wrdreg s3  }
0xb8: {  	[dreg:$0x3] =	wrdreg s5  }
0xb9: {  	[dreg:$0x4] =	wrdreg $0xC0  }
0xba: {  	_ =	task [dreg:s22], $0x5FFFF  }
0xbb: {  	[dreg:$0x1] =	wrdreg $0xFFFFFFFF  }
0xbc: {  	[dreg:$0x0] =	wrdreg $0x60  }
0xbd: {  	[dreg:$0x2] =	wrdreg s24  }
0xbe: {  	[dreg:$0x3] =	wrdreg $0x88000  }
0xbf: {  	[dreg:$0x4] =	wrdreg $0x9  }
0xc0: {  	_ =	task.clear_ibuf [dreg:s22], $0x5FFFF;
	_ =	strace $0x90000049  }
0xc1: {  	s29 =	simm.s32 $0x9;
	_ =	strace $0x8000004B  }
0xc2: {  	_ =	swait.ge [sflag:s29], $0x1  }
0xc3: {  	[sflag:s29] =	ssyncadd.s32 $0xFFFFFFFF  }
0xc4: {  	_ =	strace $0x9000004B  }
0xc5: {  	_ =	sfence  }
0xc6: {  	s30 =	sld [smem:$0x0];
	_ =	sdelay $0x2  }
0xc7: {  	s31 =	sshll.u32 s1, $0xD;
	s1 =	sshrl.u32 s1, $0x2  }
0xc8: {  	s4 =	sand.u32 $0x4000, s31;
	s1 =	sadd.s32 s1, s30  }
0xc9: {  	s0 =	sor.u32 s4, s0;
	s1 =	sshll.u32 s1, $0x11  }
0xca: {  	s0 =	sor.u32 s1, s0  }
0xcb: {  	s0 =	sadd.s32 $0x8F2B, s0  }
0xcc: {  	[sflag:s0] =	ssyncadd.remote.s32 $0x1  }
0xcd: {  	_ =	sfence.sel $0xFFFF  }
0xce: {  	[dreg:$0x0] =	wrdreg $0xFFFFFFFF;
	(pc) =	sbr.abs _section_cstart, $3  }
0xcf: {  	[dreg:$0x1] =	wrdreg $0xFFFFFFFF  }
0xd0: {  	_ =	task.clear_ibuf [dreg:s22], $0x2FFFF;
	_ =	strace $0x9FFFFFFF  }
0xd1: {  	(tm) =	ssettm $0x7FFFFFFF  }
tec
execute0_lowered:
.L_overlay_start_1:
0x0: {  	(tag) =	ssettag $0x1  }
0x1: {  	s0 =	srdreg.scid;
	s4 =	rddreg [dreg:$0x0]  }
0x2: {  	s2 =	rddreg [dreg:$0x1];
	s1 =	stileid.u32;
	s3 =	simm.s32 $0x0  }
0x3: {  	s17 =	simm.s32 $0x7D;
	s18 =	simm.s32 $0x1400;
	s8 =	smul.u32 $0x4E000, s1  }
0x4: {  	s5 =	sand.u32 $0x1, s0;
	s0 =	rddreg [dreg:$0x2];
	s9 =	smul.u32 $0x270, s1  }
0x5: {  	[smem:$0x7FF] =	sst s3;
	s19 =	smul.u32 $0x2700, s1;
	p0 =	sne.s32 s1, $0xF  }
0x6: {  	s6 =	sshll.u32 s5, $0x4;
	s7 =	smul.u32 $0x27100, s5;
	s5 =	ssub.s32 $0x2, s5  }
0x7: {  	_ =	strace $0x8000004A;
	s6 =	sor.u32 s1, s6;
	s30 =	sshrl.u32 s5, $0x1  }
0x8: {  	s31 =	sshrl.u32 s8, $0x2;
	s15 =	sadd.s32 $0xD0, s9;
	s16 =	sadd.s32 $0x1A0, s9  }
0x9: {  	s6 =	smul.u32 $0x500, s6;
	s7 =	sadd.s32 s7, s4;
	s10 =	sshll.u32 s15, $0x7  }
0xa: {  	s11 =	sshll.u32 s16, $0x7;
	s20 =	sshll.u32 s15, $0x4;
	s21 =	sshll.u32 s16, $0x4  }
0xb: {  	s15 =	simm.s32 $0x5400;
	s16 =	simm.s32 $0x1;
	s9 =	sadd.s32 s10, s2  }
0xc: {  	s11 =	sadd.s32 s11, s2;
	s14 =	sadd.s32 s6, s4;
	s6 =	ssub.s32 s5, s30  }
0xd: {  	s4 =	sadd.s32 $0x138000, s2;
	s5 =	sadd.s32 $0x64600, s7;
	s7 =	sadd.s32 s31, s2  }
0xe: {  	s6 =	smax.u32 s6, $0x1;
	s8 =	sadd.s32 $0x3400, s7;
	s10 =	sadd.s32 $0x9C00, s7  }
0xf: {  	s12 =	sadd.s32 $0x10400, s7;
	s13 =	sadd.s32 $0x2400, s14;
	s14 =	sadd.s32 $0x2680, s14  }
0x10: {  	v0 =	vimm.f32 $0.0e+00;
	v1 =	vimm.f32 $1.000000000e+00;
	s19 =	sadd.s32 s19, s5;
	s20 =	sadd.s32 s20, s5;
	s21 =	sadd.s32 s21, s5  }
.LBB2_1:
0x11: {  	s22 =	simm.s32 $0x70;
	s23 =	simm.s32 $0x3C0  }
.LBB2_2:
0x12: {  	p1 =	sne.s32 s23, $0xCFC0;
	[tilespmem:s22+$0x5400] =	vst v0  }
0x13: {  	[tilespmem:s22+$0x5390] =	vst v0  }
0x14: {  	[tilespmem:s22+$0x53A0] =	vst v0  }
.Ltmp0:
0x15: {  	[tilespmem:s22+$0x53B0] =	vst v0;
	(pc) =	sbr.rel @p1 .LBB2_2-.Ltmp0, $4  }
0x16: {  	[tilespmem:s22+$0x53C0] =	vst v0  }
0x17: {  	[tilespmem:s22+$0x53D0] =	vst v0  }
0x18: {  	[tilespmem:s22+$0x53E0] =	vst v0  }
0x19: {  	[tilespmem:s22+$0x53F0] =	vst v0;
	s22 =	sshra.s32 s23, $0x2;
	s23 =	sadd.s32 $0x200, s23  }
0x1a: {  	[tilespmem:s22+$0x5400] =	vst v0  }
0x1b: {  	[tilespmem:s22+$0x5390] =	vst v0  }
0x1c: {  	[tilespmem:s22+$0x53A0] =	vst v0  }
0x1d: {  	[tilespmem:s22+$0x53B0] =	vst v0  }
0x1e: {  	[tilespmem:s22+$0x53C0] =	vst v0  }
0x1f: {  	[tilespmem:s22+$0x53D0] =	vst v0  }
0x20: {  	[tilespmem:s22+$0x53E0] =	vst v0  }
0x21: {  	[tilespmem:s22+$0x53F0] =	vst v0;
	s22 =	simm.s32 $0x70;
	s23 =	simm.s32 $0x3C0  }
.LBB2_4:
0x22: {  	p1 =	sne.s32 s23, $0xF9C0;
	[tilespmem:s22+$0x1400] =	vst v1  }
0x23: {  	[tilespmem:s22+$0x1390] =	vst v1  }
0x24: {  	[tilespmem:s22+$0x13A0] =	vst v1  }
.Ltmp1:
0x25: {  	[tilespmem:s22+$0x13B0] =	vst v1;
	(pc) =	sbr.rel @p1 .LBB2_4-.Ltmp1, $4  }
0x26: {  	[tilespmem:s22+$0x13C0] =	vst v1  }
0x27: {  	[tilespmem:s22+$0x13D0] =	vst v1  }
0x28: {  	[tilespmem:s22+$0x13E0] =	vst v1  }
0x29: {  	[tilespmem:s22+$0x13F0] =	vst v1;
	s22 =	sshra.s32 s23, $0x2;
	s23 =	sadd.s32 $0x200, s23  }
0x2a: {  	[tilespmem:s22+$0x1400] =	vst v1  }
0x2b: {  	[tilespmem:s22+$0x1390] =	vst v1  }
0x2c: {  	[tilespmem:s22+$0x13A0] =	vst v1  }
0x2d: {  	[tilespmem:s22+$0x13B0] =	vst v1  }
0x2e: {  	[tilespmem:s22+$0x13C0] =	vst v1  }
0x2f: {  	[tilespmem:s22+$0x13D0] =	vst v1  }
0x30: {  	[tilespmem:s22+$0x13E0] =	vst v1  }
0x31: {  	[tilespmem:s22+$0x13F0] =	vst v1  }
0x32: {  	[spmem:s7] =	stream.linear.scatter [tilespmem:s15], [sflag:$0x1], $0x3400, $0x38;
	[tilespmem:$0x1C080] =	vst v63  }
0x33: {  	_ =	swait.ge [sflag:s16], $0x3400  }
0x34: {  	[sflag:s16] =	ssyncset.done $0x0  }
0x35: {  	[sflag:s16] =	ssyncadd.s32 $0xFFFFCC00  }
0x36: {  	[spmem:s8] =	stream.linear.scatter [tilespmem:s15], [sflag:$0x1], $0x3400, $0x38;
	[tilespmem:$0x1C080] =	vst v63  }
0x37: {  	_ =	swait.ge [sflag:s16], $0x3400  }
0x38: {  	[sflag:s16] =	ssyncset.done $0x0  }
0x39: {  	[sflag:s16] =	ssyncadd.s32 $0xFFFFCC00  }
0x3a: {  	[spmem:s9] =	stream.linear.scatter [tilespmem:s15], [sflag:$0x1], $0x3400, $0x38;
	[tilespmem:$0x1C080] =	vst v63  }
0x3b: {  	_ =	swait.ge [sflag:s16], $0x3400  }
0x3c: {  	[sflag:s16] =	ssyncset.done $0x0  }
0x3d: {  	[sflag:s16] =	ssyncadd.s32 $0xFFFFCC00  }
0x3e: {  	[spmem:s10] =	stream.linear.scatter [tilespmem:s15], [sflag:$0x1], $0x3400, $0x38;
	[tilespmem:$0x1C080] =	vst v63  }
0x3f: {  	_ =	swait.ge [sflag:s16], $0x3400  }
0x40: {  	[sflag:s16] =	ssyncset.done $0x0  }
0x41: {  	[sflag:s16] =	ssyncadd.s32 $0xFFFFCC00  }
0x42: {  	[spmem:s11] =	stream.linear.scatter [tilespmem:s15], [sflag:$0x1], $0x3400, $0x38;
	[tilespmem:$0x1C080] =	vst v63  }
0x43: {  	_ =	swait.ge [sflag:s16], $0x3400  }
0x44: {  	[sflag:s16] =	ssyncset.done $0x0  }
0x45: {  	[sflag:s16] =	ssyncadd.s32 $0xFFFFCC00  }
0x46: {  	[spmem:s12] =	stream.linear.scatter [tilespmem:s15], [sflag:$0x1], $0x3400, $0x38;
	[tilespmem:$0x1C080] =	vst v63  }
0x47: {  	_ =	swait.ge [sflag:s16], $0x3400  }
0x48: {  	[sflag:s16] =	ssyncset.done $0x0  }
0x49: {  	s22 =	simm.s32 @!p0 $0x5400;
	[sflag:s16] =	ssyncadd.s32 $0xFFFFCC00  }
0x4a: {  	[spmem:s4] =	stream.linear.scatter @!p0 [tilespmem:s22], [sflag:$0x1], $0x800, $0x38;
	[tilespmem:$0x1C080] =	vst v63  }
0x4b: {  	s22 =	simm.s32 @!p0 $0x1  }
0x4c: {  	_ =	swait.ge @!p0 [sflag:s22], $0x800  }
0x4d: {  	[sflag:s22] =	ssyncset.done @!p0 $0x0  }
0x4e: {  	[sflag:s22] =	ssyncadd.s32 @!p0 $0xFFFFF800  }
0x4f: {  	s30 =	simm.s32 $0x0;
	[bflag:$0x0] =	sbarrier.arrive $0xFFFF  }
0x50: {  	[tilespmem:s30], [sflag:$0x1] =	stream.linear.gather [hbm4b:s13+s30], $0x1400, $0x38;
	[tilespmem:$0x1C080] =	vst v63  }
0x51: {  	_ =	swait.ge [sflag:s16], $0x1400  }
0x52: {  	[sflag:s16] =	ssyncset.done $0x0  }
0x53: {  	s31 =	simm.s32 $0x0;
	[sflag:s16] =	ssyncadd.s32 $0xFFFFEC00  }
0x54: {  	[spmem:s2] =	stream.indirect.scatter.add.f32 [tilespmem:s18], [sflag:$0x1], $0x80, s31, s17, $0xb8;
	[tilespmem:$0x1C080] =	vst v63  }
0x55: {  	_ =	swait.ge [sflag:s16], $0x3E80  }
0x56: {  	s22 =	simm.s32 $0x200;
	[sflag:s16] =	ssyncset.done $0x0  }
.LBB2_6:
0x57: {  	s23 =	sshra.s32 s22, $0x2;
	[sflag:s16] =	ssyncadd.s32 $0xFFFFC180;
	p1 =	sne.s32 s22, $0x4E00  }
0x58: {  	[spmem:s2] =	stream.indirect.scatter.add.f32 [tilespmem:s18], [sflag:$0x1], $0x80, s23, s17, $0xb8;
	[tilespmem:$0x1C080] =	vst v63  }
.Ltmp2:
0x59: {  	_ = 	snop;
	(pc) =	sbr.rel @p1 .LBB2_6-.Ltmp2, $4  }
0x5a: {  	_ = 	snop  }
0x5b: {  	s22 =	sadd.s32 $0x200, s22  }
0x5c: {  	_ =	swait.ge [sflag:s16], $0x3E80  }
0x5d: {  	[sflag:s16] =	ssyncset.done $0x0  }
0x5e: {  	[sflag:s16] =	ssyncadd.s32 $0xFFFFC180;
	s22 =	simm.s32 $0x0  }
0x5f: {  	[tilespmem:s22], [sflag:$0x1] =	stream.linear.gather [hbm4b:s14+s22], $0x1400, $0x38;
	[tilespmem:$0x1C080] =	vst v63  }
0x60: {  	_ =	swait.ge [sflag:s16], $0x1400  }
0x61: {  	[sflag:s16] =	ssyncset.done $0x0  }
0x62: {  	s31 =	simm.s32 $0x0;
	[sflag:s16] =	ssyncadd.s32 $0xFFFFEC00  }
0x63: {  	[spmem:s2] =	stream.indirect.scatter.add.f32 [tilespmem:s18], [sflag:$0x1], $0x80, s31, s17, $0xb8;
	[tilespmem:$0x1C080] =	vst v63  }
0x64: {  	_ =	swait.ge [sflag:s16], $0x3E80  }
0x65: {  	s22 =	simm.s32 $0x200;
	[sflag:s16] =	ssyncset.done $0x0  }
.LBB2_8:
0x66: {  	s23 =	sshra.s32 s22, $0x2;
	[sflag:s16] =	ssyncadd.s32 $0xFFFFC180;
	p1 =	sne.s32 s22, $0x4E00  }
0x67: {  	[spmem:s2] =	stream.indirect.scatter.add.f32 [tilespmem:s18], [sflag:$0x1], $0x80, s23, s17, $0xb8;
	[tilespmem:$0x1C080] =	vst v63  }
.Ltmp3:
0x68: {  	_ = 	snop;
	(pc) =	sbr.rel @p1 .LBB2_8-.Ltmp3, $4  }
0x69: {  	_ = 	snop  }
0x6a: {  	s22 =	sadd.s32 $0x200, s22  }
0x6b: {  	_ =	swait.ge [sflag:s16], $0x3E80  }
0x6c: {  	[sflag:s16] =	ssyncset.done $0x0  }
0x6d: {  	[sflag:s16] =	ssyncadd.s32 $0xFFFFC180;
	s22 =	sshll.u32 s1, $0x6  }
0x6e: {  	s23 =	sshrl.u32 s7, $0x3;
	[bflag:$0x0] =	sbarrier.arrive $0xFFFF;
	s22 =	sor.u32 $0x1C01, s22  }
0x6f: {  	[hbm:s19], [sflag:s22] =	dma.local [spmem:s23], $0xD00  }
0x70: {  	_ =	swait.ge [sflag:s16], $0xD00  }
0x71: {  	[sflag:s16] =	ssyncset.done $0x0  }
0x72: {  	s30 =	sshrl.u32 s9, $0x3;
	[sflag:s16] =	ssyncadd.s32 $0xFFFFF300  }
0x73: {  	[hbm:s20], [sflag:s22] =	dma.local [spmem:s30], $0xD00  }
0x74: {  	_ =	swait.ge [sflag:s16], $0xD00  }
0x75: {  	[sflag:s16] =	ssyncset.done $0x0  }
0x76: {  	s31 =	sshrl.u32 s11, $0x3;
	[sflag:s16] =	ssyncadd.s32 $0xFFFFF300  }
0x77: {  	[hbm:s21], [sflag:s22] =	dma.local [spmem:s31], $0xD00  }
0x78: {  	s3 =	sadd.s32 $0x1, s3;
	_ =	swait.ge [sflag:s16], $0xD00  }
0x79: {  	s24 =	simm.s32 @!p0 $0x1FC1;
	p1 =	sne.s32 s3, s6;
	[sflag:s16] =	ssyncset.done $0x0  }
0x7a: {  	s23 =	sshrl.u32 @!p0 s4, $0x3;
	s22 =	sadd.s32 @!p0 $0x27000, s5;
	[sflag:s16] =	ssyncadd.s32 $0xFFFFF300  }
0x7b: {  	[hbm:s22], [sflag:s24] =	dma.local @!p0 [spmem:s23], $0x100  }
.Ltmp4:
0x7c: {  	_ = 	snop;
	(pc) =	sbr.rel @p1 .LBB2_1-.Ltmp4, $4  }
0x7d: {  	s22 =	simm.s32 @!p0 $0x1  }
0x7e: {  	_ =	swait.ge @!p0 [sflag:s22], $0x100  }
0x7f: {  	[sflag:s22] =	ssyncset.done @!p0 $0x0  }
0x80: {  	[sflag:s22] =	ssyncadd.s32 @!p0 $0xFFFFFF00  }
0x81: {  	_ =	sfence.sel $0x180000  }
0x82: {  	[bflag:$0x0] =	sbarrier.arrive $0xFFFF  }
0x83: {  	p0 =	sne.s32 s1, $0x0;
	_ =	strace $0x9000004A  }
0x84: {  	s0 =	sadd.s32 @!p0 $0x100000, s0;
	[bflag:$0x2] =	sbarrier.arrive $0xFFFF  }
0x85: {  	[sflag:s0] =	ssyncadd.tile.s32 @!p0 $0x1;
	_ =	shalt  }
.Lfunc_end2:
_tile_overlayer_lowered:
.L_overlay_start_2:
0x86: {  	(tag) =	ssettag $0x2  }
0x87: {  	s0 =	rddreg [dreg:$0x0];
	s2 =	stileid.u32  }
0x88: {  	s1 =	rddreg [dreg:$0x1];
	p0 =	sne.s32 s2, $0x0  }
0x89: {  	s3 =	rddreg [dreg:$0x2];
	[bflag:$0x3] =	sbarrier.arrive $0xFFFF;
	s2 =	simm.s32 @!p0 $0x1C01  }
0x8a: {  	[timem:s3], [sflag:s2] =	dma.local @!p0 [hbm:s0], s1  }
0x8b: {  	s0 =	simm.s32 @!p0 $0x1  }
0x8c: {  	_ =	swait.ge @!p0 [sflag:s0], s1  }
0x8d: {  	s1 =	ssub.s32 @!p0 $0x0, s1;
	[sflag:s0] =	ssyncset.done @!p0 $0x0  }
0x8e: {  	[sflag:s0] =	ssyncadd.s32 @!p0 s1  }
0x8f: {  	[bflag:$0x3] =	sbarrier.arrive $0xFFFF  }
0x90: {  	_ =	shalt  }

</sc_bundles>
